<compile_context>
chip_gen: v7x
topology: tpu7x:2x2x1
jax: 0.10.2.dev20260603
libtpu: 0.0.44.dev20260713+nightly
codegen_flags: <defaults>
</compile_context>

<pallas_src>
import functools
import math

import jax
import jax.numpy as jnp
from jax import lax
from jax.experimental import pallas as pl
from jax.experimental.pallas import tpu as pltpu
from jax.experimental.pallas import tpu_sc as plsc

N = 10000
E = 320000
D = 128
C = 2
BN_EPS = 1e-5
ISQ = float(1.0 / math.sqrt(1.0 + BN_EPS))

NC = 2
NS = 16
NW = NC * NS
EPW = E // NW
CH = 40
NCHUNK = EPW // CH
RPT = 632
RPT_LAST = N - (NS - 1) * RPT
DEGW = 16



K = 5
NSUP = NCHUNK // K


def _zero_init(z_hbm, acc, s):
  @pl.when(s < NS - 1)
  def _():
    pltpu.sync_copy(z_hbm.at[pl.ds(s * RPT, RPT)], acc.at[pl.ds(s * RPT, RPT)])

  @pl.when(s == NS - 1)
  def _():
    pltpu.sync_copy(z_hbm.at[pl.ds(s * RPT, RPT_LAST)],
                    acc.at[pl.ds(s * RPT, RPT_LAST)])


def _copy_out(acc, out_hbm, c, s):
  @pl.when(s < NS - 1)
  def _():
    pltpu.sync_copy(acc.at[pl.ds(s * RPT, RPT)],
                    out_hbm.at[c, pl.ds(s * RPT, RPT)])

  @pl.when(s == NS - 1)
  def _():
    pltpu.sync_copy(acc.at[pl.ds(s * RPT, RPT_LAST)],
                    out_hbm.at[c, pl.ds(s * RPT, RPT_LAST)])


def _make_seg_sum():
  mesh = plsc.VectorSubcoreMesh(core_axis_name="c", subcore_axis_name="s",
                                num_cores=NC, num_subcores=NS)
  out_type = jax.ShapeDtypeStruct((NC, N, D), jnp.float32)
  scratch = (
      [pltpu.VMEM((CH,), jnp.int32) for _ in range(K)]
      + [pltpu.VMEM((CH,), jnp.int32) for _ in range(K)]
      + [pltpu.VMEM((CH, D), jnp.float32) for _ in range(K)]
      + [pltpu.VMEM_SHARED((N, D), jnp.float32)]
      + [pltpu.SemaphoreType.DMA for _ in range(2 * K)]
  )

  def body(h_hbm, src_hbm, dst_hbm, z_hbm, out_hbm, *scr):
    srcs = scr[0:K]
    dsts = scr[K:2 * K]
    rows = scr[2 * K:3 * K]
    acc = scr[3 * K]
    gsems = scr[3 * K + 1:4 * K + 1]
    ssems = scr[4 * K + 1:5 * K + 1]

    c = lax.axis_index("c")
    s = lax.axis_index("s")
    wid = s * NC + c
    base = wid * EPW

    _zero_init(z_hbm, acc, s)
    plsc.subcore_barrier()

    def superstep(g, _):
      for j in range(K):
        @pl.when(g > 0)
        def _(j=j):
          pltpu.make_async_copy(rows[j], acc.at[dsts[j]], ssems[j]).wait()
        off = base + (g * K + j) * CH
        pltpu.sync_copy(src_hbm.at[pl.ds(off, CH)], srcs[j])
        pltpu.sync_copy(dst_hbm.at[pl.ds(off, CH)], dsts[j])
        pltpu.async_copy(h_hbm.at[srcs[j]], rows[j], gsems[j])
      for j in range(K):
        pltpu.make_async_copy(h_hbm.at[srcs[j]], rows[j], gsems[j]).wait()
        pltpu.async_copy(rows[j], acc.at[dsts[j]], ssems[j], add=True)
      return 0

    lax.fori_loop(0, NSUP, superstep, 0)
    for j in range(K):
      pltpu.make_async_copy(rows[j], acc.at[dsts[j]], ssems[j]).wait()
    plsc.subcore_barrier()
    _copy_out(acc, out_hbm, c, s)

  return pl.kernel(body, out_type=out_type, mesh=mesh, scratch_types=scratch)


def _make_deg():
  mesh = plsc.VectorSubcoreMesh(core_axis_name="c", subcore_axis_name="s",
                                num_cores=NC, num_subcores=NS)
  out_type = jax.ShapeDtypeStruct((NC, N, D), jnp.float32)
  scratch = (
      [pltpu.VMEM((CH,), jnp.int32) for _ in range(K)]
      + [pltpu.VMEM((CH, D), jnp.float32)]
      + [pltpu.VMEM_SHARED((N, D), jnp.float32)]
      + [pltpu.SemaphoreType.DMA for _ in range(K)]
  )

  def body(dst_hbm, z_hbm, ones_hbm, out_hbm, *scr):
    dsts = scr[0:K]
    ones_v = scr[K]
    acc = scr[K + 1]
    ssems = scr[K + 2:2 * K + 2]

    c = lax.axis_index("c")
    s = lax.axis_index("s")
    wid = s * NC + c
    base = wid * EPW

    pltpu.sync_copy(ones_hbm, ones_v)
    _zero_init(z_hbm, acc, s)
    plsc.subcore_barrier()

    def superstep(g, _):
      for j in range(K):
        @pl.when(g > 0)
        def _(j=j):
          pltpu.make_async_copy(ones_v, acc.at[dsts[j]], ssems[j]).wait()
        off = base + (g * K + j) * CH
        pltpu.sync_copy(dst_hbm.at[pl.ds(off, CH)], dsts[j])
        pltpu.async_copy(ones_v, acc.at[dsts[j]], ssems[j], add=True)
      return 0

    lax.fori_loop(0, NSUP, superstep, 0)
    for j in range(K):
      pltpu.make_async_copy(ones_v, acc.at[dsts[j]], ssems[j]).wait()
    plsc.subcore_barrier()
    _copy_out(acc, out_hbm, c, s)

  return pl.kernel(body, out_type=out_type, mesh=mesh, scratch_types=scratch)


@functools.lru_cache(maxsize=None)
def _seg_sum_call():
  return _make_seg_sum()


@functools.lru_cache(maxsize=None)
def _deg_call():
  return _make_deg()



R = 2000
GRID = N // R

def _row_spec(w):
  return pl.BlockSpec((R, w), lambda i: (i, 0))

def _pair_spec(w):
  return pl.BlockSpec((NC, R, w), lambda i: (0, i, 0))

def _w_spec():
  return pl.BlockSpec((D, D), lambda i: (0, 0))

def _v_spec():
  return pl.BlockSpec((1, D), lambda i: (0, 0))


def _in_proj_body(x_ref, w_ref, b_ref, o_ref):
  o_ref[...] = jnp.dot(x_ref[...], w_ref[...],
                       preferred_element_type=jnp.float32) + b_ref[...]


def _in_proj(x, w, b):
  return pl.pallas_call(
      _in_proj_body,
      grid=(GRID,),
      in_specs=[_row_spec(D), _w_spec(), _v_spec()],
      out_specs=_row_spec(D),
      out_shape=jax.ShapeDtypeStruct((N, D), jnp.float32),
  )(x, w, b)


def _gin_body(h_ref, p_ref, eps_ref, w1_ref, a1_ref, c1_ref,
              w2_ref, a2_ref, c2_ref, a3_ref, c3_ref, o_ref, *, residual):
  h = h_ref[...]
  t = (1.0 + eps_ref[0, 0]) * h + p_ref[0] + p_ref[1]
  u = jnp.maximum(
      jnp.dot(t, w1_ref[...], preferred_element_type=jnp.float32) * a1_ref[...]
      + c1_ref[...], 0.0)
  v = jnp.maximum(
      jnp.dot(u, w2_ref[...], preferred_element_type=jnp.float32) * a2_ref[...]
      + c2_ref[...], 0.0)
  o = jnp.maximum(v * a3_ref[...] + c3_ref[...], 0.0)
  if residual:
    o = o + h
  o_ref[...] = o


def _gin_stage(h, p, eps, W1, b1, g1, be1, W2, b2, g2, be2, bng, bnb, residual):
  a1 = (g1 * ISQ).reshape(1, D)
  c1 = (b1 * g1 * ISQ + be1).reshape(1, D)
  a2 = (g2 * ISQ).reshape(1, D)
  c2 = (b2 * g2 * ISQ + be2).reshape(1, D)
  a3 = (bng * ISQ).reshape(1, D)
  c3 = bnb.reshape(1, D)
  return pl.pallas_call(
      functools.partial(_gin_body, residual=residual),
      grid=(GRID,),
      in_specs=[_row_spec(D), _pair_spec(D), pl.BlockSpec((1, 1), lambda i: (0, 0)),
                _w_spec(), _v_spec(), _v_spec(),
                _w_spec(), _v_spec(), _v_spec(), _v_spec(), _v_spec()],
      out_specs=_row_spec(D),
      out_shape=jax.ShapeDtypeStruct((N, D), jnp.float32),
  )(h, p, eps.reshape(1, 1), W1, a1, c1, W2, a2, c2, a3, c3)


def _sage_body(h_ref, p_ref, dp_ref, wl_ref, wr_ref, a_ref, cb_ref, o_ref):
  h = h_ref[...]
  deg = dp_ref[0, :, 0:1] + dp_ref[1, :, 0:1]
  mean = (p_ref[0] + p_ref[1]) / jnp.maximum(deg, 1.0)
  m = (jnp.dot(mean, wl_ref[...], preferred_element_type=jnp.float32)
       + jnp.dot(h, wr_ref[...], preferred_element_type=jnp.float32))
  o_ref[...] = jnp.maximum(m * a_ref[...] + cb_ref[...], 0.0) + h


def _sage_stage(h, p, dp, Wl, bl, Wr, bng, bnb):
  a = (bng * ISQ).reshape(1, D)
  cb = (bl * bng * ISQ + bnb).reshape(1, D)
  return pl.pallas_call(
      _sage_body,
      grid=(GRID,),
      in_specs=[_row_spec(D), _pair_spec(D), _pair_spec(D),
                _w_spec(), _w_spec(), _v_spec(), _v_spec()],
      out_specs=_row_spec(D),
      out_shape=jax.ShapeDtypeStruct((N, D), jnp.float32),
  )(h, p, dp, Wl, Wr, a, cb)


def _head_body(h1_ref, h2_ref, h3_ref, wa_ref, wb_ref, wc_ref, b1_ref,
               w2_ref, b2_ref, o_ref):
  h4 = jnp.maximum(
      jnp.dot(h1_ref[...], wa_ref[...], preferred_element_type=jnp.float32)
      + jnp.dot(h2_ref[...], wb_ref[...], preferred_element_type=jnp.float32)
      + jnp.dot(h3_ref[...], wc_ref[...], preferred_element_type=jnp.float32)
      + b1_ref[...], 0.0)
  logits = jnp.dot(h4, w2_ref[...], preferred_element_type=jnp.float32) + b2_ref[...]
  col = lax.broadcasted_iota(jnp.int32, (R, D), 1)
  valid = col < C
  lm = jnp.max(jnp.where(valid, logits, -1e30), axis=1, keepdims=True)
  e = jnp.where(valid, jnp.exp(logits - lm), 0.0)
  lse = lm + jnp.log(jnp.sum(e, axis=1, keepdims=True))
  o_ref[...] = logits - lse


def _head_stage(h1, h2, h3, lin1_W, lin1_b, lin2_W, lin2_b):
  Wa = lin1_W[0:D]
  Wb = lin1_W[D:2 * D]
  Wc = lin1_W[2 * D:3 * D]
  b1 = lin1_b.reshape(1, D)
  W2p = jnp.zeros((D, D), jnp.float32).at[:, :C].set(lin2_W)
  b2p = jnp.zeros((1, D), jnp.float32).at[0, :C].set(lin2_b)
  out = pl.pallas_call(
      _head_body,
      grid=(GRID,),
      in_specs=[_row_spec(D), _row_spec(D), _row_spec(D),
                _w_spec(), _w_spec(), _w_spec(), _v_spec(),
                _w_spec(), _v_spec()],
      out_specs=_row_spec(D),
      out_shape=jax.ShapeDtypeStruct((N, D), jnp.float32),
  )(h1, h2, h3, Wa, Wb, Wc, b1, W2p, b2p)
  return out[:, :C]



def kernel(x, edge_index, W_in, b_in, eps1, gin1_W1, gin1_b1, gin1_g1,
           gin1_be1, gin1_W2, gin1_b2, gin1_g2, gin1_be2, bn1_g, bn1_b,
           sage_Wl, sage_bl, sage_Wr, bn2_g, bn2_b, eps2, gin2_W1, gin2_b1,
           gin2_g1, gin2_be1, gin2_W2, gin2_b2, gin2_g2, gin2_be2, bn3_g,
           bn3_b, lin1_W, lin1_b, lin2_W, lin2_b):
  src = edge_index[0]
  dst = edge_index[1]
  zeros_nd = jnp.zeros((N, D), jnp.float32)
  ones_ch = jnp.ones((CH, D), jnp.float32)

  deg = _deg_call()(dst, zeros_nd, ones_ch)

  h = _in_proj(x, W_in, b_in.reshape(1, D))

  agg1 = _seg_sum_call()(h, src, dst, zeros_nd)
  h1 = _gin_stage(h, agg1, eps1, gin1_W1, gin1_b1, gin1_g1, gin1_be1,
                  gin1_W2, gin1_b2, gin1_g2, gin1_be2, bn1_g, bn1_b,
                  residual=False)

  agg2 = _seg_sum_call()(h1, src, dst, zeros_nd)
  h2 = _sage_stage(h1, agg2, deg, sage_Wl, sage_bl, sage_Wr, bn2_g, bn2_b)

  agg3 = _seg_sum_call()(h2, src, dst, zeros_nd)
  h3 = _gin_stage(h2, agg3, eps2, gin2_W1, gin2_b1, gin2_g1, gin2_be1,
                  gin2_W2, gin2_b2, gin2_g2, gin2_be2, bn3_g, bn3_b,
                  residual=True)

  return _head_stage(h1, h2, h3, lin1_W, lin1_b, lin2_W, lin2_b)

# --- scband reference (transcript-rebuilt; emitter-appended) ---
"""Pipeline reference for scband-improved-gnn-37769942401054 (READ-ONLY COPY).

The authoritative reference and input builder live on the scoring server;
editing this copy changes nothing except your own understanding.
"""

import jax, jax.numpy as jnp
import numpy as np

N = 10000
E = 320000
D = 128
H = 128
C = 2
BN_EPS = 1e-5

def _bn(h, g, b):
    # eval-mode BatchNorm1d with running_mean=0, running_var=1
    return h / jnp.sqrt(1.0 + BN_EPS) * g + b

def _gin_mlp(h, W1, b1, g1, be1, W2, b2, g2, be2):
    h = h @ W1 + b1
    h = jax.nn.relu(_bn(h, g1, be1))
    h = h @ W2 + b2
    h = jax.nn.relu(_bn(h, g2, be2))
    return h

def _gin_conv(x, src, dst, eps, W1, b1, g1, be1, W2, b2, g2, be2):
    agg = jax.ops.segment_sum(x[src], dst, num_segments=N)
    return _gin_mlp((1.0 + eps) * x + agg, W1, b1, g1, be1, W2, b2, g2, be2)

def _sage_conv(x, src, dst, Wl, bl, Wr):
    s = jax.ops.segment_sum(x[src], dst, num_segments=N)
    deg = jax.ops.segment_sum(jnp.ones((E,), jnp.float32), dst, num_segments=N)
    mean = s / jnp.clip(deg, 1.0)[:, None]
    return mean @ Wl + bl + x @ Wr

def _forward(x, edge_index, p):
    src = edge_index[0]
    dst = edge_index[1]
    h = x @ p['W_in'] + p['b_in']
    xs = []
    c = _gin_conv(h, src, dst, p['eps1'], p['gin1_W1'], p['gin1_b1'], p['gin1_g1'], p['gin1_be1'], p['gin1_W2'], p['gin1_b2'], p['gin1_g2'], p['gin1_be2'])
    h = jax.nn.relu(_bn(c, p['bn1_g'], p['bn1_b']))
    xs.append(h)
    c = _sage_conv(h, src, dst, p['sage_Wl'], p['sage_bl'], p['sage_Wr'])
    h = jax.nn.relu(_bn(c, p['bn2_g'], p['bn2_b'])) + h
    xs.append(h)
    c = _gin_conv(h, src, dst, p['eps2'], p['gin2_W1'], p['gin2_b1'], p['gin2_g1'], p['gin2_be1'], p['gin2_W2'], p['gin2_b2'], p['gin2_g2'], p['gin2_be2'])
    h = jax.nn.relu(_bn(c, p['bn3_g'], p['bn3_b'])) + h
    xs.append(h)
    jk = jnp.concatenate(xs, axis=1)
    h2 = jax.nn.relu(jk @ p['lin1_W'] + p['lin1_b'])
    logits = h2 @ p['lin2_W'] + p['lin2_b']
    return jax.nn.log_softmax(logits, axis=1)

def setup_inputs(seed: int = 0):
    key = jax.random.key(seed)
    ks = jax.random.split(key, 64)
    def w(i, shape):
        sc = 1.0 / np.sqrt(shape[0])
        return jax.random.normal(ks[i], shape, dtype=jnp.float32) * sc
    inp = {
        'x': jax.random.normal(ks[0], (N, D), dtype=jnp.float32),
        'edge_index': jax.random.randint(ks[1], (2, E), 0, N, dtype=jnp.int32),
        'W_in': w(2, (D, H)), 'b_in': jnp.zeros((H,), jnp.float32),
        'eps1': jnp.zeros((), jnp.float32),
        'gin1_W1': w(3, (H, H)), 'gin1_b1': jnp.zeros((H,)), 'gin1_g1': jnp.ones((H,)), 'gin1_be1': jnp.zeros((H,)),
        'gin1_W2': w(4, (H, H)), 'gin1_b2': jnp.zeros((H,)), 'gin1_g2': jnp.ones((H,)), 'gin1_be2': jnp.zeros((H,)),
        'bn1_g': jnp.ones((H,)), 'bn1_b': jnp.zeros((H,)),
        'sage_Wl': w(5, (H, H)), 'sage_bl': jnp.zeros((H,)), 'sage_Wr': w(6, (H, H)),
        'bn2_g': jnp.ones((H,)), 'bn2_b': jnp.zeros((H,)),
        'eps2': jnp.zeros((), jnp.float32),
        'gin2_W1': w(7, (H, H)), 'gin2_b1': jnp.zeros((H,)), 'gin2_g1': jnp.ones((H,)), 'gin2_be1': jnp.zeros((H,)),
        'gin2_W2': w(8, (H, H)), 'gin2_b2': jnp.zeros((H,)), 'gin2_g2': jnp.ones((H,)), 'gin2_be2': jnp.zeros((H,)),
        'bn3_g': jnp.ones((H,)), 'bn3_b': jnp.zeros((H,)),
        'lin1_W': w(9, (3 * H, H)), 'lin1_b': jnp.zeros((H,)),
        'lin2_W': w(10, (H, C)), 'lin2_b': jnp.zeros((C,)),
    }
    return inp

def reference(x, edge_index, W_in, b_in, eps1, gin1_W1, gin1_b1, gin1_g1, gin1_be1, gin1_W2, gin1_b2, gin1_g2, gin1_be2, bn1_g, bn1_b, sage_Wl, sage_bl, sage_Wr, bn2_g, bn2_b, eps2, gin2_W1, gin2_b1, gin2_g1, gin2_be1, gin2_W2, gin2_b2, gin2_g2, gin2_be2, bn3_g, bn3_b, lin1_W, lin1_b, lin2_W, lin2_b):
    loc = dict(locals())
    p = {k: v for k, v in loc.items() if k not in ('x', 'edge_index')}
    return _forward(x, edge_index, p)

if __name__ == "__main__":
    import jax
    _d = setup_inputs()
    print(jax.jit(kernel)(*tuple(_d.values())))

</pallas_src>

<mosaic_0001>
#map = affine_map<(d0, d1) -> (0, 0)>
#map1 = affine_map<(d0, d1) -> (0)>
#map2 = affine_map<(d0, d1) -> (0, 0, 0)>
module attributes {stable_mosaic.version = 14 : i64} {
  func.func @body(%arg0: i32, %arg1: i32, %arg2: memref<10000x128xf32, #tpu.memory_space<hbm>>, %arg3: memref<320000xi32, #tpu.memory_space<hbm>>, %arg4: memref<320000xi32, #tpu.memory_space<hbm>>, %arg5: memref<10000x128xf32, #tpu.memory_space<hbm>>, %arg6: memref<2x10000x128xf32, #tpu.memory_space<hbm>>, %arg7: memref<40xi32, #tpu.memory_space<vmem>>, %arg8: memref<40xi32, #tpu.memory_space<vmem>>, %arg9: memref<40xi32, #tpu.memory_space<vmem>>, %arg10: memref<40xi32, #tpu.memory_space<vmem>>, %arg11: memref<40xi32, #tpu.memory_space<vmem>>, %arg12: memref<40xi32, #tpu.memory_space<vmem>>, %arg13: memref<40xi32, #tpu.memory_space<vmem>>, %arg14: memref<40xi32, #tpu.memory_space<vmem>>, %arg15: memref<40xi32, #tpu.memory_space<vmem>>, %arg16: memref<40xi32, #tpu.memory_space<vmem>>, %arg17: memref<40x128xf32, #tpu.memory_space<vmem>>, %arg18: memref<40x128xf32, #tpu.memory_space<vmem>>, %arg19: memref<40x128xf32, #tpu.memory_space<vmem>>, %arg20: memref<40x128xf32, #tpu.memory_space<vmem>>, %arg21: memref<40x128xf32, #tpu.memory_space<vmem>>, %arg22: memref<10000x128xf32, #tpu.memory_space<vmem_shared>>, %arg23: memref<!tpu.dma_semaphore, #tpu.memory_space<semaphore_mem>>, %arg24: memref<!tpu.dma_semaphore, #tpu.memory_space<semaphore_mem>>, %arg25: memref<!tpu.dma_semaphore, #tpu.memory_space<semaphore_mem>>, %arg26: memref<!tpu.dma_semaphore, #tpu.memory_space<semaphore_mem>>, %arg27: memref<!tpu.dma_semaphore, #tpu.memory_space<semaphore_mem>>, %arg28: memref<!tpu.dma_semaphore, #tpu.memory_space<semaphore_mem>>, %arg29: memref<!tpu.dma_semaphore, #tpu.memory_space<semaphore_mem>>, %arg30: memref<!tpu.dma_semaphore, #tpu.memory_space<semaphore_mem>>, %arg31: memref<!tpu.dma_semaphore, #tpu.memory_space<semaphore_mem>>, %arg32: memref<!tpu.dma_semaphore, #tpu.memory_space<semaphore_mem>>) attributes {dimension_semantics = [#tpu.dimension_semantics<core_parallel>, #tpu.dimension_semantics<subcore_parallel>], iteration_bounds = array<i64: 2, 16>, scalar_prefetch = 0 : i64, scratch_operands = 26 : i64, tpu.core_type = #tpu.core_type<sc_vector_subcore>, window_params = [{transform_indices = #map}, {transform_indices = #map1}, {transform_indices = #map1}, {transform_indices = #map}, {transform_indices = #map2}]} {
    %mul3A = arith.constant 2 : i32
    %mul3A_0 = arith.muli %arg1, %mul3A : i32
    %add3A = arith.addi %mul3A_0, %arg0 : i32
    %mul3A_1 = arith.constant 10000 : i32
    %mul3A_2 = arith.muli %add3A, %mul3A_1 : i32
    %lt3A = arith.constant 15 : i32
    %lt3A_3 = arith.cmpi slt, %arg1, %lt3A : i32
    %convert_element_type3A = arith.extui %lt3A_3 : i1 to i32
    %cond3A = arith.constant 0 : i32
    %cond3A_4 = arith.cmpi ne, %convert_element_type3A, %cond3A : i32
    scf.if %cond3A_4 {
      %mul3A_40 = arith.constant 632 : i32
      %mul3A_41 = arith.muli %arg1, %mul3A_40 : i32
      %mul3A_42 = arith.constant 632 : i32
      %mul3A_43 = arith.muli %arg1, %mul3A_42 : i32
      "tpu.region"() ({
        %run_scoped3A = tpu.sem_alloc : memref<!tpu.dma_semaphore, #tpu.memory_space<semaphore_mem>>
        %dma_start3A = arith.constant 0 : i32
        %dma_start3A_44 = tpu.memref_slice %arg22[%mul3A_43, %dma_start3A] : memref<10000x128xf32, #tpu.memory_space<vmem_shared>> -> memref<632x128xf32, #tpu.memory_space<vmem_shared>>
        %dma_start3A_45 = arith.constant 0 : i32
        %dma_start3A_46 = tpu.memref_slice %arg5[%mul3A_41, %dma_start3A_45] : memref<10000x128xf32, #tpu.memory_space<hbm>> -> memref<632x128xf32, #tpu.memory_space<hbm>>
        tpu.enqueue_dma source(%dma_start3A_46 : memref<632x128xf32, #tpu.memory_space<hbm>>) target(%dma_start3A_44 : memref<632x128xf32, #tpu.memory_space<vmem_shared>>) target_semaphore(%run_scoped3A : memref<!tpu.dma_semaphore, #tpu.memory_space<semaphore_mem>>)
        %dma_wait3A_47 = arith.constant 0 : i32
        %dma_wait3A_48 = tpu.memref_slice %arg22[%mul3A_43, %dma_wait3A_47] : memref<10000x128xf32, #tpu.memory_space<vmem_shared>> -> memref<632x128xf32, #tpu.memory_space<vmem_shared>>
        %dma_wait3A_49 = arith.constant 0 : i32
        %dma_wait3A_50 = tpu.memref_slice %arg5[%mul3A_41, %dma_wait3A_49] : memref<10000x128xf32, #tpu.memory_space<hbm>> -> memref<632x128xf32, #tpu.memory_space<hbm>>
        tpu.wait_dma2 semaphore(%run_scoped3A : memref<!tpu.dma_semaphore, #tpu.memory_space<semaphore_mem>>) src(%dma_wait3A_50 : memref<632x128xf32, #tpu.memory_space<hbm>>) dst(%dma_wait3A_48 : memref<632x128xf32, #tpu.memory_space<vmem_shared>>)
        tpu.yield
      }) : () -> ()
    } else {
    }
    %eq3A = arith.constant 15 : i32
    %eq3A_5 = arith.cmpi eq, %arg1, %eq3A : i32
    %convert_element_type3A_6 = arith.extui %eq3A_5 : i1 to i32
    %cond3A_7 = arith.constant 0 : i32
    %cond3A_8 = arith.cmpi ne, %convert_element_type3A_6, %cond3A_7 : i32
    scf.if %cond3A_8 {
      %mul3A_40 = arith.constant 632 : i32
      %mul3A_41 = arith.muli %arg1, %mul3A_40 : i32
      %mul3A_42 = arith.constant 632 : i32
      %mul3A_43 = arith.muli %arg1, %mul3A_42 : i32
      "tpu.region"() ({
        %run_scoped3A = tpu.sem_alloc : memref<!tpu.dma_semaphore, #tpu.memory_space<semaphore_mem>>
        %dma_start3A = arith.constant 0 : i32
        %dma_start3A_44 = tpu.memref_slice %arg22[%mul3A_43, %dma_start3A] : memref<10000x128xf32, #tpu.memory_space<vmem_shared>> -> memref<520x128xf32, #tpu.memory_space<vmem_shared>>
        %dma_start3A_45 = arith.constant 0 : i32
        %dma_start3A_46 = tpu.memref_slice %arg5[%mul3A_41, %dma_start3A_45] : memref<10000x128xf32, #tpu.memory_space<hbm>> -> memref<520x128xf32, #tpu.memory_space<hbm>>
        tpu.enqueue_dma source(%dma_start3A_46 : memref<520x128xf32, #tpu.memory_space<hbm>>) target(%dma_start3A_44 : memref<520x128xf32, #tpu.memory_space<vmem_shared>>) target_semaphore(%run_scoped3A : memref<!tpu.dma_semaphore, #tpu.memory_space<semaphore_mem>>)
        %dma_wait3A_47 = arith.constant 0 : i32
        %dma_wait3A_48 = tpu.memref_slice %arg22[%mul3A_43, %dma_wait3A_47] : memref<10000x128xf32, #tpu.memory_space<vmem_shared>> -> memref<520x128xf32, #tpu.memory_space<vmem_shared>>
        %dma_wait3A_49 = arith.constant 0 : i32
        %dma_wait3A_50 = tpu.memref_slice %arg5[%mul3A_41, %dma_wait3A_49] : memref<10000x128xf32, #tpu.memory_space<hbm>> -> memref<520x128xf32, #tpu.memory_space<hbm>>
        tpu.wait_dma2 semaphore(%run_scoped3A : memref<!tpu.dma_semaphore, #tpu.memory_space<semaphore_mem>>) src(%dma_wait3A_50 : memref<520x128xf32, #tpu.memory_space<hbm>>) dst(%dma_wait3A_48 : memref<520x128xf32, #tpu.memory_space<vmem_shared>>)
        tpu.yield
      }) : () -> ()
    } else {
    }
    %barrier3A = arith.constant 0 : index
    tpu.barrier barrier_id(%barrier3A)
    %scan3A = arith.constant 0 : i32
    %scan3A_9 = arith.constant 0 : i32
    %scan3A_10 = arith.constant 50 : i32
    %scan3A_11 = arith.addi %scan3A_9, %scan3A_10 : i32
    %scan3A_12 = arith.constant 1 : i32
    %scan3A_13 = scf.for %scan3A_40 = %scan3A_9 to %scan3A_11 step %scan3A_12 iter_args(%scan3A_41 = %scan3A) -> (i32)  : i32 {
      %gt3A = arith.constant 0 : i32
      %gt3A_42 = arith.cmpi sgt, %scan3A_40, %gt3A : i32
      %convert_element_type3A_43 = arith.extui %gt3A_42 : i1 to i32
      %cond3A_44 = arith.constant 0 : i32
      %cond3A_45 = arith.cmpi ne, %convert_element_type3A_43, %cond3A_44 : i32
      scf.if %cond3A_45 {
        %dma_wait3A_146 = arith.constant 0 : i32
        %dma_wait3A_147 = arith.constant 0 : i32
        %dma_wait3A_148 = tpu.memref_slice %arg22[%dma_wait3A_146, %dma_wait3A_147] : memref<10000x128xf32, #tpu.memory_space<vmem_shared>> -> memref<10000x128xf32, #tpu.memory_space<vmem_shared>>
        tpu.wait_indirect_dma semaphore(%arg28 : memref<!tpu.dma_semaphore, #tpu.memory_space<semaphore_mem>>) src(%arg17 : memref<40x128xf32, #tpu.memory_space<vmem>>) dst(%dma_wait3A_148 : memref<10000x128xf32, #tpu.memory_space<vmem_shared>>)
      } else {
      }
      %mul3A_46 = arith.constant 5 : i32
      %mul3A_47 = arith.muli %scan3A_40, %mul3A_46 : i32
      %add3A_48 = arith.constant 0 : i32
      %add3A_49 = arith.addi %mul3A_47, %add3A_48 : i32
      %mul3A_50 = arith.constant 40 : i32
      %mul3A_51 = arith.muli %add3A_49, %mul3A_50 : i32
      %add3A_52 = arith.addi %mul3A_2, %mul3A_51 : i32
      "tpu.region"() ({
        %run_scoped3A = tpu.sem_alloc : memref<!tpu.dma_semaphore, #tpu.memory_space<semaphore_mem>>
        %dma_start3A_146 = tpu.memref_slice %arg3[%add3A_52] : memref<320000xi32, #tpu.memory_space<hbm>> -> memref<40xi32, #tpu.memory_space<hbm>>
        %dma_start3A_147 = tpu.memref_slice %arg3[%add3A_52] : memref<320000xi32, #tpu.memory_space<hbm>> -> memref<40xi32, #tpu.memory_space<hbm>>
        tpu.enqueue_dma source(%dma_start3A_147 : memref<40xi32, #tpu.memory_space<hbm>>) target(%arg7 : memref<40xi32, #tpu.memory_space<vmem>>) target_semaphore(%run_scoped3A : memref<!tpu.dma_semaphore, #tpu.memory_space<semaphore_mem>>)
        %dma_wait3A_148 = tpu.memref_slice %arg3[%add3A_52] : memref<320000xi32, #tpu.memory_space<hbm>> -> memref<40xi32, #tpu.memory_space<hbm>>
        %dma_wait3A_149 = tpu.memref_slice %arg3[%add3A_52] : memref<320000xi32, #tpu.memory_space<hbm>> -> memref<40xi32, #tpu.memory_space<hbm>>
        tpu.wait_dma2 semaphore(%run_scoped3A : memref<!tpu.dma_semaphore, #tpu.memory_space<semaphore_mem>>) src(%dma_wait3A_149 : memref<40xi32, #tpu.memory_space<hbm>>) dst(%arg7 : memref<40xi32, #tpu.memory_space<vmem>>)
        tpu.yield
      }) : () -> ()
      "tpu.region"() ({
        %run_scoped3A = tpu.sem_alloc : memref<!tpu.dma_semaphore, #tpu.memory_space<semaphore_mem>>
        %dma_start3A_146 = tpu.memref_slice %arg4[%add3A_52] : memref<320000xi32, #tpu.memory_space<hbm>> -> memref<40xi32, #tpu.memory_space<hbm>>
        %dma_start3A_147 = tpu.memref_slice %arg4[%add3A_52] : memref<320000xi32, #tpu.memory_space<hbm>> -> memref<40xi32, #tpu.memory_space<hbm>>
        tpu.enqueue_dma source(%dma_start3A_147 : memref<40xi32, #tpu.memory_space<hbm>>) target(%arg12 : memref<40xi32, #tpu.memory_space<vmem>>) target_semaphore(%run_scoped3A : memref<!tpu.dma_semaphore, #tpu.memory_space<semaphore_mem>>)
        %dma_wait3A_148 = tpu.memref_slice %arg4[%add3A_52] : memref<320000xi32, #tpu.memory_space<hbm>> -> memref<40xi32, #tpu.memory_space<hbm>>
        %dma_wait3A_149 = tpu.memref_slice %arg4[%add3A_52] : memref<320000xi32, #tpu.memory_space<hbm>> -> memref<40xi32, #tpu.memory_space<hbm>>
        tpu.wait_dma2 semaphore(%run_scoped3A : memref<!tpu.dma_semaphore, #tpu.memory_space<semaphore_mem>>) src(%dma_wait3A_149 : memref<40xi32, #tpu.memory_space<hbm>>) dst(%arg12 : memref<40xi32, #tpu.memory_space<vmem>>)
        tpu.yield
      }) : () -> ()
      %dma_start3A = arith.constant 0 : i32
      %dma_start3A_53 = arith.constant 0 : i32
      %dma_start3A_54 = tpu.memref_slice %arg2[%dma_start3A, %dma_start3A_53] : memref<10000x128xf32, #tpu.memory_space<hbm>> -> memref<10000x128xf32, #tpu.memory_space<hbm>>
      tpu.enqueue_indirect_dma source(%dma_start3A_54 : memref<10000x128xf32, #tpu.memory_space<hbm>>) target(%arg17 : memref<40x128xf32, #tpu.memory_space<vmem>>) offsets(%arg7 : memref<40xi32, #tpu.memory_space<vmem>>) semaphore(%arg23 : memref<!tpu.dma_semaphore, #tpu.memory_space<semaphore_mem>>)
      %gt3A_55 = arith.constant 0 : i32
      %gt3A_56 = arith.cmpi sgt, %scan3A_40, %gt3A_55 : i32
      %convert_element_type3A_57 = arith.extui %gt3A_56 : i1 to i32
      %cond3A_58 = arith.constant 0 : i32
      %cond3A_59 = arith.cmpi ne, %convert_element_type3A_57, %cond3A_58 : i32
      scf.if %cond3A_59 {
        %dma_wait3A_146 = arith.constant 0 : i32
        %dma_wait3A_147 = arith.constant 0 : i32
        %dma_wait3A_148 = tpu.memref_slice %arg22[%dma_wait3A_146, %dma_wait3A_147] : memref<10000x128xf32, #tpu.memory_space<vmem_shared>> -> memref<10000x128xf32, #tpu.memory_space<vmem_shared>>
        tpu.wait_indirect_dma semaphore(%arg29 : memref<!tpu.dma_semaphore, #tpu.memory_space<semaphore_mem>>) src(%arg18 : memref<40x128xf32, #tpu.memory_space<vmem>>) dst(%dma_wait3A_148 : memref<10000x128xf32, #tpu.memory_space<vmem_shared>>)
      } else {
      }
      %mul3A_60 = arith.constant 5 : i32
      %mul3A_61 = arith.muli %scan3A_40, %mul3A_60 : i32
      %add3A_62 = arith.constant 1 : i32
      %add3A_63 = arith.addi %mul3A_61, %add3A_62 : i32
      %mul3A_64 = arith.constant 40 : i32
      %mul3A_65 = arith.muli %add3A_63, %mul3A_64 : i32
      %add3A_66 = arith.addi %mul3A_2, %mul3A_65 : i32
      "tpu.region"() ({
        %run_scoped3A = tpu.sem_alloc : memref<!tpu.dma_semaphore, #tpu.memory_space<semaphore_mem>>
        %dma_start3A_146 = tpu.memref_slice %arg3[%add3A_66] : memref<320000xi32, #tpu.memory_space<hbm>> -> memref<40xi32, #tpu.memory_space<hbm>>
        %dma_start3A_147 = tpu.memref_slice %arg3[%add3A_66] : memref<320000xi32, #tpu.memory_space<hbm>> -> memref<40xi32, #tpu.memory_space<hbm>>
        tpu.enqueue_dma source(%dma_start3A_147 : memref<40xi32, #tpu.memory_space<hbm>>) target(%arg8 : memref<40xi32, #tpu.memory_space<vmem>>) target_semaphore(%run_scoped3A : memref<!tpu.dma_semaphore, #tpu.memory_space<semaphore_mem>>)
        %dma_wait3A_148 = tpu.memref_slice %arg3[%add3A_66] : memref<320000xi32, #tpu.memory_space<hbm>> -> memref<40xi32, #tpu.memory_space<hbm>>
        %dma_wait3A_149 = tpu.memref_slice %arg3[%add3A_66] : memref<320000xi32, #tpu.memory_space<hbm>> -> memref<40xi32, #tpu.memory_space<hbm>>
        tpu.wait_dma2 semaphore(%run_scoped3A : memref<!tpu.dma_semaphore, #tpu.memory_space<semaphore_mem>>) src(%dma_wait3A_149 : memref<40xi32, #tpu.memory_space<hbm>>) dst(%arg8 : memref<40xi32, #tpu.memory_space<vmem>>)
        tpu.yield
      }) : () -> ()
      "tpu.region"() ({
        %run_scoped3A = tpu.sem_alloc : memref<!tpu.dma_semaphore, #tpu.memory_space<semaphore_mem>>
        %dma_start3A_146 = tpu.memref_slice %arg4[%add3A_66] : memref<320000xi32, #tpu.memory_space<hbm>> -> memref<40xi32, #tpu.memory_space<hbm>>
        %dma_start3A_147 = tpu.memref_slice %arg4[%add3A_66] : memref<320000xi32, #tpu.memory_space<hbm>> -> memref<40xi32, #tpu.memory_space<hbm>>
        tpu.enqueue_dma source(%dma_start3A_147 : memref<40xi32, #tpu.memory_space<hbm>>) target(%arg13 : memref<40xi32, #tpu.memory_space<vmem>>) target_semaphore(%run_scoped3A : memref<!tpu.dma_semaphore, #tpu.memory_space<semaphore_mem>>)
        %dma_wait3A_148 = tpu.memref_slice %arg4[%add3A_66] : memref<320000xi32, #tpu.memory_space<hbm>> -> memref<40xi32, #tpu.memory_space<hbm>>
        %dma_wait3A_149 = tpu.memref_slice %arg4[%add3A_66] : memref<320000xi32, #tpu.memory_space<hbm>> -> memref<40xi32, #tpu.memory_space<hbm>>
        tpu.wait_dma2 semaphore(%run_scoped3A : memref<!tpu.dma_semaphore, #tpu.memory_space<semaphore_mem>>) src(%dma_wait3A_149 : memref<40xi32, #tpu.memory_space<hbm>>) dst(%arg13 : memref<40xi32, #tpu.memory_space<vmem>>)
        tpu.yield
      }) : () -> ()
      %dma_start3A_67 = arith.constant 0 : i32
      %dma_start3A_68 = arith.constant 0 : i32
      %dma_start3A_69 = tpu.memref_slice %arg2[%dma_start3A_67, %dma_start3A_68] : memref<10000x128xf32, #tpu.memory_space<hbm>> -> memref<10000x128xf32, #tpu.memory_space<hbm>>
      tpu.enqueue_indirect_dma source(%dma_start3A_69 : memref<10000x128xf32, #tpu.memory_space<hbm>>) target(%arg18 : memref<40x128xf32, #tpu.memory_space<vmem>>) offsets(%arg8 : memref<40xi32, #tpu.memory_space<vmem>>) semaphore(%arg24 : memref<!tpu.dma_semaphore, #tpu.memory_space<semaphore_mem>>)
      %gt3A_70 = arith.constant 0 : i32
      %gt3A_71 = arith.cmpi sgt, %scan3A_40, %gt3A_70 : i32
      %convert_element_type3A_72 = arith.extui %gt3A_71 : i1 to i32
      %cond3A_73 = arith.constant 0 : i32
      %cond3A_74 = arith.cmpi ne, %convert_element_type3A_72, %cond3A_73 : i32
      scf.if %cond3A_74 {
        %dma_wait3A_146 = arith.constant 0 : i32
        %dma_wait3A_147 = arith.constant 0 : i32
        %dma_wait3A_148 = tpu.memref_slice %arg22[%dma_wait3A_146, %dma_wait3A_147] : memref<10000x128xf32, #tpu.memory_space<vmem_shared>> -> memref<10000x128xf32, #tpu.memory_space<vmem_shared>>
        tpu.wait_indirect_dma semaphore(%arg30 : memref<!tpu.dma_semaphore, #tpu.memory_space<semaphore_mem>>) src(%arg19 : memref<40x128xf32, #tpu.memory_space<vmem>>) dst(%dma_wait3A_148 : memref<10000x128xf32, #tpu.memory_space<vmem_shared>>)
      } else {
      }
      %mul3A_75 = arith.constant 5 : i32
      %mul3A_76 = arith.muli %scan3A_40, %mul3A_75 : i32
      %add3A_77 = arith.constant 2 : i32
      %add3A_78 = arith.addi %mul3A_76, %add3A_77 : i32
      %mul3A_79 = arith.constant 40 : i32
      %mul3A_80 = arith.muli %add3A_78, %mul3A_79 : i32
      %add3A_81 = arith.addi %mul3A_2, %mul3A_80 : i32
      "tpu.region"() ({
        %run_scoped3A = tpu.sem_alloc : memref<!tpu.dma_semaphore, #tpu.memory_space<semaphore_mem>>
        %dma_start3A_146 = tpu.memref_slice %arg3[%add3A_81] : memref<320000xi32, #tpu.memory_space<hbm>> -> memref<40xi32, #tpu.memory_space<hbm>>
        %dma_start3A_147 = tpu.memref_slice %arg3[%add3A_81] : memref<320000xi32, #tpu.memory_space<hbm>> -> memref<40xi32, #tpu.memory_space<hbm>>
        tpu.enqueue_dma source(%dma_start3A_147 : memref<40xi32, #tpu.memory_space<hbm>>) target(%arg9 : memref<40xi32, #tpu.memory_space<vmem>>) target_semaphore(%run_scoped3A : memref<!tpu.dma_semaphore, #tpu.memory_space<semaphore_mem>>)
        %dma_wait3A_148 = tpu.memref_slice %arg3[%add3A_81] : memref<320000xi32, #tpu.memory_space<hbm>> -> memref<40xi32, #tpu.memory_space<hbm>>
        %dma_wait3A_149 = tpu.memref_slice %arg3[%add3A_81] : memref<320000xi32, #tpu.memory_space<hbm>> -> memref<40xi32, #tpu.memory_space<hbm>>
        tpu.wait_dma2 semaphore(%run_scoped3A : memref<!tpu.dma_semaphore, #tpu.memory_space<semaphore_mem>>) src(%dma_wait3A_149 : memref<40xi32, #tpu.memory_space<hbm>>) dst(%arg9 : memref<40xi32, #tpu.memory_space<vmem>>)
        tpu.yield
      }) : () -> ()
      "tpu.region"() ({
        %run_scoped3A = tpu.sem_alloc : memref<!tpu.dma_semaphore, #tpu.memory_space<semaphore_mem>>
        %dma_start3A_146 = tpu.memref_slice %arg4[%add3A_81] : memref<320000xi32, #tpu.memory_space<hbm>> -> memref<40xi32, #tpu.memory_space<hbm>>
        %dma_start3A_147 = tpu.memref_slice %arg4[%add3A_81] : memref<320000xi32, #tpu.memory_space<hbm>> -> memref<40xi32, #tpu.memory_space<hbm>>
        tpu.enqueue_dma source(%dma_start3A_147 : memref<40xi32, #tpu.memory_space<hbm>>) target(%arg14 : memref<40xi32, #tpu.memory_space<vmem>>) target_semaphore(%run_scoped3A : memref<!tpu.dma_semaphore, #tpu.memory_space<semaphore_mem>>)
        %dma_wait3A_148 = tpu.memref_slice %arg4[%add3A_81] : memref<320000xi32, #tpu.memory_space<hbm>> -> memref<40xi32, #tpu.memory_space<hbm>>
        %dma_wait3A_149 = tpu.memref_slice %arg4[%add3A_81] : memref<320000xi32, #tpu.memory_space<hbm>> -> memref<40xi32, #tpu.memory_space<hbm>>
        tpu.wait_dma2 semaphore(%run_scoped3A : memref<!tpu.dma_semaphore, #tpu.memory_space<semaphore_mem>>) src(%dma_wait3A_149 : memref<40xi32, #tpu.memory_space<hbm>>) dst(%arg14 : memref<40xi32, #tpu.memory_space<vmem>>)
        tpu.yield
      }) : () -> ()
      %dma_start3A_82 = arith.constant 0 : i32
      %dma_start3A_83 = arith.constant 0 : i32
      %dma_start3A_84 = tpu.memref_slice %arg2[%dma_start3A_82, %dma_start3A_83] : memref<10000x128xf32, #tpu.memory_space<hbm>> -> memref<10000x128xf32, #tpu.memory_space<hbm>>
      tpu.enqueue_indirect_dma source(%dma_start3A_84 : memref<10000x128xf32, #tpu.memory_space<hbm>>) target(%arg19 : memref<40x128xf32, #tpu.memory_space<vmem>>) offsets(%arg9 : memref<40xi32, #tpu.memory_space<vmem>>) semaphore(%arg25 : memref<!tpu.dma_semaphore, #tpu.memory_space<semaphore_mem>>)
      %gt3A_85 = arith.constant 0 : i32
      %gt3A_86 = arith.cmpi sgt, %scan3A_40, %gt3A_85 : i32
      %convert_element_type3A_87 = arith.extui %gt3A_86 : i1 to i32
      %cond3A_88 = arith.constant 0 : i32
      %cond3A_89 = arith.cmpi ne, %convert_element_type3A_87, %cond3A_88 : i32
      scf.if %cond3A_89 {
        %dma_wait3A_146 = arith.constant 0 : i32
        %dma_wait3A_147 = arith.constant 0 : i32
        %dma_wait3A_148 = tpu.memref_slice %arg22[%dma_wait3A_146, %dma_wait3A_147] : memref<10000x128xf32, #tpu.memory_space<vmem_shared>> -> memref<10000x128xf32, #tpu.memory_space<vmem_shared>>
        tpu.wait_indirect_dma semaphore(%arg31 : memref<!tpu.dma_semaphore, #tpu.memory_space<semaphore_mem>>) src(%arg20 : memref<40x128xf32, #tpu.memory_space<vmem>>) dst(%dma_wait3A_148 : memref<10000x128xf32, #tpu.memory_space<vmem_shared>>)
      } else {
      }
      %mul3A_90 = arith.constant 5 : i32
      %mul3A_91 = arith.muli %scan3A_40, %mul3A_90 : i32
      %add3A_92 = arith.constant 3 : i32
      %add3A_93 = arith.addi %mul3A_91, %add3A_92 : i32
      %mul3A_94 = arith.constant 40 : i32
      %mul3A_95 = arith.muli %add3A_93, %mul3A_94 : i32
      %add3A_96 = arith.addi %mul3A_2, %mul3A_95 : i32
      "tpu.region"() ({
        %run_scoped3A = tpu.sem_alloc : memref<!tpu.dma_semaphore, #tpu.memory_space<semaphore_mem>>
        %dma_start3A_146 = tpu.memref_slice %arg3[%add3A_96] : memref<320000xi32, #tpu.memory_space<hbm>> -> memref<40xi32, #tpu.memory_space<hbm>>
        %dma_start3A_147 = tpu.memref_slice %arg3[%add3A_96] : memref<320000xi32, #tpu.memory_space<hbm>> -> memref<40xi32, #tpu.memory_space<hbm>>
        tpu.enqueue_dma source(%dma_start3A_147 : memref<40xi32, #tpu.memory_space<hbm>>) target(%arg10 : memref<40xi32, #tpu.memory_space<vmem>>) target_semaphore(%run_scoped3A : memref<!tpu.dma_semaphore, #tpu.memory_space<semaphore_mem>>)
        %dma_wait3A_148 = tpu.memref_slice %arg3[%add3A_96] : memref<320000xi32, #tpu.memory_space<hbm>> -> memref<40xi32, #tpu.memory_space<hbm>>
        %dma_wait3A_149 = tpu.memref_slice %arg3[%add3A_96] : memref<320000xi32, #tpu.memory_space<hbm>> -> memref<40xi32, #tpu.memory_space<hbm>>
        tpu.wait_dma2 semaphore(%run_scoped3A : memref<!tpu.dma_semaphore, #tpu.memory_space<semaphore_mem>>) src(%dma_wait3A_149 : memref<40xi32, #tpu.memory_space<hbm>>) dst(%arg10 : memref<40xi32, #tpu.memory_space<vmem>>)
        tpu.yield
      }) : () -> ()
      "tpu.region"() ({
        %run_scoped3A = tpu.sem_alloc : memref<!tpu.dma_semaphore, #tpu.memory_space<semaphore_mem>>
        %dma_start3A_146 = tpu.memref_slice %arg4[%add3A_96] : memref<320000xi32, #tpu.memory_space<hbm>> -> memref<40xi32, #tpu.memory_space<hbm>>
        %dma_start3A_147 = tpu.memref_slice %arg4[%add3A_96] : memref<320000xi32, #tpu.memory_space<hbm>> -> memref<40xi32, #tpu.memory_space<hbm>>
        tpu.enqueue_dma source(%dma_start3A_147 : memref<40xi32, #tpu.memory_space<hbm>>) target(%arg15 : memref<40xi32, #tpu.memory_space<vmem>>) target_semaphore(%run_scoped3A : memref<!tpu.dma_semaphore, #tpu.memory_space<semaphore_mem>>)
        %dma_wait3A_148 = tpu.memref_slice %arg4[%add3A_96] : memref<320000xi32, #tpu.memory_space<hbm>> -> memref<40xi32, #tpu.memory_space<hbm>>
        %dma_wait3A_149 = tpu.memref_slice %arg4[%add3A_96] : memref<320000xi32, #tpu.memory_space<hbm>> -> memref<40xi32, #tpu.memory_space<hbm>>
        tpu.wait_dma2 semaphore(%run_scoped3A : memref<!tpu.dma_semaphore, #tpu.memory_space<semaphore_mem>>) src(%dma_wait3A_149 : memref<40xi32, #tpu.memory_space<hbm>>) dst(%arg15 : memref<40xi32, #tpu.memory_space<vmem>>)
        tpu.yield
      }) : () -> ()
      %dma_start3A_97 = arith.constant 0 : i32
      %dma_start3A_98 = arith.constant 0 : i32
      %dma_start3A_99 = tpu.memref_slice %arg2[%dma_start3A_97, %dma_start3A_98] : memref<10000x128xf32, #tpu.memory_space<hbm>> -> memref<10000x128xf32, #tpu.memory_space<hbm>>
      tpu.enqueue_indirect_dma source(%dma_start3A_99 : memref<10000x128xf32, #tpu.memory_space<hbm>>) target(%arg20 : memref<40x128xf32, #tpu.memory_space<vmem>>) offsets(%arg10 : memref<40xi32, #tpu.memory_space<vmem>>) semaphore(%arg26 : memref<!tpu.dma_semaphore, #tpu.memory_space<semaphore_mem>>)
      %gt3A_100 = arith.constant 0 : i32
      %gt3A_101 = arith.cmpi sgt, %scan3A_40, %gt3A_100 : i32
      %convert_element_type3A_102 = arith.extui %gt3A_101 : i1 to i32
      %cond3A_103 = arith.constant 0 : i32
      %cond3A_104 = arith.cmpi ne, %convert_element_type3A_102, %cond3A_103 : i32
      scf.if %cond3A_104 {
        %dma_wait3A_146 = arith.constant 0 : i32
        %dma_wait3A_147 = arith.constant 0 : i32
        %dma_wait3A_148 = tpu.memref_slice %arg22[%dma_wait3A_146, %dma_wait3A_147] : memref<10000x128xf32, #tpu.memory_space<vmem_shared>> -> memref<10000x128xf32, #tpu.memory_space<vmem_shared>>
        tpu.wait_indirect_dma semaphore(%arg32 : memref<!tpu.dma_semaphore, #tpu.memory_space<semaphore_mem>>) src(%arg21 : memref<40x128xf32, #tpu.memory_space<vmem>>) dst(%dma_wait3A_148 : memref<10000x128xf32, #tpu.memory_space<vmem_shared>>)
      } else {
      }
      %mul3A_105 = arith.constant 5 : i32
      %mul3A_106 = arith.muli %scan3A_40, %mul3A_105 : i32
      %add3A_107 = arith.constant 4 : i32
      %add3A_108 = arith.addi %mul3A_106, %add3A_107 : i32
      %mul3A_109 = arith.constant 40 : i32
      %mul3A_110 = arith.muli %add3A_108, %mul3A_109 : i32
      %add3A_111 = arith.addi %mul3A_2, %mul3A_110 : i32
      "tpu.region"() ({
        %run_scoped3A = tpu.sem_alloc : memref<!tpu.dma_semaphore, #tpu.memory_space<semaphore_mem>>
        %dma_start3A_146 = tpu.memref_slice %arg3[%add3A_111] : memref<320000xi32, #tpu.memory_space<hbm>> -> memref<40xi32, #tpu.memory_space<hbm>>
        %dma_start3A_147 = tpu.memref_slice %arg3[%add3A_111] : memref<320000xi32, #tpu.memory_space<hbm>> -> memref<40xi32, #tpu.memory_space<hbm>>
        tpu.enqueue_dma source(%dma_start3A_147 : memref<40xi32, #tpu.memory_space<hbm>>) target(%arg11 : memref<40xi32, #tpu.memory_space<vmem>>) target_semaphore(%run_scoped3A : memref<!tpu.dma_semaphore, #tpu.memory_space<semaphore_mem>>)
        %dma_wait3A_148 = tpu.memref_slice %arg3[%add3A_111] : memref<320000xi32, #tpu.memory_space<hbm>> -> memref<40xi32, #tpu.memory_space<hbm>>
        %dma_wait3A_149 = tpu.memref_slice %arg3[%add3A_111] : memref<320000xi32, #tpu.memory_space<hbm>> -> memref<40xi32, #tpu.memory_space<hbm>>
        tpu.wait_dma2 semaphore(%run_scoped3A : memref<!tpu.dma_semaphore, #tpu.memory_space<semaphore_mem>>) src(%dma_wait3A_149 : memref<40xi32, #tpu.memory_space<hbm>>) dst(%arg11 : memref<40xi32, #tpu.memory_space<vmem>>)
        tpu.yield
      }) : () -> ()
      "tpu.region"() ({
        %run_scoped3A = tpu.sem_alloc : memref<!tpu.dma_semaphore, #tpu.memory_space<semaphore_mem>>
        %dma_start3A_146 = tpu.memref_slice %arg4[%add3A_111] : memref<320000xi32, #tpu.memory_space<hbm>> -> memref<40xi32, #tpu.memory_space<hbm>>
        %dma_start3A_147 = tpu.memref_slice %arg4[%add3A_111] : memref<320000xi32, #tpu.memory_space<hbm>> -> memref<40xi32, #tpu.memory_space<hbm>>
        tpu.enqueue_dma source(%dma_start3A_147 : memref<40xi32, #tpu.memory_space<hbm>>) target(%arg16 : memref<40xi32, #tpu.memory_space<vmem>>) target_semaphore(%run_scoped3A : memref<!tpu.dma_semaphore, #tpu.memory_space<semaphore_mem>>)
        %dma_wait3A_148 = tpu.memref_slice %arg4[%add3A_111] : memref<320000xi32, #tpu.memory_space<hbm>> -> memref<40xi32, #tpu.memory_space<hbm>>
        %dma_wait3A_149 = tpu.memref_slice %arg4[%add3A_111] : memref<320000xi32, #tpu.memory_space<hbm>> -> memref<40xi32, #tpu.memory_space<hbm>>
        tpu.wait_dma2 semaphore(%run_scoped3A : memref<!tpu.dma_semaphore, #tpu.memory_space<semaphore_mem>>) src(%dma_wait3A_149 : memref<40xi32, #tpu.memory_space<hbm>>) dst(%arg16 : memref<40xi32, #tpu.memory_space<vmem>>)
        tpu.yield
      }) : () -> ()
      %dma_start3A_112 = arith.constant 0 : i32
      %dma_start3A_113 = arith.constant 0 : i32
      %dma_start3A_114 = tpu.memref_slice %arg2[%dma_start3A_112, %dma_start3A_113] : memref<10000x128xf32, #tpu.memory_space<hbm>> -> memref<10000x128xf32, #tpu.memory_space<hbm>>
      tpu.enqueue_indirect_dma source(%dma_start3A_114 : memref<10000x128xf32, #tpu.memory_space<hbm>>) target(%arg21 : memref<40x128xf32, #tpu.memory_space<vmem>>) offsets(%arg11 : memref<40xi32, #tpu.memory_space<vmem>>) semaphore(%arg27 : memref<!tpu.dma_semaphore, #tpu.memory_space<semaphore_mem>>)
      %dma_wait3A_115 = arith.constant 0 : i32
      %dma_wait3A_116 = arith.constant 0 : i32
      %dma_wait3A_117 = tpu.memref_slice %arg2[%dma_wait3A_115, %dma_wait3A_116] : memref<10000x128xf32, #tpu.memory_space<hbm>> -> memref<10000x128xf32, #tpu.memory_space<hbm>>
      tpu.wait_indirect_dma semaphore(%arg23 : memref<!tpu.dma_semaphore, #tpu.memory_space<semaphore_mem>>) src(%dma_wait3A_117 : memref<10000x128xf32, #tpu.memory_space<hbm>>) dst(%arg17 : memref<40x128xf32, #tpu.memory_space<vmem>>)
      %dma_start3A_118 = arith.constant 0 : i32
      %dma_start3A_119 = arith.constant 0 : i32
      %dma_start3A_120 = tpu.memref_slice %arg22[%dma_start3A_118, %dma_start3A_119] : memref<10000x128xf32, #tpu.memory_space<vmem_shared>> -> memref<10000x128xf32, #tpu.memory_space<vmem_shared>>
      tpu.enqueue_indirect_dma source(%arg17 : memref<40x128xf32, #tpu.memory_space<vmem>>) target(%dma_start3A_120 : memref<10000x128xf32, #tpu.memory_space<vmem_shared>>) offsets(%arg12 : memref<40xi32, #tpu.memory_space<vmem>>) semaphore(%arg28 : memref<!tpu.dma_semaphore, #tpu.memory_space<semaphore_mem>>) {add = true}
      %dma_wait3A_121 = arith.constant 0 : i32
      %dma_wait3A_122 = arith.constant 0 : i32
      %dma_wait3A_123 = tpu.memref_slice %arg2[%dma_wait3A_121, %dma_wait3A_122] : memref<10000x128xf32, #tpu.memory_space<hbm>> -> memref<10000x128xf32, #tpu.memory_space<hbm>>
      tpu.wait_indirect_dma semaphore(%arg24 : memref<!tpu.dma_semaphore, #tpu.memory_space<semaphore_mem>>) src(%dma_wait3A_123 : memref<10000x128xf32, #tpu.memory_space<hbm>>) dst(%arg18 : memref<40x128xf32, #tpu.memory_space<vmem>>)
      %dma_start3A_124 = arith.constant 0 : i32
      %dma_start3A_125 = arith.constant 0 : i32
      %dma_start3A_126 = tpu.memref_slice %arg22[%dma_start3A_124, %dma_start3A_125] : memref<10000x128xf32, #tpu.memory_space<vmem_shared>> -> memref<10000x128xf32, #tpu.memory_space<vmem_shared>>
      tpu.enqueue_indirect_dma source(%arg18 : memref<40x128xf32, #tpu.memory_space<vmem>>) target(%dma_start3A_126 : memref<10000x128xf32, #tpu.memory_space<vmem_shared>>) offsets(%arg13 : memref<40xi32, #tpu.memory_space<vmem>>) semaphore(%arg29 : memref<!tpu.dma_semaphore, #tpu.memory_space<semaphore_mem>>) {add = true}
      %dma_wait3A_127 = arith.constant 0 : i32
      %dma_wait3A_128 = arith.constant 0 : i32
      %dma_wait3A_129 = tpu.memref_slice %arg2[%dma_wait3A_127, %dma_wait3A_128] : memref<10000x128xf32, #tpu.memory_space<hbm>> -> memref<10000x128xf32, #tpu.memory_space<hbm>>
      tpu.wait_indirect_dma semaphore(%arg25 : memref<!tpu.dma_semaphore, #tpu.memory_space<semaphore_mem>>) src(%dma_wait3A_129 : memref<10000x128xf32, #tpu.memory_space<hbm>>) dst(%arg19 : memref<40x128xf32, #tpu.memory_space<vmem>>)
      %dma_start3A_130 = arith.constant 0 : i32
      %dma_start3A_131 = arith.constant 0 : i32
      %dma_start3A_132 = tpu.memref_slice %arg22[%dma_start3A_130, %dma_start3A_131] : memref<10000x128xf32, #tpu.memory_space<vmem_shared>> -> memref<10000x128xf32, #tpu.memory_space<vmem_shared>>
      tpu.enqueue_indirect_dma source(%arg19 : memref<40x128xf32, #tpu.memory_space<vmem>>) target(%dma_start3A_132 : memref<10000x128xf32, #tpu.memory_space<vmem_shared>>) offsets(%arg14 : memref<40xi32, #tpu.memory_space<vmem>>) semaphore(%arg30 : memref<!tpu.dma_semaphore, #tpu.memory_space<semaphore_mem>>) {add = true}
      %dma_wait3A_133 = arith.constant 0 : i32
      %dma_wait3A_134 = arith.constant 0 : i32
      %dma_wait3A_135 = tpu.memref_slice %arg2[%dma_wait3A_133, %dma_wait3A_134] : memref<10000x128xf32, #tpu.memory_space<hbm>> -> memref<10000x128xf32, #tpu.memory_space<hbm>>
      tpu.wait_indirect_dma semaphore(%arg26 : memref<!tpu.dma_semaphore, #tpu.memory_space<semaphore_mem>>) src(%dma_wait3A_135 : memref<10000x128xf32, #tpu.memory_space<hbm>>) dst(%arg20 : memref<40x128xf32, #tpu.memory_space<vmem>>)
      %dma_start3A_136 = arith.constant 0 : i32
      %dma_start3A_137 = arith.constant 0 : i32
      %dma_start3A_138 = tpu.memref_slice %arg22[%dma_start3A_136, %dma_start3A_137] : memref<10000x128xf32, #tpu.memory_space<vmem_shared>> -> memref<10000x128xf32, #tpu.memory_space<vmem_shared>>
      tpu.enqueue_indirect_dma source(%arg20 : memref<40x128xf32, #tpu.memory_space<vmem>>) target(%dma_start3A_138 : memref<10000x128xf32, #tpu.memory_space<vmem_shared>>) offsets(%arg15 : memref<40xi32, #tpu.memory_space<vmem>>) semaphore(%arg31 : memref<!tpu.dma_semaphore, #tpu.memory_space<semaphore_mem>>) {add = true}
      %dma_wait3A_139 = arith.constant 0 : i32
      %dma_wait3A_140 = arith.constant 0 : i32
      %dma_wait3A_141 = tpu.memref_slice %arg2[%dma_wait3A_139, %dma_wait3A_140] : memref<10000x128xf32, #tpu.memory_space<hbm>> -> memref<10000x128xf32, #tpu.memory_space<hbm>>
      tpu.wait_indirect_dma semaphore(%arg27 : memref<!tpu.dma_semaphore, #tpu.memory_space<semaphore_mem>>) src(%dma_wait3A_141 : memref<10000x128xf32, #tpu.memory_space<hbm>>) dst(%arg21 : memref<40x128xf32, #tpu.memory_space<vmem>>)
      %dma_start3A_142 = arith.constant 0 : i32
      %dma_start3A_143 = arith.constant 0 : i32
      %dma_start3A_144 = tpu.memref_slice %arg22[%dma_start3A_142, %dma_start3A_143] : memref<10000x128xf32, #tpu.memory_space<vmem_shared>> -> memref<10000x128xf32, #tpu.memory_space<vmem_shared>>
      tpu.enqueue_indirect_dma source(%arg21 : memref<40x128xf32, #tpu.memory_space<vmem>>) target(%dma_start3A_144 : memref<10000x128xf32, #tpu.memory_space<vmem_shared>>) offsets(%arg16 : memref<40xi32, #tpu.memory_space<vmem>>) semaphore(%arg32 : memref<!tpu.dma_semaphore, #tpu.memory_space<semaphore_mem>>) {add = true}
      %scan3A_145 = arith.constant 0 : i32
      scf.yield %scan3A_145 : i32
    }
    %scan3A_14 = arith.constant 50 : i32
    %dma_wait3A = arith.constant 0 : i32
    %dma_wait3A_15 = arith.constant 0 : i32
    %dma_wait3A_16 = tpu.memref_slice %arg22[%dma_wait3A, %dma_wait3A_15] : memref<10000x128xf32, #tpu.memory_space<vmem_shared>> -> memref<10000x128xf32, #tpu.memory_space<vmem_shared>>
    tpu.wait_indirect_dma semaphore(%arg28 : memref<!tpu.dma_semaphore, #tpu.memory_space<semaphore_mem>>) src(%arg17 : memref<40x128xf32, #tpu.memory_space<vmem>>) dst(%dma_wait3A_16 : memref<10000x128xf32, #tpu.memory_space<vmem_shared>>)
    %dma_wait3A_17 = arith.constant 0 : i32
    %dma_wait3A_18 = arith.constant 0 : i32
    %dma_wait3A_19 = tpu.memref_slice %arg22[%dma_wait3A_17, %dma_wait3A_18] : memref<10000x128xf32, #tpu.memory_space<vmem_shared>> -> memref<10000x128xf32, #tpu.memory_space<vmem_shared>>
    tpu.wait_indirect_dma semaphore(%arg29 : memref<!tpu.dma_semaphore, #tpu.memory_space<semaphore_mem>>) src(%arg18 : memref<40x128xf32, #tpu.memory_space<vmem>>) dst(%dma_wait3A_19 : memref<10000x128xf32, #tpu.memory_space<vmem_shared>>)
    %dma_wait3A_20 = arith.constant 0 : i32
    %dma_wait3A_21 = arith.constant 0 : i32
    %dma_wait3A_22 = tpu.memref_slice %arg22[%dma_wait3A_20, %dma_wait3A_21] : memref<10000x128xf32, #tpu.memory_space<vmem_shared>> -> memref<10000x128xf32, #tpu.memory_space<vmem_shared>>
    tpu.wait_indirect_dma semaphore(%arg30 : memref<!tpu.dma_semaphore, #tpu.memory_space<semaphore_mem>>) src(%arg19 : memref<40x128xf32, #tpu.memory_space<vmem>>) dst(%dma_wait3A_22 : memref<10000x128xf32, #tpu.memory_space<vmem_shared>>)
    %dma_wait3A_23 = arith.constant 0 : i32
    %dma_wait3A_24 = arith.constant 0 : i32
    %dma_wait3A_25 = tpu.memref_slice %arg22[%dma_wait3A_23, %dma_wait3A_24] : memref<10000x128xf32, #tpu.memory_space<vmem_shared>> -> memref<10000x128xf32, #tpu.memory_space<vmem_shared>>
    tpu.wait_indirect_dma semaphore(%arg31 : memref<!tpu.dma_semaphore, #tpu.memory_space<semaphore_mem>>) src(%arg20 : memref<40x128xf32, #tpu.memory_space<vmem>>) dst(%dma_wait3A_25 : memref<10000x128xf32, #tpu.memory_space<vmem_shared>>)
    %dma_wait3A_26 = arith.constant 0 : i32
    %dma_wait3A_27 = arith.constant 0 : i32
    %dma_wait3A_28 = tpu.memref_slice %arg22[%dma_wait3A_26, %dma_wait3A_27] : memref<10000x128xf32, #tpu.memory_space<vmem_shared>> -> memref<10000x128xf32, #tpu.memory_space<vmem_shared>>
    tpu.wait_indirect_dma semaphore(%arg32 : memref<!tpu.dma_semaphore, #tpu.memory_space<semaphore_mem>>) src(%arg21 : memref<40x128xf32, #tpu.memory_space<vmem>>) dst(%dma_wait3A_28 : memref<10000x128xf32, #tpu.memory_space<vmem_shared>>)
    %barrier3A_29 = arith.constant 0 : index
    tpu.barrier barrier_id(%barrier3A_29)
    %lt3A_30 = arith.constant 15 : i32
    %lt3A_31 = arith.cmpi slt, %arg1, %lt3A_30 : i32
    %convert_element_type3A_32 = arith.extui %lt3A_31 : i1 to i32
    %cond3A_33 = arith.constant 0 : i32
    %cond3A_34 = arith.cmpi ne, %convert_element_type3A_32, %cond3A_33 : i32
    scf.if %cond3A_34 {
      %mul3A_40 = arith.constant 632 : i32
      %mul3A_41 = arith.muli %arg1, %mul3A_40 : i32
      %mul3A_42 = arith.constant 632 : i32
      %mul3A_43 = arith.muli %arg1, %mul3A_42 : i32
      "tpu.region"() ({
        %run_scoped3A = tpu.sem_alloc : memref<!tpu.dma_semaphore, #tpu.memory_space<semaphore_mem>>
        %dma_start3A = arith.constant 0 : i32
        %dma_start3A_44 = tpu.memref_slice %arg6[%arg0, %mul3A_43, %dma_start3A] : memref<2x10000x128xf32, #tpu.memory_space<hbm>> -> memref<1x632x128xf32, #tpu.memory_space<hbm>>
        %dma_start3A_45 = tpu.memref_squeeze %dma_start3A_44 : memref<1x632x128xf32, #tpu.memory_space<hbm>> -> memref<632x128xf32, #tpu.memory_space<hbm>>
        %dma_start3A_46 = arith.constant 0 : i32
        %dma_start3A_47 = tpu.memref_slice %arg22[%mul3A_41, %dma_start3A_46] : memref<10000x128xf32, #tpu.memory_space<vmem_shared>> -> memref<632x128xf32, #tpu.memory_space<vmem_shared>>
        tpu.enqueue_dma source(%dma_start3A_47 : memref<632x128xf32, #tpu.memory_space<vmem_shared>>) target(%dma_start3A_45 : memref<632x128xf32, #tpu.memory_space<hbm>>) target_semaphore(%run_scoped3A : memref<!tpu.dma_semaphore, #tpu.memory_space<semaphore_mem>>)
        %dma_wait3A_48 = arith.constant 0 : i32
        %dma_wait3A_49 = tpu.memref_slice %arg6[%arg0, %mul3A_43, %dma_wait3A_48] : memref<2x10000x128xf32, #tpu.memory_space<hbm>> -> memref<1x632x128xf32, #tpu.memory_space<hbm>>
        %dma_wait3A_50 = tpu.memref_squeeze %dma_wait3A_49 : memref<1x632x128xf32, #tpu.memory_space<hbm>> -> memref<632x128xf32, #tpu.memory_space<hbm>>
        %dma_wait3A_51 = arith.constant 0 : i32
        %dma_wait3A_52 = tpu.memref_slice %arg22[%mul3A_41, %dma_wait3A_51] : memref<10000x128xf32, #tpu.memory_space<vmem_shared>> -> memref<632x128xf32, #tpu.memory_space<vmem_shared>>
        tpu.wait_dma2 semaphore(%run_scoped3A : memref<!tpu.dma_semaphore, #tpu.memory_space<semaphore_mem>>) src(%dma_wait3A_52 : memref<632x128xf32, #tpu.memory_space<vmem_shared>>) dst(%dma_wait3A_50 : memref<632x128xf32, #tpu.memory_space<hbm>>)
        tpu.yield
      }) : () -> ()
    } else {
    }
    %eq3A_35 = arith.constant 15 : i32
    %eq3A_36 = arith.cmpi eq, %arg1, %eq3A_35 : i32
    %convert_element_type3A_37 = arith.extui %eq3A_36 : i1 to i32
    %cond3A_38 = arith.constant 0 : i32
    %cond3A_39 = arith.cmpi ne, %convert_element_type3A_37, %cond3A_38 : i32
    scf.if %cond3A_39 {
      %mul3A_40 = arith.constant 632 : i32
      %mul3A_41 = arith.muli %arg1, %mul3A_40 : i32
      %mul3A_42 = arith.constant 632 : i32
      %mul3A_43 = arith.muli %arg1, %mul3A_42 : i32
      "tpu.region"() ({
        %run_scoped3A = tpu.sem_alloc : memref<!tpu.dma_semaphore, #tpu.memory_space<semaphore_mem>>
        %dma_start3A = arith.constant 0 : i32
        %dma_start3A_44 = tpu.memref_slice %arg6[%arg0, %mul3A_43, %dma_start3A] : memref<2x10000x128xf32, #tpu.memory_space<hbm>> -> memref<1x520x128xf32, #tpu.memory_space<hbm>>
        %dma_start3A_45 = tpu.memref_squeeze %dma_start3A_44 : memref<1x520x128xf32, #tpu.memory_space<hbm>> -> memref<520x128xf32, #tpu.memory_space<hbm>>
        %dma_start3A_46 = arith.constant 0 : i32
        %dma_start3A_47 = tpu.memref_slice %arg22[%mul3A_41, %dma_start3A_46] : memref<10000x128xf32, #tpu.memory_space<vmem_shared>> -> memref<520x128xf32, #tpu.memory_space<vmem_shared>>
        tpu.enqueue_dma source(%dma_start3A_47 : memref<520x128xf32, #tpu.memory_space<vmem_shared>>) target(%dma_start3A_45 : memref<520x128xf32, #tpu.memory_space<hbm>>) target_semaphore(%run_scoped3A : memref<!tpu.dma_semaphore, #tpu.memory_space<semaphore_mem>>)
        %dma_wait3A_48 = arith.constant 0 : i32
        %dma_wait3A_49 = tpu.memref_slice %arg6[%arg0, %mul3A_43, %dma_wait3A_48] : memref<2x10000x128xf32, #tpu.memory_space<hbm>> -> memref<1x520x128xf32, #tpu.memory_space<hbm>>
        %dma_wait3A_50 = tpu.memref_squeeze %dma_wait3A_49 : memref<1x520x128xf32, #tpu.memory_space<hbm>> -> memref<520x128xf32, #tpu.memory_space<hbm>>
        %dma_wait3A_51 = arith.constant 0 : i32
        %dma_wait3A_52 = tpu.memref_slice %arg22[%mul3A_41, %dma_wait3A_51] : memref<10000x128xf32, #tpu.memory_space<vmem_shared>> -> memref<520x128xf32, #tpu.memory_space<vmem_shared>>
        tpu.wait_dma2 semaphore(%run_scoped3A : memref<!tpu.dma_semaphore, #tpu.memory_space<semaphore_mem>>) src(%dma_wait3A_52 : memref<520x128xf32, #tpu.memory_space<vmem_shared>>) dst(%dma_wait3A_50 : memref<520x128xf32, #tpu.memory_space<hbm>>)
        tpu.yield
      }) : () -> ()
    } else {
    }
    return
  }
}

#map = affine_map<(d0, d1) -> (0, 0)>
#map1 = affine_map<(d0, d1) -> (0)>
#map2 = affine_map<(d0, d1) -> (0, 0, 0)>
module attributes {stable_mosaic.version = 14 : i64} {
  func.func @body(%arg0: i32, %arg1: i32, %arg2: memref<10000x128xf32, #tpu.memory_space<hbm>>, %arg3: memref<320000xi32, #tpu.memory_space<hbm>>, %arg4: memref<320000xi32, #tpu.memory_space<hbm>>, %arg5: memref<10000x128xf32, #tpu.memory_space<hbm>>, %arg6: memref<2x10000x128xf32, #tpu.memory_space<hbm>>, %arg7: memref<40xi32, #tpu.memory_space<vmem>>, %arg8: memref<40xi32, #tpu.memory_space<vmem>>, %arg9: memref<40xi32, #tpu.memory_space<vmem>>, %arg10: memref<40xi32, #tpu.memory_space<vmem>>, %arg11: memref<40xi32, #tpu.memory_space<vmem>>, %arg12: memref<40xi32, #tpu.memory_space<vmem>>, %arg13: memref<40xi32, #tpu.memory_space<vmem>>, %arg14: memref<40xi32, #tpu.memory_space<vmem>>, %arg15: memref<40xi32, #tpu.memory_space<vmem>>, %arg16: memref<40xi32, #tpu.memory_space<vmem>>, %arg17: memref<40x128xf32, #tpu.memory_space<vmem>>, %arg18: memref<40x128xf32, #tpu.memory_space<vmem>>, %arg19: memref<40x128xf32, #tpu.memory_space<vmem>>, %arg20: memref<40x128xf32, #tpu.memory_space<vmem>>, %arg21: memref<40x128xf32, #tpu.memory_space<vmem>>, %arg22: memref<10000x128xf32, #tpu.memory_space<vmem_shared>>, %arg23: memref<!tpu.dma_semaphore, #tpu.memory_space<semaphore_mem>>, %arg24: memref<!tpu.dma_semaphore, #tpu.memory_space<semaphore_mem>>, %arg25: memref<!tpu.dma_semaphore, #tpu.memory_space<semaphore_mem>>, %arg26: memref<!tpu.dma_semaphore, #tpu.memory_space<semaphore_mem>>, %arg27: memref<!tpu.dma_semaphore, #tpu.memory_space<semaphore_mem>>, %arg28: memref<!tpu.dma_semaphore, #tpu.memory_space<semaphore_mem>>, %arg29: memref<!tpu.dma_semaphore, #tpu.memory_space<semaphore_mem>>, %arg30: memref<!tpu.dma_semaphore, #tpu.memory_space<semaphore_mem>>, %arg31: memref<!tpu.dma_semaphore, #tpu.memory_space<semaphore_mem>>, %arg32: memref<!tpu.dma_semaphore, #tpu.memory_space<semaphore_mem>>) attributes {dimension_semantics = [#tpu.dimension_semantics<core_parallel>, #tpu.dimension_semantics<subcore_parallel>], iteration_bounds = array<i64: 2, 16>, scalar_prefetch = 0 : i64, scratch_operands = 26 : i64, tpu.core_type = #tpu.core_type<sc_vector_subcore>, window_params = [{transform_indices = #map}, {transform_indices = #map1}, {transform_indices = #map1}, {transform_indices = #map}, {transform_indices = #map2}]} {
    %mul3A = arith.constant 2 : i32
    %mul3A_0 = arith.muli %arg1, %mul3A : i32
    %add3A = arith.addi %mul3A_0, %arg0 : i32
    %mul3A_1 = arith.constant 10000 : i32
    %mul3A_2 = arith.muli %add3A, %mul3A_1 : i32
    %lt3A = arith.constant 15 : i32
    %lt3A_3 = arith.cmpi slt, %arg1, %lt3A : i32
    %convert_element_type3A = arith.extui %lt3A_3 : i1 to i32
    %cond3A = arith.constant 0 : i32
    %cond3A_4 = arith.cmpi ne, %convert_element_type3A, %cond3A : i32
    scf.if %cond3A_4 {
      %mul3A_40 = arith.constant 632 : i32
      %mul3A_41 = arith.muli %arg1, %mul3A_40 : i32
      %mul3A_42 = arith.constant 632 : i32
      %mul3A_43 = arith.muli %arg1, %mul3A_42 : i32
      "tpu.region"() ({
        %run_scoped3A = tpu.sem_alloc : memref<!tpu.dma_semaphore, #tpu.memory_space<semaphore_mem>>
        %dma_start3A = arith.constant 0 : i32
        %dma_start3A_44 = tpu.memref_slice %arg22[%mul3A_43, %dma_start3A] : memref<10000x128xf32, #tpu.memory_space<vmem_shared>> -> memref<632x128xf32, #tpu.memory_space<vmem_shared>>
        %dma_start3A_45 = arith.constant 0 : i32
        %dma_start3A_46 = tpu.memref_slice %arg5[%mul3A_41, %dma_start3A_45] : memref<10000x128xf32, #tpu.memory_space<hbm>> -> memref<632x128xf32, #tpu.memory_space<hbm>>
        tpu.enqueue_dma source(%dma_start3A_46 : memref<632x128xf32, #tpu.memory_space<hbm>>) target(%dma_start3A_44 : memref<632x128xf32, #tpu.memory_space<vmem_shared>>) target_semaphore(%run_scoped3A : memref<!tpu.dma_semaphore, #tpu.memory_space<semaphore_mem>>)
        %dma_wait3A_47 = arith.constant 0 : i32
        %dma_wait3A_48 = tpu.memref_slice %arg22[%mul3A_43, %dma_wait3A_47] : memref<10000x128xf32, #tpu.memory_space<vmem_shared>> -> memref<632x128xf32, #tpu.memory_space<vmem_shared>>
        %dma_wait3A_49 = arith.constant 0 : i32
        %dma_wait3A_50 = tpu.memref_slice %arg5[%mul3A_41, %dma_wait3A_49] : memref<10000x128xf32, #tpu.memory_space<hbm>> -> memref<632x128xf32, #tpu.memory_space<hbm>>
        tpu.wait_dma2 semaphore(%run_scoped3A : memref<!tpu.dma_semaphore, #tpu.memory_space<semaphore_mem>>) src(%dma_wait3A_50 : memref<632x128xf32, #tpu.memory_space<hbm>>) dst(%dma_wait3A_48 : memref<632x128xf32, #tpu.memory_space<vmem_shared>>)
        tpu.yield
      }) : () -> ()
    } else {
    }
    %eq3A = arith.constant 15 : i32
    %eq3A_5 = arith.cmpi eq, %arg1, %eq3A : i32
    %convert_element_type3A_6 = arith.extui %eq3A_5 : i1 to i32
    %cond3A_7 = arith.constant 0 : i32
    %cond3A_8 = arith.cmpi ne, %convert_element_type3A_6, %cond3A_7 : i32
    scf.if %cond3A_8 {
      %mul3A_40 = arith.constant 632 : i32
      %mul3A_41 = arith.muli %arg1, %mul3A_40 : i32
      %mul3A_42 = arith.constant 632 : i32
      %mul3A_43 = arith.muli %arg1, %mul3A_42 : i32
      "tpu.region"() ({
        %run_scoped3A = tpu.sem_alloc : memref<!tpu.dma_semaphore, #tpu.memory_space<semaphore_mem>>
        %dma_start3A = arith.constant 0 : i32
        %dma_start3A_44 = tpu.memref_slice %arg22[%mul3A_43, %dma_start3A] : memref<10000x128xf32, #tpu.memory_space<vmem_shared>> -> memref<520x128xf32, #tpu.memory_space<vmem_shared>>
        %dma_start3A_45 = arith.constant 0 : i32
        %dma_start3A_46 = tpu.memref_slice %arg5[%mul3A_41, %dma_start3A_45] : memref<10000x128xf32, #tpu.memory_space<hbm>> -> memref<520x128xf32, #tpu.memory_space<hbm>>
        tpu.enqueue_dma source(%dma_start3A_46 : memref<520x128xf32, #tpu.memory_space<hbm>>) target(%dma_start3A_44 : memref<520x128xf32, #tpu.memory_space<vmem_shared>>) target_semaphore(%run_scoped3A : memref<!tpu.dma_semaphore, #tpu.memory_space<semaphore_mem>>)
        %dma_wait3A_47 = arith.constant 0 : i32
        %dma_wait3A_48 = tpu.memref_slice %arg22[%mul3A_43, %dma_wait3A_47] : memref<10000x128xf32, #tpu.memory_space<vmem_shared>> -> memref<520x128xf32, #tpu.memory_space<vmem_shared>>
        %dma_wait3A_49 = arith.constant 0 : i32
        %dma_wait3A_50 = tpu.memref_slice %arg5[%mul3A_41, %dma_wait3A_49] : memref<10000x128xf32, #tpu.memory_space<hbm>> -> memref<520x128xf32, #tpu.memory_space<hbm>>
        tpu.wait_dma2 semaphore(%run_scoped3A : memref<!tpu.dma_semaphore, #tpu.memory_space<semaphore_mem>>) src(%dma_wait3A_50 : memref<520x128xf32, #tpu.memory_space<hbm>>) dst(%dma_wait3A_48 : memref<520x128xf32, #tpu.memory_space<vmem_shared>>)
        tpu.yield
      }) : () -> ()
    } else {
    }
    %barrier3A = arith.constant 0 : index
    tpu.barrier barrier_id(%barrier3A)
    %scan3A = arith.constant 0 : i32
    %scan3A_9 = arith.constant 0 : i32
    %scan3A_10 = arith.constant 50 : i32
    %scan3A_11 = arith.addi %scan3A_9, %scan3A_10 : i32
    %scan3A_12 = arith.constant 1 : i32
    %scan3A_13 = scf.for %scan3A_40 = %scan3A_9 to %scan3A_11 step %scan3A_12 iter_args(%scan3A_41 = %scan3A) -> (i32)  : i32 {
      %gt3A = arith.constant 0 : i32
      %gt3A_42 = arith.cmpi sgt, %scan3A_40, %gt3A : i32
      %convert_element_type3A_43 = arith.extui %gt3A_42 : i1 to i32
      %cond3A_44 = arith.constant 0 : i32
      %cond3A_45 = arith.cmpi ne, %convert_element_type3A_43, %cond3A_44 : i32
      scf.if %cond3A_45 {
        %dma_wait3A_146 = arith.constant 0 : i32
        %dma_wait3A_147 = arith.constant 0 : i32
        %dma_wait3A_148 = tpu.memref_slice %arg22[%dma_wait3A_146, %dma_wait3A_147] : memref<10000x128xf32, #tpu.memory_space<vmem_shared>> -> memref<10000x128xf32, #tpu.memory_space<vmem_shared>>
        tpu.wait_indirect_dma semaphore(%arg28 : memref<!tpu.dma_semaphore, #tpu.memory_space<semaphore_mem>>) src(%arg17 : memref<40x128xf32, #tpu.memory_space<vmem>>) dst(%dma_wait3A_148 : memref<10000x128xf32, #tpu.memory_space<vmem_shared>>)
      } else {
      }
      %mul3A_46 = arith.constant 5 : i32
      %mul3A_47 = arith.muli %scan3A_40, %mul3A_46 : i32
      %add3A_48 = arith.constant 0 : i32
      %add3A_49 = arith.addi %mul3A_47, %add3A_48 : i32
      %mul3A_50 = arith.constant 40 : i32
      %mul3A_51 = arith.muli %add3A_49, %mul3A_50 : i32
      %add3A_52 = arith.addi %mul3A_2, %mul3A_51 : i32
      "tpu.region"() ({
        %run_scoped3A = tpu.sem_alloc : memref<!tpu.dma_semaphore, #tpu.memory_space<semaphore_mem>>
        %dma_start3A_146 = tpu.memref_slice %arg3[%add3A_52] : memref<320000xi32, #tpu.memory_space<hbm>> -> memref<40xi32, #tpu.memory_space<hbm>>
        %dma_start3A_147 = tpu.memref_slice %arg3[%add3A_52] : memref<320000xi32, #tpu.memory_space<hbm>> -> memref<40xi32, #tpu.memory_space<hbm>>
        tpu.enqueue_dma source(%dma_start3A_147 : memref<40xi32, #tpu.memory_space<hbm>>) target(%arg7 : memref<40xi32, #tpu.memory_space<vmem>>) target_semaphore(%run_scoped3A : memref<!tpu.dma_semaphore, #tpu.memory_space<semaphore_mem>>)
        %dma_wait3A_148 = tpu.memref_slice %arg3[%add3A_52] : memref<320000xi32, #tpu.memory_space<hbm>> -> memref<40xi32, #tpu.memory_space<hbm>>
        %dma_wait3A_149 = tpu.memref_slice %arg3[%add3A_52] : memref<320000xi32, #tpu.memory_space<hbm>> -> memref<40xi32, #tpu.memory_space<hbm>>
        tpu.wait_dma2 semaphore(%run_scoped3A : memref<!tpu.dma_semaphore, #tpu.memory_space<semaphore_mem>>) src(%dma_wait3A_149 : memref<40xi32, #tpu.memory_space<hbm>>) dst(%arg7 : memref<40xi32, #tpu.memory_space<vmem>>)
        tpu.yield
      }) : () -> ()
      "tpu.region"() ({
        %run_scoped3A = tpu.sem_alloc : memref<!tpu.dma_semaphore, #tpu.memory_space<semaphore_mem>>
        %dma_start3A_146 = tpu.memref_slice %arg4[%add3A_52] : memref<320000xi32, #tpu.memory_space<hbm>> -> memref<40xi32, #tpu.memory_space<hbm>>
        %dma_start3A_147 = tpu.memref_slice %arg4[%add3A_52] : memref<320000xi32, #tpu.memory_space<hbm>> -> memref<40xi32, #tpu.memory_space<hbm>>
        tpu.enqueue_dma source(%dma_start3A_147 : memref<40xi32, #tpu.memory_space<hbm>>) target(%arg12 : memref<40xi32, #tpu.memory_space<vmem>>) target_semaphore(%run_scoped3A : memref<!tpu.dma_semaphore, #tpu.memory_space<semaphore_mem>>)
        %dma_wait3A_148 = tpu.memref_slice %arg4[%add3A_52] : memref<320000xi32, #tpu.memory_space<hbm>> -> memref<40xi32, #tpu.memory_space<hbm>>
        %dma_wait3A_149 = tpu.memref_slice %arg4[%add3A_52] : memref<320000xi32, #tpu.memory_space<hbm>> -> memref<40xi32, #tpu.memory_space<hbm>>
        tpu.wait_dma2 semaphore(%run_scoped3A : memref<!tpu.dma_semaphore, #tpu.memory_space<semaphore_mem>>) src(%dma_wait3A_149 : memref<40xi32, #tpu.memory_space<hbm>>) dst(%arg12 : memref<40xi32, #tpu.memory_space<vmem>>)
        tpu.yield
      }) : () -> ()
      %dma_start3A = arith.constant 0 : i32
      %dma_start3A_53 = arith.constant 0 : i32
      %dma_start3A_54 = tpu.memref_slice %arg2[%dma_start3A, %dma_start3A_53] : memref<10000x128xf32, #tpu.memory_space<hbm>> -> memref<10000x128xf32, #tpu.memory_space<hbm>>
      tpu.enqueue_indirect_dma source(%dma_start3A_54 : memref<10000x128xf32, #tpu.memory_space<hbm>>) target(%arg17 : memref<40x128xf32, #tpu.memory_space<vmem>>) offsets(%arg7 : memref<40xi32, #tpu.memory_space<vmem>>) semaphore(%arg23 : memref<!tpu.dma_semaphore, #tpu.memory_space<semaphore_mem>>)
      %gt3A_55 = arith.constant 0 : i32
      %gt3A_56 = arith.cmpi sgt, %scan3A_40, %gt3A_55 : i32
      %convert_element_type3A_57 = arith.extui %gt3A_56 : i1 to i32
      %cond3A_58 = arith.constant 0 : i32
      %cond3A_59 = arith.cmpi ne, %convert_element_type3A_57, %cond3A_58 : i32
      scf.if %cond3A_59 {
        %dma_wait3A_146 = arith.constant 0 : i32
        %dma_wait3A_147 = arith.constant 0 : i32
        %dma_wait3A_148 = tpu.memref_slice %arg22[%dma_wait3A_146, %dma_wait3A_147] : memref<10000x128xf32, #tpu.memory_space<vmem_shared>> -> memref<10000x128xf32, #tpu.memory_space<vmem_shared>>
        tpu.wait_indirect_dma semaphore(%arg29 : memref<!tpu.dma_semaphore, #tpu.memory_space<semaphore_mem>>) src(%arg18 : memref<40x128xf32, #tpu.memory_space<vmem>>) dst(%dma_wait3A_148 : memref<10000x128xf32, #tpu.memory_space<vmem_shared>>)
      } else {
      }
      %mul3A_60 = arith.constant 5 : i32
      %mul3A_61 = arith.muli %scan3A_40, %mul3A_60 : i32
      %add3A_62 = arith.constant 1 : i32
      %add3A_63 = arith.addi %mul3A_61, %add3A_62 : i32
      %mul3A_64 = arith.constant 40 : i32
      %mul3A_65 = arith.muli %add3A_63, %mul3A_64 : i32
      %add3A_66 = arith.addi %mul3A_2, %mul3A_65 : i32
      "tpu.region"() ({
        %run_scoped3A = tpu.sem_alloc : memref<!tpu.dma_semaphore, #tpu.memory_space<semaphore_mem>>
        %dma_start3A_146 = tpu.memref_slice %arg3[%add3A_66] : memref<320000xi32, #tpu.memory_space<hbm>> -> memref<40xi32, #tpu.memory_space<hbm>>
        %dma_start3A_147 = tpu.memref_slice %arg3[%add3A_66] : memref<320000xi32, #tpu.memory_space<hbm>> -> memref<40xi32, #tpu.memory_space<hbm>>
        tpu.enqueue_dma source(%dma_start3A_147 : memref<40xi32, #tpu.memory_space<hbm>>) target(%arg8 : memref<40xi32, #tpu.memory_space<vmem>>) target_semaphore(%run_scoped3A : memref<!tpu.dma_semaphore, #tpu.memory_space<semaphore_mem>>)
        %dma_wait3A_148 = tpu.memref_slice %arg3[%add3A_66] : memref<320000xi32, #tpu.memory_space<hbm>> -> memref<40xi32, #tpu.memory_space<hbm>>
        %dma_wait3A_149 = tpu.memref_slice %arg3[%add3A_66] : memref<320000xi32, #tpu.memory_space<hbm>> -> memref<40xi32, #tpu.memory_space<hbm>>
        tpu.wait_dma2 semaphore(%run_scoped3A : memref<!tpu.dma_semaphore, #tpu.memory_space<semaphore_mem>>) src(%dma_wait3A_149 : memref<40xi32, #tpu.memory_space<hbm>>) dst(%arg8 : memref<40xi32, #tpu.memory_space<vmem>>)
        tpu.yield
      }) : () -> ()
      "tpu.region"() ({
        %run_scoped3A = tpu.sem_alloc : memref<!tpu.dma_semaphore, #tpu.memory_space<semaphore_mem>>
        %dma_start3A_146 = tpu.memref_slice %arg4[%add3A_66] : memref<320000xi32, #tpu.memory_space<hbm>> -> memref<40xi32, #tpu.memory_space<hbm>>
        %dma_start3A_147 = tpu.memref_slice %arg4[%add3A_66] : memref<320000xi32, #tpu.memory_space<hbm>> -> memref<40xi32, #tpu.memory_space<hbm>>
        tpu.enqueue_dma source(%dma_start3A_147 : memref<40xi32, #tpu.memory_space<hbm>>) target(%arg13 : memref<40xi32, #tpu.memory_space<vmem>>) target_semaphore(%run_scoped3A : memref<!tpu.dma_semaphore, #tpu.memory_space<semaphore_mem>>)
        %dma_wait3A_148 = tpu.memref_slice %arg4[%add3A_66] : memref<320000xi32, #tpu.memory_space<hbm>> -> memref<40xi32, #tpu.memory_space<hbm>>
        %dma_wait3A_149 = tpu.memref_slice %arg4[%add3A_66] : memref<320000xi32, #tpu.memory_space<hbm>> -> memref<40xi32, #tpu.memory_space<hbm>>
        tpu.wait_dma2 semaphore(%run_scoped3A : memref<!tpu.dma_semaphore, #tpu.memory_space<semaphore_mem>>) src(%dma_wait3A_149 : memref<40xi32, #tpu.memory_space<hbm>>) dst(%arg13 : memref<40xi32, #tpu.memory_space<vmem>>)
        tpu.yield
      }) : () -> ()
      %dma_start3A_67 = arith.constant 0 : i32
      %dma_start3A_68 = arith.constant 0 : i32
      %dma_start3A_69 = tpu.memref_slice %arg2[%dma_start3A_67, %dma_start3A_68] : memref<10000x128xf32, #tpu.memory_space<hbm>> -> memref<10000x128xf32, #tpu.memory_space<hbm>>
      tpu.enqueue_indirect_dma source(%dma_start3A_69 : memref<10000x128xf32, #tpu.memory_space<hbm>>) target(%arg18 : memref<40x128xf32, #tpu.memory_space<vmem>>) offsets(%arg8 : memref<40xi32, #tpu.memory_space<vmem>>) semaphore(%arg24 : memref<!tpu.dma_semaphore, #tpu.memory_space<semaphore_mem>>)
      %gt3A_70 = arith.constant 0 : i32
      %gt3A_71 = arith.cmpi sgt, %scan3A_40, %gt3A_70 : i32
      %convert_element_type3A_72 = arith.extui %gt3A_71 : i1 to i32
      %cond3A_73 = arith.constant 0 : i32
      %cond3A_74 = arith.cmpi ne, %convert_element_type3A_72, %cond3A_73 : i32
      scf.if %cond3A_74 {
        %dma_wait3A_146 = arith.constant 0 : i32
        %dma_wait3A_147 = arith.constant 0 : i32
        %dma_wait3A_148 = tpu.memref_slice %arg22[%dma_wait3A_146, %dma_wait3A_147] : memref<10000x128xf32, #tpu.memory_space<vmem_shared>> -> memref<10000x128xf32, #tpu.memory_space<vmem_shared>>
        tpu.wait_indirect_dma semaphore(%arg30 : memref<!tpu.dma_semaphore, #tpu.memory_space<semaphore_mem>>) src(%arg19 : memref<40x128xf32, #tpu.memory_space<vmem>>) dst(%dma_wait3A_148 : memref<10000x128xf32, #tpu.memory_space<vmem_shared>>)
      } else {
      }
      %mul3A_75 = arith.constant 5 : i32
      %mul3A_76 = arith.muli %scan3A_40, %mul3A_75 : i32
      %add3A_77 = arith.constant 2 : i32
      %add3A_78 = arith.addi %mul3A_76, %add3A_77 : i32
      %mul3A_79 = arith.constant 40 : i32
      %mul3A_80 = arith.muli %add3A_78, %mul3A_79 : i32
      %add3A_81 = arith.addi %mul3A_2, %mul3A_80 : i32
      "tpu.region"() ({
        %run_scoped3A = tpu.sem_alloc : memref<!tpu.dma_semaphore, #tpu.memory_space<semaphore_mem>>
        %dma_start3A_146 = tpu.memref_slice %arg3[%add3A_81] : memref<320000xi32, #tpu.memory_space<hbm>> -> memref<40xi32, #tpu.memory_space<hbm>>
        %dma_start3A_147 = tpu.memref_slice %arg3[%add3A_81] : memref<320000xi32, #tpu.memory_space<hbm>> -> memref<40xi32, #tpu.memory_space<hbm>>
        tpu.enqueue_dma source(%dma_start3A_147 : memref<40xi32, #tpu.memory_space<hbm>>) target(%arg9 : memref<40xi32, #tpu.memory_space<vmem>>) target_semaphore(%run_scoped3A : memref<!tpu.dma_semaphore, #tpu.memory_space<semaphore_mem>>)
        %dma_wait3A_148 = tpu.memref_slice %arg3[%add3A_81] : memref<320000xi32, #tpu.memory_space<hbm>> -> memref<40xi32, #tpu.memory_space<hbm>>
        %dma_wait3A_149 = tpu.memref_slice %arg3[%add3A_81] : memref<320000xi32, #tpu.memory_space<hbm>> -> memref<40xi32, #tpu.memory_space<hbm>>
        tpu.wait_dma2 semaphore(%run_scoped3A : memref<!tpu.dma_semaphore, #tpu.memory_space<semaphore_mem>>) src(%dma_wait3A_149 : memref<40xi32, #tpu.memory_space<hbm>>) dst(%arg9 : memref<40xi32, #tpu.memory_space<vmem>>)
        tpu.yield
      }) : () -> ()
      "tpu.region"() ({
        %run_scoped3A = tpu.sem_alloc : memref<!tpu.dma_semaphore, #tpu.memory_space<semaphore_mem>>
        %dma_start3A_146 = tpu.memref_slice %arg4[%add3A_81] : memref<320000xi32, #tpu.memory_space<hbm>> -> memref<40xi32, #tpu.memory_space<hbm>>
        %dma_start3A_147 = tpu.memref_slice %arg4[%add3A_81] : memref<320000xi32, #tpu.memory_space<hbm>> -> memref<40xi32, #tpu.memory_space<hbm>>
        tpu.enqueue_dma source(%dma_start3A_147 : memref<40xi32, #tpu.memory_space<hbm>>) target(%arg14 : memref<40xi32, #tpu.memory_space<vmem>>) target_semaphore(%run_scoped3A : memref<!tpu.dma_semaphore, #tpu.memory_space<semaphore_mem>>)
        %dma_wait3A_148 = tpu.memref_slice %arg4[%add3A_81] : memref<320000xi32, #tpu.memory_space<hbm>> -> memref<40xi32, #tpu.memory_space<hbm>>
        %dma_wait3A_149 = tpu.memref_slice %arg4[%add3A_81] : memref<320000xi32, #tpu.memory_space<hbm>> -> memref<40xi32, #tpu.memory_space<hbm>>
        tpu.wait_dma2 semaphore(%run_scoped3A : memref<!tpu.dma_semaphore, #tpu.memory_space<semaphore_mem>>) src(%dma_wait3A_149 : memref<40xi32, #tpu.memory_space<hbm>>) dst(%arg14 : memref<40xi32, #tpu.memory_space<vmem>>)
        tpu.yield
      }) : () -> ()
      %dma_start3A_82 = arith.constant 0 : i32
      %dma_start3A_83 = arith.constant 0 : i32
      %dma_start3A_84 = tpu.memref_slice %arg2[%dma_start3A_82, %dma_start3A_83] : memref<10000x128xf32, #tpu.memory_space<hbm>> -> memref<10000x128xf32, #tpu.memory_space<hbm>>
      tpu.enqueue_indirect_dma source(%dma_start3A_84 : memref<10000x128xf32, #tpu.memory_space<hbm>>) target(%arg19 : memref<40x128xf32, #tpu.memory_space<vmem>>) offsets(%arg9 : memref<40xi32, #tpu.memory_space<vmem>>) semaphore(%arg25 : memref<!tpu.dma_semaphore, #tpu.memory_space<semaphore_mem>>)
      %gt3A_85 = arith.constant 0 : i32
      %gt3A_86 = arith.cmpi sgt, %scan3A_40, %gt3A_85 : i32
      %convert_element_type3A_87 = arith.extui %gt3A_86 : i1 to i32
      %cond3A_88 = arith.constant 0 : i32
      %cond3A_89 = arith.cmpi ne, %convert_element_type3A_87, %cond3A_88 : i32
      scf.if %cond3A_89 {
        %dma_wait3A_146 = arith.constant 0 : i32
        %dma_wait3A_147 = arith.constant 0 : i32
        %dma_wait3A_148 = tpu.memref_slice %arg22[%dma_wait3A_146, %dma_wait3A_147] : memref<10000x128xf32, #tpu.memory_space<vmem_shared>> -> memref<10000x128xf32, #tpu.memory_space<vmem_shared>>
        tpu.wait_indirect_dma semaphore(%arg31 : memref<!tpu.dma_semaphore, #tpu.memory_space<semaphore_mem>>) src(%arg20 : memref<40x128xf32, #tpu.memory_space<vmem>>) dst(%dma_wait3A_148 : memref<10000x128xf32, #tpu.memory_space<vmem_shared>>)
      } else {
      }
      %mul3A_90 = arith.constant 5 : i32
      %mul3A_91 = arith.muli %scan3A_40, %mul3A_90 : i32
      %add3A_92 = arith.constant 3 : i32
      %add3A_93 = arith.addi %mul3A_91, %add3A_92 : i32
      %mul3A_94 = arith.constant 40 : i32
      %mul3A_95 = arith.muli %add3A_93, %mul3A_94 : i32
      %add3A_96 = arith.addi %mul3A_2, %mul3A_95 : i32
      "tpu.region"() ({
        %run_scoped3A = tpu.sem_alloc : memref<!tpu.dma_semaphore, #tpu.memory_space<semaphore_mem>>
        %dma_start3A_146 = tpu.memref_slice %arg3[%add3A_96] : memref<320000xi32, #tpu.memory_space<hbm>> -> memref<40xi32, #tpu.memory_space<hbm>>
        %dma_start3A_147 = tpu.memref_slice %arg3[%add3A_96] : memref<320000xi32, #tpu.memory_space<hbm>> -> memref<40xi32, #tpu.memory_space<hbm>>
        tpu.enqueue_dma source(%dma_start3A_147 : memref<40xi32, #tpu.memory_space<hbm>>) target(%arg10 : memref<40xi32, #tpu.memory_space<vmem>>) target_semaphore(%run_scoped3A : memref<!tpu.dma_semaphore, #tpu.memory_space<semaphore_mem>>)
        %dma_wait3A_148 = tpu.memref_slice %arg3[%add3A_96] : memref<320000xi32, #tpu.memory_space<hbm>> -> memref<40xi32, #tpu.memory_space<hbm>>
        %dma_wait3A_149 = tpu.memref_slice %arg3[%add3A_96] : memref<320000xi32, #tpu.memory_space<hbm>> -> memref<40xi32, #tpu.memory_space<hbm>>
        tpu.wait_dma2 semaphore(%run_scoped3A : memref<!tpu.dma_semaphore, #tpu.memory_space<semaphore_mem>>) src(%dma_wait3A_149 : memref<40xi32, #tpu.memory_space<hbm>>) dst(%arg10 : memref<40xi32, #tpu.memory_space<vmem>>)
        tpu.yield
      }) : () -> ()
      "tpu.region"() ({
        %run_scoped3A = tpu.sem_alloc : memref<!tpu.dma_semaphore, #tpu.memory_space<semaphore_mem>>
        %dma_start3A_146 = tpu.memref_slice %arg4[%add3A_96] : memref<320000xi32, #tpu.memory_space<hbm>> -> memref<40xi32, #tpu.memory_space<hbm>>
        %dma_start3A_147 = tpu.memref_slice %arg4[%add3A_96] : memref<320000xi32, #tpu.memory_space<hbm>> -> memref<40xi32, #tpu.memory_space<hbm>>
        tpu.enqueue_dma source(%dma_start3A_147 : memref<40xi32, #tpu.memory_space<hbm>>) target(%arg15 : memref<40xi32, #tpu.memory_space<vmem>>) target_semaphore(%run_scoped3A : memref<!tpu.dma_semaphore, #tpu.memory_space<semaphore_mem>>)
        %dma_wait3A_148 = tpu.memref_slice %arg4[%add3A_96] : memref<320000xi32, #tpu.memory_space<hbm>> -> memref<40xi32, #tpu.memory_space<hbm>>
        %dma_wait3A_149 = tpu.memref_slice %arg4[%add3A_96] : memref<320000xi32, #tpu.memory_space<hbm>> -> memref<40xi32, #tpu.memory_space<hbm>>
        tpu.wait_dma2 semaphore(%run_scoped3A : memref<!tpu.dma_semaphore, #tpu.memory_space<semaphore_mem>>) src(%dma_wait3A_149 : memref<40xi32, #tpu.memory_space<hbm>>) dst(%arg15 : memref<40xi32, #tpu.memory_space<vmem>>)
        tpu.yield
      }) : () -> ()
      %dma_start3A_97 = arith.constant 0 : i32
      %dma_start3A_98 = arith.constant 0 : i32
      %dma_start3A_99 = tpu.memref_slice %arg2[%dma_start3A_97, %dma_start3A_98] : memref<10000x128xf32, #tpu.memory_space<hbm>> -> memref<10000x128xf32, #tpu.memory_space<hbm>>
      tpu.enqueue_indirect_dma source(%dma_start3A_99 : memref<10000x128xf32, #tpu.memory_space<hbm>>) target(%arg20 : memref<40x128xf32, #tpu.memory_space<vmem>>) offsets(%arg10 : memref<40xi32, #tpu.memory_space<vmem>>) semaphore(%arg26 : memref<!tpu.dma_semaphore, #tpu.memory_space<semaphore_mem>>)
      %gt3A_100 = arith.constant 0 : i32
      %gt3A_101 = arith.cmpi sgt, %scan3A_40, %gt3A_100 : i32
      %convert_element_type3A_102 = arith.extui %gt3A_101 : i1 to i32
      %cond3A_103 = arith.constant 0 : i32
      %cond3A_104 = arith.cmpi ne, %convert_element_type3A_102, %cond3A_103 : i32
      scf.if %cond3A_104 {
        %dma_wait3A_146 = arith.constant 0 : i32
        %dma_wait3A_147 = arith.constant 0 : i32
        %dma_wait3A_148 = tpu.memref_slice %arg22[%dma_wait3A_146, %dma_wait3A_147] : memref<10000x128xf32, #tpu.memory_space<vmem_shared>> -> memref<10000x128xf32, #tpu.memory_space<vmem_shared>>
        tpu.wait_indirect_dma semaphore(%arg32 : memref<!tpu.dma_semaphore, #tpu.memory_space<semaphore_mem>>) src(%arg21 : memref<40x128xf32, #tpu.memory_space<vmem>>) dst(%dma_wait3A_148 : memref<10000x128xf32, #tpu.memory_space<vmem_shared>>)
      } else {
      }
      %mul3A_105 = arith.constant 5 : i32
      %mul3A_106 = arith.muli %scan3A_40, %mul3A_105 : i32
      %add3A_107 = arith.constant 4 : i32
      %add3A_108 = arith.addi %mul3A_106, %add3A_107 : i32
      %mul3A_109 = arith.constant 40 : i32
      %mul3A_110 = arith.muli %add3A_108, %mul3A_109 : i32
      %add3A_111 = arith.addi %mul3A_2, %mul3A_110 : i32
      "tpu.region"() ({
        %run_scoped3A = tpu.sem_alloc : memref<!tpu.dma_semaphore, #tpu.memory_space<semaphore_mem>>
        %dma_start3A_146 = tpu.memref_slice %arg3[%add3A_111] : memref<320000xi32, #tpu.memory_space<hbm>> -> memref<40xi32, #tpu.memory_space<hbm>>
        %dma_start3A_147 = tpu.memref_slice %arg3[%add3A_111] : memref<320000xi32, #tpu.memory_space<hbm>> -> memref<40xi32, #tpu.memory_space<hbm>>
        tpu.enqueue_dma source(%dma_start3A_147 : memref<40xi32, #tpu.memory_space<hbm>>) target(%arg11 : memref<40xi32, #tpu.memory_space<vmem>>) target_semaphore(%run_scoped3A : memref<!tpu.dma_semaphore, #tpu.memory_space<semaphore_mem>>)
        %dma_wait3A_148 = tpu.memref_slice %arg3[%add3A_111] : memref<320000xi32, #tpu.memory_space<hbm>> -> memref<40xi32, #tpu.memory_space<hbm>>
        %dma_wait3A_149 = tpu.memref_slice %arg3[%add3A_111] : memref<320000xi32, #tpu.memory_space<hbm>> -> memref<40xi32, #tpu.memory_space<hbm>>
        tpu.wait_dma2 semaphore(%run_scoped3A : memref<!tpu.dma_semaphore, #tpu.memory_space<semaphore_mem>>) src(%dma_wait3A_149 : memref<40xi32, #tpu.memory_space<hbm>>) dst(%arg11 : memref<40xi32, #tpu.memory_space<vmem>>)
        tpu.yield
      }) : () -> ()
      "tpu.region"() ({
        %run_scoped3A = tpu.sem_alloc : memref<!tpu.dma_semaphore, #tpu.memory_space<semaphore_mem>>
        %dma_start3A_146 = tpu.memref_slice %arg4[%add3A_111] : memref<320000xi32, #tpu.memory_space<hbm>> -> memref<40xi32, #tpu.memory_space<hbm>>
        %dma_start3A_147 = tpu.memref_slice %arg4[%add3A_111] : memref<320000xi32, #tpu.memory_space<hbm>> -> memref<40xi32, #tpu.memory_space<hbm>>
        tpu.enqueue_dma source(%dma_start3A_147 : memref<40xi32, #tpu.memory_space<hbm>>) target(%arg16 : memref<40xi32, #tpu.memory_space<vmem>>) target_semaphore(%run_scoped3A : memref<!tpu.dma_semaphore, #tpu.memory_space<semaphore_mem>>)
        %dma_wait3A_148 = tpu.memref_slice %arg4[%add3A_111] : memref<320000xi32, #tpu.memory_space<hbm>> -> memref<40xi32, #tpu.memory_space<hbm>>
        %dma_wait3A_149 = tpu.memref_slice %arg4[%add3A_111] : memref<320000xi32, #tpu.memory_space<hbm>> -> memref<40xi32, #tpu.memory_space<hbm>>
        tpu.wait_dma2 semaphore(%run_scoped3A : memref<!tpu.dma_semaphore, #tpu.memory_space<semaphore_mem>>) src(%dma_wait3A_149 : memref<40xi32, #tpu.memory_space<hbm>>) dst(%arg16 : memref<40xi32, #tpu.memory_space<vmem>>)
        tpu.yield
      }) : () -> ()
      %dma_start3A_112 = arith.constant 0 : i32
      %dma_start3A_113 = arith.constant 0 : i32
      %dma_start3A_114 = tpu.memref_slice %arg2[%dma_start3A_112, %dma_start3A_113] : memref<10000x128xf32, #tpu.memory_space<hbm>> -> memref<10000x128xf32, #tpu.memory_space<hbm>>
      tpu.enqueue_indirect_dma source(%dma_start3A_114 : memref<10000x128xf32, #tpu.memory_space<hbm>>) target(%arg21 : memref<40x128xf32, #tpu.memory_space<vmem>>) offsets(%arg11 : memref<40xi32, #tpu.memory_space<vmem>>) semaphore(%arg27 : memref<!tpu.dma_semaphore, #tpu.memory_space<semaphore_mem>>)
      %dma_wait3A_115 = arith.constant 0 : i32
      %dma_wait3A_116 = arith.constant 0 : i32
      %dma_wait3A_117 = tpu.memref_slice %arg2[%dma_wait3A_115, %dma_wait3A_116] : memref<10000x128xf32, #tpu.memory_space<hbm>> -> memref<10000x128xf32, #tpu.memory_space<hbm>>
      tpu.wait_indirect_dma semaphore(%arg23 : memref<!tpu.dma_semaphore, #tpu.memory_space<semaphore_mem>>) src(%dma_wait3A_117 : memref<10000x128xf32, #tpu.memory_space<hbm>>) dst(%arg17 : memref<40x128xf32, #tpu.memory_space<vmem>>)
      %dma_start3A_118 = arith.constant 0 : i32
      %dma_start3A_119 = arith.constant 0 : i32
      %dma_start3A_120 = tpu.memref_slice %arg22[%dma_start3A_118, %dma_start3A_119] : memref<10000x128xf32, #tpu.memory_space<vmem_shared>> -> memref<10000x128xf32, #tpu.memory_space<vmem_shared>>
      tpu.enqueue_indirect_dma source(%arg17 : memref<40x128xf32, #tpu.memory_space<vmem>>) target(%dma_start3A_120 : memref<10000x128xf32, #tpu.memory_space<vmem_shared>>) offsets(%arg12 : memref<40xi32, #tpu.memory_space<vmem>>) semaphore(%arg28 : memref<!tpu.dma_semaphore, #tpu.memory_space<semaphore_mem>>) {add = true}
      %dma_wait3A_121 = arith.constant 0 : i32
      %dma_wait3A_122 = arith.constant 0 : i32
      %dma_wait3A_123 = tpu.memref_slice %arg2[%dma_wait3A_121, %dma_wait3A_122] : memref<10000x128xf32, #tpu.memory_space<hbm>> -> memref<10000x128xf32, #tpu.memory_space<hbm>>
      tpu.wait_indirect_dma semaphore(%arg24 : memref<!tpu.dma_semaphore, #tpu.memory_space<semaphore_mem>>) src(%dma_wait3A_123 : memref<10000x128xf32, #tpu.memory_space<hbm>>) dst(%arg18 : memref<40x128xf32, #tpu.memory_space<vmem>>)
      %dma_start3A_124 = arith.constant 0 : i32
      %dma_start3A_125 = arith.constant 0 : i32
      %dma_start3A_126 = tpu.memref_slice %arg22[%dma_start3A_124, %dma_start3A_125] : memref<10000x128xf32, #tpu.memory_space<vmem_shared>> -> memref<10000x128xf32, #tpu.memory_space<vmem_shared>>
      tpu.enqueue_indirect_dma source(%arg18 : memref<40x128xf32, #tpu.memory_space<vmem>>) target(%dma_start3A_126 : memref<10000x128xf32, #tpu.memory_space<vmem_shared>>) offsets(%arg13 : memref<40xi32, #tpu.memory_space<vmem>>) semaphore(%arg29 : memref<!tpu.dma_semaphore, #tpu.memory_space<semaphore_mem>>) {add = true}
      %dma_wait3A_127 = arith.constant 0 : i32
      %dma_wait3A_128 = arith.constant 0 : i32
      %dma_wait3A_129 = tpu.memref_slice %arg2[%dma_wait3A_127, %dma_wait3A_128] : memref<10000x128xf32, #tpu.memory_space<hbm>> -> memref<10000x128xf32, #tpu.memory_space<hbm>>
      tpu.wait_indirect_dma semaphore(%arg25 : memref<!tpu.dma_semaphore, #tpu.memory_space<semaphore_mem>>) src(%dma_wait3A_129 : memref<10000x128xf32, #tpu.memory_space<hbm>>) dst(%arg19 : memref<40x128xf32, #tpu.memory_space<vmem>>)
      %dma_start3A_130 = arith.constant 0 : i32
      %dma_start3A_131 = arith.constant 0 : i32
      %dma_start3A_132 = tpu.memref_slice %arg22[%dma_start3A_130, %dma_start3A_131] : memref<10000x128xf32, #tpu.memory_space<vmem_shared>> -> memref<10000x128xf32, #tpu.memory_space<vmem_shared>>
      tpu.enqueue_indirect_dma source(%arg19 : memref<40x128xf32, #tpu.memory_space<vmem>>) target(%dma_start3A_132 : memref<10000x128xf32, #tpu.memory_space<vmem_shared>>) offsets(%arg14 : memref<40xi32, #tpu.memory_space<vmem>>) semaphore(%arg30 : memref<!tpu.dma_semaphore, #tpu.memory_space<semaphore_mem>>) {add = true}
      %dma_wait3A_133 = arith.constant 0 : i32
      %dma_wait3A_134 = arith.constant 0 : i32
      %dma_wait3A_135 = tpu.memref_slice %arg2[%dma_wait3A_133, %dma_wait3A_134] : memref<10000x128xf32, #tpu.memory_space<hbm>> -> memref<10000x128xf32, #tpu.memory_space<hbm>>
      tpu.wait_indirect_dma semaphore(%arg26 : memref<!tpu.dma_semaphore, #tpu.memory_space<semaphore_mem>>) src(%dma_wait3A_135 : memref<10000x128xf32, #tpu.memory_space<hbm>>) dst(%arg20 : memref<40x128xf32, #tpu.memory_space<vmem>>)
      %dma_start3A_136 = arith.constant 0 : i32
      %dma_start3A_137 = arith.constant 0 : i32
      %dma_start3A_138 = tpu.memref_slice %arg22[%dma_start3A_136, %dma_start3A_137] : memref<10000x128xf32, #tpu.memory_space<vmem_shared>> -> memref<10000x128xf32, #tpu.memory_space<vmem_shared>>
      tpu.enqueue_indirect_dma source(%arg20 : memref<40x128xf32, #tpu.memory_space<vmem>>) target(%dma_start3A_138 : memref<10000x128xf32, #tpu.memory_space<vmem_shared>>) offsets(%arg15 : memref<40xi32, #tpu.memory_space<vmem>>) semaphore(%arg31 : memref<!tpu.dma_semaphore, #tpu.memory_space<semaphore_mem>>) {add = true}
      %dma_wait3A_139 = arith.constant 0 : i32
      %dma_wait3A_140 = arith.constant 0 : i32
      %dma_wait3A_141 = tpu.memref_slice %arg2[%dma_wait3A_139, %dma_wait3A_140] : memref<10000x128xf32, #tpu.memory_space<hbm>> -> memref<10000x128xf32, #tpu.memory_space<hbm>>
      tpu.wait_indirect_dma semaphore(%arg27 : memref<!tpu.dma_semaphore, #tpu.memory_space<semaphore_mem>>) src(%dma_wait3A_141 : memref<10000x128xf32, #tpu.memory_space<hbm>>) dst(%arg21 : memref<40x128xf32, #tpu.memory_space<vmem>>)
      %dma_start3A_142 = arith.constant 0 : i32
      %dma_start3A_143 = arith.constant 0 : i32
      %dma_start3A_144 = tpu.memref_slice %arg22[%dma_start3A_142, %dma_start3A_143] : memref<10000x128xf32, #tpu.memory_space<vmem_shared>> -> memref<10000x128xf32, #tpu.memory_space<vmem_shared>>
      tpu.enqueue_indirect_dma source(%arg21 : memref<40x128xf32, #tpu.memory_space<vmem>>) target(%dma_start3A_144 : memref<10000x128xf32, #tpu.memory_space<vmem_shared>>) offsets(%arg16 : memref<40xi32, #tpu.memory_space<vmem>>) semaphore(%arg32 : memref<!tpu.dma_semaphore, #tpu.memory_space<semaphore_mem>>) {add = true}
      %scan3A_145 = arith.constant 0 : i32
      scf.yield %scan3A_145 : i32
    }
    %scan3A_14 = arith.constant 50 : i32
    %dma_wait3A = arith.constant 0 : i32
    %dma_wait3A_15 = arith.constant 0 : i32
    %dma_wait3A_16 = tpu.memref_slice %arg22[%dma_wait3A, %dma_wait3A_15] : memref<10000x128xf32, #tpu.memory_space<vmem_shared>> -> memref<10000x128xf32, #tpu.memory_space<vmem_shared>>
    tpu.wait_indirect_dma semaphore(%arg28 : memref<!tpu.dma_semaphore, #tpu.memory_space<semaphore_mem>>) src(%arg17 : memref<40x128xf32, #tpu.memory_space<vmem>>) dst(%dma_wait3A_16 : memref<10000x128xf32, #tpu.memory_space<vmem_shared>>)
    %dma_wait3A_17 = arith.constant 0 : i32
    %dma_wait3A_18 = arith.constant 0 : i32
    %dma_wait3A_19 = tpu.memref_slice %arg22[%dma_wait3A_17, %dma_wait3A_18] : memref<10000x128xf32, #tpu.memory_space<vmem_shared>> -> memref<10000x128xf32, #tpu.memory_space<vmem_shared>>
    tpu.wait_indirect_dma semaphore(%arg29 : memref<!tpu.dma_semaphore, #tpu.memory_space<semaphore_mem>>) src(%arg18 : memref<40x128xf32, #tpu.memory_space<vmem>>) dst(%dma_wait3A_19 : memref<10000x128xf32, #tpu.memory_space<vmem_shared>>)
    %dma_wait3A_20 = arith.constant 0 : i32
    %dma_wait3A_21 = arith.constant 0 : i32
    %dma_wait3A_22 = tpu.memref_slice %arg22[%dma_wait3A_20, %dma_wait3A_21] : memref<10000x128xf32, #tpu.memory_space<vmem_shared>> -> memref<10000x128xf32, #tpu.memory_space<vmem_shared>>
    tpu.wait_indirect_dma semaphore(%arg30 : memref<!tpu.dma_semaphore, #tpu.memory_space<semaphore_mem>>) src(%arg19 : memref<40x128xf32, #tpu.memory_space<vmem>>) dst(%dma_wait3A_22 : memref<10000x128xf32, #tpu.memory_space<vmem_shared>>)
    %dma_wait3A_23 = arith.constant 0 : i32
    %dma_wait3A_24 = arith.constant 0 : i32
    %dma_wait3A_25 = tpu.memref_slice %arg22[%dma_wait3A_23, %dma_wait3A_24] : memref<10000x128xf32, #tpu.memory_space<vmem_shared>> -> memref<10000x128xf32, #tpu.memory_space<vmem_shared>>
    tpu.wait_indirect_dma semaphore(%arg31 : memref<!tpu.dma_semaphore, #tpu.memory_space<semaphore_mem>>) src(%arg20 : memref<40x128xf32, #tpu.memory_space<vmem>>) dst(%dma_wait3A_25 : memref<10000x128xf32, #tpu.memory_space<vmem_shared>>)
    %dma_wait3A_26 = arith.constant 0 : i32
    %dma_wait3A_27 = arith.constant 0 : i32
    %dma_wait3A_28 = tpu.memref_slice %arg22[%dma_wait3A_26, %dma_wait3A_27] : memref<10000x128xf32, #tpu.memory_space<vmem_shared>> -> memref<10000x128xf32, #tpu.memory_space<vmem_shared>>
    tpu.wait_indirect_dma semaphore(%arg32 : memref<!tpu.dma_semaphore, #tpu.memory_space<semaphore_mem>>) src(%arg21 : memref<40x128xf32, #tpu.memory_space<vmem>>) dst(%dma_wait3A_28 : memref<10000x128xf32, #tpu.memory_space<vmem_shared>>)
    %barrier3A_29 = arith.constant 0 : index
    tpu.barrier barrier_id(%barrier3A_29)
    %lt3A_30 = arith.constant 15 : i32
    %lt3A_31 = arith.cmpi slt, %arg1, %lt3A_30 : i32
    %convert_element_type3A_32 = arith.extui %lt3A_31 : i1 to i32
    %cond3A_33 = arith.constant 0 : i32
    %cond3A_34 = arith.cmpi ne, %convert_element_type3A_32, %cond3A_33 : i32
    scf.if %cond3A_34 {
      %mul3A_40 = arith.constant 632 : i32
      %mul3A_41 = arith.muli %arg1, %mul3A_40 : i32
      %mul3A_42 = arith.constant 632 : i32
      %mul3A_43 = arith.muli %arg1, %mul3A_42 : i32
      "tpu.region"() ({
        %run_scoped3A = tpu.sem_alloc : memref<!tpu.dma_semaphore, #tpu.memory_space<semaphore_mem>>
        %dma_start3A = arith.constant 0 : i32
        %dma_start3A_44 = tpu.memref_slice %arg6[%arg0, %mul3A_43, %dma_start3A] : memref<2x10000x128xf32, #tpu.memory_space<hbm>> -> memref<1x632x128xf32, #tpu.memory_space<hbm>>
        %dma_start3A_45 = tpu.memref_squeeze %dma_start3A_44 : memref<1x632x128xf32, #tpu.memory_space<hbm>> -> memref<632x128xf32, #tpu.memory_space<hbm>>
        %dma_start3A_46 = arith.constant 0 : i32
        %dma_start3A_47 = tpu.memref_slice %arg22[%mul3A_41, %dma_start3A_46] : memref<10000x128xf32, #tpu.memory_space<vmem_shared>> -> memref<632x128xf32, #tpu.memory_space<vmem_shared>>
        tpu.enqueue_dma source(%dma_start3A_47 : memref<632x128xf32, #tpu.memory_space<vmem_shared>>) target(%dma_start3A_45 : memref<632x128xf32, #tpu.memory_space<hbm>>) target_semaphore(%run_scoped3A : memref<!tpu.dma_semaphore, #tpu.memory_space<semaphore_mem>>)
        %dma_wait3A_48 = arith.constant 0 : i32
        %dma_wait3A_49 = tpu.memref_slice %arg6[%arg0, %mul3A_43, %dma_wait3A_48] : memref<2x10000x128xf32, #tpu.memory_space<hbm>> -> memref<1x632x128xf32, #tpu.memory_space<hbm>>
        %dma_wait3A_50 = tpu.memref_squeeze %dma_wait3A_49 : memref<1x632x128xf32, #tpu.memory_space<hbm>> -> memref<632x128xf32, #tpu.memory_space<hbm>>
        %dma_wait3A_51 = arith.constant 0 : i32
        %dma_wait3A_52 = tpu.memref_slice %arg22[%mul3A_41, %dma_wait3A_51] : memref<10000x128xf32, #tpu.memory_space<vmem_shared>> -> memref<632x128xf32, #tpu.memory_space<vmem_shared>>
        tpu.wait_dma2 semaphore(%run_scoped3A : memref<!tpu.dma_semaphore, #tpu.memory_space<semaphore_mem>>) src(%dma_wait3A_52 : memref<632x128xf32, #tpu.memory_space<vmem_shared>>) dst(%dma_wait3A_50 : memref<632x128xf32, #tpu.memory_space<hbm>>)
        tpu.yield
      }) : () -> ()
    } else {
    }
    %eq3A_35 = arith.constant 15 : i32
    %eq3A_36 = arith.cmpi eq, %arg1, %eq3A_35 : i32
    %convert_element_type3A_37 = arith.extui %eq3A_36 : i1 to i32
    %cond3A_38 = arith.constant 0 : i32
    %cond3A_39 = arith.cmpi ne, %convert_element_type3A_37, %cond3A_38 : i32
    scf.if %cond3A_39 {
      %mul3A_40 = arith.constant 632 : i32
      %mul3A_41 = arith.muli %arg1, %mul3A_40 : i32
      %mul3A_42 = arith.constant 632 : i32
      %mul3A_43 = arith.muli %arg1, %mul3A_42 : i32
      "tpu.region"() ({
        %run_scoped3A = tpu.sem_alloc : memref<!tpu.dma_semaphore, #tpu.memory_space<semaphore_mem>>
        %dma_start3A = arith.constant 0 : i32
        %dma_start3A_44 = tpu.memref_slice %arg6[%arg0, %mul3A_43, %dma_start3A] : memref<2x10000x128xf32, #tpu.memory_space<hbm>> -> memref<1x520x128xf32, #tpu.memory_space<hbm>>
        %dma_start3A_45 = tpu.memref_squeeze %dma_start3A_44 : memref<1x520x128xf32, #tpu.memory_space<hbm>> -> memref<520x128xf32, #tpu.memory_space<hbm>>
        %dma_start3A_46 = arith.constant 0 : i32
        %dma_start3A_47 = tpu.memref_slice %arg22[%mul3A_41, %dma_start3A_46] : memref<10000x128xf32, #tpu.memory_space<vmem_shared>> -> memref<520x128xf32, #tpu.memory_space<vmem_shared>>
        tpu.enqueue_dma source(%dma_start3A_47 : memref<520x128xf32, #tpu.memory_space<vmem_shared>>) target(%dma_start3A_45 : memref<520x128xf32, #tpu.memory_space<hbm>>) target_semaphore(%run_scoped3A : memref<!tpu.dma_semaphore, #tpu.memory_space<semaphore_mem>>)
        %dma_wait3A_48 = arith.constant 0 : i32
        %dma_wait3A_49 = tpu.memref_slice %arg6[%arg0, %mul3A_43, %dma_wait3A_48] : memref<2x10000x128xf32, #tpu.memory_space<hbm>> -> memref<1x520x128xf32, #tpu.memory_space<hbm>>
        %dma_wait3A_50 = tpu.memref_squeeze %dma_wait3A_49 : memref<1x520x128xf32, #tpu.memory_space<hbm>> -> memref<520x128xf32, #tpu.memory_space<hbm>>
        %dma_wait3A_51 = arith.constant 0 : i32
        %dma_wait3A_52 = tpu.memref_slice %arg22[%mul3A_41, %dma_wait3A_51] : memref<10000x128xf32, #tpu.memory_space<vmem_shared>> -> memref<520x128xf32, #tpu.memory_space<vmem_shared>>
        tpu.wait_dma2 semaphore(%run_scoped3A : memref<!tpu.dma_semaphore, #tpu.memory_space<semaphore_mem>>) src(%dma_wait3A_52 : memref<520x128xf32, #tpu.memory_space<vmem_shared>>) dst(%dma_wait3A_50 : memref<520x128xf32, #tpu.memory_space<hbm>>)
        tpu.yield
      }) : () -> ()
    } else {
    }
    return
  }
}

#map = affine_map<(d0, d1) -> (0)>
#map1 = affine_map<(d0, d1) -> (0, 0)>
#map2 = affine_map<(d0, d1) -> (0, 0, 0)>
module attributes {stable_mosaic.version = 14 : i64} {
  func.func @body(%arg0: i32, %arg1: i32, %arg2: memref<320000xi32, #tpu.memory_space<hbm>>, %arg3: memref<10000x128xf32, #tpu.memory_space<hbm>>, %arg4: memref<40x128xf32, #tpu.memory_space<hbm>>, %arg5: memref<2x10000x128xf32, #tpu.memory_space<hbm>>, %arg6: memref<40xi32, #tpu.memory_space<vmem>>, %arg7: memref<40xi32, #tpu.memory_space<vmem>>, %arg8: memref<40xi32, #tpu.memory_space<vmem>>, %arg9: memref<40xi32, #tpu.memory_space<vmem>>, %arg10: memref<40xi32, #tpu.memory_space<vmem>>, %arg11: memref<40x128xf32, #tpu.memory_space<vmem>>, %arg12: memref<10000x128xf32, #tpu.memory_space<vmem_shared>>, %arg13: memref<!tpu.dma_semaphore, #tpu.memory_space<semaphore_mem>>, %arg14: memref<!tpu.dma_semaphore, #tpu.memory_space<semaphore_mem>>, %arg15: memref<!tpu.dma_semaphore, #tpu.memory_space<semaphore_mem>>, %arg16: memref<!tpu.dma_semaphore, #tpu.memory_space<semaphore_mem>>, %arg17: memref<!tpu.dma_semaphore, #tpu.memory_space<semaphore_mem>>) attributes {dimension_semantics = [#tpu.dimension_semantics<core_parallel>, #tpu.dimension_semantics<subcore_parallel>], iteration_bounds = array<i64: 2, 16>, scalar_prefetch = 0 : i64, scratch_operands = 12 : i64, tpu.core_type = #tpu.core_type<sc_vector_subcore>, window_params = [{transform_indices = #map}, {transform_indices = #map1}, {transform_indices = #map1}, {transform_indices = #map2}]} {
    %mul3A = arith.constant 2 : i32
    %mul3A_0 = arith.muli %arg1, %mul3A : i32
    %add3A = arith.addi %mul3A_0, %arg0 : i32
    %mul3A_1 = arith.constant 10000 : i32
    %mul3A_2 = arith.muli %add3A, %mul3A_1 : i32
    "tpu.region"() ({
      %run_scoped3A = tpu.sem_alloc : memref<!tpu.dma_semaphore, #tpu.memory_space<semaphore_mem>>
      tpu.enqueue_dma source(%arg4 : memref<40x128xf32, #tpu.memory_space<hbm>>) target(%arg11 : memref<40x128xf32, #tpu.memory_space<vmem>>) target_semaphore(%run_scoped3A : memref<!tpu.dma_semaphore, #tpu.memory_space<semaphore_mem>>)
      tpu.wait_dma2 semaphore(%run_scoped3A : memref<!tpu.dma_semaphore, #tpu.memory_space<semaphore_mem>>) src(%arg4 : memref<40x128xf32, #tpu.memory_space<hbm>>) dst(%arg11 : memref<40x128xf32, #tpu.memory_space<vmem>>)
      tpu.yield
    }) : () -> ()
    %lt3A = arith.constant 15 : i32
    %lt3A_3 = arith.cmpi slt, %arg1, %lt3A : i32
    %convert_element_type3A = arith.extui %lt3A_3 : i1 to i32
    %cond3A = arith.constant 0 : i32
    %cond3A_4 = arith.cmpi ne, %convert_element_type3A, %cond3A : i32
    scf.if %cond3A_4 {
      %mul3A_40 = arith.constant 632 : i32
      %mul3A_41 = arith.muli %arg1, %mul3A_40 : i32
      %mul3A_42 = arith.constant 632 : i32
      %mul3A_43 = arith.muli %arg1, %mul3A_42 : i32
      "tpu.region"() ({
        %run_scoped3A = tpu.sem_alloc : memref<!tpu.dma_semaphore, #tpu.memory_space<semaphore_mem>>
        %dma_start3A = arith.constant 0 : i32
        %dma_start3A_44 = tpu.memref_slice %arg12[%mul3A_43, %dma_start3A] : memref<10000x128xf32, #tpu.memory_space<vmem_shared>> -> memref<632x128xf32, #tpu.memory_space<vmem_shared>>
        %dma_start3A_45 = arith.constant 0 : i32
        %dma_start3A_46 = tpu.memref_slice %arg3[%mul3A_41, %dma_start3A_45] : memref<10000x128xf32, #tpu.memory_space<hbm>> -> memref<632x128xf32, #tpu.memory_space<hbm>>
        tpu.enqueue_dma source(%dma_start3A_46 : memref<632x128xf32, #tpu.memory_space<hbm>>) target(%dma_start3A_44 : memref<632x128xf32, #tpu.memory_space<vmem_shared>>) target_semaphore(%run_scoped3A : memref<!tpu.dma_semaphore, #tpu.memory_space<semaphore_mem>>)
        %dma_wait3A_47 = arith.constant 0 : i32
        %dma_wait3A_48 = tpu.memref_slice %arg12[%mul3A_43, %dma_wait3A_47] : memref<10000x128xf32, #tpu.memory_space<vmem_shared>> -> memref<632x128xf32, #tpu.memory_space<vmem_shared>>
        %dma_wait3A_49 = arith.constant 0 : i32
        %dma_wait3A_50 = tpu.memref_slice %arg3[%mul3A_41, %dma_wait3A_49] : memref<10000x128xf32, #tpu.memory_space<hbm>> -> memref<632x128xf32, #tpu.memory_space<hbm>>
        tpu.wait_dma2 semaphore(%run_scoped3A : memref<!tpu.dma_semaphore, #tpu.memory_space<semaphore_mem>>) src(%dma_wait3A_50 : memref<632x128xf32, #tpu.memory_space<hbm>>) dst(%dma_wait3A_48 : memref<632x128xf32, #tpu.memory_space<vmem_shared>>)
        tpu.yield
      }) : () -> ()
    } else {
    }
    %eq3A = arith.constant 15 : i32
    %eq3A_5 = arith.cmpi eq, %arg1, %eq3A : i32
    %convert_element_type3A_6 = arith.extui %eq3A_5 : i1 to i32
    %cond3A_7 = arith.constant 0 : i32
    %cond3A_8 = arith.cmpi ne, %convert_element_type3A_6, %cond3A_7 : i32
    scf.if %cond3A_8 {
      %mul3A_40 = arith.constant 632 : i32
      %mul3A_41 = arith.muli %arg1, %mul3A_40 : i32
      %mul3A_42 = arith.constant 632 : i32
      %mul3A_43 = arith.muli %arg1, %mul3A_42 : i32
      "tpu.region"() ({
        %run_scoped3A = tpu.sem_alloc : memref<!tpu.dma_semaphore, #tpu.memory_space<semaphore_mem>>
        %dma_start3A = arith.constant 0 : i32
        %dma_start3A_44 = tpu.memref_slice %arg12[%mul3A_43, %dma_start3A] : memref<10000x128xf32, #tpu.memory_space<vmem_shared>> -> memref<520x128xf32, #tpu.memory_space<vmem_shared>>
        %dma_start3A_45 = arith.constant 0 : i32
        %dma_start3A_46 = tpu.memref_slice %arg3[%mul3A_41, %dma_start3A_45] : memref<10000x128xf32, #tpu.memory_space<hbm>> -> memref<520x128xf32, #tpu.memory_space<hbm>>
        tpu.enqueue_dma source(%dma_start3A_46 : memref<520x128xf32, #tpu.memory_space<hbm>>) target(%dma_start3A_44 : memref<520x128xf32, #tpu.memory_space<vmem_shared>>) target_semaphore(%run_scoped3A : memref<!tpu.dma_semaphore, #tpu.memory_space<semaphore_mem>>)
        %dma_wait3A_47 = arith.constant 0 : i32
        %dma_wait3A_48 = tpu.memref_slice %arg12[%mul3A_43, %dma_wait3A_47] : memref<10000x128xf32, #tpu.memory_space<vmem_shared>> -> memref<520x128xf32, #tpu.memory_space<vmem_shared>>
        %dma_wait3A_49 = arith.constant 0 : i32
        %dma_wait3A_50 = tpu.memref_slice %arg3[%mul3A_41, %dma_wait3A_49] : memref<10000x128xf32, #tpu.memory_space<hbm>> -> memref<520x128xf32, #tpu.memory_space<hbm>>
        tpu.wait_dma2 semaphore(%run_scoped3A : memref<!tpu.dma_semaphore, #tpu.memory_space<semaphore_mem>>) src(%dma_wait3A_50 : memref<520x128xf32, #tpu.memory_space<hbm>>) dst(%dma_wait3A_48 : memref<520x128xf32, #tpu.memory_space<vmem_shared>>)
        tpu.yield
      }) : () -> ()
    } else {
    }
    %barrier3A = arith.constant 0 : index
    tpu.barrier barrier_id(%barrier3A)
    %scan3A = arith.constant 0 : i32
    %scan3A_9 = arith.constant 0 : i32
    %scan3A_10 = arith.constant 50 : i32
    %scan3A_11 = arith.addi %scan3A_9, %scan3A_10 : i32
    %scan3A_12 = arith.constant 1 : i32
    %scan3A_13 = scf.for %scan3A_40 = %scan3A_9 to %scan3A_11 step %scan3A_12 iter_args(%scan3A_41 = %scan3A) -> (i32)  : i32 {
      %gt3A = arith.constant 0 : i32
      %gt3A_42 = arith.cmpi sgt, %scan3A_40, %gt3A : i32
      %convert_element_type3A_43 = arith.extui %gt3A_42 : i1 to i32
      %cond3A_44 = arith.constant 0 : i32
      %cond3A_45 = arith.cmpi ne, %convert_element_type3A_43, %cond3A_44 : i32
      scf.if %cond3A_45 {
        %dma_wait3A_116 = arith.constant 0 : i32
        %dma_wait3A_117 = arith.constant 0 : i32
        %dma_wait3A_118 = tpu.memref_slice %arg12[%dma_wait3A_116, %dma_wait3A_117] : memref<10000x128xf32, #tpu.memory_space<vmem_shared>> -> memref<10000x128xf32, #tpu.memory_space<vmem_shared>>
        tpu.wait_indirect_dma semaphore(%arg13 : memref<!tpu.dma_semaphore, #tpu.memory_space<semaphore_mem>>) src(%arg11 : memref<40x128xf32, #tpu.memory_space<vmem>>) dst(%dma_wait3A_118 : memref<10000x128xf32, #tpu.memory_space<vmem_shared>>)
      } else {
      }
      %mul3A_46 = arith.constant 5 : i32
      %mul3A_47 = arith.muli %scan3A_40, %mul3A_46 : i32
      %add3A_48 = arith.constant 0 : i32
      %add3A_49 = arith.addi %mul3A_47, %add3A_48 : i32
      %mul3A_50 = arith.constant 40 : i32
      %mul3A_51 = arith.muli %add3A_49, %mul3A_50 : i32
      %add3A_52 = arith.addi %mul3A_2, %mul3A_51 : i32
      "tpu.region"() ({
        %run_scoped3A = tpu.sem_alloc : memref<!tpu.dma_semaphore, #tpu.memory_space<semaphore_mem>>
        %dma_start3A_116 = tpu.memref_slice %arg2[%add3A_52] : memref<320000xi32, #tpu.memory_space<hbm>> -> memref<40xi32, #tpu.memory_space<hbm>>
        %dma_start3A_117 = tpu.memref_slice %arg2[%add3A_52] : memref<320000xi32, #tpu.memory_space<hbm>> -> memref<40xi32, #tpu.memory_space<hbm>>
        tpu.enqueue_dma source(%dma_start3A_117 : memref<40xi32, #tpu.memory_space<hbm>>) target(%arg6 : memref<40xi32, #tpu.memory_space<vmem>>) target_semaphore(%run_scoped3A : memref<!tpu.dma_semaphore, #tpu.memory_space<semaphore_mem>>)
        %dma_wait3A_118 = tpu.memref_slice %arg2[%add3A_52] : memref<320000xi32, #tpu.memory_space<hbm>> -> memref<40xi32, #tpu.memory_space<hbm>>
        %dma_wait3A_119 = tpu.memref_slice %arg2[%add3A_52] : memref<320000xi32, #tpu.memory_space<hbm>> -> memref<40xi32, #tpu.memory_space<hbm>>
        tpu.wait_dma2 semaphore(%run_scoped3A : memref<!tpu.dma_semaphore, #tpu.memory_space<semaphore_mem>>) src(%dma_wait3A_119 : memref<40xi32, #tpu.memory_space<hbm>>) dst(%arg6 : memref<40xi32, #tpu.memory_space<vmem>>)
        tpu.yield
      }) : () -> ()
      %dma_start3A = arith.constant 0 : i32
      %dma_start3A_53 = arith.constant 0 : i32
      %dma_start3A_54 = tpu.memref_slice %arg12[%dma_start3A, %dma_start3A_53] : memref<10000x128xf32, #tpu.memory_space<vmem_shared>> -> memref<10000x128xf32, #tpu.memory_space<vmem_shared>>
      tpu.enqueue_indirect_dma source(%arg11 : memref<40x128xf32, #tpu.memory_space<vmem>>) target(%dma_start3A_54 : memref<10000x128xf32, #tpu.memory_space<vmem_shared>>) offsets(%arg6 : memref<40xi32, #tpu.memory_space<vmem>>) semaphore(%arg13 : memref<!tpu.dma_semaphore, #tpu.memory_space<semaphore_mem>>) {add = true}
      %gt3A_55 = arith.constant 0 : i32
      %gt3A_56 = arith.cmpi sgt, %scan3A_40, %gt3A_55 : i32
      %convert_element_type3A_57 = arith.extui %gt3A_56 : i1 to i32
      %cond3A_58 = arith.constant 0 : i32
      %cond3A_59 = arith.cmpi ne, %convert_element_type3A_57, %cond3A_58 : i32
      scf.if %cond3A_59 {
        %dma_wait3A_116 = arith.constant 0 : i32
        %dma_wait3A_117 = arith.constant 0 : i32
        %dma_wait3A_118 = tpu.memref_slice %arg12[%dma_wait3A_116, %dma_wait3A_117] : memref<10000x128xf32, #tpu.memory_space<vmem_shared>> -> memref<10000x128xf32, #tpu.memory_space<vmem_shared>>
        tpu.wait_indirect_dma semaphore(%arg14 : memref<!tpu.dma_semaphore, #tpu.memory_space<semaphore_mem>>) src(%arg11 : memref<40x128xf32, #tpu.memory_space<vmem>>) dst(%dma_wait3A_118 : memref<10000x128xf32, #tpu.memory_space<vmem_shared>>)
      } else {
      }
      %mul3A_60 = arith.constant 5 : i32
      %mul3A_61 = arith.muli %scan3A_40, %mul3A_60 : i32
      %add3A_62 = arith.constant 1 : i32
      %add3A_63 = arith.addi %mul3A_61, %add3A_62 : i32
      %mul3A_64 = arith.constant 40 : i32
      %mul3A_65 = arith.muli %add3A_63, %mul3A_64 : i32
      %add3A_66 = arith.addi %mul3A_2, %mul3A_65 : i32
      "tpu.region"() ({
        %run_scoped3A = tpu.sem_alloc : memref<!tpu.dma_semaphore, #tpu.memory_space<semaphore_mem>>
        %dma_start3A_116 = tpu.memref_slice %arg2[%add3A_66] : memref<320000xi32, #tpu.memory_space<hbm>> -> memref<40xi32, #tpu.memory_space<hbm>>
        %dma_start3A_117 = tpu.memref_slice %arg2[%add3A_66] : memref<320000xi32, #tpu.memory_space<hbm>> -> memref<40xi32, #tpu.memory_space<hbm>>
        tpu.enqueue_dma source(%dma_start3A_117 : memref<40xi32, #tpu.memory_space<hbm>>) target(%arg7 : memref<40xi32, #tpu.memory_space<vmem>>) target_semaphore(%run_scoped3A : memref<!tpu.dma_semaphore, #tpu.memory_space<semaphore_mem>>)
        %dma_wait3A_118 = tpu.memref_slice %arg2[%add3A_66] : memref<320000xi32, #tpu.memory_space<hbm>> -> memref<40xi32, #tpu.memory_space<hbm>>
        %dma_wait3A_119 = tpu.memref_slice %arg2[%add3A_66] : memref<320000xi32, #tpu.memory_space<hbm>> -> memref<40xi32, #tpu.memory_space<hbm>>
        tpu.wait_dma2 semaphore(%run_scoped3A : memref<!tpu.dma_semaphore, #tpu.memory_space<semaphore_mem>>) src(%dma_wait3A_119 : memref<40xi32, #tpu.memory_space<hbm>>) dst(%arg7 : memref<40xi32, #tpu.memory_space<vmem>>)
        tpu.yield
      }) : () -> ()
      %dma_start3A_67 = arith.constant 0 : i32
      %dma_start3A_68 = arith.constant 0 : i32
      %dma_start3A_69 = tpu.memref_slice %arg12[%dma_start3A_67, %dma_start3A_68] : memref<10000x128xf32, #tpu.memory_space<vmem_shared>> -> memref<10000x128xf32, #tpu.memory_space<vmem_shared>>
      tpu.enqueue_indirect_dma source(%arg11 : memref<40x128xf32, #tpu.memory_space<vmem>>) target(%dma_start3A_69 : memref<10000x128xf32, #tpu.memory_space<vmem_shared>>) offsets(%arg7 : memref<40xi32, #tpu.memory_space<vmem>>) semaphore(%arg14 : memref<!tpu.dma_semaphore, #tpu.memory_space<semaphore_mem>>) {add = true}
      %gt3A_70 = arith.constant 0 : i32
      %gt3A_71 = arith.cmpi sgt, %scan3A_40, %gt3A_70 : i32
      %convert_element_type3A_72 = arith.extui %gt3A_71 : i1 to i32
      %cond3A_73 = arith.constant 0 : i32
      %cond3A_74 = arith.cmpi ne, %convert_element_type3A_72, %cond3A_73 : i32
      scf.if %cond3A_74 {
        %dma_wait3A_116 = arith.constant 0 : i32
        %dma_wait3A_117 = arith.constant 0 : i32
        %dma_wait3A_118 = tpu.memref_slice %arg12[%dma_wait3A_116, %dma_wait3A_117] : memref<10000x128xf32, #tpu.memory_space<vmem_shared>> -> memref<10000x128xf32, #tpu.memory_space<vmem_shared>>
        tpu.wait_indirect_dma semaphore(%arg15 : memref<!tpu.dma_semaphore, #tpu.memory_space<semaphore_mem>>) src(%arg11 : memref<40x128xf32, #tpu.memory_space<vmem>>) dst(%dma_wait3A_118 : memref<10000x128xf32, #tpu.memory_space<vmem_shared>>)
      } else {
      }
      %mul3A_75 = arith.constant 5 : i32
      %mul3A_76 = arith.muli %scan3A_40, %mul3A_75 : i32
      %add3A_77 = arith.constant 2 : i32
      %add3A_78 = arith.addi %mul3A_76, %add3A_77 : i32
      %mul3A_79 = arith.constant 40 : i32
      %mul3A_80 = arith.muli %add3A_78, %mul3A_79 : i32
      %add3A_81 = arith.addi %mul3A_2, %mul3A_80 : i32
      "tpu.region"() ({
        %run_scoped3A = tpu.sem_alloc : memref<!tpu.dma_semaphore, #tpu.memory_space<semaphore_mem>>
        %dma_start3A_116 = tpu.memref_slice %arg2[%add3A_81] : memref<320000xi32, #tpu.memory_space<hbm>> -> memref<40xi32, #tpu.memory_space<hbm>>
        %dma_start3A_117 = tpu.memref_slice %arg2[%add3A_81] : memref<320000xi32, #tpu.memory_space<hbm>> -> memref<40xi32, #tpu.memory_space<hbm>>
        tpu.enqueue_dma source(%dma_start3A_117 : memref<40xi32, #tpu.memory_space<hbm>>) target(%arg8 : memref<40xi32, #tpu.memory_space<vmem>>) target_semaphore(%run_scoped3A : memref<!tpu.dma_semaphore, #tpu.memory_space<semaphore_mem>>)
        %dma_wait3A_118 = tpu.memref_slice %arg2[%add3A_81] : memref<320000xi32, #tpu.memory_space<hbm>> -> memref<40xi32, #tpu.memory_space<hbm>>
        %dma_wait3A_119 = tpu.memref_slice %arg2[%add3A_81] : memref<320000xi32, #tpu.memory_space<hbm>> -> memref<40xi32, #tpu.memory_space<hbm>>
        tpu.wait_dma2 semaphore(%run_scoped3A : memref<!tpu.dma_semaphore, #tpu.memory_space<semaphore_mem>>) src(%dma_wait3A_119 : memref<40xi32, #tpu.memory_space<hbm>>) dst(%arg8 : memref<40xi32, #tpu.memory_space<vmem>>)
        tpu.yield
      }) : () -> ()
      %dma_start3A_82 = arith.constant 0 : i32
      %dma_start3A_83 = arith.constant 0 : i32
      %dma_start3A_84 = tpu.memref_slice %arg12[%dma_start3A_82, %dma_start3A_83] : memref<10000x128xf32, #tpu.memory_space<vmem_shared>> -> memref<10000x128xf32, #tpu.memory_space<vmem_shared>>
      tpu.enqueue_indirect_dma source(%arg11 : memref<40x128xf32, #tpu.memory_space<vmem>>) target(%dma_start3A_84 : memref<10000x128xf32, #tpu.memory_space<vmem_shared>>) offsets(%arg8 : memref<40xi32, #tpu.memory_space<vmem>>) semaphore(%arg15 : memref<!tpu.dma_semaphore, #tpu.memory_space<semaphore_mem>>) {add = true}
      %gt3A_85 = arith.constant 0 : i32
      %gt3A_86 = arith.cmpi sgt, %scan3A_40, %gt3A_85 : i32
      %convert_element_type3A_87 = arith.extui %gt3A_86 : i1 to i32
      %cond3A_88 = arith.constant 0 : i32
      %cond3A_89 = arith.cmpi ne, %convert_element_type3A_87, %cond3A_88 : i32
      scf.if %cond3A_89 {
        %dma_wait3A_116 = arith.constant 0 : i32
        %dma_wait3A_117 = arith.constant 0 : i32
        %dma_wait3A_118 = tpu.memref_slice %arg12[%dma_wait3A_116, %dma_wait3A_117] : memref<10000x128xf32, #tpu.memory_space<vmem_shared>> -> memref<10000x128xf32, #tpu.memory_space<vmem_shared>>
        tpu.wait_indirect_dma semaphore(%arg16 : memref<!tpu.dma_semaphore, #tpu.memory_space<semaphore_mem>>) src(%arg11 : memref<40x128xf32, #tpu.memory_space<vmem>>) dst(%dma_wait3A_118 : memref<10000x128xf32, #tpu.memory_space<vmem_shared>>)
      } else {
      }
      %mul3A_90 = arith.constant 5 : i32
      %mul3A_91 = arith.muli %scan3A_40, %mul3A_90 : i32
      %add3A_92 = arith.constant 3 : i32
      %add3A_93 = arith.addi %mul3A_91, %add3A_92 : i32
      %mul3A_94 = arith.constant 40 : i32
      %mul3A_95 = arith.muli %add3A_93, %mul3A_94 : i32
      %add3A_96 = arith.addi %mul3A_2, %mul3A_95 : i32
      "tpu.region"() ({
        %run_scoped3A = tpu.sem_alloc : memref<!tpu.dma_semaphore, #tpu.memory_space<semaphore_mem>>
        %dma_start3A_116 = tpu.memref_slice %arg2[%add3A_96] : memref<320000xi32, #tpu.memory_space<hbm>> -> memref<40xi32, #tpu.memory_space<hbm>>
        %dma_start3A_117 = tpu.memref_slice %arg2[%add3A_96] : memref<320000xi32, #tpu.memory_space<hbm>> -> memref<40xi32, #tpu.memory_space<hbm>>
        tpu.enqueue_dma source(%dma_start3A_117 : memref<40xi32, #tpu.memory_space<hbm>>) target(%arg9 : memref<40xi32, #tpu.memory_space<vmem>>) target_semaphore(%run_scoped3A : memref<!tpu.dma_semaphore, #tpu.memory_space<semaphore_mem>>)
        %dma_wait3A_118 = tpu.memref_slice %arg2[%add3A_96] : memref<320000xi32, #tpu.memory_space<hbm>> -> memref<40xi32, #tpu.memory_space<hbm>>
        %dma_wait3A_119 = tpu.memref_slice %arg2[%add3A_96] : memref<320000xi32, #tpu.memory_space<hbm>> -> memref<40xi32, #tpu.memory_space<hbm>>
        tpu.wait_dma2 semaphore(%run_scoped3A : memref<!tpu.dma_semaphore, #tpu.memory_space<semaphore_mem>>) src(%dma_wait3A_119 : memref<40xi32, #tpu.memory_space<hbm>>) dst(%arg9 : memref<40xi32, #tpu.memory_space<vmem>>)
        tpu.yield
      }) : () -> ()
      %dma_start3A_97 = arith.constant 0 : i32
      %dma_start3A_98 = arith.constant 0 : i32
      %dma_start3A_99 = tpu.memref_slice %arg12[%dma_start3A_97, %dma_start3A_98] : memref<10000x128xf32, #tpu.memory_space<vmem_shared>> -> memref<10000x128xf32, #tpu.memory_space<vmem_shared>>
      tpu.enqueue_indirect_dma source(%arg11 : memref<40x128xf32, #tpu.memory_space<vmem>>) target(%dma_start3A_99 : memref<10000x128xf32, #tpu.memory_space<vmem_shared>>) offsets(%arg9 : memref<40xi32, #tpu.memory_space<vmem>>) semaphore(%arg16 : memref<!tpu.dma_semaphore, #tpu.memory_space<semaphore_mem>>) {add = true}
      %gt3A_100 = arith.constant 0 : i32
      %gt3A_101 = arith.cmpi sgt, %scan3A_40, %gt3A_100 : i32
      %convert_element_type3A_102 = arith.extui %gt3A_101 : i1 to i32
      %cond3A_103 = arith.constant 0 : i32
      %cond3A_104 = arith.cmpi ne, %convert_element_type3A_102, %cond3A_103 : i32
      scf.if %cond3A_104 {
        %dma_wait3A_116 = arith.constant 0 : i32
        %dma_wait3A_117 = arith.constant 0 : i32
        %dma_wait3A_118 = tpu.memref_slice %arg12[%dma_wait3A_116, %dma_wait3A_117] : memref<10000x128xf32, #tpu.memory_space<vmem_shared>> -> memref<10000x128xf32, #tpu.memory_space<vmem_shared>>
        tpu.wait_indirect_dma semaphore(%arg17 : memref<!tpu.dma_semaphore, #tpu.memory_space<semaphore_mem>>) src(%arg11 : memref<40x128xf32, #tpu.memory_space<vmem>>) dst(%dma_wait3A_118 : memref<10000x128xf32, #tpu.memory_space<vmem_shared>>)
      } else {
      }
      %mul3A_105 = arith.constant 5 : i32
      %mul3A_106 = arith.muli %scan3A_40, %mul3A_105 : i32
      %add3A_107 = arith.constant 4 : i32
      %add3A_108 = arith.addi %mul3A_106, %add3A_107 : i32
      %mul3A_109 = arith.constant 40 : i32
      %mul3A_110 = arith.muli %add3A_108, %mul3A_109 : i32
      %add3A_111 = arith.addi %mul3A_2, %mul3A_110 : i32
      "tpu.region"() ({
        %run_scoped3A = tpu.sem_alloc : memref<!tpu.dma_semaphore, #tpu.memory_space<semaphore_mem>>
        %dma_start3A_116 = tpu.memref_slice %arg2[%add3A_111] : memref<320000xi32, #tpu.memory_space<hbm>> -> memref<40xi32, #tpu.memory_space<hbm>>
        %dma_start3A_117 = tpu.memref_slice %arg2[%add3A_111] : memref<320000xi32, #tpu.memory_space<hbm>> -> memref<40xi32, #tpu.memory_space<hbm>>
        tpu.enqueue_dma source(%dma_start3A_117 : memref<40xi32, #tpu.memory_space<hbm>>) target(%arg10 : memref<40xi32, #tpu.memory_space<vmem>>) target_semaphore(%run_scoped3A : memref<!tpu.dma_semaphore, #tpu.memory_space<semaphore_mem>>)
        %dma_wait3A_118 = tpu.memref_slice %arg2[%add3A_111] : memref<320000xi32, #tpu.memory_space<hbm>> -> memref<40xi32, #tpu.memory_space<hbm>>
        %dma_wait3A_119 = tpu.memref_slice %arg2[%add3A_111] : memref<320000xi32, #tpu.memory_space<hbm>> -> memref<40xi32, #tpu.memory_space<hbm>>
        tpu.wait_dma2 semaphore(%run_scoped3A : memref<!tpu.dma_semaphore, #tpu.memory_space<semaphore_mem>>) src(%dma_wait3A_119 : memref<40xi32, #tpu.memory_space<hbm>>) dst(%arg10 : memref<40xi32, #tpu.memory_space<vmem>>)
        tpu.yield
      }) : () -> ()
      %dma_start3A_112 = arith.constant 0 : i32
      %dma_start3A_113 = arith.constant 0 : i32
      %dma_start3A_114 = tpu.memref_slice %arg12[%dma_start3A_112, %dma_start3A_113] : memref<10000x128xf32, #tpu.memory_space<vmem_shared>> -> memref<10000x128xf32, #tpu.memory_space<vmem_shared>>
      tpu.enqueue_indirect_dma source(%arg11 : memref<40x128xf32, #tpu.memory_space<vmem>>) target(%dma_start3A_114 : memref<10000x128xf32, #tpu.memory_space<vmem_shared>>) offsets(%arg10 : memref<40xi32, #tpu.memory_space<vmem>>) semaphore(%arg17 : memref<!tpu.dma_semaphore, #tpu.memory_space<semaphore_mem>>) {add = true}
      %scan3A_115 = arith.constant 0 : i32
      scf.yield %scan3A_115 : i32
    }
    %scan3A_14 = arith.constant 50 : i32
    %dma_wait3A = arith.constant 0 : i32
    %dma_wait3A_15 = arith.constant 0 : i32
    %dma_wait3A_16 = tpu.memref_slice %arg12[%dma_wait3A, %dma_wait3A_15] : memref<10000x128xf32, #tpu.memory_space<vmem_shared>> -> memref<10000x128xf32, #tpu.memory_space<vmem_shared>>
    tpu.wait_indirect_dma semaphore(%arg13 : memref<!tpu.dma_semaphore, #tpu.memory_space<semaphore_mem>>) src(%arg11 : memref<40x128xf32, #tpu.memory_space<vmem>>) dst(%dma_wait3A_16 : memref<10000x128xf32, #tpu.memory_space<vmem_shared>>)
    %dma_wait3A_17 = arith.constant 0 : i32
    %dma_wait3A_18 = arith.constant 0 : i32
    %dma_wait3A_19 = tpu.memref_slice %arg12[%dma_wait3A_17, %dma_wait3A_18] : memref<10000x128xf32, #tpu.memory_space<vmem_shared>> -> memref<10000x128xf32, #tpu.memory_space<vmem_shared>>
    tpu.wait_indirect_dma semaphore(%arg14 : memref<!tpu.dma_semaphore, #tpu.memory_space<semaphore_mem>>) src(%arg11 : memref<40x128xf32, #tpu.memory_space<vmem>>) dst(%dma_wait3A_19 : memref<10000x128xf32, #tpu.memory_space<vmem_shared>>)
    %dma_wait3A_20 = arith.constant 0 : i32
    %dma_wait3A_21 = arith.constant 0 : i32
    %dma_wait3A_22 = tpu.memref_slice %arg12[%dma_wait3A_20, %dma_wait3A_21] : memref<10000x128xf32, #tpu.memory_space<vmem_shared>> -> memref<10000x128xf32, #tpu.memory_space<vmem_shared>>
    tpu.wait_indirect_dma semaphore(%arg15 : memref<!tpu.dma_semaphore, #tpu.memory_space<semaphore_mem>>) src(%arg11 : memref<40x128xf32, #tpu.memory_space<vmem>>) dst(%dma_wait3A_22 : memref<10000x128xf32, #tpu.memory_space<vmem_shared>>)
    %dma_wait3A_23 = arith.constant 0 : i32
    %dma_wait3A_24 = arith.constant 0 : i32
    %dma_wait3A_25 = tpu.memref_slice %arg12[%dma_wait3A_23, %dma_wait3A_24] : memref<10000x128xf32, #tpu.memory_space<vmem_shared>> -> memref<10000x128xf32, #tpu.memory_space<vmem_shared>>
    tpu.wait_indirect_dma semaphore(%arg16 : memref<!tpu.dma_semaphore, #tpu.memory_space<semaphore_mem>>) src(%arg11 : memref<40x128xf32, #tpu.memory_space<vmem>>) dst(%dma_wait3A_25 : memref<10000x128xf32, #tpu.memory_space<vmem_shared>>)
    %dma_wait3A_26 = arith.constant 0 : i32
    %dma_wait3A_27 = arith.constant 0 : i32
    %dma_wait3A_28 = tpu.memref_slice %arg12[%dma_wait3A_26, %dma_wait3A_27] : memref<10000x128xf32, #tpu.memory_space<vmem_shared>> -> memref<10000x128xf32, #tpu.memory_space<vmem_shared>>
    tpu.wait_indirect_dma semaphore(%arg17 : memref<!tpu.dma_semaphore, #tpu.memory_space<semaphore_mem>>) src(%arg11 : memref<40x128xf32, #tpu.memory_space<vmem>>) dst(%dma_wait3A_28 : memref<10000x128xf32, #tpu.memory_space<vmem_shared>>)
    %barrier3A_29 = arith.constant 0 : index
    tpu.barrier barrier_id(%barrier3A_29)
    %lt3A_30 = arith.constant 15 : i32
    %lt3A_31 = arith.cmpi slt, %arg1, %lt3A_30 : i32
    %convert_element_type3A_32 = arith.extui %lt3A_31 : i1 to i32
    %cond3A_33 = arith.constant 0 : i32
    %cond3A_34 = arith.cmpi ne, %convert_element_type3A_32, %cond3A_33 : i32
    scf.if %cond3A_34 {
      %mul3A_40 = arith.constant 632 : i32
      %mul3A_41 = arith.muli %arg1, %mul3A_40 : i32
      %mul3A_42 = arith.constant 632 : i32
      %mul3A_43 = arith.muli %arg1, %mul3A_42 : i32
      "tpu.region"() ({
        %run_scoped3A = tpu.sem_alloc : memref<!tpu.dma_semaphore, #tpu.memory_space<semaphore_mem>>
        %dma_start3A = arith.constant 0 : i32
        %dma_start3A_44 = tpu.memref_slice %arg5[%arg0, %mul3A_43, %dma_start3A] : memref<2x10000x128xf32, #tpu.memory_space<hbm>> -> memref<1x632x128xf32, #tpu.memory_space<hbm>>
        %dma_start3A_45 = tpu.memref_squeeze %dma_start3A_44 : memref<1x632x128xf32, #tpu.memory_space<hbm>> -> memref<632x128xf32, #tpu.memory_space<hbm>>
        %dma_start3A_46 = arith.constant 0 : i32
        %dma_start3A_47 = tpu.memref_slice %arg12[%mul3A_41, %dma_start3A_46] : memref<10000x128xf32, #tpu.memory_space<vmem_shared>> -> memref<632x128xf32, #tpu.memory_space<vmem_shared>>
        tpu.enqueue_dma source(%dma_start3A_47 : memref<632x128xf32, #tpu.memory_space<vmem_shared>>) target(%dma_start3A_45 : memref<632x128xf32, #tpu.memory_space<hbm>>) target_semaphore(%run_scoped3A : memref<!tpu.dma_semaphore, #tpu.memory_space<semaphore_mem>>)
        %dma_wait3A_48 = arith.constant 0 : i32
        %dma_wait3A_49 = tpu.memref_slice %arg5[%arg0, %mul3A_43, %dma_wait3A_48] : memref<2x10000x128xf32, #tpu.memory_space<hbm>> -> memref<1x632x128xf32, #tpu.memory_space<hbm>>
        %dma_wait3A_50 = tpu.memref_squeeze %dma_wait3A_49 : memref<1x632x128xf32, #tpu.memory_space<hbm>> -> memref<632x128xf32, #tpu.memory_space<hbm>>
        %dma_wait3A_51 = arith.constant 0 : i32
        %dma_wait3A_52 = tpu.memref_slice %arg12[%mul3A_41, %dma_wait3A_51] : memref<10000x128xf32, #tpu.memory_space<vmem_shared>> -> memref<632x128xf32, #tpu.memory_space<vmem_shared>>
        tpu.wait_dma2 semaphore(%run_scoped3A : memref<!tpu.dma_semaphore, #tpu.memory_space<semaphore_mem>>) src(%dma_wait3A_52 : memref<632x128xf32, #tpu.memory_space<vmem_shared>>) dst(%dma_wait3A_50 : memref<632x128xf32, #tpu.memory_space<hbm>>)
        tpu.yield
      }) : () -> ()
    } else {
    }
    %eq3A_35 = arith.constant 15 : i32
    %eq3A_36 = arith.cmpi eq, %arg1, %eq3A_35 : i32
    %convert_element_type3A_37 = arith.extui %eq3A_36 : i1 to i32
    %cond3A_38 = arith.constant 0 : i32
    %cond3A_39 = arith.cmpi ne, %convert_element_type3A_37, %cond3A_38 : i32
    scf.if %cond3A_39 {
      %mul3A_40 = arith.constant 632 : i32
      %mul3A_41 = arith.muli %arg1, %mul3A_40 : i32
      %mul3A_42 = arith.constant 632 : i32
      %mul3A_43 = arith.muli %arg1, %mul3A_42 : i32
      "tpu.region"() ({
        %run_scoped3A = tpu.sem_alloc : memref<!tpu.dma_semaphore, #tpu.memory_space<semaphore_mem>>
        %dma_start3A = arith.constant 0 : i32
        %dma_start3A_44 = tpu.memref_slice %arg5[%arg0, %mul3A_43, %dma_start3A] : memref<2x10000x128xf32, #tpu.memory_space<hbm>> -> memref<1x520x128xf32, #tpu.memory_space<hbm>>
        %dma_start3A_45 = tpu.memref_squeeze %dma_start3A_44 : memref<1x520x128xf32, #tpu.memory_space<hbm>> -> memref<520x128xf32, #tpu.memory_space<hbm>>
        %dma_start3A_46 = arith.constant 0 : i32
        %dma_start3A_47 = tpu.memref_slice %arg12[%mul3A_41, %dma_start3A_46] : memref<10000x128xf32, #tpu.memory_space<vmem_shared>> -> memref<520x128xf32, #tpu.memory_space<vmem_shared>>
        tpu.enqueue_dma source(%dma_start3A_47 : memref<520x128xf32, #tpu.memory_space<vmem_shared>>) target(%dma_start3A_45 : memref<520x128xf32, #tpu.memory_space<hbm>>) target_semaphore(%run_scoped3A : memref<!tpu.dma_semaphore, #tpu.memory_space<semaphore_mem>>)
        %dma_wait3A_48 = arith.constant 0 : i32
        %dma_wait3A_49 = tpu.memref_slice %arg5[%arg0, %mul3A_43, %dma_wait3A_48] : memref<2x10000x128xf32, #tpu.memory_space<hbm>> -> memref<1x520x128xf32, #tpu.memory_space<hbm>>
        %dma_wait3A_50 = tpu.memref_squeeze %dma_wait3A_49 : memref<1x520x128xf32, #tpu.memory_space<hbm>> -> memref<520x128xf32, #tpu.memory_space<hbm>>
        %dma_wait3A_51 = arith.constant 0 : i32
        %dma_wait3A_52 = tpu.memref_slice %arg12[%mul3A_41, %dma_wait3A_51] : memref<10000x128xf32, #tpu.memory_space<vmem_shared>> -> memref<520x128xf32, #tpu.memory_space<vmem_shared>>
        tpu.wait_dma2 semaphore(%run_scoped3A : memref<!tpu.dma_semaphore, #tpu.memory_space<semaphore_mem>>) src(%dma_wait3A_52 : memref<520x128xf32, #tpu.memory_space<vmem_shared>>) dst(%dma_wait3A_50 : memref<520x128xf32, #tpu.memory_space<hbm>>)
        tpu.yield
      }) : () -> ()
    } else {
    }
    return
  }
}

#map = affine_map<(d0, d1) -> (0, 0)>
#map1 = affine_map<(d0, d1) -> (0)>
#map2 = affine_map<(d0, d1) -> (0, 0, 0)>
module attributes {stable_mosaic.version = 14 : i64} {
  func.func @body(%arg0: i32, %arg1: i32, %arg2: memref<10000x128xf32, #tpu.memory_space<hbm>>, %arg3: memref<320000xi32, #tpu.memory_space<hbm>>, %arg4: memref<320000xi32, #tpu.memory_space<hbm>>, %arg5: memref<10000x128xf32, #tpu.memory_space<hbm>>, %arg6: memref<2x10000x128xf32, #tpu.memory_space<hbm>>, %arg7: memref<40xi32, #tpu.memory_space<vmem>>, %arg8: memref<40xi32, #tpu.memory_space<vmem>>, %arg9: memref<40xi32, #tpu.memory_space<vmem>>, %arg10: memref<40xi32, #tpu.memory_space<vmem>>, %arg11: memref<40xi32, #tpu.memory_space<vmem>>, %arg12: memref<40xi32, #tpu.memory_space<vmem>>, %arg13: memref<40xi32, #tpu.memory_space<vmem>>, %arg14: memref<40xi32, #tpu.memory_space<vmem>>, %arg15: memref<40xi32, #tpu.memory_space<vmem>>, %arg16: memref<40xi32, #tpu.memory_space<vmem>>, %arg17: memref<40x128xf32, #tpu.memory_space<vmem>>, %arg18: memref<40x128xf32, #tpu.memory_space<vmem>>, %arg19: memref<40x128xf32, #tpu.memory_space<vmem>>, %arg20: memref<40x128xf32, #tpu.memory_space<vmem>>, %arg21: memref<40x128xf32, #tpu.memory_space<vmem>>, %arg22: memref<10000x128xf32, #tpu.memory_space<vmem_shared>>, %arg23: memref<!tpu.dma_semaphore, #tpu.memory_space<semaphore_mem>>, %arg24: memref<!tpu.dma_semaphore, #tpu.memory_space<semaphore_mem>>, %arg25: memref<!tpu.dma_semaphore, #tpu.memory_space<semaphore_mem>>, %arg26: memref<!tpu.dma_semaphore, #tpu.memory_space<semaphore_mem>>, %arg27: memref<!tpu.dma_semaphore, #tpu.memory_space<semaphore_mem>>, %arg28: memref<!tpu.dma_semaphore, #tpu.memory_space<semaphore_mem>>, %arg29: memref<!tpu.dma_semaphore, #tpu.memory_space<semaphore_mem>>, %arg30: memref<!tpu.dma_semaphore, #tpu.memory_space<semaphore_mem>>, %arg31: memref<!tpu.dma_semaphore, #tpu.memory_space<semaphore_mem>>, %arg32: memref<!tpu.dma_semaphore, #tpu.memory_space<semaphore_mem>>) attributes {dimension_semantics = [#tpu.dimension_semantics<core_parallel>, #tpu.dimension_semantics<subcore_parallel>], iteration_bounds = array<i64: 2, 16>, scalar_prefetch = 0 : i64, scratch_operands = 26 : i64, tpu.core_type = #tpu.core_type<sc_vector_subcore>, window_params = [{transform_indices = #map}, {transform_indices = #map1}, {transform_indices = #map1}, {transform_indices = #map}, {transform_indices = #map2}]} {
    %mul3A = arith.constant 2 : i32
    %mul3A_0 = arith.muli %arg1, %mul3A : i32
    %add3A = arith.addi %mul3A_0, %arg0 : i32
    %mul3A_1 = arith.constant 10000 : i32
    %mul3A_2 = arith.muli %add3A, %mul3A_1 : i32
    %lt3A = arith.constant 15 : i32
    %lt3A_3 = arith.cmpi slt, %arg1, %lt3A : i32
    %convert_element_type3A = arith.extui %lt3A_3 : i1 to i32
    %cond3A = arith.constant 0 : i32
    %cond3A_4 = arith.cmpi ne, %convert_element_type3A, %cond3A : i32
    scf.if %cond3A_4 {
      %mul3A_40 = arith.constant 632 : i32
      %mul3A_41 = arith.muli %arg1, %mul3A_40 : i32
      %mul3A_42 = arith.constant 632 : i32
      %mul3A_43 = arith.muli %arg1, %mul3A_42 : i32
      "tpu.region"() ({
        %run_scoped3A = tpu.sem_alloc : memref<!tpu.dma_semaphore, #tpu.memory_space<semaphore_mem>>
        %dma_start3A = arith.constant 0 : i32
        %dma_start3A_44 = tpu.memref_slice %arg22[%mul3A_43, %dma_start3A] : memref<10000x128xf32, #tpu.memory_space<vmem_shared>> -> memref<632x128xf32, #tpu.memory_space<vmem_shared>>
        %dma_start3A_45 = arith.constant 0 : i32
        %dma_start3A_46 = tpu.memref_slice %arg5[%mul3A_41, %dma_start3A_45] : memref<10000x128xf32, #tpu.memory_space<hbm>> -> memref<632x128xf32, #tpu.memory_space<hbm>>
        tpu.enqueue_dma source(%dma_start3A_46 : memref<632x128xf32, #tpu.memory_space<hbm>>) target(%dma_start3A_44 : memref<632x128xf32, #tpu.memory_space<vmem_shared>>) target_semaphore(%run_scoped3A : memref<!tpu.dma_semaphore, #tpu.memory_space<semaphore_mem>>)
        %dma_wait3A_47 = arith.constant 0 : i32
        %dma_wait3A_48 = tpu.memref_slice %arg22[%mul3A_43, %dma_wait3A_47] : memref<10000x128xf32, #tpu.memory_space<vmem_shared>> -> memref<632x128xf32, #tpu.memory_space<vmem_shared>>
        %dma_wait3A_49 = arith.constant 0 : i32
        %dma_wait3A_50 = tpu.memref_slice %arg5[%mul3A_41, %dma_wait3A_49] : memref<10000x128xf32, #tpu.memory_space<hbm>> -> memref<632x128xf32, #tpu.memory_space<hbm>>
        tpu.wait_dma2 semaphore(%run_scoped3A : memref<!tpu.dma_semaphore, #tpu.memory_space<semaphore_mem>>) src(%dma_wait3A_50 : memref<632x128xf32, #tpu.memory_space<hbm>>) dst(%dma_wait3A_48 : memref<632x128xf32, #tpu.memory_space<vmem_shared>>)
        tpu.yield
      }) : () -> ()
    } else {
    }
    %eq3A = arith.constant 15 : i32
    %eq3A_5 = arith.cmpi eq, %arg1, %eq3A : i32
    %convert_element_type3A_6 = arith.extui %eq3A_5 : i1 to i32
    %cond3A_7 = arith.constant 0 : i32
    %cond3A_8 = arith.cmpi ne, %convert_element_type3A_6, %cond3A_7 : i32
    scf.if %cond3A_8 {
      %mul3A_40 = arith.constant 632 : i32
      %mul3A_41 = arith.muli %arg1, %mul3A_40 : i32
      %mul3A_42 = arith.constant 632 : i32
      %mul3A_43 = arith.muli %arg1, %mul3A_42 : i32
      "tpu.region"() ({
        %run_scoped3A = tpu.sem_alloc : memref<!tpu.dma_semaphore, #tpu.memory_space<semaphore_mem>>
        %dma_start3A = arith.constant 0 : i32
        %dma_start3A_44 = tpu.memref_slice %arg22[%mul3A_43, %dma_start3A] : memref<10000x128xf32, #tpu.memory_space<vmem_shared>> -> memref<520x128xf32, #tpu.memory_space<vmem_shared>>
        %dma_start3A_45 = arith.constant 0 : i32
        %dma_start3A_46 = tpu.memref_slice %arg5[%mul3A_41, %dma_start3A_45] : memref<10000x128xf32, #tpu.memory_space<hbm>> -> memref<520x128xf32, #tpu.memory_space<hbm>>
        tpu.enqueue_dma source(%dma_start3A_46 : memref<520x128xf32, #tpu.memory_space<hbm>>) target(%dma_start3A_44 : memref<520x128xf32, #tpu.memory_space<vmem_shared>>) target_semaphore(%run_scoped3A : memref<!tpu.dma_semaphore, #tpu.memory_space<semaphore_mem>>)
        %dma_wait3A_47 = arith.constant 0 : i32
        %dma_wait3A_48 = tpu.memref_slice %arg22[%mul3A_43, %dma_wait3A_47] : memref<10000x128xf32, #tpu.memory_space<vmem_shared>> -> memref<520x128xf32, #tpu.memory_space<vmem_shared>>
        %dma_wait3A_49 = arith.constant 0 : i32
        %dma_wait3A_50 = tpu.memref_slice %arg5[%mul3A_41, %dma_wait3A_49] : memref<10000x128xf32, #tpu.memory_space<hbm>> -> memref<520x128xf32, #tpu.memory_space<hbm>>
        tpu.wait_dma2 semaphore(%run_scoped3A : memref<!tpu.dma_semaphore, #tpu.memory_space<semaphore_mem>>) src(%dma_wait3A_50 : memref<520x128xf32, #tpu.memory_space<hbm>>) dst(%dma_wait3A_48 : memref<520x128xf32, #tpu.memory_space<vmem_shared>>)
        tpu.yield
      }) : () -> ()
    } else {
    }
    %barrier3A = arith.constant 0 : index
    tpu.barrier barrier_id(%barrier3A)
    %scan3A = arith.constant 0 : i32
    %scan3A_9 = arith.constant 0 : i32
    %scan3A_10 = arith.constant 50 : i32
    %scan3A_11 = arith.addi %scan3A_9, %scan3A_10 : i32
    %scan3A_12 = arith.constant 1 : i32
    %scan3A_13 = scf.for %scan3A_40 = %scan3A_9 to %scan3A_11 step %scan3A_12 iter_args(%scan3A_41 = %scan3A) -> (i32)  : i32 {
      %gt3A = arith.constant 0 : i32
      %gt3A_42 = arith.cmpi sgt, %scan3A_40, %gt3A : i32
      %convert_element_type3A_43 = arith.extui %gt3A_42 : i1 to i32
      %cond3A_44 = arith.constant 0 : i32
      %cond3A_45 = arith.cmpi ne, %convert_element_type3A_43, %cond3A_44 : i32
      scf.if %cond3A_45 {
        %dma_wait3A_146 = arith.constant 0 : i32
        %dma_wait3A_147 = arith.constant 0 : i32
        %dma_wait3A_148 = tpu.memref_slice %arg22[%dma_wait3A_146, %dma_wait3A_147] : memref<10000x128xf32, #tpu.memory_space<vmem_shared>> -> memref<10000x128xf32, #tpu.memory_space<vmem_shared>>
        tpu.wait_indirect_dma semaphore(%arg28 : memref<!tpu.dma_semaphore, #tpu.memory_space<semaphore_mem>>) src(%arg17 : memref<40x128xf32, #tpu.memory_space<vmem>>) dst(%dma_wait3A_148 : memref<10000x128xf32, #tpu.memory_space<vmem_shared>>)
      } else {
      }
      %mul3A_46 = arith.constant 5 : i32
      %mul3A_47 = arith.muli %scan3A_40, %mul3A_46 : i32
      %add3A_48 = arith.constant 0 : i32
      %add3A_49 = arith.addi %mul3A_47, %add3A_48 : i32
      %mul3A_50 = arith.constant 40 : i32
      %mul3A_51 = arith.muli %add3A_49, %mul3A_50 : i32
      %add3A_52 = arith.addi %mul3A_2, %mul3A_51 : i32
      "tpu.region"() ({
        %run_scoped3A = tpu.sem_alloc : memref<!tpu.dma_semaphore, #tpu.memory_space<semaphore_mem>>
        %dma_start3A_146 = tpu.memref_slice %arg3[%add3A_52] : memref<320000xi32, #tpu.memory_space<hbm>> -> memref<40xi32, #tpu.memory_space<hbm>>
        %dma_start3A_147 = tpu.memref_slice %arg3[%add3A_52] : memref<320000xi32, #tpu.memory_space<hbm>> -> memref<40xi32, #tpu.memory_space<hbm>>
        tpu.enqueue_dma source(%dma_start3A_147 : memref<40xi32, #tpu.memory_space<hbm>>) target(%arg7 : memref<40xi32, #tpu.memory_space<vmem>>) target_semaphore(%run_scoped3A : memref<!tpu.dma_semaphore, #tpu.memory_space<semaphore_mem>>)
        %dma_wait3A_148 = tpu.memref_slice %arg3[%add3A_52] : memref<320000xi32, #tpu.memory_space<hbm>> -> memref<40xi32, #tpu.memory_space<hbm>>
        %dma_wait3A_149 = tpu.memref_slice %arg3[%add3A_52] : memref<320000xi32, #tpu.memory_space<hbm>> -> memref<40xi32, #tpu.memory_space<hbm>>
        tpu.wait_dma2 semaphore(%run_scoped3A : memref<!tpu.dma_semaphore, #tpu.memory_space<semaphore_mem>>) src(%dma_wait3A_149 : memref<40xi32, #tpu.memory_space<hbm>>) dst(%arg7 : memref<40xi32, #tpu.memory_space<vmem>>)
        tpu.yield
      }) : () -> ()
      "tpu.region"() ({
        %run_scoped3A = tpu.sem_alloc : memref<!tpu.dma_semaphore, #tpu.memory_space<semaphore_mem>>
        %dma_start3A_146 = tpu.memref_slice %arg4[%add3A_52] : memref<320000xi32, #tpu.memory_space<hbm>> -> memref<40xi32, #tpu.memory_space<hbm>>
        %dma_start3A_147 = tpu.memref_slice %arg4[%add3A_52] : memref<320000xi32, #tpu.memory_space<hbm>> -> memref<40xi32, #tpu.memory_space<hbm>>
        tpu.enqueue_dma source(%dma_start3A_147 : memref<40xi32, #tpu.memory_space<hbm>>) target(%arg12 : memref<40xi32, #tpu.memory_space<vmem>>) target_semaphore(%run_scoped3A : memref<!tpu.dma_semaphore, #tpu.memory_space<semaphore_mem>>)
        %dma_wait3A_148 = tpu.memref_slice %arg4[%add3A_52] : memref<320000xi32, #tpu.memory_space<hbm>> -> memref<40xi32, #tpu.memory_space<hbm>>
        %dma_wait3A_149 = tpu.memref_slice %arg4[%add3A_52] : memref<320000xi32, #tpu.memory_space<hbm>> -> memref<40xi32, #tpu.memory_space<hbm>>
        tpu.wait_dma2 semaphore(%run_scoped3A : memref<!tpu.dma_semaphore, #tpu.memory_space<semaphore_mem>>) src(%dma_wait3A_149 : memref<40xi32, #tpu.memory_space<hbm>>) dst(%arg12 : memref<40xi32, #tpu.memory_space<vmem>>)
        tpu.yield
      }) : () -> ()
      %dma_start3A = arith.constant 0 : i32
      %dma_start3A_53 = arith.constant 0 : i32
      %dma_start3A_54 = tpu.memref_slice %arg2[%dma_start3A, %dma_start3A_53] : memref<10000x128xf32, #tpu.memory_space<hbm>> -> memref<10000x128xf32, #tpu.memory_space<hbm>>
      tpu.enqueue_indirect_dma source(%dma_start3A_54 : memref<10000x128xf32, #tpu.memory_space<hbm>>) target(%arg17 : memref<40x128xf32, #tpu.memory_space<vmem>>) offsets(%arg7 : memref<40xi32, #tpu.memory_space<vmem>>) semaphore(%arg23 : memref<!tpu.dma_semaphore, #tpu.memory_space<semaphore_mem>>)
      %gt3A_55 = arith.constant 0 : i32
      %gt3A_56 = arith.cmpi sgt, %scan3A_40, %gt3A_55 : i32
      %convert_element_type3A_57 = arith.extui %gt3A_56 : i1 to i32
      %cond3A_58 = arith.constant 0 : i32
      %cond3A_59 = arith.cmpi ne, %convert_element_type3A_57, %cond3A_58 : i32
      scf.if %cond3A_59 {
        %dma_wait3A_146 = arith.constant 0 : i32
        %dma_wait3A_147 = arith.constant 0 : i32
        %dma_wait3A_148 = tpu.memref_slice %arg22[%dma_wait3A_146, %dma_wait3A_147] : memref<10000x128xf32, #tpu.memory_space<vmem_shared>> -> memref<10000x128xf32, #tpu.memory_space<vmem_shared>>
        tpu.wait_indirect_dma semaphore(%arg29 : memref<!tpu.dma_semaphore, #tpu.memory_space<semaphore_mem>>) src(%arg18 : memref<40x128xf32, #tpu.memory_space<vmem>>) dst(%dma_wait3A_148 : memref<10000x128xf32, #tpu.memory_space<vmem_shared>>)
      } else {
      }
      %mul3A_60 = arith.constant 5 : i32
      %mul3A_61 = arith.muli %scan3A_40, %mul3A_60 : i32
      %add3A_62 = arith.constant 1 : i32
      %add3A_63 = arith.addi %mul3A_61, %add3A_62 : i32
      %mul3A_64 = arith.constant 40 : i32
      %mul3A_65 = arith.muli %add3A_63, %mul3A_64 : i32
      %add3A_66 = arith.addi %mul3A_2, %mul3A_65 : i32
      "tpu.region"() ({
        %run_scoped3A = tpu.sem_alloc : memref<!tpu.dma_semaphore, #tpu.memory_space<semaphore_mem>>
        %dma_start3A_146 = tpu.memref_slice %arg3[%add3A_66] : memref<320000xi32, #tpu.memory_space<hbm>> -> memref<40xi32, #tpu.memory_space<hbm>>
        %dma_start3A_147 = tpu.memref_slice %arg3[%add3A_66] : memref<320000xi32, #tpu.memory_space<hbm>> -> memref<40xi32, #tpu.memory_space<hbm>>
        tpu.enqueue_dma source(%dma_start3A_147 : memref<40xi32, #tpu.memory_space<hbm>>) target(%arg8 : memref<40xi32, #tpu.memory_space<vmem>>) target_semaphore(%run_scoped3A : memref<!tpu.dma_semaphore, #tpu.memory_space<semaphore_mem>>)
        %dma_wait3A_148 = tpu.memref_slice %arg3[%add3A_66] : memref<320000xi32, #tpu.memory_space<hbm>> -> memref<40xi32, #tpu.memory_space<hbm>>
        %dma_wait3A_149 = tpu.memref_slice %arg3[%add3A_66] : memref<320000xi32, #tpu.memory_space<hbm>> -> memref<40xi32, #tpu.memory_space<hbm>>
        tpu.wait_dma2 semaphore(%run_scoped3A : memref<!tpu.dma_semaphore, #tpu.memory_space<semaphore_mem>>) src(%dma_wait3A_149 : memref<40xi32, #tpu.memory_space<hbm>>) dst(%arg8 : memref<40xi32, #tpu.memory_space<vmem>>)
        tpu.yield
      }) : () -> ()
      "tpu.region"() ({
        %run_scoped3A = tpu.sem_alloc : memref<!tpu.dma_semaphore, #tpu.memory_space<semaphore_mem>>
        %dma_start3A_146 = tpu.memref_slice %arg4[%add3A_66] : memref<320000xi32, #tpu.memory_space<hbm>> -> memref<40xi32, #tpu.memory_space<hbm>>
        %dma_start3A_147 = tpu.memref_slice %arg4[%add3A_66] : memref<320000xi32, #tpu.memory_space<hbm>> -> memref<40xi32, #tpu.memory_space<hbm>>
        tpu.enqueue_dma source(%dma_start3A_147 : memref<40xi32, #tpu.memory_space<hbm>>) target(%arg13 : memref<40xi32, #tpu.memory_space<vmem>>) target_semaphore(%run_scoped3A : memref<!tpu.dma_semaphore, #tpu.memory_space<semaphore_mem>>)
        %dma_wait3A_148 = tpu.memref_slice %arg4[%add3A_66] : memref<320000xi32, #tpu.memory_space<hbm>> -> memref<40xi32, #tpu.memory_space<hbm>>
        %dma_wait3A_149 = tpu.memref_slice %arg4[%add3A_66] : memref<320000xi32, #tpu.memory_space<hbm>> -> memref<40xi32, #tpu.memory_space<hbm>>
        tpu.wait_dma2 semaphore(%run_scoped3A : memref<!tpu.dma_semaphore, #tpu.memory_space<semaphore_mem>>) src(%dma_wait3A_149 : memref<40xi32, #tpu.memory_space<hbm>>) dst(%arg13 : memref<40xi32, #tpu.memory_space<vmem>>)
        tpu.yield
      }) : () -> ()
      %dma_start3A_67 = arith.constant 0 : i32
      %dma_start3A_68 = arith.constant 0 : i32
      %dma_start3A_69 = tpu.memref_slice %arg2[%dma_start3A_67, %dma_start3A_68] : memref<10000x128xf32, #tpu.memory_space<hbm>> -> memref<10000x128xf32, #tpu.memory_space<hbm>>
      tpu.enqueue_indirect_dma source(%dma_start3A_69 : memref<10000x128xf32, #tpu.memory_space<hbm>>) target(%arg18 : memref<40x128xf32, #tpu.memory_space<vmem>>) offsets(%arg8 : memref<40xi32, #tpu.memory_space<vmem>>) semaphore(%arg24 : memref<!tpu.dma_semaphore, #tpu.memory_space<semaphore_mem>>)
      %gt3A_70 = arith.constant 0 : i32
      %gt3A_71 = arith.cmpi sgt, %scan3A_40, %gt3A_70 : i32
      %convert_element_type3A_72 = arith.extui %gt3A_71 : i1 to i32
      %cond3A_73 = arith.constant 0 : i32
      %cond3A_74 = arith.cmpi ne, %convert_element_type3A_72, %cond3A_73 : i32
      scf.if %cond3A_74 {
        %dma_wait3A_146 = arith.constant 0 : i32
        %dma_wait3A_147 = arith.constant 0 : i32
        %dma_wait3A_148 = tpu.memref_slice %arg22[%dma_wait3A_146, %dma_wait3A_147] : memref<10000x128xf32, #tpu.memory_space<vmem_shared>> -> memref<10000x128xf32, #tpu.memory_space<vmem_shared>>
        tpu.wait_indirect_dma semaphore(%arg30 : memref<!tpu.dma_semaphore, #tpu.memory_space<semaphore_mem>>) src(%arg19 : memref<40x128xf32, #tpu.memory_space<vmem>>) dst(%dma_wait3A_148 : memref<10000x128xf32, #tpu.memory_space<vmem_shared>>)
      } else {
      }
      %mul3A_75 = arith.constant 5 : i32
      %mul3A_76 = arith.muli %scan3A_40, %mul3A_75 : i32
      %add3A_77 = arith.constant 2 : i32
      %add3A_78 = arith.addi %mul3A_76, %add3A_77 : i32
      %mul3A_79 = arith.constant 40 : i32
      %mul3A_80 = arith.muli %add3A_78, %mul3A_79 : i32
      %add3A_81 = arith.addi %mul3A_2, %mul3A_80 : i32
      "tpu.region"() ({
        %run_scoped3A = tpu.sem_alloc : memref<!tpu.dma_semaphore, #tpu.memory_space<semaphore_mem>>
        %dma_start3A_146 = tpu.memref_slice %arg3[%add3A_81] : memref<320000xi32, #tpu.memory_space<hbm>> -> memref<40xi32, #tpu.memory_space<hbm>>
        %dma_start3A_147 = tpu.memref_slice %arg3[%add3A_81] : memref<320000xi32, #tpu.memory_space<hbm>> -> memref<40xi32, #tpu.memory_space<hbm>>
        tpu.enqueue_dma source(%dma_start3A_147 : memref<40xi32, #tpu.memory_space<hbm>>) target(%arg9 : memref<40xi32, #tpu.memory_space<vmem>>) target_semaphore(%run_scoped3A : memref<!tpu.dma_semaphore, #tpu.memory_space<semaphore_mem>>)
        %dma_wait3A_148 = tpu.memref_slice %arg3[%add3A_81] : memref<320000xi32, #tpu.memory_space<hbm>> -> memref<40xi32, #tpu.memory_space<hbm>>
        %dma_wait3A_149 = tpu.memref_slice %arg3[%add3A_81] : memref<320000xi32, #tpu.memory_space<hbm>> -> memref<40xi32, #tpu.memory_space<hbm>>
        tpu.wait_dma2 semaphore(%run_scoped3A : memref<!tpu.dma_semaphore, #tpu.memory_space<semaphore_mem>>) src(%dma_wait3A_149 : memref<40xi32, #tpu.memory_space<hbm>>) dst(%arg9 : memref<40xi32, #tpu.memory_space<vmem>>)
        tpu.yield
      }) : () -> ()
      "tpu.region"() ({
        %run_scoped3A = tpu.sem_alloc : memref<!tpu.dma_semaphore, #tpu.memory_space<semaphore_mem>>
        %dma_start3A_146 = tpu.memref_slice %arg4[%add3A_81] : memref<320000xi32, #tpu.memory_space<hbm>> -> memref<40xi32, #tpu.memory_space<hbm>>
        %dma_start3A_147 = tpu.memref_slice %arg4[%add3A_81] : memref<320000xi32, #tpu.memory_space<hbm>> -> memref<40xi32, #tpu.memory_space<hbm>>
        tpu.enqueue_dma source(%dma_start3A_147 : memref<40xi32, #tpu.memory_space<hbm>>) target(%arg14 : memref<40xi32, #tpu.memory_space<vmem>>) target_semaphore(%run_scoped3A : memref<!tpu.dma_semaphore, #tpu.memory_space<semaphore_mem>>)
        %dma_wait3A_148 = tpu.memref_slice %arg4[%add3A_81] : memref<320000xi32, #tpu.memory_space<hbm>> -> memref<40xi32, #tpu.memory_space<hbm>>
        %dma_wait3A_149 = tpu.memref_slice %arg4[%add3A_81] : memref<320000xi32, #tpu.memory_space<hbm>> -> memref<40xi32, #tpu.memory_space<hbm>>
        tpu.wait_dma2 semaphore(%run_scoped3A : memref<!tpu.dma_semaphore, #tpu.memory_space<semaphore_mem>>) src(%dma_wait3A_149 : memref<40xi32, #tpu.memory_space<hbm>>) dst(%arg14 : memref<40xi32, #tpu.memory_space<vmem>>)
        tpu.yield
      }) : () -> ()
      %dma_start3A_82 = arith.constant 0 : i32
      %dma_start3A_83 = arith.constant 0 : i32
      %dma_start3A_84 = tpu.memref_slice %arg2[%dma_start3A_82, %dma_start3A_83] : memref<10000x128xf32, #tpu.memory_space<hbm>> -> memref<10000x128xf32, #tpu.memory_space<hbm>>
      tpu.enqueue_indirect_dma source(%dma_start3A_84 : memref<10000x128xf32, #tpu.memory_space<hbm>>) target(%arg19 : memref<40x128xf32, #tpu.memory_space<vmem>>) offsets(%arg9 : memref<40xi32, #tpu.memory_space<vmem>>) semaphore(%arg25 : memref<!tpu.dma_semaphore, #tpu.memory_space<semaphore_mem>>)
      %gt3A_85 = arith.constant 0 : i32
      %gt3A_86 = arith.cmpi sgt, %scan3A_40, %gt3A_85 : i32
      %convert_element_type3A_87 = arith.extui %gt3A_86 : i1 to i32
      %cond3A_88 = arith.constant 0 : i32
      %cond3A_89 = arith.cmpi ne, %convert_element_type3A_87, %cond3A_88 : i32
      scf.if %cond3A_89 {
        %dma_wait3A_146 = arith.constant 0 : i32
        %dma_wait3A_147 = arith.constant 0 : i32
        %dma_wait3A_148 = tpu.memref_slice %arg22[%dma_wait3A_146, %dma_wait3A_147] : memref<10000x128xf32, #tpu.memory_space<vmem_shared>> -> memref<10000x128xf32, #tpu.memory_space<vmem_shared>>
        tpu.wait_indirect_dma semaphore(%arg31 : memref<!tpu.dma_semaphore, #tpu.memory_space<semaphore_mem>>) src(%arg20 : memref<40x128xf32, #tpu.memory_space<vmem>>) dst(%dma_wait3A_148 : memref<10000x128xf32, #tpu.memory_space<vmem_shared>>)
      } else {
      }
      %mul3A_90 = arith.constant 5 : i32
      %mul3A_91 = arith.muli %scan3A_40, %mul3A_90 : i32
      %add3A_92 = arith.constant 3 : i32
      %add3A_93 = arith.addi %mul3A_91, %add3A_92 : i32
      %mul3A_94 = arith.constant 40 : i32
      %mul3A_95 = arith.muli %add3A_93, %mul3A_94 : i32
      %add3A_96 = arith.addi %mul3A_2, %mul3A_95 : i32
      "tpu.region"() ({
        %run_scoped3A = tpu.sem_alloc : memref<!tpu.dma_semaphore, #tpu.memory_space<semaphore_mem>>
        %dma_start3A_146 = tpu.memref_slice %arg3[%add3A_96] : memref<320000xi32, #tpu.memory_space<hbm>> -> memref<40xi32, #tpu.memory_space<hbm>>
        %dma_start3A_147 = tpu.memref_slice %arg3[%add3A_96] : memref<320000xi32, #tpu.memory_space<hbm>> -> memref<40xi32, #tpu.memory_space<hbm>>
        tpu.enqueue_dma source(%dma_start3A_147 : memref<40xi32, #tpu.memory_space<hbm>>) target(%arg10 : memref<40xi32, #tpu.memory_space<vmem>>) target_semaphore(%run_scoped3A : memref<!tpu.dma_semaphore, #tpu.memory_space<semaphore_mem>>)
        %dma_wait3A_148 = tpu.memref_slice %arg3[%add3A_96] : memref<320000xi32, #tpu.memory_space<hbm>> -> memref<40xi32, #tpu.memory_space<hbm>>
        %dma_wait3A_149 = tpu.memref_slice %arg3[%add3A_96] : memref<320000xi32, #tpu.memory_space<hbm>> -> memref<40xi32, #tpu.memory_space<hbm>>
        tpu.wait_dma2 semaphore(%run_scoped3A : memref<!tpu.dma_semaphore, #tpu.memory_space<semaphore_mem>>) src(%dma_wait3A_149 : memref<40xi32, #tpu.memory_space<hbm>>) dst(%arg10 : memref<40xi32, #tpu.memory_space<vmem>>)
        tpu.yield
      }) : () -> ()
      "tpu.region"() ({
        %run_scoped3A = tpu.sem_alloc : memref<!tpu.dma_semaphore, #tpu.memory_space<semaphore_mem>>
        %dma_start3A_146 = tpu.memref_slice %arg4[%add3A_96] : memref<320000xi32, #tpu.memory_space<hbm>> -> memref<40xi32, #tpu.memory_space<hbm>>
        %dma_start3A_147 = tpu.memref_slice %arg4[%add3A_96] : memref<320000xi32, #tpu.memory_space<hbm>> -> memref<40xi32, #tpu.memory_space<hbm>>
        tpu.enqueue_dma source(%dma_start3A_147 : memref<40xi32, #tpu.memory_space<hbm>>) target(%arg15 : memref<40xi32, #tpu.memory_space<vmem>>) target_semaphore(%run_scoped3A : memref<!tpu.dma_semaphore, #tpu.memory_space<semaphore_mem>>)
        %dma_wait3A_148 = tpu.memref_slice %arg4[%add3A_96] : memref<320000xi32, #tpu.memory_space<hbm>> -> memref<40xi32, #tpu.memory_space<hbm>>
        %dma_wait3A_149 = tpu.memref_slice %arg4[%add3A_96] : memref<320000xi32, #tpu.memory_space<hbm>> -> memref<40xi32, #tpu.memory_space<hbm>>
        tpu.wait_dma2 semaphore(%run_scoped3A : memref<!tpu.dma_semaphore, #tpu.memory_space<semaphore_mem>>) src(%dma_wait3A_149 : memref<40xi32, #tpu.memory_space<hbm>>) dst(%arg15 : memref<40xi32, #tpu.memory_space<vmem>>)
        tpu.yield
      }) : () -> ()
      %dma_start3A_97 = arith.constant 0 : i32
      %dma_start3A_98 = arith.constant 0 : i32
      %dma_start3A_99 = tpu.memref_slice %arg2[%dma_start3A_97, %dma_start3A_98] : memref<10000x128xf32, #tpu.memory_space<hbm>> -> memref<10000x128xf32, #tpu.memory_space<hbm>>
      tpu.enqueue_indirect_dma source(%dma_start3A_99 : memref<10000x128xf32, #tpu.memory_space<hbm>>) target(%arg20 : memref<40x128xf32, #tpu.memory_space<vmem>>) offsets(%arg10 : memref<40xi32, #tpu.memory_space<vmem>>) semaphore(%arg26 : memref<!tpu.dma_semaphore, #tpu.memory_space<semaphore_mem>>)
      %gt3A_100 = arith.constant 0 : i32
      %gt3A_101 = arith.cmpi sgt, %scan3A_40, %gt3A_100 : i32
      %convert_element_type3A_102 = arith.extui %gt3A_101 : i1 to i32
      %cond3A_103 = arith.constant 0 : i32
      %cond3A_104 = arith.cmpi ne, %convert_element_type3A_102, %cond3A_103 : i32
      scf.if %cond3A_104 {
        %dma_wait3A_146 = arith.constant 0 : i32
        %dma_wait3A_147 = arith.constant 0 : i32
        %dma_wait3A_148 = tpu.memref_slice %arg22[%dma_wait3A_146, %dma_wait3A_147] : memref<10000x128xf32, #tpu.memory_space<vmem_shared>> -> memref<10000x128xf32, #tpu.memory_space<vmem_shared>>
        tpu.wait_indirect_dma semaphore(%arg32 : memref<!tpu.dma_semaphore, #tpu.memory_space<semaphore_mem>>) src(%arg21 : memref<40x128xf32, #tpu.memory_space<vmem>>) dst(%dma_wait3A_148 : memref<10000x128xf32, #tpu.memory_space<vmem_shared>>)
      } else {
      }
      %mul3A_105 = arith.constant 5 : i32
      %mul3A_106 = arith.muli %scan3A_40, %mul3A_105 : i32
      %add3A_107 = arith.constant 4 : i32
      %add3A_108 = arith.addi %mul3A_106, %add3A_107 : i32
      %mul3A_109 = arith.constant 40 : i32
      %mul3A_110 = arith.muli %add3A_108, %mul3A_109 : i32
      %add3A_111 = arith.addi %mul3A_2, %mul3A_110 : i32
      "tpu.region"() ({
        %run_scoped3A = tpu.sem_alloc : memref<!tpu.dma_semaphore, #tpu.memory_space<semaphore_mem>>
        %dma_start3A_146 = tpu.memref_slice %arg3[%add3A_111] : memref<320000xi32, #tpu.memory_space<hbm>> -> memref<40xi32, #tpu.memory_space<hbm>>
        %dma_start3A_147 = tpu.memref_slice %arg3[%add3A_111] : memref<320000xi32, #tpu.memory_space<hbm>> -> memref<40xi32, #tpu.memory_space<hbm>>
        tpu.enqueue_dma source(%dma_start3A_147 : memref<40xi32, #tpu.memory_space<hbm>>) target(%arg11 : memref<40xi32, #tpu.memory_space<vmem>>) target_semaphore(%run_scoped3A : memref<!tpu.dma_semaphore, #tpu.memory_space<semaphore_mem>>)
        %dma_wait3A_148 = tpu.memref_slice %arg3[%add3A_111] : memref<320000xi32, #tpu.memory_space<hbm>> -> memref<40xi32, #tpu.memory_space<hbm>>
        %dma_wait3A_149 = tpu.memref_slice %arg3[%add3A_111] : memref<320000xi32, #tpu.memory_space<hbm>> -> memref<40xi32, #tpu.memory_space<hbm>>
        tpu.wait_dma2 semaphore(%run_scoped3A : memref<!tpu.dma_semaphore, #tpu.memory_space<semaphore_mem>>) src(%dma_wait3A_149 : memref<40xi32, #tpu.memory_space<hbm>>) dst(%arg11 : memref<40xi32, #tpu.memory_space<vmem>>)
        tpu.yield
      }) : () -> ()
      "tpu.region"() ({
        %run_scoped3A = tpu.sem_alloc : memref<!tpu.dma_semaphore, #tpu.memory_space<semaphore_mem>>
        %dma_start3A_146 = tpu.memref_slice %arg4[%add3A_111] : memref<320000xi32, #tpu.memory_space<hbm>> -> memref<40xi32, #tpu.memory_space<hbm>>
        %dma_start3A_147 = tpu.memref_slice %arg4[%add3A_111] : memref<320000xi32, #tpu.memory_space<hbm>> -> memref<40xi32, #tpu.memory_space<hbm>>
        tpu.enqueue_dma source(%dma_start3A_147 : memref<40xi32, #tpu.memory_space<hbm>>) target(%arg16 : memref<40xi32, #tpu.memory_space<vmem>>) target_semaphore(%run_scoped3A : memref<!tpu.dma_semaphore, #tpu.memory_space<semaphore_mem>>)
        %dma_wait3A_148 = tpu.memref_slice %arg4[%add3A_111] : memref<320000xi32, #tpu.memory_space<hbm>> -> memref<40xi32, #tpu.memory_space<hbm>>
        %dma_wait3A_149 = tpu.memref_slice %arg4[%add3A_111] : memref<320000xi32, #tpu.memory_space<hbm>> -> memref<40xi32, #tpu.memory_space<hbm>>
        tpu.wait_dma2 semaphore(%run_scoped3A : memref<!tpu.dma_semaphore, #tpu.memory_space<semaphore_mem>>) src(%dma_wait3A_149 : memref<40xi32, #tpu.memory_space<hbm>>) dst(%arg16 : memref<40xi32, #tpu.memory_space<vmem>>)
        tpu.yield
      }) : () -> ()
      %dma_start3A_112 = arith.constant 0 : i32
      %dma_start3A_113 = arith.constant 0 : i32
      %dma_start3A_114 = tpu.memref_slice %arg2[%dma_start3A_112, %dma_start3A_113] : memref<10000x128xf32, #tpu.memory_space<hbm>> -> memref<10000x128xf32, #tpu.memory_space<hbm>>
      tpu.enqueue_indirect_dma source(%dma_start3A_114 : memref<10000x128xf32, #tpu.memory_space<hbm>>) target(%arg21 : memref<40x128xf32, #tpu.memory_space<vmem>>) offsets(%arg11 : memref<40xi32, #tpu.memory_space<vmem>>) semaphore(%arg27 : memref<!tpu.dma_semaphore, #tpu.memory_space<semaphore_mem>>)
      %dma_wait3A_115 = arith.constant 0 : i32
      %dma_wait3A_116 = arith.constant 0 : i32
      %dma_wait3A_117 = tpu.memref_slice %arg2[%dma_wait3A_115, %dma_wait3A_116] : memref<10000x128xf32, #tpu.memory_space<hbm>> -> memref<10000x128xf32, #tpu.memory_space<hbm>>
      tpu.wait_indirect_dma semaphore(%arg23 : memref<!tpu.dma_semaphore, #tpu.memory_space<semaphore_mem>>) src(%dma_wait3A_117 : memref<10000x128xf32, #tpu.memory_space<hbm>>) dst(%arg17 : memref<40x128xf32, #tpu.memory_space<vmem>>)
      %dma_start3A_118 = arith.constant 0 : i32
      %dma_start3A_119 = arith.constant 0 : i32
      %dma_start3A_120 = tpu.memref_slice %arg22[%dma_start3A_118, %dma_start3A_119] : memref<10000x128xf32, #tpu.memory_space<vmem_shared>> -> memref<10000x128xf32, #tpu.memory_space<vmem_shared>>
      tpu.enqueue_indirect_dma source(%arg17 : memref<40x128xf32, #tpu.memory_space<vmem>>) target(%dma_start3A_120 : memref<10000x128xf32, #tpu.memory_space<vmem_shared>>) offsets(%arg12 : memref<40xi32, #tpu.memory_space<vmem>>) semaphore(%arg28 : memref<!tpu.dma_semaphore, #tpu.memory_space<semaphore_mem>>) {add = true}
      %dma_wait3A_121 = arith.constant 0 : i32
      %dma_wait3A_122 = arith.constant 0 : i32
      %dma_wait3A_123 = tpu.memref_slice %arg2[%dma_wait3A_121, %dma_wait3A_122] : memref<10000x128xf32, #tpu.memory_space<hbm>> -> memref<10000x128xf32, #tpu.memory_space<hbm>>
      tpu.wait_indirect_dma semaphore(%arg24 : memref<!tpu.dma_semaphore, #tpu.memory_space<semaphore_mem>>) src(%dma_wait3A_123 : memref<10000x128xf32, #tpu.memory_space<hbm>>) dst(%arg18 : memref<40x128xf32, #tpu.memory_space<vmem>>)
      %dma_start3A_124 = arith.constant 0 : i32
      %dma_start3A_125 = arith.constant 0 : i32
      %dma_start3A_126 = tpu.memref_slice %arg22[%dma_start3A_124, %dma_start3A_125] : memref<10000x128xf32, #tpu.memory_space<vmem_shared>> -> memref<10000x128xf32, #tpu.memory_space<vmem_shared>>
      tpu.enqueue_indirect_dma source(%arg18 : memref<40x128xf32, #tpu.memory_space<vmem>>) target(%dma_start3A_126 : memref<10000x128xf32, #tpu.memory_space<vmem_shared>>) offsets(%arg13 : memref<40xi32, #tpu.memory_space<vmem>>) semaphore(%arg29 : memref<!tpu.dma_semaphore, #tpu.memory_space<semaphore_mem>>) {add = true}
      %dma_wait3A_127 = arith.constant 0 : i32
      %dma_wait3A_128 = arith.constant 0 : i32
      %dma_wait3A_129 = tpu.memref_slice %arg2[%dma_wait3A_127, %dma_wait3A_128] : memref<10000x128xf32, #tpu.memory_space<hbm>> -> memref<10000x128xf32, #tpu.memory_space<hbm>>
      tpu.wait_indirect_dma semaphore(%arg25 : memref<!tpu.dma_semaphore, #tpu.memory_space<semaphore_mem>>) src(%dma_wait3A_129 : memref<10000x128xf32, #tpu.memory_space<hbm>>) dst(%arg19 : memref<40x128xf32, #tpu.memory_space<vmem>>)
      %dma_start3A_130 = arith.constant 0 : i32
      %dma_start3A_131 = arith.constant 0 : i32
      %dma_start3A_132 = tpu.memref_slice %arg22[%dma_start3A_130, %dma_start3A_131] : memref<10000x128xf32, #tpu.memory_space<vmem_shared>> -> memref<10000x128xf32, #tpu.memory_space<vmem_shared>>
      tpu.enqueue_indirect_dma source(%arg19 : memref<40x128xf32, #tpu.memory_space<vmem>>) target(%dma_start3A_132 : memref<10000x128xf32, #tpu.memory_space<vmem_shared>>) offsets(%arg14 : memref<40xi32, #tpu.memory_space<vmem>>) semaphore(%arg30 : memref<!tpu.dma_semaphore, #tpu.memory_space<semaphore_mem>>) {add = true}
      %dma_wait3A_133 = arith.constant 0 : i32
      %dma_wait3A_134 = arith.constant 0 : i32
      %dma_wait3A_135 = tpu.memref_slice %arg2[%dma_wait3A_133, %dma_wait3A_134] : memref<10000x128xf32, #tpu.memory_space<hbm>> -> memref<10000x128xf32, #tpu.memory_space<hbm>>
      tpu.wait_indirect_dma semaphore(%arg26 : memref<!tpu.dma_semaphore, #tpu.memory_space<semaphore_mem>>) src(%dma_wait3A_135 : memref<10000x128xf32, #tpu.memory_space<hbm>>) dst(%arg20 : memref<40x128xf32, #tpu.memory_space<vmem>>)
      %dma_start3A_136 = arith.constant 0 : i32
      %dma_start3A_137 = arith.constant 0 : i32
      %dma_start3A_138 = tpu.memref_slice %arg22[%dma_start3A_136, %dma_start3A_137] : memref<10000x128xf32, #tpu.memory_space<vmem_shared>> -> memref<10000x128xf32, #tpu.memory_space<vmem_shared>>
      tpu.enqueue_indirect_dma source(%arg20 : memref<40x128xf32, #tpu.memory_space<vmem>>) target(%dma_start3A_138 : memref<10000x128xf32, #tpu.memory_space<vmem_shared>>) offsets(%arg15 : memref<40xi32, #tpu.memory_space<vmem>>) semaphore(%arg31 : memref<!tpu.dma_semaphore, #tpu.memory_space<semaphore_mem>>) {add = true}
      %dma_wait3A_139 = arith.constant 0 : i32
      %dma_wait3A_140 = arith.constant 0 : i32
      %dma_wait3A_141 = tpu.memref_slice %arg2[%dma_wait3A_139, %dma_wait3A_140] : memref<10000x128xf32, #tpu.memory_space<hbm>> -> memref<10000x128xf32, #tpu.memory_space<hbm>>
      tpu.wait_indirect_dma semaphore(%arg27 : memref<!tpu.dma_semaphore, #tpu.memory_space<semaphore_mem>>) src(%dma_wait3A_141 : memref<10000x128xf32, #tpu.memory_space<hbm>>) dst(%arg21 : memref<40x128xf32, #tpu.memory_space<vmem>>)
      %dma_start3A_142 = arith.constant 0 : i32
      %dma_start3A_143 = arith.constant 0 : i32
      %dma_start3A_144 = tpu.memref_slice %arg22[%dma_start3A_142, %dma_start3A_143] : memref<10000x128xf32, #tpu.memory_space<vmem_shared>> -> memref<10000x128xf32, #tpu.memory_space<vmem_shared>>
      tpu.enqueue_indirect_dma source(%arg21 : memref<40x128xf32, #tpu.memory_space<vmem>>) target(%dma_start3A_144 : memref<10000x128xf32, #tpu.memory_space<vmem_shared>>) offsets(%arg16 : memref<40xi32, #tpu.memory_space<vmem>>) semaphore(%arg32 : memref<!tpu.dma_semaphore, #tpu.memory_space<semaphore_mem>>) {add = true}
      %scan3A_145 = arith.constant 0 : i32
      scf.yield %scan3A_145 : i32
    }
    %scan3A_14 = arith.constant 50 : i32
    %dma_wait3A = arith.constant 0 : i32
    %dma_wait3A_15 = arith.constant 0 : i32
    %dma_wait3A_16 = tpu.memref_slice %arg22[%dma_wait3A, %dma_wait3A_15] : memref<10000x128xf32, #tpu.memory_space<vmem_shared>> -> memref<10000x128xf32, #tpu.memory_space<vmem_shared>>
    tpu.wait_indirect_dma semaphore(%arg28 : memref<!tpu.dma_semaphore, #tpu.memory_space<semaphore_mem>>) src(%arg17 : memref<40x128xf32, #tpu.memory_space<vmem>>) dst(%dma_wait3A_16 : memref<10000x128xf32, #tpu.memory_space<vmem_shared>>)
    %dma_wait3A_17 = arith.constant 0 : i32
    %dma_wait3A_18 = arith.constant 0 : i32
    %dma_wait3A_19 = tpu.memref_slice %arg22[%dma_wait3A_17, %dma_wait3A_18] : memref<10000x128xf32, #tpu.memory_space<vmem_shared>> -> memref<10000x128xf32, #tpu.memory_space<vmem_shared>>
    tpu.wait_indirect_dma semaphore(%arg29 : memref<!tpu.dma_semaphore, #tpu.memory_space<semaphore_mem>>) src(%arg18 : memref<40x128xf32, #tpu.memory_space<vmem>>) dst(%dma_wait3A_19 : memref<10000x128xf32, #tpu.memory_space<vmem_shared>>)
    %dma_wait3A_20 = arith.constant 0 : i32
    %dma_wait3A_21 = arith.constant 0 : i32
    %dma_wait3A_22 = tpu.memref_slice %arg22[%dma_wait3A_20, %dma_wait3A_21] : memref<10000x128xf32, #tpu.memory_space<vmem_shared>> -> memref<10000x128xf32, #tpu.memory_space<vmem_shared>>
    tpu.wait_indirect_dma semaphore(%arg30 : memref<!tpu.dma_semaphore, #tpu.memory_space<semaphore_mem>>) src(%arg19 : memref<40x128xf32, #tpu.memory_space<vmem>>) dst(%dma_wait3A_22 : memref<10000x128xf32, #tpu.memory_space<vmem_shared>>)
    %dma_wait3A_23 = arith.constant 0 : i32
    %dma_wait3A_24 = arith.constant 0 : i32
    %dma_wait3A_25 = tpu.memref_slice %arg22[%dma_wait3A_23, %dma_wait3A_24] : memref<10000x128xf32, #tpu.memory_space<vmem_shared>> -> memref<10000x128xf32, #tpu.memory_space<vmem_shared>>
    tpu.wait_indirect_dma semaphore(%arg31 : memref<!tpu.dma_semaphore, #tpu.memory_space<semaphore_mem>>) src(%arg20 : memref<40x128xf32, #tpu.memory_space<vmem>>) dst(%dma_wait3A_25 : memref<10000x128xf32, #tpu.memory_space<vmem_shared>>)
    %dma_wait3A_26 = arith.constant 0 : i32
    %dma_wait3A_27 = arith.constant 0 : i32
    %dma_wait3A_28 = tpu.memref_slice %arg22[%dma_wait3A_26, %dma_wait3A_27] : memref<10000x128xf32, #tpu.memory_space<vmem_shared>> -> memref<10000x128xf32, #tpu.memory_space<vmem_shared>>
    tpu.wait_indirect_dma semaphore(%arg32 : memref<!tpu.dma_semaphore, #tpu.memory_space<semaphore_mem>>) src(%arg21 : memref<40x128xf32, #tpu.memory_space<vmem>>) dst(%dma_wait3A_28 : memref<10000x128xf32, #tpu.memory_space<vmem_shared>>)
    %barrier3A_29 = arith.constant 0 : index
    tpu.barrier barrier_id(%barrier3A_29)
    %lt3A_30 = arith.constant 15 : i32
    %lt3A_31 = arith.cmpi slt, %arg1, %lt3A_30 : i32
    %convert_element_type3A_32 = arith.extui %lt3A_31 : i1 to i32
    %cond3A_33 = arith.constant 0 : i32
    %cond3A_34 = arith.cmpi ne, %convert_element_type3A_32, %cond3A_33 : i32
    scf.if %cond3A_34 {
      %mul3A_40 = arith.constant 632 : i32
      %mul3A_41 = arith.muli %arg1, %mul3A_40 : i32
      %mul3A_42 = arith.constant 632 : i32
      %mul3A_43 = arith.muli %arg1, %mul3A_42 : i32
      "tpu.region"() ({
        %run_scoped3A = tpu.sem_alloc : memref<!tpu.dma_semaphore, #tpu.memory_space<semaphore_mem>>
        %dma_start3A = arith.constant 0 : i32
        %dma_start3A_44 = tpu.memref_slice %arg6[%arg0, %mul3A_43, %dma_start3A] : memref<2x10000x128xf32, #tpu.memory_space<hbm>> -> memref<1x632x128xf32, #tpu.memory_space<hbm>>
        %dma_start3A_45 = tpu.memref_squeeze %dma_start3A_44 : memref<1x632x128xf32, #tpu.memory_space<hbm>> -> memref<632x128xf32, #tpu.memory_space<hbm>>
        %dma_start3A_46 = arith.constant 0 : i32
        %dma_start3A_47 = tpu.memref_slice %arg22[%mul3A_41, %dma_start3A_46] : memref<10000x128xf32, #tpu.memory_space<vmem_shared>> -> memref<632x128xf32, #tpu.memory_space<vmem_shared>>
        tpu.enqueue_dma source(%dma_start3A_47 : memref<632x128xf32, #tpu.memory_space<vmem_shared>>) target(%dma_start3A_45 : memref<632x128xf32, #tpu.memory_space<hbm>>) target_semaphore(%run_scoped3A : memref<!tpu.dma_semaphore, #tpu.memory_space<semaphore_mem>>)
        %dma_wait3A_48 = arith.constant 0 : i32
        %dma_wait3A_49 = tpu.memref_slice %arg6[%arg0, %mul3A_43, %dma_wait3A_48] : memref<2x10000x128xf32, #tpu.memory_space<hbm>> -> memref<1x632x128xf32, #tpu.memory_space<hbm>>
        %dma_wait3A_50 = tpu.memref_squeeze %dma_wait3A_49 : memref<1x632x128xf32, #tpu.memory_space<hbm>> -> memref<632x128xf32, #tpu.memory_space<hbm>>
        %dma_wait3A_51 = arith.constant 0 : i32
        %dma_wait3A_52 = tpu.memref_slice %arg22[%mul3A_41, %dma_wait3A_51] : memref<10000x128xf32, #tpu.memory_space<vmem_shared>> -> memref<632x128xf32, #tpu.memory_space<vmem_shared>>
        tpu.wait_dma2 semaphore(%run_scoped3A : memref<!tpu.dma_semaphore, #tpu.memory_space<semaphore_mem>>) src(%dma_wait3A_52 : memref<632x128xf32, #tpu.memory_space<vmem_shared>>) dst(%dma_wait3A_50 : memref<632x128xf32, #tpu.memory_space<hbm>>)
        tpu.yield
      }) : () -> ()
    } else {
    }
    %eq3A_35 = arith.constant 15 : i32
    %eq3A_36 = arith.cmpi eq, %arg1, %eq3A_35 : i32
    %convert_element_type3A_37 = arith.extui %eq3A_36 : i1 to i32
    %cond3A_38 = arith.constant 0 : i32
    %cond3A_39 = arith.cmpi ne, %convert_element_type3A_37, %cond3A_38 : i32
    scf.if %cond3A_39 {
      %mul3A_40 = arith.constant 632 : i32
      %mul3A_41 = arith.muli %arg1, %mul3A_40 : i32
      %mul3A_42 = arith.constant 632 : i32
      %mul3A_43 = arith.muli %arg1, %mul3A_42 : i32
      "tpu.region"() ({
        %run_scoped3A = tpu.sem_alloc : memref<!tpu.dma_semaphore, #tpu.memory_space<semaphore_mem>>
        %dma_start3A = arith.constant 0 : i32
        %dma_start3A_44 = tpu.memref_slice %arg6[%arg0, %mul3A_43, %dma_start3A] : memref<2x10000x128xf32, #tpu.memory_space<hbm>> -> memref<1x520x128xf32, #tpu.memory_space<hbm>>
        %dma_start3A_45 = tpu.memref_squeeze %dma_start3A_44 : memref<1x520x128xf32, #tpu.memory_space<hbm>> -> memref<520x128xf32, #tpu.memory_space<hbm>>
        %dma_start3A_46 = arith.constant 0 : i32
        %dma_start3A_47 = tpu.memref_slice %arg22[%mul3A_41, %dma_start3A_46] : memref<10000x128xf32, #tpu.memory_space<vmem_shared>> -> memref<520x128xf32, #tpu.memory_space<vmem_shared>>
        tpu.enqueue_dma source(%dma_start3A_47 : memref<520x128xf32, #tpu.memory_space<vmem_shared>>) target(%dma_start3A_45 : memref<520x128xf32, #tpu.memory_space<hbm>>) target_semaphore(%run_scoped3A : memref<!tpu.dma_semaphore, #tpu.memory_space<semaphore_mem>>)
        %dma_wait3A_48 = arith.constant 0 : i32
        %dma_wait3A_49 = tpu.memref_slice %arg6[%arg0, %mul3A_43, %dma_wait3A_48] : memref<2x10000x128xf32, #tpu.memory_space<hbm>> -> memref<1x520x128xf32, #tpu.memory_space<hbm>>
        %dma_wait3A_50 = tpu.memref_squeeze %dma_wait3A_49 : memref<1x520x128xf32, #tpu.memory_space<hbm>> -> memref<520x128xf32, #tpu.memory_space<hbm>>
        %dma_wait3A_51 = arith.constant 0 : i32
        %dma_wait3A_52 = tpu.memref_slice %arg22[%mul3A_41, %dma_wait3A_51] : memref<10000x128xf32, #tpu.memory_space<vmem_shared>> -> memref<520x128xf32, #tpu.memory_space<vmem_shared>>
        tpu.wait_dma2 semaphore(%run_scoped3A : memref<!tpu.dma_semaphore, #tpu.memory_space<semaphore_mem>>) src(%dma_wait3A_52 : memref<520x128xf32, #tpu.memory_space<vmem_shared>>) dst(%dma_wait3A_50 : memref<520x128xf32, #tpu.memory_space<hbm>>)
        tpu.yield
      }) : () -> ()
    } else {
    }
    return
  }
}

module attributes {stable_mosaic.version = 14 : i64} {
  func.func @_gin_body(%arg0: i32, %arg1: memref<2000x128xf32, #tpu.memory_space<vmem>>, %arg2: memref<2x2000x128xf32, #tpu.memory_space<vmem>>, %arg3: memref<1x1xf32, #tpu.memory_space<vmem>>, %arg4: memref<128x128xf32, #tpu.memory_space<vmem>>, %arg5: memref<1x128xf32, #tpu.memory_space<vmem>>, %arg6: memref<1x128xf32, #tpu.memory_space<vmem>>, %arg7: memref<128x128xf32, #tpu.memory_space<vmem>>, %arg8: memref<1x128xf32, #tpu.memory_space<vmem>>, %arg9: memref<1x128xf32, #tpu.memory_space<vmem>>, %arg10: memref<1x128xf32, #tpu.memory_space<vmem>>, %arg11: memref<1x128xf32, #tpu.memory_space<vmem>>, %arg12: memref<2000x128xf32, #tpu.memory_space<vmem>>) attributes {dimension_semantics = [#tpu.dimension_semantics<arbitrary>], iteration_bounds = array<i64: 5>, scalar_prefetch = 0 : i64, scratch_operands = 0 : i64, tpu.core_type = #tpu.core_type<tc>, window_params = [{transform_indices = @transform_0, window_bounds = array<i64: 2000, 128>}, {transform_indices = @transform_1, window_bounds = array<i64: 2, 2000, 128>}, {pipeline_mode = #tpu.pipeline_mode<synchronous>, transform_indices = @transform_2, window_bounds = array<i64: 1, 1>}, {pipeline_mode = #tpu.pipeline_mode<synchronous>, transform_indices = @transform_3, window_bounds = array<i64: 128, 128>}, {pipeline_mode = #tpu.pipeline_mode<synchronous>, transform_indices = @transform_4, window_bounds = array<i64: 1, 128>}, {pipeline_mode = #tpu.pipeline_mode<synchronous>, transform_indices = @transform_5, window_bounds = array<i64: 1, 128>}, {pipeline_mode = #tpu.pipeline_mode<synchronous>, transform_indices = @transform_6, window_bounds = array<i64: 128, 128>}, {pipeline_mode = #tpu.pipeline_mode<synchronous>, transform_indices = @transform_7, window_bounds = array<i64: 1, 128>}, {pipeline_mode = #tpu.pipeline_mode<synchronous>, transform_indices = @transform_8, window_bounds = array<i64: 1, 128>}, {pipeline_mode = #tpu.pipeline_mode<synchronous>, transform_indices = @transform_9, window_bounds = array<i64: 1, 128>}, {pipeline_mode = #tpu.pipeline_mode<synchronous>, transform_indices = @transform_10, window_bounds = array<i64: 1, 128>}, {transform_indices = @transform_11, window_bounds = array<i64: 2000, 128>}]} {
    %get3A = arith.constant 0 : index
    %get3A_0 = arith.constant 0 : index
    %get3A_1 = vector.load %arg1[%get3A, %get3A_0] : memref<2000x128xf32, #tpu.memory_space<vmem>>, vector<2000x128xf32>
    %get3A_2 = arith.constant 0 : index
    %get3A_3 = arith.constant 0 : index
    %get3A_4 = vector.load %arg3[%get3A_2, %get3A_3] : memref<1x1xf32, #tpu.memory_space<vmem>>, vector<1x1xf32>
    %get3A_5 = vector.extract %get3A_4[0, 0] : f32 from vector<1x1xf32>
    %add3A = arith.constant 1.000000e+00 : f32
    %add3A_6 = arith.addf %add3A, %get3A_5 : f32
    %mul3A = vector.broadcast %add3A_6 : f32 to vector<2000x128xf32>
    %mul3A_7 = arith.mulf %mul3A, %get3A_1 : vector<2000x128xf32>
    %get3A_8 = arith.constant 0 : index
    %get3A_9 = arith.constant 0 : index
    %get3A_10 = arith.constant 0 : index
    %get3A_11 = vector.load %arg2[%get3A_8, %get3A_9, %get3A_10] : memref<2x2000x128xf32, #tpu.memory_space<vmem>>, vector<1x2000x128xf32>
    %get3A_12 = vector.shape_cast %get3A_11 : vector<1x2000x128xf32> to vector<2000x128xf32>
    %add3A_13 = arith.addf %mul3A_7, %get3A_12 : vector<2000x128xf32>
    %get3A_14 = arith.constant 1 : index
    %get3A_15 = arith.constant 0 : index
    %get3A_16 = arith.constant 0 : index
    %get3A_17 = vector.load %arg2[%get3A_14, %get3A_15, %get3A_16] : memref<2x2000x128xf32, #tpu.memory_space<vmem>>, vector<1x2000x128xf32>
    %get3A_18 = vector.shape_cast %get3A_17 : vector<1x2000x128xf32> to vector<2000x128xf32>
    %add3A_19 = arith.addf %add3A_13, %get3A_18 : vector<2000x128xf32>
    %get3A_20 = arith.constant 0 : index
    %get3A_21 = arith.constant 0 : index
    %get3A_22 = vector.load %arg4[%get3A_20, %get3A_21] : memref<128x128xf32, #tpu.memory_space<vmem>>, vector<128x128xf32>
    %dot_general3A = arith.constant dense<0.000000e+00> : vector<2000x128xf32>
    %dot_general3A_23 = tpu.matmul %add3A_19, %get3A_22, %dot_general3A {dimension_numbers = #tpu.dot_dimension_numbers<[1], [0], [0], [1], [0, 0, 1, 1], [], []>, transpose_lhs_hint = false} : vector<2000x128xf32>, vector<128x128xf32>, vector<2000x128xf32> -> vector<2000x128xf32>
    %get3A_24 = arith.constant 0 : index
    %get3A_25 = arith.constant 0 : index
    %get3A_26 = vector.load %arg5[%get3A_24, %get3A_25] : memref<1x128xf32, #tpu.memory_space<vmem>>, vector<1x128xf32>
    %mul3A_27 = vector.broadcast %get3A_26 : vector<1x128xf32> to vector<2000x128xf32>
    %mul3A_28 = arith.mulf %dot_general3A_23, %mul3A_27 : vector<2000x128xf32>
    %get3A_29 = arith.constant 0 : index
    %get3A_30 = arith.constant 0 : index
    %get3A_31 = vector.load %arg6[%get3A_29, %get3A_30] : memref<1x128xf32, #tpu.memory_space<vmem>>, vector<1x128xf32>
    %add3A_32 = vector.broadcast %get3A_31 : vector<1x128xf32> to vector<2000x128xf32>
    %add3A_33 = arith.addf %mul3A_28, %add3A_32 : vector<2000x128xf32>
    %max3A = arith.constant 0.000000e+00 : f32
    %max3A_34 = vector.broadcast %max3A : f32 to vector<2000x128xf32>
    %max3A_35 = arith.maximumf %add3A_33, %max3A_34 : vector<2000x128xf32>
    %get3A_36 = arith.constant 0 : index
    %get3A_37 = arith.constant 0 : index
    %get3A_38 = vector.load %arg7[%get3A_36, %get3A_37] : memref<128x128xf32, #tpu.memory_space<vmem>>, vector<128x128xf32>
    %dot_general3A_39 = arith.constant dense<0.000000e+00> : vector<2000x128xf32>
    %dot_general3A_40 = tpu.matmul %max3A_35, %get3A_38, %dot_general3A_39 {dimension_numbers = #tpu.dot_dimension_numbers<[1], [0], [0], [1], [0, 0, 1, 1], [], []>, transpose_lhs_hint = false} : vector<2000x128xf32>, vector<128x128xf32>, vector<2000x128xf32> -> vector<2000x128xf32>
    %get3A_41 = arith.constant 0 : index
    %get3A_42 = arith.constant 0 : index
    %get3A_43 = vector.load %arg8[%get3A_41, %get3A_42] : memref<1x128xf32, #tpu.memory_space<vmem>>, vector<1x128xf32>
    %mul3A_44 = vector.broadcast %get3A_43 : vector<1x128xf32> to vector<2000x128xf32>
    %mul3A_45 = arith.mulf %dot_general3A_40, %mul3A_44 : vector<2000x128xf32>
    %get3A_46 = arith.constant 0 : index
    %get3A_47 = arith.constant 0 : index
    %get3A_48 = vector.load %arg9[%get3A_46, %get3A_47] : memref<1x128xf32, #tpu.memory_space<vmem>>, vector<1x128xf32>
    %add3A_49 = vector.broadcast %get3A_48 : vector<1x128xf32> to vector<2000x128xf32>
    %add3A_50 = arith.addf %mul3A_45, %add3A_49 : vector<2000x128xf32>
    %max3A_51 = arith.constant 0.000000e+00 : f32
    %max3A_52 = vector.broadcast %max3A_51 : f32 to vector<2000x128xf32>
    %max3A_53 = arith.maximumf %add3A_50, %max3A_52 : vector<2000x128xf32>
    %get3A_54 = arith.constant 0 : index
    %get3A_55 = arith.constant 0 : index
    %get3A_56 = vector.load %arg10[%get3A_54, %get3A_55] : memref<1x128xf32, #tpu.memory_space<vmem>>, vector<1x128xf32>
    %mul3A_57 = vector.broadcast %get3A_56 : vector<1x128xf32> to vector<2000x128xf32>
    %mul3A_58 = arith.mulf %max3A_53, %mul3A_57 : vector<2000x128xf32>
    %get3A_59 = arith.constant 0 : index
    %get3A_60 = arith.constant 0 : index
    %get3A_61 = vector.load %arg11[%get3A_59, %get3A_60] : memref<1x128xf32, #tpu.memory_space<vmem>>, vector<1x128xf32>
    %add3A_62 = vector.broadcast %get3A_61 : vector<1x128xf32> to vector<2000x128xf32>
    %add3A_63 = arith.addf %mul3A_58, %add3A_62 : vector<2000x128xf32>
    %max3A_64 = arith.constant 0.000000e+00 : f32
    %max3A_65 = vector.broadcast %max3A_64 : f32 to vector<2000x128xf32>
    %max3A_66 = arith.maximumf %add3A_63, %max3A_65 : vector<2000x128xf32>
    %swap3A = arith.constant 0 : index
    %swap3A_67 = arith.constant 0 : index
    %swap3A_68 = vector.load %arg12[%swap3A, %swap3A_67] : memref<2000x128xf32, #tpu.memory_space<vmem>>, vector<2000x128xf32>
    tpu.vector_store %arg12[%swap3A, %swap3A_67], %max3A_66 {strides = array<i32>} : memref<2000x128xf32, #tpu.memory_space<vmem>>, vector<2000x128xf32>,
    return
  }
  func.func @transform_0(%arg0: i32) -> (i32, i32) {
    %c0_i32 = arith.constant 0 : i32
    %c0_i32_0 = arith.constant 0 : i32
    return %arg0, %c0_i32 : i32, i32
  }
  func.func @transform_1(%arg0: i32) -> (i32, i32, i32) {
    %c0_i32 = arith.constant 0 : i32
    %c0_i32_0 = arith.constant 0 : i32
    %c0_i32_1 = arith.constant 0 : i32
    return %c0_i32, %arg0, %c0_i32_0 : i32, i32, i32
  }
  func.func @transform_2(%arg0: i32) -> (i32, i32) {
    %c0_i32 = arith.constant 0 : i32
    %c0_i32_0 = arith.constant 0 : i32
    %c0_i32_1 = arith.constant 0 : i32
    return %c0_i32, %c0_i32_0 : i32, i32
  }
  func.func @transform_3(%arg0: i32) -> (i32, i32) {
    %c0_i32 = arith.constant 0 : i32
    %c0_i32_0 = arith.constant 0 : i32
    %c0_i32_1 = arith.constant 0 : i32
    return %c0_i32, %c0_i32_0 : i32, i32
  }
  func.func @transform_4(%arg0: i32) -> (i32, i32) {
    %c0_i32 = arith.constant 0 : i32
    %c0_i32_0 = arith.constant 0 : i32
    %c0_i32_1 = arith.constant 0 : i32
    return %c0_i32, %c0_i32_0 : i32, i32
  }
  func.func @transform_5(%arg0: i32) -> (i32, i32) {
    %c0_i32 = arith.constant 0 : i32
    %c0_i32_0 = arith.constant 0 : i32
    %c0_i32_1 = arith.constant 0 : i32
    return %c0_i32, %c0_i32_0 : i32, i32
  }
  func.func @transform_6(%arg0: i32) -> (i32, i32) {
    %c0_i32 = arith.constant 0 : i32
    %c0_i32_0 = arith.constant 0 : i32
    %c0_i32_1 = arith.constant 0 : i32
    return %c0_i32, %c0_i32_0 : i32, i32
  }
  func.func @transform_7(%arg0: i32) -> (i32, i32) {
    %c0_i32 = arith.constant 0 : i32
    %c0_i32_0 = arith.constant 0 : i32
    %c0_i32_1 = arith.constant 0 : i32
    return %c0_i32, %c0_i32_0 : i32, i32
  }
  func.func @transform_8(%arg0: i32) -> (i32, i32) {
    %c0_i32 = arith.constant 0 : i32
    %c0_i32_0 = arith.constant 0 : i32
    %c0_i32_1 = arith.constant 0 : i32
    return %c0_i32, %c0_i32_0 : i32, i32
  }
  func.func @transform_9(%arg0: i32) -> (i32, i32) {
    %c0_i32 = arith.constant 0 : i32
    %c0_i32_0 = arith.constant 0 : i32
    %c0_i32_1 = arith.constant 0 : i32
    return %c0_i32, %c0_i32_0 : i32, i32
  }
  func.func @transform_10(%arg0: i32) -> (i32, i32) {
    %c0_i32 = arith.constant 0 : i32
    %c0_i32_0 = arith.constant 0 : i32
    %c0_i32_1 = arith.constant 0 : i32
    return %c0_i32, %c0_i32_0 : i32, i32
  }
  func.func @transform_11(%arg0: i32) -> (i32, i32) {
    %c0_i32 = arith.constant 0 : i32
    %c0_i32_0 = arith.constant 0 : i32
    return %arg0, %c0_i32 : i32, i32
  }
}

module attributes {stable_mosaic.version = 14 : i64} {
  func.func @_in_proj_body(%arg0: i32, %arg1: memref<2000x128xf32, #tpu.memory_space<vmem>>, %arg2: memref<128x128xf32, #tpu.memory_space<vmem>>, %arg3: memref<1x128xf32, #tpu.memory_space<vmem>>, %arg4: memref<2000x128xf32, #tpu.memory_space<vmem>>) attributes {dimension_semantics = [#tpu.dimension_semantics<arbitrary>], iteration_bounds = array<i64: 5>, scalar_prefetch = 0 : i64, scratch_operands = 0 : i64, tpu.core_type = #tpu.core_type<tc>, window_params = [{transform_indices = @transform_0, window_bounds = array<i64: 2000, 128>}, {pipeline_mode = #tpu.pipeline_mode<synchronous>, transform_indices = @transform_1, window_bounds = array<i64: 128, 128>}, {pipeline_mode = #tpu.pipeline_mode<synchronous>, transform_indices = @transform_2, window_bounds = array<i64: 1, 128>}, {transform_indices = @transform_3, window_bounds = array<i64: 2000, 128>}]} {
    %get3A = arith.constant 0 : index
    %get3A_0 = arith.constant 0 : index
    %get3A_1 = vector.load %arg1[%get3A, %get3A_0] : memref<2000x128xf32, #tpu.memory_space<vmem>>, vector<2000x128xf32>
    %get3A_2 = arith.constant 0 : index
    %get3A_3 = arith.constant 0 : index
    %get3A_4 = vector.load %arg2[%get3A_2, %get3A_3] : memref<128x128xf32, #tpu.memory_space<vmem>>, vector<128x128xf32>
    %dot_general3A = arith.constant dense<0.000000e+00> : vector<2000x128xf32>
    %dot_general3A_5 = tpu.matmul %get3A_1, %get3A_4, %dot_general3A {dimension_numbers = #tpu.dot_dimension_numbers<[1], [0], [0], [1], [0, 0, 1, 1], [], []>, transpose_lhs_hint = false} : vector<2000x128xf32>, vector<128x128xf32>, vector<2000x128xf32> -> vector<2000x128xf32>
    %get3A_6 = arith.constant 0 : index
    %get3A_7 = arith.constant 0 : index
    %get3A_8 = vector.load %arg3[%get3A_6, %get3A_7] : memref<1x128xf32, #tpu.memory_space<vmem>>, vector<1x128xf32>
    %add3A = vector.broadcast %get3A_8 : vector<1x128xf32> to vector<2000x128xf32>
    %add3A_9 = arith.addf %dot_general3A_5, %add3A : vector<2000x128xf32>
    %swap3A = arith.constant 0 : index
    %swap3A_10 = arith.constant 0 : index
    %swap3A_11 = vector.load %arg4[%swap3A, %swap3A_10] : memref<2000x128xf32, #tpu.memory_space<vmem>>, vector<2000x128xf32>
    tpu.vector_store %arg4[%swap3A, %swap3A_10], %add3A_9 {strides = array<i32>} : memref<2000x128xf32, #tpu.memory_space<vmem>>, vector<2000x128xf32>,
    return
  }
  func.func @transform_0(%arg0: i32) -> (i32, i32) {
    %c0_i32 = arith.constant 0 : i32
    %c0_i32_0 = arith.constant 0 : i32
    return %arg0, %c0_i32 : i32, i32
  }
  func.func @transform_1(%arg0: i32) -> (i32, i32) {
    %c0_i32 = arith.constant 0 : i32
    %c0_i32_0 = arith.constant 0 : i32
    %c0_i32_1 = arith.constant 0 : i32
    return %c0_i32, %c0_i32_0 : i32, i32
  }
  func.func @transform_2(%arg0: i32) -> (i32, i32) {
    %c0_i32 = arith.constant 0 : i32
    %c0_i32_0 = arith.constant 0 : i32
    %c0_i32_1 = arith.constant 0 : i32
    return %c0_i32, %c0_i32_0 : i32, i32
  }
  func.func @transform_3(%arg0: i32) -> (i32, i32) {
    %c0_i32 = arith.constant 0 : i32
    %c0_i32_0 = arith.constant 0 : i32
    return %arg0, %c0_i32 : i32, i32
  }
}

module attributes {stable_mosaic.version = 14 : i64} {
  func.func @_sage_body(%arg0: i32, %arg1: memref<2000x128xf32, #tpu.memory_space<vmem>>, %arg2: memref<2x2000x128xf32, #tpu.memory_space<vmem>>, %arg3: memref<2x2000x128xf32, #tpu.memory_space<vmem>>, %arg4: memref<128x128xf32, #tpu.memory_space<vmem>>, %arg5: memref<128x128xf32, #tpu.memory_space<vmem>>, %arg6: memref<1x128xf32, #tpu.memory_space<vmem>>, %arg7: memref<1x128xf32, #tpu.memory_space<vmem>>, %arg8: memref<2000x128xf32, #tpu.memory_space<vmem>>) attributes {dimension_semantics = [#tpu.dimension_semantics<arbitrary>], iteration_bounds = array<i64: 5>, scalar_prefetch = 0 : i64, scratch_operands = 0 : i64, tpu.core_type = #tpu.core_type<tc>, window_params = [{transform_indices = @transform_0, window_bounds = array<i64: 2000, 128>}, {transform_indices = @transform_1, window_bounds = array<i64: 2, 2000, 128>}, {transform_indices = @transform_2, window_bounds = array<i64: 2, 2000, 128>}, {pipeline_mode = #tpu.pipeline_mode<synchronous>, transform_indices = @transform_3, window_bounds = array<i64: 128, 128>}, {pipeline_mode = #tpu.pipeline_mode<synchronous>, transform_indices = @transform_4, window_bounds = array<i64: 128, 128>}, {pipeline_mode = #tpu.pipeline_mode<synchronous>, transform_indices = @transform_5, window_bounds = array<i64: 1, 128>}, {pipeline_mode = #tpu.pipeline_mode<synchronous>, transform_indices = @transform_6, window_bounds = array<i64: 1, 128>}, {transform_indices = @transform_7, window_bounds = array<i64: 2000, 128>}]} {
    %get3A = arith.constant 0 : index
    %get3A_0 = arith.constant 0 : index
    %get3A_1 = vector.load %arg1[%get3A, %get3A_0] : memref<2000x128xf32, #tpu.memory_space<vmem>>, vector<2000x128xf32>
    %get3A_2 = arith.constant 0 : index
    %get3A_3 = arith.constant 0 : index
    %get3A_4 = arith.constant 0 : index
    %get3A_5 = vector.load %arg3[%get3A_2, %get3A_3, %get3A_4] : memref<2x2000x128xf32, #tpu.memory_space<vmem>>, vector<1x2000x1xf32>
    %get3A_6 = vector.shape_cast %get3A_5 : vector<1x2000x1xf32> to vector<2000x1xf32>
    %get3A_7 = arith.constant 1 : index
    %get3A_8 = arith.constant 0 : index
    %get3A_9 = arith.constant 0 : index
    %get3A_10 = vector.load %arg3[%get3A_7, %get3A_8, %get3A_9] : memref<2x2000x128xf32, #tpu.memory_space<vmem>>, vector<1x2000x1xf32>
    %get3A_11 = vector.shape_cast %get3A_10 : vector<1x2000x1xf32> to vector<2000x1xf32>
    %add3A = arith.addf %get3A_6, %get3A_11 : vector<2000x1xf32>
    %get3A_12 = arith.constant 0 : index
    %get3A_13 = arith.constant 0 : index
    %get3A_14 = arith.constant 0 : index
    %get3A_15 = vector.load %arg2[%get3A_12, %get3A_13, %get3A_14] : memref<2x2000x128xf32, #tpu.memory_space<vmem>>, vector<1x2000x128xf32>
    %get3A_16 = vector.shape_cast %get3A_15 : vector<1x2000x128xf32> to vector<2000x128xf32>
    %get3A_17 = arith.constant 1 : index
    %get3A_18 = arith.constant 0 : index
    %get3A_19 = arith.constant 0 : index
    %get3A_20 = vector.load %arg2[%get3A_17, %get3A_18, %get3A_19] : memref<2x2000x128xf32, #tpu.memory_space<vmem>>, vector<1x2000x128xf32>
    %get3A_21 = vector.shape_cast %get3A_20 : vector<1x2000x128xf32> to vector<2000x128xf32>
    %add3A_22 = arith.addf %get3A_16, %get3A_21 : vector<2000x128xf32>
    %max3A = arith.constant 1.000000e+00 : f32
    %max3A_23 = vector.broadcast %max3A : f32 to vector<2000x1xf32>
    %max3A_24 = arith.maximumf %add3A, %max3A_23 : vector<2000x1xf32>
    %div3A = vector.broadcast %max3A_24 : vector<2000x1xf32> to vector<2000x128xf32>
    %div3A_25 = arith.divf %add3A_22, %div3A : vector<2000x128xf32>
    %get3A_26 = arith.constant 0 : index
    %get3A_27 = arith.constant 0 : index
    %get3A_28 = vector.load %arg4[%get3A_26, %get3A_27] : memref<128x128xf32, #tpu.memory_space<vmem>>, vector<128x128xf32>
    %dot_general3A = arith.constant dense<0.000000e+00> : vector<2000x128xf32>
    %dot_general3A_29 = tpu.matmul %div3A_25, %get3A_28, %dot_general3A {dimension_numbers = #tpu.dot_dimension_numbers<[1], [0], [0], [1], [0, 0, 1, 1], [], []>, transpose_lhs_hint = false} : vector<2000x128xf32>, vector<128x128xf32>, vector<2000x128xf32> -> vector<2000x128xf32>
    %get3A_30 = arith.constant 0 : index
    %get3A_31 = arith.constant 0 : index
    %get3A_32 = vector.load %arg5[%get3A_30, %get3A_31] : memref<128x128xf32, #tpu.memory_space<vmem>>, vector<128x128xf32>
    %dot_general3A_33 = arith.constant dense<0.000000e+00> : vector<2000x128xf32>
    %dot_general3A_34 = tpu.matmul %get3A_1, %get3A_32, %dot_general3A_33 {dimension_numbers = #tpu.dot_dimension_numbers<[1], [0], [0], [1], [0, 0, 1, 1], [], []>, transpose_lhs_hint = false} : vector<2000x128xf32>, vector<128x128xf32>, vector<2000x128xf32> -> vector<2000x128xf32>
    %add3A_35 = arith.addf %dot_general3A_29, %dot_general3A_34 : vector<2000x128xf32>
    %get3A_36 = arith.constant 0 : index
    %get3A_37 = arith.constant 0 : index
    %get3A_38 = vector.load %arg6[%get3A_36, %get3A_37] : memref<1x128xf32, #tpu.memory_space<vmem>>, vector<1x128xf32>
    %mul3A = vector.broadcast %get3A_38 : vector<1x128xf32> to vector<2000x128xf32>
    %mul3A_39 = arith.mulf %add3A_35, %mul3A : vector<2000x128xf32>
    %get3A_40 = arith.constant 0 : index
    %get3A_41 = arith.constant 0 : index
    %get3A_42 = vector.load %arg7[%get3A_40, %get3A_41] : memref<1x128xf32, #tpu.memory_space<vmem>>, vector<1x128xf32>
    %add3A_43 = vector.broadcast %get3A_42 : vector<1x128xf32> to vector<2000x128xf32>
    %add3A_44 = arith.addf %mul3A_39, %add3A_43 : vector<2000x128xf32>
    %max3A_45 = arith.constant 0.000000e+00 : f32
    %max3A_46 = vector.broadcast %max3A_45 : f32 to vector<2000x128xf32>
    %max3A_47 = arith.maximumf %add3A_44, %max3A_46 : vector<2000x128xf32>
    %add3A_48 = arith.addf %max3A_47, %get3A_1 : vector<2000x128xf32>
    %swap3A = arith.constant 0 : index
    %swap3A_49 = arith.constant 0 : index
    %swap3A_50 = vector.load %arg8[%swap3A, %swap3A_49] : memref<2000x128xf32, #tpu.memory_space<vmem>>, vector<2000x128xf32>
    tpu.vector_store %arg8[%swap3A, %swap3A_49], %add3A_48 {strides = array<i32>} : memref<2000x128xf32, #tpu.memory_space<vmem>>, vector<2000x128xf32>,
    return
  }
  func.func @transform_0(%arg0: i32) -> (i32, i32) {
    %c0_i32 = arith.constant 0 : i32
    %c0_i32_0 = arith.constant 0 : i32
    return %arg0, %c0_i32 : i32, i32
  }
  func.func @transform_1(%arg0: i32) -> (i32, i32, i32) {
    %c0_i32 = arith.constant 0 : i32
    %c0_i32_0 = arith.constant 0 : i32
    %c0_i32_1 = arith.constant 0 : i32
    return %c0_i32, %arg0, %c0_i32_0 : i32, i32, i32
  }
  func.func @transform_2(%arg0: i32) -> (i32, i32, i32) {
    %c0_i32 = arith.constant 0 : i32
    %c0_i32_0 = arith.constant 0 : i32
    %c0_i32_1 = arith.constant 0 : i32
    return %c0_i32, %arg0, %c0_i32_0 : i32, i32, i32
  }
  func.func @transform_3(%arg0: i32) -> (i32, i32) {
    %c0_i32 = arith.constant 0 : i32
    %c0_i32_0 = arith.constant 0 : i32
    %c0_i32_1 = arith.constant 0 : i32
    return %c0_i32, %c0_i32_0 : i32, i32
  }
  func.func @transform_4(%arg0: i32) -> (i32, i32) {
    %c0_i32 = arith.constant 0 : i32
    %c0_i32_0 = arith.constant 0 : i32
    %c0_i32_1 = arith.constant 0 : i32
    return %c0_i32, %c0_i32_0 : i32, i32
  }
  func.func @transform_5(%arg0: i32) -> (i32, i32) {
    %c0_i32 = arith.constant 0 : i32
    %c0_i32_0 = arith.constant 0 : i32
    %c0_i32_1 = arith.constant 0 : i32
    return %c0_i32, %c0_i32_0 : i32, i32
  }
  func.func @transform_6(%arg0: i32) -> (i32, i32) {
    %c0_i32 = arith.constant 0 : i32
    %c0_i32_0 = arith.constant 0 : i32
    %c0_i32_1 = arith.constant 0 : i32
    return %c0_i32, %c0_i32_0 : i32, i32
  }
  func.func @transform_7(%arg0: i32) -> (i32, i32) {
    %c0_i32 = arith.constant 0 : i32
    %c0_i32_0 = arith.constant 0 : i32
    return %arg0, %c0_i32 : i32, i32
  }
}

module attributes {stable_mosaic.version = 14 : i64} {
  func.func @_gin_body(%arg0: i32, %arg1: memref<2000x128xf32, #tpu.memory_space<vmem>>, %arg2: memref<2x2000x128xf32, #tpu.memory_space<vmem>>, %arg3: memref<1x1xf32, #tpu.memory_space<vmem>>, %arg4: memref<128x128xf32, #tpu.memory_space<vmem>>, %arg5: memref<1x128xf32, #tpu.memory_space<vmem>>, %arg6: memref<1x128xf32, #tpu.memory_space<vmem>>, %arg7: memref<128x128xf32, #tpu.memory_space<vmem>>, %arg8: memref<1x128xf32, #tpu.memory_space<vmem>>, %arg9: memref<1x128xf32, #tpu.memory_space<vmem>>, %arg10: memref<1x128xf32, #tpu.memory_space<vmem>>, %arg11: memref<1x128xf32, #tpu.memory_space<vmem>>, %arg12: memref<2000x128xf32, #tpu.memory_space<vmem>>) attributes {dimension_semantics = [#tpu.dimension_semantics<arbitrary>], iteration_bounds = array<i64: 5>, scalar_prefetch = 0 : i64, scratch_operands = 0 : i64, tpu.core_type = #tpu.core_type<tc>, window_params = [{transform_indices = @transform_0, window_bounds = array<i64: 2000, 128>}, {transform_indices = @transform_1, window_bounds = array<i64: 2, 2000, 128>}, {pipeline_mode = #tpu.pipeline_mode<synchronous>, transform_indices = @transform_2, window_bounds = array<i64: 1, 1>}, {pipeline_mode = #tpu.pipeline_mode<synchronous>, transform_indices = @transform_3, window_bounds = array<i64: 128, 128>}, {pipeline_mode = #tpu.pipeline_mode<synchronous>, transform_indices = @transform_4, window_bounds = array<i64: 1, 128>}, {pipeline_mode = #tpu.pipeline_mode<synchronous>, transform_indices = @transform_5, window_bounds = array<i64: 1, 128>}, {pipeline_mode = #tpu.pipeline_mode<synchronous>, transform_indices = @transform_6, window_bounds = array<i64: 128, 128>}, {pipeline_mode = #tpu.pipeline_mode<synchronous>, transform_indices = @transform_7, window_bounds = array<i64: 1, 128>}, {pipeline_mode = #tpu.pipeline_mode<synchronous>, transform_indices = @transform_8, window_bounds = array<i64: 1, 128>}, {pipeline_mode = #tpu.pipeline_mode<synchronous>, transform_indices = @transform_9, window_bounds = array<i64: 1, 128>}, {pipeline_mode = #tpu.pipeline_mode<synchronous>, transform_indices = @transform_10, window_bounds = array<i64: 1, 128>}, {transform_indices = @transform_11, window_bounds = array<i64: 2000, 128>}]} {
    %get3A = arith.constant 0 : index
    %get3A_0 = arith.constant 0 : index
    %get3A_1 = vector.load %arg1[%get3A, %get3A_0] : memref<2000x128xf32, #tpu.memory_space<vmem>>, vector<2000x128xf32>
    %get3A_2 = arith.constant 0 : index
    %get3A_3 = arith.constant 0 : index
    %get3A_4 = vector.load %arg3[%get3A_2, %get3A_3] : memref<1x1xf32, #tpu.memory_space<vmem>>, vector<1x1xf32>
    %get3A_5 = vector.extract %get3A_4[0, 0] : f32 from vector<1x1xf32>
    %add3A = arith.constant 1.000000e+00 : f32
    %add3A_6 = arith.addf %add3A, %get3A_5 : f32
    %mul3A = vector.broadcast %add3A_6 : f32 to vector<2000x128xf32>
    %mul3A_7 = arith.mulf %mul3A, %get3A_1 : vector<2000x128xf32>
    %get3A_8 = arith.constant 0 : index
    %get3A_9 = arith.constant 0 : index
    %get3A_10 = arith.constant 0 : index
    %get3A_11 = vector.load %arg2[%get3A_8, %get3A_9, %get3A_10] : memref<2x2000x128xf32, #tpu.memory_space<vmem>>, vector<1x2000x128xf32>
    %get3A_12 = vector.shape_cast %get3A_11 : vector<1x2000x128xf32> to vector<2000x128xf32>
    %add3A_13 = arith.addf %mul3A_7, %get3A_12 : vector<2000x128xf32>
    %get3A_14 = arith.constant 1 : index
    %get3A_15 = arith.constant 0 : index
    %get3A_16 = arith.constant 0 : index
    %get3A_17 = vector.load %arg2[%get3A_14, %get3A_15, %get3A_16] : memref<2x2000x128xf32, #tpu.memory_space<vmem>>, vector<1x2000x128xf32>
    %get3A_18 = vector.shape_cast %get3A_17 : vector<1x2000x128xf32> to vector<2000x128xf32>
    %add3A_19 = arith.addf %add3A_13, %get3A_18 : vector<2000x128xf32>
    %get3A_20 = arith.constant 0 : index
    %get3A_21 = arith.constant 0 : index
    %get3A_22 = vector.load %arg4[%get3A_20, %get3A_21] : memref<128x128xf32, #tpu.memory_space<vmem>>, vector<128x128xf32>
    %dot_general3A = arith.constant dense<0.000000e+00> : vector<2000x128xf32>
    %dot_general3A_23 = tpu.matmul %add3A_19, %get3A_22, %dot_general3A {dimension_numbers = #tpu.dot_dimension_numbers<[1], [0], [0], [1], [0, 0, 1, 1], [], []>, transpose_lhs_hint = false} : vector<2000x128xf32>, vector<128x128xf32>, vector<2000x128xf32> -> vector<2000x128xf32>
    %get3A_24 = arith.constant 0 : index
    %get3A_25 = arith.constant 0 : index
    %get3A_26 = vector.load %arg5[%get3A_24, %get3A_25] : memref<1x128xf32, #tpu.memory_space<vmem>>, vector<1x128xf32>
    %mul3A_27 = vector.broadcast %get3A_26 : vector<1x128xf32> to vector<2000x128xf32>
    %mul3A_28 = arith.mulf %dot_general3A_23, %mul3A_27 : vector<2000x128xf32>
    %get3A_29 = arith.constant 0 : index
    %get3A_30 = arith.constant 0 : index
    %get3A_31 = vector.load %arg6[%get3A_29, %get3A_30] : memref<1x128xf32, #tpu.memory_space<vmem>>, vector<1x128xf32>
    %add3A_32 = vector.broadcast %get3A_31 : vector<1x128xf32> to vector<2000x128xf32>
    %add3A_33 = arith.addf %mul3A_28, %add3A_32 : vector<2000x128xf32>
    %max3A = arith.constant 0.000000e+00 : f32
    %max3A_34 = vector.broadcast %max3A : f32 to vector<2000x128xf32>
    %max3A_35 = arith.maximumf %add3A_33, %max3A_34 : vector<2000x128xf32>
    %get3A_36 = arith.constant 0 : index
    %get3A_37 = arith.constant 0 : index
    %get3A_38 = vector.load %arg7[%get3A_36, %get3A_37] : memref<128x128xf32, #tpu.memory_space<vmem>>, vector<128x128xf32>
    %dot_general3A_39 = arith.constant dense<0.000000e+00> : vector<2000x128xf32>
    %dot_general3A_40 = tpu.matmul %max3A_35, %get3A_38, %dot_general3A_39 {dimension_numbers = #tpu.dot_dimension_numbers<[1], [0], [0], [1], [0, 0, 1, 1], [], []>, transpose_lhs_hint = false} : vector<2000x128xf32>, vector<128x128xf32>, vector<2000x128xf32> -> vector<2000x128xf32>
    %get3A_41 = arith.constant 0 : index
    %get3A_42 = arith.constant 0 : index
    %get3A_43 = vector.load %arg8[%get3A_41, %get3A_42] : memref<1x128xf32, #tpu.memory_space<vmem>>, vector<1x128xf32>
    %mul3A_44 = vector.broadcast %get3A_43 : vector<1x128xf32> to vector<2000x128xf32>
    %mul3A_45 = arith.mulf %dot_general3A_40, %mul3A_44 : vector<2000x128xf32>
    %get3A_46 = arith.constant 0 : index
    %get3A_47 = arith.constant 0 : index
    %get3A_48 = vector.load %arg9[%get3A_46, %get3A_47] : memref<1x128xf32, #tpu.memory_space<vmem>>, vector<1x128xf32>
    %add3A_49 = vector.broadcast %get3A_48 : vector<1x128xf32> to vector<2000x128xf32>
    %add3A_50 = arith.addf %mul3A_45, %add3A_49 : vector<2000x128xf32>
    %max3A_51 = arith.constant 0.000000e+00 : f32
    %max3A_52 = vector.broadcast %max3A_51 : f32 to vector<2000x128xf32>
    %max3A_53 = arith.maximumf %add3A_50, %max3A_52 : vector<2000x128xf32>
    %get3A_54 = arith.constant 0 : index
    %get3A_55 = arith.constant 0 : index
    %get3A_56 = vector.load %arg10[%get3A_54, %get3A_55] : memref<1x128xf32, #tpu.memory_space<vmem>>, vector<1x128xf32>
    %mul3A_57 = vector.broadcast %get3A_56 : vector<1x128xf32> to vector<2000x128xf32>
    %mul3A_58 = arith.mulf %max3A_53, %mul3A_57 : vector<2000x128xf32>
    %get3A_59 = arith.constant 0 : index
    %get3A_60 = arith.constant 0 : index
    %get3A_61 = vector.load %arg11[%get3A_59, %get3A_60] : memref<1x128xf32, #tpu.memory_space<vmem>>, vector<1x128xf32>
    %add3A_62 = vector.broadcast %get3A_61 : vector<1x128xf32> to vector<2000x128xf32>
    %add3A_63 = arith.addf %mul3A_58, %add3A_62 : vector<2000x128xf32>
    %max3A_64 = arith.constant 0.000000e+00 : f32
    %max3A_65 = vector.broadcast %max3A_64 : f32 to vector<2000x128xf32>
    %max3A_66 = arith.maximumf %add3A_63, %max3A_65 : vector<2000x128xf32>
    %add3A_67 = arith.addf %max3A_66, %get3A_1 : vector<2000x128xf32>
    %swap3A = arith.constant 0 : index
    %swap3A_68 = arith.constant 0 : index
    %swap3A_69 = vector.load %arg12[%swap3A, %swap3A_68] : memref<2000x128xf32, #tpu.memory_space<vmem>>, vector<2000x128xf32>
    tpu.vector_store %arg12[%swap3A, %swap3A_68], %add3A_67 {strides = array<i32>} : memref<2000x128xf32, #tpu.memory_space<vmem>>, vector<2000x128xf32>,
    return
  }
  func.func @transform_0(%arg0: i32) -> (i32, i32) {
    %c0_i32 = arith.constant 0 : i32
    %c0_i32_0 = arith.constant 0 : i32
    return %arg0, %c0_i32 : i32, i32
  }
  func.func @transform_1(%arg0: i32) -> (i32, i32, i32) {
    %c0_i32 = arith.constant 0 : i32
    %c0_i32_0 = arith.constant 0 : i32
    %c0_i32_1 = arith.constant 0 : i32
    return %c0_i32, %arg0, %c0_i32_0 : i32, i32, i32
  }
  func.func @transform_2(%arg0: i32) -> (i32, i32) {
    %c0_i32 = arith.constant 0 : i32
    %c0_i32_0 = arith.constant 0 : i32
    %c0_i32_1 = arith.constant 0 : i32
    return %c0_i32, %c0_i32_0 : i32, i32
  }
  func.func @transform_3(%arg0: i32) -> (i32, i32) {
    %c0_i32 = arith.constant 0 : i32
    %c0_i32_0 = arith.constant 0 : i32
    %c0_i32_1 = arith.constant 0 : i32
    return %c0_i32, %c0_i32_0 : i32, i32
  }
  func.func @transform_4(%arg0: i32) -> (i32, i32) {
    %c0_i32 = arith.constant 0 : i32
    %c0_i32_0 = arith.constant 0 : i32
    %c0_i32_1 = arith.constant 0 : i32
    return %c0_i32, %c0_i32_0 : i32, i32
  }
  func.func @transform_5(%arg0: i32) -> (i32, i32) {
    %c0_i32 = arith.constant 0 : i32
    %c0_i32_0 = arith.constant 0 : i32
    %c0_i32_1 = arith.constant 0 : i32
    return %c0_i32, %c0_i32_0 : i32, i32
  }
  func.func @transform_6(%arg0: i32) -> (i32, i32) {
    %c0_i32 = arith.constant 0 : i32
    %c0_i32_0 = arith.constant 0 : i32
    %c0_i32_1 = arith.constant 0 : i32
    return %c0_i32, %c0_i32_0 : i32, i32
  }
  func.func @transform_7(%arg0: i32) -> (i32, i32) {
    %c0_i32 = arith.constant 0 : i32
    %c0_i32_0 = arith.constant 0 : i32
    %c0_i32_1 = arith.constant 0 : i32
    return %c0_i32, %c0_i32_0 : i32, i32
  }
  func.func @transform_8(%arg0: i32) -> (i32, i32) {
    %c0_i32 = arith.constant 0 : i32
    %c0_i32_0 = arith.constant 0 : i32
    %c0_i32_1 = arith.constant 0 : i32
    return %c0_i32, %c0_i32_0 : i32, i32
  }
  func.func @transform_9(%arg0: i32) -> (i32, i32) {
    %c0_i32 = arith.constant 0 : i32
    %c0_i32_0 = arith.constant 0 : i32
    %c0_i32_1 = arith.constant 0 : i32
    return %c0_i32, %c0_i32_0 : i32, i32
  }
  func.func @transform_10(%arg0: i32) -> (i32, i32) {
    %c0_i32 = arith.constant 0 : i32
    %c0_i32_0 = arith.constant 0 : i32
    %c0_i32_1 = arith.constant 0 : i32
    return %c0_i32, %c0_i32_0 : i32, i32
  }
  func.func @transform_11(%arg0: i32) -> (i32, i32) {
    %c0_i32 = arith.constant 0 : i32
    %c0_i32_0 = arith.constant 0 : i32
    return %arg0, %c0_i32 : i32, i32
  }
}

module attributes {stable_mosaic.version = 14 : i64} {
  func.func @_head_body(%arg0: i32, %arg1: memref<2000x128xf32, #tpu.memory_space<vmem>>, %arg2: memref<2000x128xf32, #tpu.memory_space<vmem>>, %arg3: memref<2000x128xf32, #tpu.memory_space<vmem>>, %arg4: memref<128x128xf32, #tpu.memory_space<vmem>>, %arg5: memref<128x128xf32, #tpu.memory_space<vmem>>, %arg6: memref<128x128xf32, #tpu.memory_space<vmem>>, %arg7: memref<1x128xf32, #tpu.memory_space<vmem>>, %arg8: memref<128x128xf32, #tpu.memory_space<vmem>>, %arg9: memref<1x128xf32, #tpu.memory_space<vmem>>, %arg10: memref<2000x128xf32, #tpu.memory_space<vmem>>) attributes {dimension_semantics = [#tpu.dimension_semantics<arbitrary>], iteration_bounds = array<i64: 5>, scalar_prefetch = 0 : i64, scratch_operands = 0 : i64, tpu.core_type = #tpu.core_type<tc>, window_params = [{transform_indices = @transform_0, window_bounds = array<i64: 2000, 128>}, {transform_indices = @transform_1, window_bounds = array<i64: 2000, 128>}, {transform_indices = @transform_2, window_bounds = array<i64: 2000, 128>}, {pipeline_mode = #tpu.pipeline_mode<synchronous>, transform_indices = @transform_3, window_bounds = array<i64: 128, 128>}, {pipeline_mode = #tpu.pipeline_mode<synchronous>, transform_indices = @transform_4, window_bounds = array<i64: 128, 128>}, {pipeline_mode = #tpu.pipeline_mode<synchronous>, transform_indices = @transform_5, window_bounds = array<i64: 128, 128>}, {pipeline_mode = #tpu.pipeline_mode<synchronous>, transform_indices = @transform_6, window_bounds = array<i64: 1, 128>}, {pipeline_mode = #tpu.pipeline_mode<synchronous>, transform_indices = @transform_7, window_bounds = array<i64: 128, 128>}, {pipeline_mode = #tpu.pipeline_mode<synchronous>, transform_indices = @transform_8, window_bounds = array<i64: 1, 128>}, {transform_indices = @transform_9, window_bounds = array<i64: 2000, 128>}]} {
    %get3A = arith.constant 0 : index
    %get3A_0 = arith.constant 0 : index
    %get3A_1 = vector.load %arg1[%get3A, %get3A_0] : memref<2000x128xf32, #tpu.memory_space<vmem>>, vector<2000x128xf32>
    %get3A_2 = arith.constant 0 : index
    %get3A_3 = arith.constant 0 : index
    %get3A_4 = vector.load %arg4[%get3A_2, %get3A_3] : memref<128x128xf32, #tpu.memory_space<vmem>>, vector<128x128xf32>
    %dot_general3A = arith.constant dense<0.000000e+00> : vector<2000x128xf32>
    %dot_general3A_5 = tpu.matmul %get3A_1, %get3A_4, %dot_general3A {dimension_numbers = #tpu.dot_dimension_numbers<[1], [0], [0], [1], [0, 0, 1, 1], [], []>, transpose_lhs_hint = false} : vector<2000x128xf32>, vector<128x128xf32>, vector<2000x128xf32> -> vector<2000x128xf32>
    %get3A_6 = arith.constant 0 : index
    %get3A_7 = arith.constant 0 : index
    %get3A_8 = vector.load %arg2[%get3A_6, %get3A_7] : memref<2000x128xf32, #tpu.memory_space<vmem>>, vector<2000x128xf32>
    %get3A_9 = arith.constant 0 : index
    %get3A_10 = arith.constant 0 : index
    %get3A_11 = vector.load %arg5[%get3A_9, %get3A_10] : memref<128x128xf32, #tpu.memory_space<vmem>>, vector<128x128xf32>
    %dot_general3A_12 = arith.constant dense<0.000000e+00> : vector<2000x128xf32>
    %dot_general3A_13 = tpu.matmul %get3A_8, %get3A_11, %dot_general3A_12 {dimension_numbers = #tpu.dot_dimension_numbers<[1], [0], [0], [1], [0, 0, 1, 1], [], []>, transpose_lhs_hint = false} : vector<2000x128xf32>, vector<128x128xf32>, vector<2000x128xf32> -> vector<2000x128xf32>
    %add3A = arith.addf %dot_general3A_5, %dot_general3A_13 : vector<2000x128xf32>
    %get3A_14 = arith.constant 0 : index
    %get3A_15 = arith.constant 0 : index
    %get3A_16 = vector.load %arg3[%get3A_14, %get3A_15] : memref<2000x128xf32, #tpu.memory_space<vmem>>, vector<2000x128xf32>
    %get3A_17 = arith.constant 0 : index
    %get3A_18 = arith.constant 0 : index
    %get3A_19 = vector.load %arg6[%get3A_17, %get3A_18] : memref<128x128xf32, #tpu.memory_space<vmem>>, vector<128x128xf32>
    %dot_general3A_20 = arith.constant dense<0.000000e+00> : vector<2000x128xf32>
    %dot_general3A_21 = tpu.matmul %get3A_16, %get3A_19, %dot_general3A_20 {dimension_numbers = #tpu.dot_dimension_numbers<[1], [0], [0], [1], [0, 0, 1, 1], [], []>, transpose_lhs_hint = false} : vector<2000x128xf32>, vector<128x128xf32>, vector<2000x128xf32> -> vector<2000x128xf32>
    %add3A_22 = arith.addf %add3A, %dot_general3A_21 : vector<2000x128xf32>
    %get3A_23 = arith.constant 0 : index
    %get3A_24 = arith.constant 0 : index
    %get3A_25 = vector.load %arg7[%get3A_23, %get3A_24] : memref<1x128xf32, #tpu.memory_space<vmem>>, vector<1x128xf32>
    %add3A_26 = vector.broadcast %get3A_25 : vector<1x128xf32> to vector<2000x128xf32>
    %add3A_27 = arith.addf %add3A_22, %add3A_26 : vector<2000x128xf32>
    %max3A = arith.constant 0.000000e+00 : f32
    %max3A_28 = vector.broadcast %max3A : f32 to vector<2000x128xf32>
    %max3A_29 = arith.maximumf %add3A_27, %max3A_28 : vector<2000x128xf32>
    %get3A_30 = arith.constant 0 : index
    %get3A_31 = arith.constant 0 : index
    %get3A_32 = vector.load %arg8[%get3A_30, %get3A_31] : memref<128x128xf32, #tpu.memory_space<vmem>>, vector<128x128xf32>
    %dot_general3A_33 = arith.constant dense<0.000000e+00> : vector<2000x128xf32>
    %dot_general3A_34 = tpu.matmul %max3A_29, %get3A_32, %dot_general3A_33 {dimension_numbers = #tpu.dot_dimension_numbers<[1], [0], [0], [1], [0, 0, 1, 1], [], []>, transpose_lhs_hint = false} : vector<2000x128xf32>, vector<128x128xf32>, vector<2000x128xf32> -> vector<2000x128xf32>
    %get3A_35 = arith.constant 0 : index
    %get3A_36 = arith.constant 0 : index
    %get3A_37 = vector.load %arg9[%get3A_35, %get3A_36] : memref<1x128xf32, #tpu.memory_space<vmem>>, vector<1x128xf32>
    %add3A_38 = vector.broadcast %get3A_37 : vector<1x128xf32> to vector<2000x128xf32>
    %add3A_39 = arith.addf %dot_general3A_34, %add3A_38 : vector<2000x128xf32>
    %iota3A = tpu.iota {dimensions = array<i32: 1>} : vector<2000x128xi32>
    %lt3A = arith.constant 2 : i32
    %lt3A_40 = vector.broadcast %lt3A : i32 to vector<2000x128xi32>
    %lt3A_41 = arith.cmpi slt, %iota3A, %lt3A_40 : vector<2000x128xi32>
    %jit3A = arith.constant -1.000000e+30 : f32
    %broadcast_in_dim3A = vector.broadcast %jit3A : f32 to vector<2000x128xf32>
    %select_n3A = arith.select %lt3A_41, %add3A_39, %broadcast_in_dim3A : vector<2000x128xi1>, vector<2000x128xf32>
    %reduce_max3A = arith.constant dense<0xFF800000> : vector<2000xf32>
    %reduce_max3A_42 = vector.multi_reduction <maximumf>, %select_n3A, %reduce_max3A [1] : vector<2000x128xf32> to vector<2000xf32>
    %broadcast_in_dim3A_43 = vector.shape_cast %reduce_max3A_42 : vector<2000xf32> to vector<2000x1xf32>
    %sub3A = vector.broadcast %broadcast_in_dim3A_43 : vector<2000x1xf32> to vector<2000x128xf32>
    %sub3A_44 = arith.subf %add3A_39, %sub3A : vector<2000x128xf32>
    %exp3A = math.exp %sub3A_44 : vector<2000x128xf32>
    %jit3A_45 = arith.constant 0.000000e+00 : f32
    %broadcast_in_dim3A_46 = vector.broadcast %jit3A_45 : f32 to vector<2000x128xf32>
    %select_n3A_47 = arith.select %lt3A_41, %exp3A, %broadcast_in_dim3A_46 : vector<2000x128xi1>, vector<2000x128xf32>
    %reduce_sum3A = arith.constant dense<0.000000e+00> : vector<2000xf32>
    %reduce_sum3A_48 = vector.multi_reduction <add>, %select_n3A_47, %reduce_sum3A [1] : vector<2000x128xf32> to vector<2000xf32>
    %broadcast_in_dim3A_49 = vector.shape_cast %reduce_sum3A_48 : vector<2000xf32> to vector<2000x1xf32>
    %log3A = math.log %broadcast_in_dim3A_49 : vector<2000x1xf32>
    %add3A_50 = arith.addf %broadcast_in_dim3A_43, %log3A : vector<2000x1xf32>
    %sub3A_51 = vector.broadcast %add3A_50 : vector<2000x1xf32> to vector<2000x128xf32>
    %sub3A_52 = arith.subf %add3A_39, %sub3A_51 : vector<2000x128xf32>
    %swap3A = arith.constant 0 : index
    %swap3A_53 = arith.constant 0 : index
    %swap3A_54 = vector.load %arg10[%swap3A, %swap3A_53] : memref<2000x128xf32, #tpu.memory_space<vmem>>, vector<2000x128xf32>
    tpu.vector_store %arg10[%swap3A, %swap3A_53], %sub3A_52 {strides = array<i32>} : memref<2000x128xf32, #tpu.memory_space<vmem>>, vector<2000x128xf32>,
    return
  }
  func.func @transform_0(%arg0: i32) -> (i32, i32) {
    %c0_i32 = arith.constant 0 : i32
    %c0_i32_0 = arith.constant 0 : i32
    return %arg0, %c0_i32 : i32, i32
  }
  func.func @transform_1(%arg0: i32) -> (i32, i32) {
    %c0_i32 = arith.constant 0 : i32
    %c0_i32_0 = arith.constant 0 : i32
    return %arg0, %c0_i32 : i32, i32
  }
  func.func @transform_2(%arg0: i32) -> (i32, i32) {
    %c0_i32 = arith.constant 0 : i32
    %c0_i32_0 = arith.constant 0 : i32
    return %arg0, %c0_i32 : i32, i32
  }
  func.func @transform_3(%arg0: i32) -> (i32, i32) {
    %c0_i32 = arith.constant 0 : i32
    %c0_i32_0 = arith.constant 0 : i32
    %c0_i32_1 = arith.constant 0 : i32
    return %c0_i32, %c0_i32_0 : i32, i32
  }
  func.func @transform_4(%arg0: i32) -> (i32, i32) {
    %c0_i32 = arith.constant 0 : i32
    %c0_i32_0 = arith.constant 0 : i32
    %c0_i32_1 = arith.constant 0 : i32
    return %c0_i32, %c0_i32_0 : i32, i32
  }
  func.func @transform_5(%arg0: i32) -> (i32, i32) {
    %c0_i32 = arith.constant 0 : i32
    %c0_i32_0 = arith.constant 0 : i32
    %c0_i32_1 = arith.constant 0 : i32
    return %c0_i32, %c0_i32_0 : i32, i32
  }
  func.func @transform_6(%arg0: i32) -> (i32, i32) {
    %c0_i32 = arith.constant 0 : i32
    %c0_i32_0 = arith.constant 0 : i32
    %c0_i32_1 = arith.constant 0 : i32
    return %c0_i32, %c0_i32_0 : i32, i32
  }
  func.func @transform_7(%arg0: i32) -> (i32, i32) {
    %c0_i32 = arith.constant 0 : i32
    %c0_i32_0 = arith.constant 0 : i32
    %c0_i32_1 = arith.constant 0 : i32
    return %c0_i32, %c0_i32_0 : i32, i32
  }
  func.func @transform_8(%arg0: i32) -> (i32, i32) {
    %c0_i32 = arith.constant 0 : i32
    %c0_i32_0 = arith.constant 0 : i32
    %c0_i32_1 = arith.constant 0 : i32
    return %c0_i32, %c0_i32_0 : i32, i32
  }
  func.func @transform_9(%arg0: i32) -> (i32, i32) {
    %c0_i32 = arith.constant 0 : i32
    %c0_i32_0 = arith.constant 0 : i32
    return %arg0, %c0_i32 : i32, i32
  }
}

</mosaic_0001>

<sc_bundles>
// kernel: kernel.11.cloned.1.call-start
scs
__scs_entry_jumppad:
0x0: {  	(pc) =	sbr.rel $0x88, $3  }
0x1: {  	(tag) =	ssettag $0x0;
	lr =	simm.s32 $0x1  }
0x2: {  	[smem:$0x3F7E] =	sst lr;
	_ =	strace $0xD0000000  }
0x3: {  	_ = 	snop  }
0x4: {  	_ = 	snop  }
0x5: {  	_ = 	snop  }
0x6: {  	_ = 	snop  }
0x7: {  	_ = 	snop  }
__scs_overlays_trampoline_lowered:
0x8: {  	[smem:$0x3F8D] =	sst s0  }
0x9: {  	[smem:$0x3F8E] =	sst s1  }
0xa: {  	[smem:$0x3F8F] =	sst s2  }
0xb: {  	[smem:$0x3F90] =	sst s3  }
0xc: {  	[smem:$0x3F91] =	sst s4  }
0xd: {  	[smem:$0x3F92] =	sst s5  }
0xe: {  	[smem:$0x3F93] =	sst s6  }
0xf: {  	[smem:$0x3F94] =	sst s7  }
0x10: {  	[smem:$0x3F95] =	sst s8  }
0x11: {  	[smem:$0x3F96] =	sst s9;
	s0 =	simm.s32 @!p0 $0x0  }
0x12: {  	s1 =	sld [smem:$0x3F7C];
	s0 =	simm.s32 @p0 $0x1  }
0x13: {  	[smem:$0x3F97] =	sst s0;
	s0 =	simm.s32 @!p1 $0x0  }
0x14: {  	s2 =	sld [smem:$0x3F7B];
	s0 =	simm.s32 @p1 $0x1  }
0x15: {  	[smem:$0x3F98] =	sst s0;
	s0 =	simm.s32 @!p2 $0x0  }
0x16: {  	s3 =	sld [smem:$0x3FDB];
	s0 =	simm.s32 @p2 $0x1  }
0x17: {  	s4 =	simm.s32 $0x1BF5;
	[smem:$0x3F9A] =	sst s0  }
0x18: {  	s0 =	sld [smem:$0x3F7D];
	_ =	swait.ge [sflag:s4], $0x0  }
0x19: {  	s7 =	sld [smem:$0x3F7E]  }
0x1a: {  	s8 =	sadd.s32 $0xFFFFE003, lr  }
0x1b: {  	s9 =	sadd.s32 $0xFFFFFEF7, lr;
	s5 =	simm.s32 $0xFFFFFFFF;
	p2 =	slt.u32 s8, $0xFFFFF086  }
0x1c: {  	p1 =	slt.u32 s9, $0xF7A;
	s5 =	simm.s32 @!p2 $0x0  }
0x1d: {  	s5 =	simm.s32 @p1 $0x1;
	p0 =	seq.s32 s7, s2  }
0x1e: {  	s7 =	smul.u32 @!p0 $0xF7A, s2;
	p2 =	seq.s32 @!p0 s5, $0x0  }
0x1f: {  	s9 =	smul.u32 $0xF7A, s1;
	s8 =	simm.s32 @!p0 $0x1BF5;
	p2 =	por !p2, p0  }
0x20: {  	[sflag:s8] =	ssyncset.s32 @!p0 $0xFFFFF086;
	s6 =	sadd.s32 @!p0 s3, s7;
	s7 =	simm.s32 @!p0 $0x108  }
0x21: {  	s3 =	sadd.s32 s3, s9;
	s6 =	sadd.s32 @!p0 $0x88, s6;
	s7 =	simm.s32 @p2 $0x1082  }
0x22: {  	[simem:s7], [sflag:s8] =	dma.local @!p0 [hbm:s6], $0xF7A  }
0x23: {  	s9 =	sor.u32 $0xD0000000, s2;
	s6 =	simm.s32 $0x108;
	_ =	swait.ge @!p0 [sflag:s8], $0x0  }
0x24: {  	s3 =	sadd.s32 $0x88, s3;
	s6 =	simm.s32 @!p1 $0x1082;
	[sflag:s4] =	ssyncset.s32 $0xFFFFF086  }
0x25: {  	[simem:s6], [sflag:s4] =	dma.local [hbm:s3], $0xF7A  }
0x26: {  	[smem:$0x3F7E] =	sst s1;
	(tag) =	ssettag s2;
	_ =	strace s9  }
0x27: {  	s1 =	sld [smem:$0x3F8E]  }
0x28: {  	s2 =	sld [smem:$0x3F8F]  }
0x29: {  	s4 =	sld [smem:$0x3F91]  }
0x2a: {  	p0 =	seq.s32 s5, $0x0;
	s5 =	sld [smem:$0x3F92]  }
0x2b: {  	s6 =	sld [smem:$0x3F93]  }
0x2c: {  	s7 =	sld [smem:$0x3F94]  }
0x2d: {  	s3 =	simm.s32 $0x108;
	s8 =	sld [smem:$0x3F95]  }
0x2e: {  	s3 =	simm.s32 @!p0 $0x1082;
	s9 =	sld [smem:$0x3F96]  }
0x2f: {  	lr =	sadd.s32 s0, s3;
	s0 =	sld [smem:$0x3F8D]  }
0x30: {  	s3 =	sld [smem:$0x3F90]  }
0x31: {  	[smem:$0x3F99] =	sst s10  }
0x32: {  	s10 =	sld [smem:$0x3F97];
	_ =	sdelay $0x3  }
0x33: {  	p0 =	seq.s32 s10, $0x1;
	s10 =	sld [smem:$0x3F99];
	_ =	sdelay $0x3  }
0x34: {  	[smem:$0x3F99] =	sst s10  }
0x35: {  	s10 =	sld [smem:$0x3F98];
	_ =	sdelay $0x3  }
0x36: {  	p1 =	seq.s32 s10, $0x1;
	s10 =	sld [smem:$0x3F99];
	_ =	sdelay $0x3  }
0x37: {  	[smem:$0x3F99] =	sst s10  }
0x38: {  	s10 =	sld [smem:$0x3F9A]  }
0x39: {  	_ = 	snop;
	(pc) =	sbr.ind lr, $3  }
0x3a: {  	_ = 	snop  }
0x3b: {  	_ = 	snop  }
0x3c: {  	p2 =	seq.s32 s10, $0x1;
	s10 =	sld [smem:$0x3F99]  }
0x3d: {  	_ =	shalt  }
0x3e: {  	_ =	shalt  }
0x3f: {  	_ =	shalt  }
0x40: {  	_ =	shalt  }
0x41: {  	_ =	shalt  }
0x42: {  	_ =	shalt  }
0x43: {  	_ =	shalt  }
0x44: {  	_ =	shalt  }
0x45: {  	_ =	shalt  }
0x46: {  	_ =	shalt  }
0x47: {  	_ =	shalt  }
0x48: {  	_ =	shalt  }
0x49: {  	_ =	shalt  }
0x4a: {  	_ =	shalt  }
0x4b: {  	_ =	shalt  }
0x4c: {  	_ =	shalt  }
0x4d: {  	_ =	shalt  }
0x4e: {  	_ =	shalt  }
0x4f: {  	_ =	shalt  }
0x50: {  	_ =	shalt  }
0x51: {  	_ =	shalt  }
0x52: {  	_ =	shalt  }
0x53: {  	_ =	shalt  }
0x54: {  	_ =	shalt  }
0x55: {  	_ =	shalt  }
0x56: {  	_ =	shalt  }
0x57: {  	_ =	shalt  }
0x58: {  	_ =	shalt  }
0x59: {  	_ =	shalt  }
0x5a: {  	_ =	shalt  }
0x5b: {  	_ =	shalt  }
0x5c: {  	_ =	shalt  }
0x5d: {  	_ =	shalt  }
0x5e: {  	_ =	shalt  }
0x5f: {  	_ =	shalt  }
0x60: {  	_ =	shalt  }
0x61: {  	_ =	shalt  }
0x62: {  	_ =	shalt  }
0x63: {  	_ =	shalt  }
0x64: {  	_ =	shalt  }
0x65: {  	_ =	shalt  }
0x66: {  	_ =	shalt  }
0x67: {  	_ =	shalt  }
0x68: {  	_ =	shalt  }
0x69: {  	_ =	shalt  }
0x6a: {  	_ =	shalt  }
0x6b: {  	_ =	shalt  }
0x6c: {  	_ =	shalt  }
0x6d: {  	_ =	shalt  }
0x6e: {  	_ =	shalt  }
0x6f: {  	_ =	shalt  }
0x70: {  	_ =	shalt  }
0x71: {  	_ =	shalt  }
0x72: {  	_ =	shalt  }
0x73: {  	_ =	shalt  }
0x74: {  	_ =	shalt  }
0x75: {  	_ =	shalt  }
0x76: {  	_ =	shalt  }
0x77: {  	_ =	shalt  }
0x78: {  	_ =	shalt  }
0x79: {  	_ =	shalt  }
0x7a: {  	_ =	shalt  }
0x7b: {  	_ =	shalt  }
0x7c: {  	_ =	shalt  }
0x7d: {  	_ =	shalt  }
0x7e: {  	_ =	shalt  }
0x7f: {  	_ =	shalt  }
0x80: {  	_ =	shalt  }
0x81: {  	_ =	shalt  }
0x82: {  	_ =	shalt  }
0x83: {  	_ =	shalt  }
0x84: {  	_ =	shalt  }
0x85: {  	_ =	shalt  }
0x86: {  	_ =	shalt  }
0x87: {  	_ =	shalt  }
.Lfunc_end0:
.L_simem_size_0:
called_computation_lowered:
.L_overlay_start_0:
0x88: {  	s2 =	sld [smem:$0x3FD9]  }
0x89: {  	s3 =	sld [smem:$0x3FFE];
	_ =	sdelay $0x1  }
0x8a: {  	s1 =	srdreg.scid  }
0x8b: {  	s0 =	sand.u32 $0x1, s1  }
0x8c: {  	s17 =	sshll.u32 s0, $0xA;
	s2 =	sadd.s32 s3, s2  }
0x8d: {  	s2 =	sadd.s32 s2, s17  }
0x8e: {  	[smem:$0x3FA5] =	sst s2  }
0x8f: {  	_ = 	snop  }
0x90: {  	s18 =	sld [smem:$0x3FD0];
	(tm) =	ssettm $0x1  }
0x91: {  	s19 =	sld [smem:$0x3FFB];
	_ =	sdelay $0x3  }
0x92: {  	_ =	strace s19  }
0x93: {  	s2 =	sld [smem:$0x3FFC];
	_ =	sdelay $0x3  }
0x94: {  	_ =	strace s2  }
0x95: {  	s2 =	sld [smem:$0x3FFD];
	_ =	sdelay $0x3  }
0x96: {  	_ =	strace s2  }
0x97: {  	_ =	strace $0x8FFFFFFF  }
0x98: {  	s20 =	sld [smem:$0x3FDB];
	_ =	sdelay $0x1  }
0x99: {  	s4 =	simm.s32 $_scs_section_size  }
0x9a: {  	s5 =	simm.s32 $_size__tile_overlayer_lowered;
	s6 =	simm.s32 $_tile_overlayer_lowered  }
0x9b: {  	s7 =	simm.s32 $0x1BFF;
	s21 =	sshll.u32 s6, $0x1;
	s4 =	sadd.s32 s4, s20  }
0x9c: {  	s22 =	simm.s32 $0x0;
	s5 =	sshll.u32 s5, $0x1;
	s6 =	sadd.s32 s21, s4  }
0x9d: {  	[timem:s22], [sflag:s7] =	dma.local [hbm:s6], s5  }
0x9e: {  	_ =	swait.ge [sflag:s7], s5  }
0x9f: {  	s5 =	ssub.s32 $0x0, s5;
	[sflag:s7] =	ssyncset.done $0x0  }
0xa0: {  	[sflag:s7] =	ssyncadd.s32 s5;
	_ =	sdelay $0x1  }
0xa1: {  	s23 =	simm.s32 $0x1B8B  }
0xa2: {  	_ =	swait.ge [sflag:s23], $0x1  }
0xa3: {  	[sflag:s23] =	ssyncset.done $0x0  }
0xa4: {  	[sflag:s23] =	ssyncadd.s32 $0xFFFFFFFF  }
0xa5: {  	s5 =	sld [smem:$0x0]  }
0xa6: {  	s6 =	sand.u32 $0xFFFFFFFE, s1  }
0xa7: {  	p0 =	sne.s32 s1, s6  }
0xa8: {  	s6 =	sshll.u32 @p0 s6, $0xE  }
0xa9: {  	s6 =	sadd.s32 @p0 $0x11B8D, s6;
	s7 =	sshll.u32 @p0 s5, $0x11  }
0xaa: {  	s6 =	sor.u32 @p0 s7, s6  }
0xab: {  	[sflag:s6] =	ssyncadd.remote.s32 @p0 $0x1;
	_ =	sdelay $0x1  }
0xac: {  	s6 =	simm.s32 @p0 $0x1B8D  }
0xad: {  	_ =	swait.eq @p0 [sflag:s6], $0x1  }
0xae: {  	[sflag:s6] =	ssyncadd.s32 @p0 $0xFFFFFFFF  }
0xaf: {  	s7 =	sshll.u32 @!p0 s1, $0xE  }
0xb0: {  	s7 =	sor.u32 @!p0 $0x4000, s7;
	s6 =	simm.s32 @!p0 $0x1B8D  }
0xb1: {  	s5 =	sshll.u32 @!p0 s5, $0x11;
	s7 =	sadd.s32 @!p0 $0x11B8D, s7;
	_ =	swait.eq @!p0 [sflag:s6], $0x1  }
0xb2: {  	s5 =	sor.u32 @!p0 s5, s7;
	[sflag:s6] =	ssyncadd.s32 @!p0 $0xFFFFFFFF  }
0xb3: {  	s25 =	simm.s32 $0x1B8E;
	s24 =	sld [smem:$0x3FFE];
	[sflag:s5] =	ssyncadd.remote.s32 @!p0 $0x1  }
0xb4: {  	s26 =	simm.s32 $execute0_lowered;
	[smem:$0x3FD2] =	sst s25  }
0xb5: {  	s6 =	sshll.u32 s26, $0x1;
	_ =	strace $0x80000049;
	[dreg:$0x1] =	wrdreg $0xFFFFFFFF  }
0xb6: {  	s28 =	simm.s32 $_size_execute0_lowered;
	s4 =	sadd.s32 s4, s6;
	[dreg:$0x0] =	wrdreg $0x0  }
0xb7: {  	s6 =	sshll.u32 s28, $0x1;
	[dreg:$0x2] =	wrdreg s4  }
0xb8: {  	[dreg:$0x3] =	wrdreg s6  }
0xb9: {  	[dreg:$0x4] =	wrdreg $0xC0  }
0xba: {  	_ =	task [dreg:s22], $0x5FFFF  }
0xbb: {  	[dreg:$0x1] =	wrdreg $0xFFFFFFFF  }
0xbc: {  	[dreg:$0x0] =	wrdreg $0x60  }
0xbd: {  	[dreg:$0x2] =	wrdreg s24  }
0xbe: {  	[dreg:$0x3] =	wrdreg s18  }
0xbf: {  	[dreg:$0x4] =	wrdreg $0x16800  }
0xc0: {  	[dreg:$0x5] =	wrdreg $0x9  }
0xc1: {  	_ =	task.clear_ibuf [dreg:s22], $0x6FFFF;
	_ =	strace $0x90000049  }
0xc2: {  	s29 =	simm.s32 $0x9;
	_ =	strace $0x8000004B  }
0xc3: {  	_ =	swait.ge [sflag:s29], $0x1  }
0xc4: {  	[sflag:s29] =	ssyncadd.s32 $0xFFFFFFFF  }
0xc5: {  	_ =	strace $0x9000004B  }
0xc6: {  	_ =	sfence  }
0xc7: {  	s30 =	sld [smem:$0x0];
	_ =	sdelay $0x2  }
0xc8: {  	s31 =	sshll.u32 s1, $0xD;
	s1 =	sshrl.u32 s1, $0x2  }
0xc9: {  	s4 =	sand.u32 $0x4000, s31;
	s1 =	sadd.s32 s1, s30  }
0xca: {  	s0 =	sor.u32 s4, s0;
	s1 =	sshll.u32 s1, $0x11  }
0xcb: {  	s0 =	sor.u32 s1, s0  }
0xcc: {  	s0 =	sadd.s32 $0x8F2B, s0  }
0xcd: {  	[sflag:s0] =	ssyncadd.remote.s32 $0x1  }
0xce: {  	_ =	sfence.sel $0xFFFF  }
0xcf: {  	[dreg:$0x0] =	wrdreg $0xFFFFFFFF;
	(pc) =	sbr.abs _section_cstart, $3  }
0xd0: {  	[dreg:$0x1] =	wrdreg $0xFFFFFFFF  }
0xd1: {  	_ =	task.clear_ibuf [dreg:s22], $0x2FFFF;
	_ =	strace $0x9FFFFFFF  }
0xd2: {  	(tm) =	ssettm $0x7FFFFFFF  }
0xd3: {  	_ =	shalt  }
tec
execute0_lowered:
.L_overlay_start_1:
0x0: {  	(tag) =	ssettag $0x1  }
0x1: {  	s0 =	rddreg [dreg:$0x0]  }
0x2: {  	s3 =	rddreg [dreg:$0x2];
	s4 =	simm.s32 $0x0  }
0x3: {  	s16 =	stileid.u32;
	s2 =	srdreg.scid;
	s15 =	simm.s32 $0x280  }
0x4: {  	s28 =	simm.s32 $0x3;
	s29 =	simm.s32 $0x4;
	s1 =	smul.u32 $0x2780, s16  }
0x5: {  	s30 =	simm.s32 $0x5;
	[smem:$0x7FF] =	sst s4;
	s5 =	smul.u32 $0x4F000, s16  }
0x6: {  	s14 =	sadd.s32 $0x6000, s0;
	s2 =	sand.u32 $0x1, s2;
	s10 =	smul.u32 $0x13C00, s16  }
0x7: {  	s8 =	sadd.s32 $0xB6200, s0;
	s11 =	smul.u32 $0x4E20, s16;
	p0 =	seq.s32 s16, $0xF  }
0x8: {  	s31 =	simm.s32 $0x0;
	_ =	strace $0x8000004A;
	s7 =	smul.u32 $0x138800, s2  }
0x9: {  	s6 =	ssub.s32 $0x2, s2;
	s17 =	smul.u32 $0x2710, s2;
	s2 =	sadd.s32 $0x128400, s3  }
0xa: {  	s1 =	sadd.s32 s1, s0;
	s9 =	sshrl.u32 s6, $0x1;
	s5 =	sshrl.u32 s5, $0x2  }
0xb: {  	s9 =	ssub.s32 s6, s9;
	s19 =	sadd.s32 s5, s3;
	s1 =	sadd.s32 $0x40E00, s1  }
0xc: {  	s6 =	sadd.s32 $0x65E80, s0;
	s18 =	sadd.s32 s10, s7;
	s20 =	sshrl.u32 s7, $0x3  }
0xd: {  	[dreg:$0x4] =	wrdreg s1;
	s0 =	sshrl.u32 s18, $0x3;
	s1 =	sadd.s32 s17, s11  }
0xe: {  	s21 =	sadd.s32 s8, s20;
	s9 =	smax.u32 s9, $0x1;
	s17 =	sshrl.u32 @p0 s2, $0x3  }
0xf: {  	s19 =	sshrl.u32 @!p0 s19, $0x3;
	s20 =	simm.s32 $0x28;
	s7 =	sadd.s32 s8, s0  }
0x10: {  	s22 =	sadd.s32 $0xA0, s1;
	s8 =	sadd.s32 $0x25080, s21;
	s24 =	sadd.s32 $0x78, s1  }
0x11: {  	s11 =	sadd.s32 $0x50, s1;
	s13 =	sadd.s32 $0x28, s1;
	s26 =	sshrl.u32 s1, $0x3  }
0x12: {  	s21 =	simm.s32 $0x80;
	s23 =	sshrl.u32 s22, $0x3;
	s0 =	sshrl.u32 s24, $0x3  }
0x13: {  	s12 =	sshrl.u32 s11, $0x3;
	s25 =	sshrl.u32 s13, $0x3;
	s22 =	simm.s32 $0x100  }
0x14: {  	s24 =	simm.s32 $0x200;
	s10 =	sadd.s32 s23, s14;
	s11 =	sadd.s32 s0, s14  }
0x15: {  	s12 =	sadd.s32 s12, s14;
	s13 =	sadd.s32 s25, s14;
	s14 =	sadd.s32 s26, s14  }
0x16: {  	s0 =	sshll.u32 @!p0 s16, $0x6;
	s16 =	simm.s32 $0x6;
	s23 =	simm.s32 $0x180  }
0x17: {  	s25 =	simm.s32 $0x1;
	s26 =	simm.s32 $0x2;
	s18 =	sor.u32 @!p0 $0x1C06, s0  }
.LBB2_1:
0x18: {  	s0 =	rddreg [dreg:$0x1]  }
0x19: {  	[tilespmem:s15], [sflag:$0x6] =	stream.linear.gather [hbm4b:s0+s4], $0x1400, $0x38;
	[tilespmem:$0x14F00] =	vst v63  }
0x1a: {  	_ =	swait.ge [sflag:s16], $0x1400  }
0x1b: {  	[sflag:s16] =	ssyncset.done $0x0  }
0x1c: {  	s0 =	simm.s32 @p0 $0x1FC6;
	[sflag:s16] =	ssyncadd.s32 $0xFFFFEC00  }
0x1d: {  	[spmem:s17], [sflag:s0] =	dma.local @p0 [hbm:s6], $0x2080  }
0x1e: {  	s0 =	simm.s32 @p0 $0x6  }
0x1f: {  	_ =	swait.ge @p0 [sflag:s0], $0x2080  }
0x20: {  	[sflag:s0] =	ssyncset.done @p0 $0x0  }
0x21: {  	[sflag:s0] =	ssyncadd.s32 @p0 $0xFFFFDF80;
	s0 =	rddreg [dreg:$0x4]  }
0x22: {  	[spmem:s19], [sflag:s18] =	dma.local @!p0 [hbm:s0], $0x2780  }
0x23: {  	s0 =	simm.s32 @!p0 $0x6  }
0x24: {  	_ =	swait.ge @!p0 [sflag:s0], $0x2780  }
0x25: {  	[sflag:s0] =	ssyncset.done @!p0 $0x0  }
0x26: {  	p1 =	por $0x1, $0x1;
	[sflag:s0] =	ssyncadd.s32 @!p0 $0xFFFFD880  }
0x27: {  	s0 =	simm.s32 @!p1 $0x1;
	[bflag:$0x0] =	sbarrier.arrive $0xFFFF  }
0x28: {  	_ =	swait.ge @!p1 [sflag:s0], $0x1400  }
0x29: {  	[sflag:s0] =	ssyncset.done @!p1 $0x0  }
0x2a: {  	s2 =	sadd.s32 $0x0, s14;
	[sflag:s0] =	ssyncadd.s32 @!p1 $0xFFFFEC00  }
0x2b: {  	[tilespmem:s4], [sflag:$0x6] =	stream.linear.gather [hbm4b:s2+s4], $0x28, $0x38;
	[tilespmem:$0x14F00] =	vst v63  }
0x2c: {  	_ =	swait.ge [sflag:s16], $0x28  }
0x2d: {  	[sflag:s16] =	ssyncset.done $0x0  }
0x2e: {  	s0 =	simm.s32 @!p1 $0x2;
	[sflag:s16] =	ssyncadd.s32 $0xFFFFFFD8  }
0x2f: {  	[spmem:s3] =	stream.indirect.scatter.add.f32 [tilespmem:s15], [sflag:$0x1], $0x80, s4, s20, $0xb8;
	[tilespmem:$0x14F00] =	vst v63  }
0x30: {  	_ =	swait.ge @!p1 [sflag:s0], $0x1400  }
0x31: {  	[sflag:s0] =	ssyncset.done @!p1 $0x0  }
0x32: {  	s5 =	sadd.s32 $0x0, s13;
	[sflag:s0] =	ssyncadd.s32 @!p1 $0xFFFFEC00  }
0x33: {  	[tilespmem:s21], [sflag:$0x6] =	stream.linear.gather [hbm4b:s5+s4], $0x28, $0x38;
	[tilespmem:$0x14F00] =	vst v63  }
0x34: {  	_ =	swait.ge [sflag:s16], $0x28  }
0x35: {  	[sflag:s16] =	ssyncset.done $0x0  }
0x36: {  	s0 =	simm.s32 @!p1 $0x3;
	[sflag:s16] =	ssyncadd.s32 $0xFFFFFFD8  }
0x37: {  	[spmem:s3] =	stream.indirect.scatter.add.f32 [tilespmem:s15], [sflag:$0x2], $0x80, s21, s20, $0xb8;
	[tilespmem:$0x14F00] =	vst v63  }
0x38: {  	_ =	swait.ge @!p1 [sflag:s0], $0x1400  }
0x39: {  	[sflag:s0] =	ssyncset.done @!p1 $0x0  }
0x3a: {  	s1 =	sadd.s32 $0x0, s12;
	[sflag:s0] =	ssyncadd.s32 @!p1 $0xFFFFEC00  }
0x3b: {  	[tilespmem:s22], [sflag:$0x6] =	stream.linear.gather [hbm4b:s1+s4], $0x28, $0x38;
	[tilespmem:$0x14F00] =	vst v63  }
0x3c: {  	_ =	swait.ge [sflag:s16], $0x28  }
0x3d: {  	[sflag:s16] =	ssyncset.done $0x0  }
0x3e: {  	s0 =	simm.s32 @!p1 $0x4;
	[sflag:s16] =	ssyncadd.s32 $0xFFFFFFD8  }
0x3f: {  	[spmem:s3] =	stream.indirect.scatter.add.f32 [tilespmem:s15], [sflag:$0x3], $0x80, s22, s20, $0xb8;
	[tilespmem:$0x14F00] =	vst v63  }
0x40: {  	_ =	swait.ge @!p1 [sflag:s0], $0x1400  }
0x41: {  	[sflag:s0] =	ssyncset.done @!p1 $0x0  }
0x42: {  	s2 =	sadd.s32 $0x0, s11;
	[sflag:s0] =	ssyncadd.s32 @!p1 $0xFFFFEC00  }
0x43: {  	[tilespmem:s23], [sflag:$0x6] =	stream.linear.gather [hbm4b:s2+s4], $0x28, $0x38;
	[tilespmem:$0x14F00] =	vst v63  }
0x44: {  	_ =	swait.ge [sflag:s16], $0x28  }
0x45: {  	[sflag:s16] =	ssyncset.done $0x0  }
0x46: {  	s0 =	simm.s32 @!p1 $0x5;
	[sflag:s16] =	ssyncadd.s32 $0xFFFFFFD8  }
0x47: {  	[spmem:s3] =	stream.indirect.scatter.add.f32 [tilespmem:s15], [sflag:$0x4], $0x80, s23, s20, $0xb8;
	[tilespmem:$0x14F00] =	vst v63  }
0x48: {  	_ =	swait.ge @!p1 [sflag:s0], $0x1400  }
0x49: {  	[sflag:s0] =	ssyncset.done @!p1 $0x0  }
0x4a: {  	s5 =	sadd.s32 $0x0, s10;
	[sflag:s0] =	ssyncadd.s32 @!p1 $0xFFFFEC00  }
0x4b: {  	[tilespmem:s24], [sflag:$0x6] =	stream.linear.gather [hbm4b:s5+s4], $0x28, $0x38;
	[tilespmem:$0x14F00] =	vst v63  }
0x4c: {  	s2 =	simm.s32 $0x32;
	_ =	swait.ge [sflag:s16], $0x28  }
0x4d: {  	s0 =	simm.s32 $0x19;
	p1 =	por $0x0, $0x0;
	[sflag:s16] =	ssyncset.done $0x0  }
.LBB2_2:
0x4e: {  	s5 =	simm.s32 @!p1 $0x1  }
0x4f: {  	[sflag:s16] =	ssyncadd.s32 $0xFFFFFFD8;
	s1 =	smov.u32 s2;
	s2 =	sadd.s32 $0x19, s2  }
0x50: {  	[spmem:s3] =	stream.indirect.scatter.add.f32 [tilespmem:s15], [sflag:$0x5], $0x80, s24, s20, $0xb8;
	[tilespmem:$0x14F00] =	vst v63  }
0x51: {  	p2 =	sne.s32 s2, $0x4E2;
	_ =	swait.ge @!p1 [sflag:s5], $0x1400  }
0x52: {  	[sflag:s5] =	ssyncset.done @!p1 $0x0  }
0x53: {  	[sflag:s5] =	ssyncadd.s32 @!p1 $0xFFFFEC00;
	s5 =	sadd.s32 s0, s14  }
0x54: {  	[tilespmem:s4], [sflag:$0x6] =	stream.linear.gather [hbm4b:s5+s4], $0x28, $0x38;
	[tilespmem:$0x14F00] =	vst v63  }
0x55: {  	_ =	swait.ge [sflag:s16], $0x28  }
0x56: {  	[sflag:s16] =	ssyncset.done $0x0  }
0x57: {  	s5 =	simm.s32 @!p1 $0x2;
	[sflag:s16] =	ssyncadd.s32 $0xFFFFFFD8  }
0x58: {  	[spmem:s3] =	stream.indirect.scatter.add.f32 [tilespmem:s15], [sflag:$0x1], $0x80, s4, s20, $0xb8;
	[tilespmem:$0x14F00] =	vst v63  }
0x59: {  	_ =	swait.ge @!p1 [sflag:s5], $0x1400  }
0x5a: {  	[sflag:s5] =	ssyncset.done @!p1 $0x0  }
0x5b: {  	[sflag:s5] =	ssyncadd.s32 @!p1 $0xFFFFEC00;
	s5 =	sadd.s32 s0, s13  }
0x5c: {  	[tilespmem:s21], [sflag:$0x6] =	stream.linear.gather [hbm4b:s5+s4], $0x28, $0x38;
	[tilespmem:$0x14F00] =	vst v63  }
0x5d: {  	_ =	swait.ge [sflag:s16], $0x28  }
0x5e: {  	[sflag:s16] =	ssyncset.done $0x0  }
0x5f: {  	s5 =	simm.s32 @!p1 $0x3;
	[sflag:s16] =	ssyncadd.s32 $0xFFFFFFD8  }
0x60: {  	[spmem:s3] =	stream.indirect.scatter.add.f32 [tilespmem:s15], [sflag:$0x2], $0x80, s21, s20, $0xb8;
	[tilespmem:$0x14F00] =	vst v63  }
0x61: {  	_ =	swait.ge @!p1 [sflag:s5], $0x1400  }
0x62: {  	[sflag:s5] =	ssyncset.done @!p1 $0x0  }
0x63: {  	[sflag:s5] =	ssyncadd.s32 @!p1 $0xFFFFEC00;
	s5 =	sadd.s32 s0, s12  }
0x64: {  	[tilespmem:s22], [sflag:$0x6] =	stream.linear.gather [hbm4b:s5+s4], $0x28, $0x38;
	[tilespmem:$0x14F00] =	vst v63  }
0x65: {  	_ =	swait.ge [sflag:s16], $0x28  }
0x66: {  	[sflag:s16] =	ssyncset.done $0x0  }
0x67: {  	s5 =	simm.s32 @!p1 $0x4;
	[sflag:s16] =	ssyncadd.s32 $0xFFFFFFD8  }
0x68: {  	[spmem:s3] =	stream.indirect.scatter.add.f32 [tilespmem:s15], [sflag:$0x3], $0x80, s22, s20, $0xb8;
	[tilespmem:$0x14F00] =	vst v63  }
0x69: {  	_ =	swait.ge @!p1 [sflag:s5], $0x1400  }
0x6a: {  	[sflag:s5] =	ssyncset.done @!p1 $0x0  }
0x6b: {  	[sflag:s5] =	ssyncadd.s32 @!p1 $0xFFFFEC00;
	s5 =	sadd.s32 s0, s11  }
0x6c: {  	[tilespmem:s23], [sflag:$0x6] =	stream.linear.gather [hbm4b:s5+s4], $0x28, $0x38;
	[tilespmem:$0x14F00] =	vst v63  }
0x6d: {  	_ =	swait.ge [sflag:s16], $0x28  }
0x6e: {  	[sflag:s16] =	ssyncset.done $0x0  }
0x6f: {  	s5 =	simm.s32 @!p1 $0x5;
	[sflag:s16] =	ssyncadd.s32 $0xFFFFFFD8  }
0x70: {  	[spmem:s3] =	stream.indirect.scatter.add.f32 [tilespmem:s15], [sflag:$0x4], $0x80, s23, s20, $0xb8;
	[tilespmem:$0x14F00] =	vst v63  }
0x71: {  	_ =	swait.ge @!p1 [sflag:s5], $0x1400  }
.Ltmp0:
0x72: {  	[sflag:s5] =	ssyncset.done @!p1 $0x0;
	(pc) =	sbr.rel @p2 .LBB2_2-.Ltmp0, $4  }
0x73: {  	[sflag:s5] =	ssyncadd.s32 @!p1 $0xFFFFEC00;
	s5 =	sadd.s32 s0, s10;
	s0 =	smov.u32 s1  }
0x74: {  	[tilespmem:s24], [sflag:$0x6] =	stream.linear.gather [hbm4b:s5+s4], $0x28, $0x38;
	[tilespmem:$0x14F00] =	vst v63  }
0x75: {  	_ =	swait.ge [sflag:s16], $0x28  }
0x76: {  	p1 =	seq.s32 s0, $0x0;
	[sflag:s16] =	ssyncset.done $0x0  }
0x77: {  	s1 =	simm.s32 @!p1 $0x1;
	[sflag:s16] =	ssyncadd.s32 $0xFFFFFFD8  }
0x78: {  	[spmem:s3] =	stream.indirect.scatter.add.f32 [tilespmem:s15], [sflag:$0x5], $0x80, s24, s20, $0xb8;
	[tilespmem:$0x14F00] =	vst v63  }
0x79: {  	_ =	swait.ge @!p1 [sflag:s1], $0x1400  }
0x7a: {  	[sflag:s1] =	ssyncset.done @!p1 $0x0  }
0x7b: {  	s5 =	sadd.s32 s0, s14;
	[sflag:s1] =	ssyncadd.s32 @!p1 $0xFFFFEC00  }
0x7c: {  	[tilespmem:s4], [sflag:$0x6] =	stream.linear.gather [hbm4b:s5+s4], $0x28, $0x38;
	[tilespmem:$0x14F00] =	vst v63  }
0x7d: {  	_ =	swait.ge [sflag:s16], $0x28  }
0x7e: {  	[sflag:s16] =	ssyncset.done $0x0  }
0x7f: {  	s1 =	simm.s32 @!p1 $0x2;
	[sflag:s16] =	ssyncadd.s32 $0xFFFFFFD8  }
0x80: {  	[spmem:s3] =	stream.indirect.scatter.add.f32 [tilespmem:s15], [sflag:$0x1], $0x80, s4, s20, $0xb8;
	[tilespmem:$0x14F00] =	vst v63  }
0x81: {  	_ =	swait.ge @!p1 [sflag:s1], $0x1400  }
0x82: {  	[sflag:s1] =	ssyncset.done @!p1 $0x0  }
0x83: {  	s2 =	sadd.s32 s0, s13;
	[sflag:s1] =	ssyncadd.s32 @!p1 $0xFFFFEC00  }
0x84: {  	[tilespmem:s21], [sflag:$0x6] =	stream.linear.gather [hbm4b:s2+s4], $0x28, $0x38;
	[tilespmem:$0x14F00] =	vst v63  }
0x85: {  	_ =	swait.ge [sflag:s16], $0x28  }
0x86: {  	[sflag:s16] =	ssyncset.done $0x0  }
0x87: {  	s1 =	simm.s32 @!p1 $0x3;
	[sflag:s16] =	ssyncadd.s32 $0xFFFFFFD8  }
0x88: {  	[spmem:s3] =	stream.indirect.scatter.add.f32 [tilespmem:s15], [sflag:$0x2], $0x80, s21, s20, $0xb8;
	[tilespmem:$0x14F00] =	vst v63  }
0x89: {  	_ =	swait.ge @!p1 [sflag:s1], $0x1400  }
0x8a: {  	[sflag:s1] =	ssyncset.done @!p1 $0x0  }
0x8b: {  	s5 =	sadd.s32 s0, s12;
	[sflag:s1] =	ssyncadd.s32 @!p1 $0xFFFFEC00  }
0x8c: {  	[tilespmem:s22], [sflag:$0x6] =	stream.linear.gather [hbm4b:s5+s4], $0x28, $0x38;
	[tilespmem:$0x14F00] =	vst v63  }
0x8d: {  	_ =	swait.ge [sflag:s16], $0x28  }
0x8e: {  	[sflag:s16] =	ssyncset.done $0x0  }
0x8f: {  	s1 =	simm.s32 @!p1 $0x4;
	[sflag:s16] =	ssyncadd.s32 $0xFFFFFFD8  }
0x90: {  	[spmem:s3] =	stream.indirect.scatter.add.f32 [tilespmem:s15], [sflag:$0x3], $0x80, s22, s20, $0xb8;
	[tilespmem:$0x14F00] =	vst v63  }
0x91: {  	_ =	swait.ge @!p1 [sflag:s1], $0x1400  }
0x92: {  	[sflag:s1] =	ssyncset.done @!p1 $0x0  }
0x93: {  	s2 =	sadd.s32 s0, s11;
	[sflag:s1] =	ssyncadd.s32 @!p1 $0xFFFFEC00  }
0x94: {  	[tilespmem:s23], [sflag:$0x6] =	stream.linear.gather [hbm4b:s2+s4], $0x28, $0x38;
	[tilespmem:$0x14F00] =	vst v63  }
0x95: {  	_ =	swait.ge [sflag:s16], $0x28  }
0x96: {  	[sflag:s16] =	ssyncset.done $0x0  }
0x97: {  	s1 =	simm.s32 @!p1 $0x5;
	[sflag:s16] =	ssyncadd.s32 $0xFFFFFFD8  }
0x98: {  	[spmem:s3] =	stream.indirect.scatter.add.f32 [tilespmem:s15], [sflag:$0x4], $0x80, s23, s20, $0xb8;
	[tilespmem:$0x14F00] =	vst v63  }
0x99: {  	_ =	swait.ge @!p1 [sflag:s1], $0x1400  }
0x9a: {  	[sflag:s1] =	ssyncset.done @!p1 $0x0  }
0x9b: {  	s5 =	sadd.s32 s0, s10;
	[sflag:s1] =	ssyncadd.s32 @!p1 $0xFFFFEC00  }
0x9c: {  	[tilespmem:s24], [sflag:$0x6] =	stream.linear.gather [hbm4b:s5+s4], $0x28, $0x38;
	[tilespmem:$0x14F00] =	vst v63  }
0x9d: {  	_ =	swait.ge [sflag:s16], $0x28  }
0x9e: {  	[sflag:s16] =	ssyncset.done $0x0  }
0x9f: {  	[sflag:s16] =	ssyncadd.s32 $0xFFFFFFD8  }
0xa0: {  	[spmem:s3] =	stream.indirect.scatter.add.f32 [tilespmem:s15], [sflag:$0x5], $0x80, s24, s20, $0xb8;
	[tilespmem:$0x14F00] =	vst v63  }
0xa1: {  	_ =	swait.ge [sflag:s25], $0x1400  }
0xa2: {  	[sflag:s25] =	ssyncset.done $0x0  }
0xa3: {  	[sflag:s25] =	ssyncadd.s32 $0xFFFFEC00  }
0xa4: {  	_ =	swait.ge [sflag:s26], $0x1400  }
0xa5: {  	[sflag:s26] =	ssyncset.done $0x0  }
0xa6: {  	[sflag:s26] =	ssyncadd.s32 $0xFFFFEC00  }
0xa7: {  	_ =	swait.ge [sflag:s28], $0x1400  }
0xa8: {  	[sflag:s28] =	ssyncset.done $0x0  }
0xa9: {  	[sflag:s28] =	ssyncadd.s32 $0xFFFFEC00  }
0xaa: {  	_ =	swait.ge [sflag:s29], $0x1400  }
0xab: {  	[sflag:s29] =	ssyncset.done $0x0  }
0xac: {  	[sflag:s29] =	ssyncadd.s32 $0xFFFFEC00  }
0xad: {  	_ =	swait.ge [sflag:s30], $0x1400  }
0xae: {  	[sflag:s30] =	ssyncset.done $0x0  }
0xaf: {  	[sflag:s30] =	ssyncadd.s32 $0xFFFFEC00  }
0xb0: {  	s0 =	simm.s32 @p0 $0x1FC6;
	[bflag:$0x0] =	sbarrier.arrive $0xFFFF  }
0xb1: {  	[hbm:s8], [sflag:s0] =	dma.local @p0 [spmem:s17], $0x2080  }
0xb2: {  	s0 =	simm.s32 @p0 $0x6  }
0xb3: {  	s31 =	sadd.s32 $0x1, s31;
	_ =	swait.ge @p0 [sflag:s0], $0x2080  }
0xb4: {  	p1 =	sne.s32 s31, s9;
	[sflag:s0] =	ssyncset.done @p0 $0x0  }
.Ltmp1:
0xb5: {  	[sflag:s0] =	ssyncadd.s32 @p0 $0xFFFFDF80;
	s0 =	simm.s32 @!p0 $0x6;
	(pc) =	sbr.rel @p1 .LBB2_1-.Ltmp1, $4  }
0xb6: {  	[hbm:s7], [sflag:s18] =	dma.local @!p0 [spmem:s19], $0x2780  }
0xb7: {  	_ =	swait.ge @!p0 [sflag:s0], $0x2780  }
0xb8: {  	[sflag:s0] =	ssyncset.done @!p0 $0x0  }
0xb9: {  	[sflag:s0] =	ssyncadd.s32 @!p0 $0xFFFFD880  }
0xba: {  	_ =	sfence.sel $0x180000  }
0xbb: {  	[bflag:$0x0] =	sbarrier.arrive $0xFFFF  }
0xbc: {  	_ =	strace $0x9000004A  }
0xbd: {  	s0 =	stileid.u32;
	[bflag:$0x2] =	sbarrier.arrive $0xFFFF  }
0xbe: {  	p0 =	sne.s32 s0, $0x0;
	s0 =	rddreg [dreg:$0x3]  }
0xbf: {  	s0 =	sadd.s32 @!p0 $0x100000, s0  }
0xc0: {  	[sflag:s0] =	ssyncadd.tile.s32 @!p0 $0x1;
	_ =	shalt  }
.Lfunc_end2:
_tile_overlayer_lowered:
.L_overlay_start_2:
0xc1: {  	(tag) =	ssettag $0x2  }
0xc2: {  	s0 =	rddreg [dreg:$0x0];
	s2 =	stileid.u32  }
0xc3: {  	s1 =	rddreg [dreg:$0x1];
	p0 =	sne.s32 s2, $0x0  }
0xc4: {  	s3 =	rddreg [dreg:$0x2];
	[bflag:$0x3] =	sbarrier.arrive $0xFFFF;
	s2 =	simm.s32 @!p0 $0x1C06  }
0xc5: {  	[timem:s3], [sflag:s2] =	dma.local @!p0 [hbm:s0], s1  }
0xc6: {  	s0 =	simm.s32 @!p0 $0x6  }
0xc7: {  	_ =	swait.ge @!p0 [sflag:s0], s1  }
0xc8: {  	s1 =	ssub.s32 @!p0 $0x0, s1;
	[sflag:s0] =	ssyncset.done @!p0 $0x0  }
0xc9: {  	[sflag:s0] =	ssyncadd.s32 @!p0 s1  }
0xca: {  	[bflag:$0x3] =	sbarrier.arrive $0xFFFF  }
0xcb: {  	_ =	shalt  }

// kernel: kernel.14.cloned.1.call-start
scs
__scs_entry_jumppad:
0x0: {  	(pc) =	sbr.rel $0x88, $3  }
0x1: {  	(tag) =	ssettag $0x0;
	lr =	simm.s32 $0x1  }
0x2: {  	[smem:$0x3F7E] =	sst lr;
	_ =	strace $0xD0000000  }
0x3: {  	_ = 	snop  }
0x4: {  	_ = 	snop  }
0x5: {  	_ = 	snop  }
0x6: {  	_ = 	snop  }
0x7: {  	_ = 	snop  }
__scs_overlays_trampoline_lowered:
0x8: {  	[smem:$0x3F8D] =	sst s0  }
0x9: {  	[smem:$0x3F8E] =	sst s1  }
0xa: {  	[smem:$0x3F8F] =	sst s2  }
0xb: {  	[smem:$0x3F90] =	sst s3  }
0xc: {  	[smem:$0x3F91] =	sst s4  }
0xd: {  	[smem:$0x3F92] =	sst s5  }
0xe: {  	[smem:$0x3F93] =	sst s6  }
0xf: {  	[smem:$0x3F94] =	sst s7  }
0x10: {  	[smem:$0x3F95] =	sst s8  }
0x11: {  	[smem:$0x3F96] =	sst s9;
	s0 =	simm.s32 @!p0 $0x0  }
0x12: {  	s1 =	sld [smem:$0x3F7C];
	s0 =	simm.s32 @p0 $0x1  }
0x13: {  	[smem:$0x3F97] =	sst s0;
	s0 =	simm.s32 @!p1 $0x0  }
0x14: {  	s2 =	sld [smem:$0x3F7B];
	s0 =	simm.s32 @p1 $0x1  }
0x15: {  	[smem:$0x3F98] =	sst s0;
	s0 =	simm.s32 @!p2 $0x0  }
0x16: {  	s3 =	sld [smem:$0x3FDB];
	s0 =	simm.s32 @p2 $0x1  }
0x17: {  	s4 =	simm.s32 $0x1BF5;
	[smem:$0x3F9A] =	sst s0  }
0x18: {  	s0 =	sld [smem:$0x3F7D];
	_ =	swait.ge [sflag:s4], $0x0  }
0x19: {  	s7 =	sld [smem:$0x3F7E]  }
0x1a: {  	s8 =	sadd.s32 $0xFFFFE003, lr  }
0x1b: {  	s9 =	sadd.s32 $0xFFFFFEF7, lr;
	s5 =	simm.s32 $0xFFFFFFFF;
	p2 =	slt.u32 s8, $0xFFFFF086  }
0x1c: {  	p1 =	slt.u32 s9, $0xF7A;
	s5 =	simm.s32 @!p2 $0x0  }
0x1d: {  	s5 =	simm.s32 @p1 $0x1;
	p0 =	seq.s32 s7, s2  }
0x1e: {  	s7 =	smul.u32 @!p0 $0xF7A, s2;
	p2 =	seq.s32 @!p0 s5, $0x0  }
0x1f: {  	s9 =	smul.u32 $0xF7A, s1;
	s8 =	simm.s32 @!p0 $0x1BF5;
	p2 =	por !p2, p0  }
0x20: {  	[sflag:s8] =	ssyncset.s32 @!p0 $0xFFFFF086;
	s6 =	sadd.s32 @!p0 s3, s7;
	s7 =	simm.s32 @!p0 $0x108  }
0x21: {  	s3 =	sadd.s32 s3, s9;
	s6 =	sadd.s32 @!p0 $0x88, s6;
	s7 =	simm.s32 @p2 $0x1082  }
0x22: {  	[simem:s7], [sflag:s8] =	dma.local @!p0 [hbm:s6], $0xF7A  }
0x23: {  	s9 =	sor.u32 $0xD0000000, s2;
	s6 =	simm.s32 $0x108;
	_ =	swait.ge @!p0 [sflag:s8], $0x0  }
0x24: {  	s3 =	sadd.s32 $0x88, s3;
	s6 =	simm.s32 @!p1 $0x1082;
	[sflag:s4] =	ssyncset.s32 $0xFFFFF086  }
0x25: {  	[simem:s6], [sflag:s4] =	dma.local [hbm:s3], $0xF7A  }
0x26: {  	[smem:$0x3F7E] =	sst s1;
	(tag) =	ssettag s2;
	_ =	strace s9  }
0x27: {  	s1 =	sld [smem:$0x3F8E]  }
0x28: {  	s2 =	sld [smem:$0x3F8F]  }
0x29: {  	s4 =	sld [smem:$0x3F91]  }
0x2a: {  	p0 =	seq.s32 s5, $0x0;
	s5 =	sld [smem:$0x3F92]  }
0x2b: {  	s6 =	sld [smem:$0x3F93]  }
0x2c: {  	s7 =	sld [smem:$0x3F94]  }
0x2d: {  	s3 =	simm.s32 $0x108;
	s8 =	sld [smem:$0x3F95]  }
0x2e: {  	s3 =	simm.s32 @!p0 $0x1082;
	s9 =	sld [smem:$0x3F96]  }
0x2f: {  	lr =	sadd.s32 s0, s3;
	s0 =	sld [smem:$0x3F8D]  }
0x30: {  	s3 =	sld [smem:$0x3F90]  }
0x31: {  	[smem:$0x3F99] =	sst s10  }
0x32: {  	s10 =	sld [smem:$0x3F97];
	_ =	sdelay $0x3  }
0x33: {  	p0 =	seq.s32 s10, $0x1;
	s10 =	sld [smem:$0x3F99];
	_ =	sdelay $0x3  }
0x34: {  	[smem:$0x3F99] =	sst s10  }
0x35: {  	s10 =	sld [smem:$0x3F98];
	_ =	sdelay $0x3  }
0x36: {  	p1 =	seq.s32 s10, $0x1;
	s10 =	sld [smem:$0x3F99];
	_ =	sdelay $0x3  }
0x37: {  	[smem:$0x3F99] =	sst s10  }
0x38: {  	s10 =	sld [smem:$0x3F9A]  }
0x39: {  	_ = 	snop;
	(pc) =	sbr.ind lr, $3  }
0x3a: {  	_ = 	snop  }
0x3b: {  	_ = 	snop  }
0x3c: {  	p2 =	seq.s32 s10, $0x1;
	s10 =	sld [smem:$0x3F99]  }
0x3d: {  	_ =	shalt  }
0x3e: {  	_ =	shalt  }
0x3f: {  	_ =	shalt  }
0x40: {  	_ =	shalt  }
0x41: {  	_ =	shalt  }
0x42: {  	_ =	shalt  }
0x43: {  	_ =	shalt  }
0x44: {  	_ =	shalt  }
0x45: {  	_ =	shalt  }
0x46: {  	_ =	shalt  }
0x47: {  	_ =	shalt  }
0x48: {  	_ =	shalt  }
0x49: {  	_ =	shalt  }
0x4a: {  	_ =	shalt  }
0x4b: {  	_ =	shalt  }
0x4c: {  	_ =	shalt  }
0x4d: {  	_ =	shalt  }
0x4e: {  	_ =	shalt  }
0x4f: {  	_ =	shalt  }
0x50: {  	_ =	shalt  }
0x51: {  	_ =	shalt  }
0x52: {  	_ =	shalt  }
0x53: {  	_ =	shalt  }
0x54: {  	_ =	shalt  }
0x55: {  	_ =	shalt  }
0x56: {  	_ =	shalt  }
0x57: {  	_ =	shalt  }
0x58: {  	_ =	shalt  }
0x59: {  	_ =	shalt  }
0x5a: {  	_ =	shalt  }
0x5b: {  	_ =	shalt  }
0x5c: {  	_ =	shalt  }
0x5d: {  	_ =	shalt  }
0x5e: {  	_ =	shalt  }
0x5f: {  	_ =	shalt  }
0x60: {  	_ =	shalt  }
0x61: {  	_ =	shalt  }
0x62: {  	_ =	shalt  }
0x63: {  	_ =	shalt  }
0x64: {  	_ =	shalt  }
0x65: {  	_ =	shalt  }
0x66: {  	_ =	shalt  }
0x67: {  	_ =	shalt  }
0x68: {  	_ =	shalt  }
0x69: {  	_ =	shalt  }
0x6a: {  	_ =	shalt  }
0x6b: {  	_ =	shalt  }
0x6c: {  	_ =	shalt  }
0x6d: {  	_ =	shalt  }
0x6e: {  	_ =	shalt  }
0x6f: {  	_ =	shalt  }
0x70: {  	_ =	shalt  }
0x71: {  	_ =	shalt  }
0x72: {  	_ =	shalt  }
0x73: {  	_ =	shalt  }
0x74: {  	_ =	shalt  }
0x75: {  	_ =	shalt  }
0x76: {  	_ =	shalt  }
0x77: {  	_ =	shalt  }
0x78: {  	_ =	shalt  }
0x79: {  	_ =	shalt  }
0x7a: {  	_ =	shalt  }
0x7b: {  	_ =	shalt  }
0x7c: {  	_ =	shalt  }
0x7d: {  	_ =	shalt  }
0x7e: {  	_ =	shalt  }
0x7f: {  	_ =	shalt  }
0x80: {  	_ =	shalt  }
0x81: {  	_ =	shalt  }
0x82: {  	_ =	shalt  }
0x83: {  	_ =	shalt  }
0x84: {  	_ =	shalt  }
0x85: {  	_ =	shalt  }
0x86: {  	_ =	shalt  }
0x87: {  	_ =	shalt  }
.Lfunc_end0:
.L_simem_size_0:
called_computation.1_lowered:
.L_overlay_start_0:
0x88: {  	s2 =	sld [smem:$0x3FD9]  }
0x89: {  	s3 =	sld [smem:$0x3FFE];
	_ =	sdelay $0x1  }
0x8a: {  	s1 =	srdreg.scid  }
0x8b: {  	s0 =	sand.u32 $0x1, s1  }
0x8c: {  	s16 =	sshll.u32 s0, $0xA;
	s2 =	sadd.s32 s3, s2  }
0x8d: {  	s2 =	sadd.s32 s2, s16  }
0x8e: {  	[smem:$0x3FA5] =	sst s2  }
0x8f: {  	_ = 	snop  }
0x90: {  	(tm) =	ssettm $0x1  }
0x91: {  	s17 =	sld [smem:$0x3FFB];
	_ =	sdelay $0x3  }
0x92: {  	_ =	strace s17  }
0x93: {  	s2 =	sld [smem:$0x3FFC];
	_ =	sdelay $0x3  }
0x94: {  	_ =	strace s2  }
0x95: {  	s2 =	sld [smem:$0x3FFD];
	_ =	sdelay $0x3  }
0x96: {  	_ =	strace s2  }
0x97: {  	_ =	strace $0x8FFFFFFF  }
0x98: {  	s18 =	sld [smem:$0x3FDB];
	_ =	sdelay $0x1  }
0x99: {  	s19 =	simm.s32 $_scs_section_size  }
0x9a: {  	s4 =	simm.s32 $_size__tile_overlayer_lowered;
	s5 =	simm.s32 $_tile_overlayer_lowered  }
0x9b: {  	s22 =	simm.s32 $0x1BFF;
	s21 =	sshll.u32 s5, $0x1;
	s2 =	sadd.s32 s19, s18  }
0x9c: {  	s6 =	simm.s32 $0x0;
	s20 =	sshll.u32 s4, $0x1;
	s4 =	sadd.s32 s21, s2  }
0x9d: {  	[timem:s6], [sflag:s22] =	dma.local [hbm:s4], s20  }
0x9e: {  	_ =	swait.ge [sflag:s22], s20  }
0x9f: {  	s3 =	ssub.s32 $0x0, s20;
	[sflag:s22] =	ssyncset.done $0x0  }
0xa0: {  	[sflag:s22] =	ssyncadd.s32 s3;
	_ =	sdelay $0x1  }
0xa1: {  	s23 =	simm.s32 $0x1B8B  }
0xa2: {  	_ =	swait.ge [sflag:s23], $0x1  }
0xa3: {  	[sflag:s23] =	ssyncset.done $0x0  }
0xa4: {  	s25 =	simm.s32 $0x1B8E;
	s24 =	sld [smem:$0x3FFE];
	[sflag:s23] =	ssyncadd.s32 $0xFFFFFFFF  }
0xa5: {  	s26 =	simm.s32 $execute0_lowered;
	[smem:$0x3FD2] =	sst s25  }
0xa6: {  	s4 =	sshll.u32 s26, $0x1;
	_ =	strace $0x80000046;
	[dreg:$0x1] =	wrdreg $0xFFFFFFFF  }
0xa7: {  	s28 =	simm.s32 $_size_execute0_lowered;
	s2 =	sadd.s32 s2, s4;
	[dreg:$0x0] =	wrdreg $0x0  }
0xa8: {  	s4 =	sshll.u32 s28, $0x1;
	[dreg:$0x2] =	wrdreg s2  }
0xa9: {  	[dreg:$0x3] =	wrdreg s4  }
0xaa: {  	[dreg:$0x4] =	wrdreg $0xC0  }
0xab: {  	_ =	task [dreg:s6], $0x5FFFF  }
0xac: {  	[dreg:$0x1] =	wrdreg $0xFFFFFFFF  }
0xad: {  	[dreg:$0x0] =	wrdreg $0x60  }
0xae: {  	[dreg:$0x2] =	wrdreg s24  }
0xaf: {  	[dreg:$0x3] =	wrdreg $0x69000  }
0xb0: {  	[dreg:$0x4] =	wrdreg $0xA  }
0xb1: {  	_ =	task.clear_ibuf [dreg:s6], $0x5FFFF;
	_ =	strace $0x90000046  }
0xb2: {  	s29 =	simm.s32 $0xA;
	_ =	strace $0x80000048  }
0xb3: {  	_ =	swait.ge [sflag:s29], $0x1  }
0xb4: {  	[sflag:s29] =	ssyncadd.s32 $0xFFFFFFFF  }
0xb5: {  	_ =	strace $0x90000048  }
0xb6: {  	_ =	sfence  }
0xb7: {  	s30 =	sld [smem:$0x0];
	_ =	sdelay $0x2  }
0xb8: {  	s31 =	sshll.u32 s1, $0xD;
	s1 =	sshrl.u32 s1, $0x2  }
0xb9: {  	s3 =	sand.u32 $0x4000, s31;
	s1 =	sadd.s32 s1, s30  }
0xba: {  	s0 =	sor.u32 s3, s0;
	s1 =	sshll.u32 s1, $0x11  }
0xbb: {  	s0 =	sor.u32 s1, s0  }
0xbc: {  	s0 =	sadd.s32 $0x8F2B, s0  }
0xbd: {  	[sflag:s0] =	ssyncadd.remote.s32 $0x1  }
0xbe: {  	_ =	sfence.sel $0xFFFF  }
0xbf: {  	[dreg:$0x0] =	wrdreg $0xFFFFFFFF;
	(pc) =	sbr.abs _section_cstart, $3  }
0xc0: {  	[dreg:$0x1] =	wrdreg $0xFFFFFFFF  }
0xc1: {  	_ =	task.clear_ibuf [dreg:s6], $0x2FFFF;
	_ =	strace $0x9FFFFFFF  }
0xc2: {  	(tm) =	ssettm $0x7FFFFFFF  }
0xc3: {  	_ =	shalt  }
tec
execute0_lowered:
.L_overlay_start_1:
0x0: {  	(tag) =	ssettag $0x1  }
0x1: {  	s0 =	rddreg [dreg:$0x0]  }
0x2: {  	s2 =	rddreg [dreg:$0x1];
	s3 =	simm.s32 $0x0;
	s14 =	stileid.u32  }
0x3: {  	s5 =	srdreg.scid;
	s28 =	simm.s32 $0x5500;
	s29 =	simm.s32 $0x1  }
0x4: {  	s30 =	simm.s32 $0x2;
	s31 =	simm.s32 $0x3;
	s1 =	smul.u32 $0x2780, s14  }
0x5: {  	[smem:$0x7FF] =	sst s3;
	s4 =	sadd.s32 $0x19C00, s0;
	s6 =	smul.u32 $0x4F000, s14  }
0x6: {  	s5 =	sand.u32 $0x1, s5;
	s7 =	sadd.s32 $0xFE00, s0;
	s11 =	smul.u32 $0x4E20, s14  }
0x7: {  	s8 =	sadd.s32 $0x6000, s0;
	s12 =	sadd.s32 $0x68000, s0;
	s17 =	smul.u32 $0x13C00, s14  }
0x8: {  	s18 =	sadd.s32 $0x128400, s2;
	p0 =	seq.s32 s14, $0xF;
	s14 =	simm.s32 $0x28  }
0x9: {  	_ =	strace $0x80000047;
	s9 =	smul.u32 $0x138800, s5;
	s10 =	ssub.s32 $0x2, s5  }
0xa: {  	s5 =	smul.u32 $0x2710, s5;
	[dreg:$0xf] =	wrdreg s18;
	s1 =	sadd.s32 s1, s0  }
0xb: {  	s13 =	sshrl.u32 s10, $0x1;
	s6 =	sshrl.u32 s6, $0x2;
	s0 =	sadd.s32 $0x65E80, s0  }
0xc: {  	s10 =	ssub.s32 s10, s13;
	s6 =	sadd.s32 s6, s2;
	[dreg:$0x10] =	wrdreg s0  }
0xd: {  	s1 =	sadd.s32 $0x40E00, s1;
	s19 =	sadd.s32 s17, s9;
	[dreg:$0xd] =	wrdreg s6  }
0xe: {  	[dreg:$0xe] =	wrdreg s1;
	s1 =	sadd.s32 s5, s11;
	s21 =	sshrl.u32 s19, $0x3  }
0xf: {  	s20 =	sadd.s32 $0xA0, s1;
	s0 =	sadd.s32 s12, s21;
	s24 =	sadd.s32 $0x78, s1  }
0x10: {  	s11 =	sadd.s32 $0x50, s1;
	s17 =	sadd.s32 $0x28, s1;
	s1 =	sshrl.u32 s1, $0x3  }
0x11: {  	s22 =	sshrl.u32 s20, $0x3;
	[dreg:$0x11] =	wrdreg s0;
	s26 =	sshrl.u32 s24, $0x3  }
0x12: {  	s15 =	sshrl.u32 s11, $0x3;
	s19 =	sshrl.u32 s17, $0x3;
	s24 =	sadd.s32 s1, s8  }
0x13: {  	s20 =	sshrl.u32 s9, $0x3;
	s23 =	sadd.s32 s22, s8;
	[dreg:$0xb] =	wrdreg s24  }
0x14: {  	s17 =	simm.s32 $0x300;
	s25 =	sadd.s32 s22, s7;
	[dreg:$0x3] =	wrdreg s23  }
0x15: {  	s0 =	simm.s32 $0x4;
	s6 =	sadd.s32 s26, s8;
	[dreg:$0x4] =	wrdreg s25  }
0x16: {  	s13 =	sadd.s32 s26, s7;
	s16 =	sadd.s32 s15, s8;
	[dreg:$0x5] =	wrdreg s6  }
0x17: {  	s18 =	sadd.s32 s15, s7;
	s21 =	sadd.s32 s19, s8;
	[dreg:$0x6] =	wrdreg s13  }
0x18: {  	s22 =	sadd.s32 s19, s7;
	s26 =	smax.u32 s10, $0x1;
	[dreg:$0x7] =	wrdreg s16  }
0x19: {  	s15 =	simm.s32 $0x500;
	s19 =	simm.s32 $0x100;
	[dreg:$0x8] =	wrdreg s18  }
0x1a: {  	s24 =	simm.s32 $0x4100;
	s10 =	simm.s32 $0x0;
	[dreg:$0x9] =	wrdreg s21  }
0x1b: {  	s23 =	sadd.s32 s12, s20;
	[dreg:$0xa] =	wrdreg s22;
	s25 =	sadd.s32 s1, s7  }
0x1c: {  	[dreg:$0x13] =	wrdreg s26;
	s12 =	simm.s32 $0xB;
	s13 =	simm.s32 $0x280  }
0x1d: {  	s16 =	simm.s32 $0x80;
	s18 =	simm.s32 $0x1900;
	s20 =	simm.s32 $0x380  }
0x1e: {  	s21 =	simm.s32 $0x2D00;
	s22 =	simm.s32 $0x180;
	s26 =	simm.s32 $0x480  }
0x1f: {  	s1 =	simm.s32 $0x5;
	s5 =	sadd.s32 $0x25080, s23;
	[dreg:$0xc] =	wrdreg s25  }
0x20: {  	s23 =	simm.s32 $0x400;
	s25 =	simm.s32 $0x200;
	[dreg:$0x12] =	wrdreg s5  }
.LBB2_1:
0x21: {  	s5 =	rddreg [dreg:$0xf]  }
0x22: {  	s6 =	rddreg [dreg:$0x10];
	s7 =	sshrl.u32 @p0 s5, $0x3  }
0x23: {  	s5 =	simm.s32 @p0 $0x1FCB;
	[dreg:$0x14] =	wrdreg s7  }
0x24: {  	[spmem:s7], [sflag:s5] =	dma.local @p0 [hbm:s6], $0x2080  }
0x25: {  	s5 =	simm.s32 @p0 $0xB  }
0x26: {  	s6 =	stileid.u32;
	_ =	swait.ge @p0 [sflag:s5], $0x2080  }
0x27: {  	s6 =	sshll.u32 @!p0 s6, $0x6;
	[sflag:s5] =	ssyncset.done @p0 $0x0  }
0x28: {  	s7 =	sor.u32 @!p0 $0x1C0B, s6;
	[sflag:s5] =	ssyncadd.s32 @p0 $0xFFFFDF80;
	s5 =	rddreg [dreg:$0xd]  }
0x29: {  	[dreg:$0x15] =	wrdreg s7  }
0x2a: {  	s6 =	sshrl.u32 @!p0 s5, $0x3;
	s5 =	rddreg [dreg:$0xe]  }
0x2b: {  	[spmem:s6], [sflag:s7] =	dma.local @!p0 [hbm:s5], $0x2780  }
0x2c: {  	s7 =	simm.s32 @!p0 $0xB  }
0x2d: {  	_ =	swait.ge @!p0 [sflag:s7], $0x2780  }
0x2e: {  	[sflag:s7] =	ssyncset.done @!p0 $0x0  }
0x2f: {  	p1 =	por $0x1, $0x1;
	[sflag:s7] =	ssyncadd.s32 @!p0 $0xFFFFD880  }
0x30: {  	s7 =	simm.s32 @!p1 $0x6;
	[bflag:$0x0] =	sbarrier.arrive $0xFFFF  }
0x31: {  	_ =	swait.ge @!p1 [sflag:s7], $0x1400  }
0x32: {  	s8 =	rddreg [dreg:$0xc];
	[sflag:s7] =	ssyncset.done @!p1 $0x0  }
0x33: {  	[sflag:s7] =	ssyncadd.s32 @!p1 $0xFFFFEC00;
	s9 =	sadd.s32 $0x0, s8  }
0x34: {  	[tilespmem:s3], [sflag:$0xB] =	stream.linear.gather [hbm4b:s9+s3], $0x28, $0x38;
	[tilespmem:$0x1A180] =	vst v63  }
0x35: {  	_ =	swait.ge [sflag:s12], $0x28  }
0x36: {  	s11 =	rddreg [dreg:$0xb];
	[sflag:s12] =	ssyncset.done $0x0  }
0x37: {  	[sflag:s12] =	ssyncadd.s32 $0xFFFFFFD8;
	s7 =	sadd.s32 $0x0, s11  }
0x38: {  	[tilespmem:s13], [sflag:$0xB] =	stream.linear.gather [hbm4b:s7+s3], $0x28, $0x38;
	[tilespmem:$0x1A180] =	vst v63  }
0x39: {  	_ =	swait.ge [sflag:s12], $0x28  }
0x3a: {  	[sflag:s12] =	ssyncset.done $0x0  }
0x3b: {  	s7 =	simm.s32 @!p1 $0x7;
	[sflag:s12] =	ssyncadd.s32 $0xFFFFFFD8  }
0x3c: {  	[tilespmem:s15], [sflag:$0x1] =	stream.indirect.gather [hbm4b:s4+s14], $0x80, s3, s14, $0xb8;
	[tilespmem:$0x1A180] =	vst v63  }
0x3d: {  	_ =	swait.ge @!p1 [sflag:s7], $0x1400  }
0x3e: {  	s5 =	rddreg [dreg:$0xa];
	[sflag:s7] =	ssyncset.done @!p1 $0x0  }
0x3f: {  	[sflag:s7] =	ssyncadd.s32 @!p1 $0xFFFFEC00;
	s9 =	sadd.s32 $0x0, s5  }
0x40: {  	[tilespmem:s16], [sflag:$0xB] =	stream.linear.gather [hbm4b:s9+s3], $0x28, $0x38;
	[tilespmem:$0x1A180] =	vst v63  }
0x41: {  	_ =	swait.ge [sflag:s12], $0x28  }
0x42: {  	s11 =	rddreg [dreg:$0x9];
	[sflag:s12] =	ssyncset.done $0x0  }
0x43: {  	[sflag:s12] =	ssyncadd.s32 $0xFFFFFFD8;
	s7 =	sadd.s32 $0x0, s11  }
0x44: {  	[tilespmem:s17], [sflag:$0xB] =	stream.linear.gather [hbm4b:s7+s3], $0x28, $0x38;
	[tilespmem:$0x1A180] =	vst v63  }
0x45: {  	_ =	swait.ge [sflag:s12], $0x28  }
0x46: {  	[sflag:s12] =	ssyncset.done $0x0  }
0x47: {  	s7 =	simm.s32 @!p1 $0x8;
	[sflag:s12] =	ssyncadd.s32 $0xFFFFFFD8  }
0x48: {  	[tilespmem:s18], [sflag:$0x2] =	stream.indirect.gather [hbm4b:s4+s14], $0x80, s16, s14, $0xb8;
	[tilespmem:$0x1A180] =	vst v63  }
0x49: {  	_ =	swait.ge @!p1 [sflag:s7], $0x1400  }
0x4a: {  	s5 =	rddreg [dreg:$0x8];
	[sflag:s7] =	ssyncset.done @!p1 $0x0  }
0x4b: {  	[sflag:s7] =	ssyncadd.s32 @!p1 $0xFFFFEC00;
	s9 =	sadd.s32 $0x0, s5  }
0x4c: {  	[tilespmem:s19], [sflag:$0xB] =	stream.linear.gather [hbm4b:s9+s3], $0x28, $0x38;
	[tilespmem:$0x1A180] =	vst v63  }
0x4d: {  	_ =	swait.ge [sflag:s12], $0x28  }
0x4e: {  	s11 =	rddreg [dreg:$0x7];
	[sflag:s12] =	ssyncset.done $0x0  }
0x4f: {  	[sflag:s12] =	ssyncadd.s32 $0xFFFFFFD8;
	s7 =	sadd.s32 $0x0, s11  }
0x50: {  	[tilespmem:s20], [sflag:$0xB] =	stream.linear.gather [hbm4b:s7+s3], $0x28, $0x38;
	[tilespmem:$0x1A180] =	vst v63  }
0x51: {  	_ =	swait.ge [sflag:s12], $0x28  }
0x52: {  	[sflag:s12] =	ssyncset.done $0x0  }
0x53: {  	s7 =	simm.s32 @!p1 $0x9;
	[sflag:s12] =	ssyncadd.s32 $0xFFFFFFD8  }
0x54: {  	[tilespmem:s21], [sflag:$0x3] =	stream.indirect.gather [hbm4b:s4+s14], $0x80, s19, s14, $0xb8;
	[tilespmem:$0x1A180] =	vst v63  }
0x55: {  	_ =	swait.ge @!p1 [sflag:s7], $0x1400  }
0x56: {  	s5 =	rddreg [dreg:$0x6];
	[sflag:s7] =	ssyncset.done @!p1 $0x0  }
0x57: {  	[sflag:s7] =	ssyncadd.s32 @!p1 $0xFFFFEC00;
	s9 =	sadd.s32 $0x0, s5  }
0x58: {  	[tilespmem:s22], [sflag:$0xB] =	stream.linear.gather [hbm4b:s9+s3], $0x28, $0x38;
	[tilespmem:$0x1A180] =	vst v63  }
0x59: {  	_ =	swait.ge [sflag:s12], $0x28  }
0x5a: {  	s11 =	rddreg [dreg:$0x5];
	[sflag:s12] =	ssyncset.done $0x0  }
0x5b: {  	[sflag:s12] =	ssyncadd.s32 $0xFFFFFFD8;
	s7 =	sadd.s32 $0x0, s11  }
0x5c: {  	[tilespmem:s23], [sflag:$0xB] =	stream.linear.gather [hbm4b:s7+s3], $0x28, $0x38;
	[tilespmem:$0x1A180] =	vst v63  }
0x5d: {  	_ =	swait.ge [sflag:s12], $0x28  }
0x5e: {  	[sflag:s12] =	ssyncset.done $0x0  }
0x5f: {  	s7 =	simm.s32 @!p1 $0xA;
	[sflag:s12] =	ssyncadd.s32 $0xFFFFFFD8  }
0x60: {  	[tilespmem:s24], [sflag:$0x4] =	stream.indirect.gather [hbm4b:s4+s14], $0x80, s22, s14, $0xb8;
	[tilespmem:$0x1A180] =	vst v63  }
0x61: {  	_ =	swait.ge @!p1 [sflag:s7], $0x1400  }
0x62: {  	s5 =	rddreg [dreg:$0x4];
	[sflag:s7] =	ssyncset.done @!p1 $0x0  }
0x63: {  	[sflag:s7] =	ssyncadd.s32 @!p1 $0xFFFFEC00;
	s9 =	sadd.s32 $0x0, s5  }
0x64: {  	[tilespmem:s25], [sflag:$0xB] =	stream.linear.gather [hbm4b:s9+s3], $0x28, $0x38;
	[tilespmem:$0x1A180] =	vst v63  }
0x65: {  	_ =	swait.ge [sflag:s12], $0x28  }
0x66: {  	s11 =	rddreg [dreg:$0x3];
	[sflag:s12] =	ssyncset.done $0x0  }
0x67: {  	[sflag:s12] =	ssyncadd.s32 $0xFFFFFFD8;
	s7 =	sadd.s32 $0x0, s11  }
0x68: {  	[tilespmem:s26], [sflag:$0xB] =	stream.linear.gather [hbm4b:s7+s3], $0x28, $0x38;
	[tilespmem:$0x1A180] =	vst v63  }
0x69: {  	_ =	swait.ge [sflag:s12], $0x28  }
0x6a: {  	[sflag:s12] =	ssyncset.done $0x0  }
0x6b: {  	[sflag:s12] =	ssyncadd.s32 $0xFFFFFFD8  }
0x6c: {  	[tilespmem:s28], [sflag:$0x5] =	stream.indirect.gather [hbm4b:s4+s14], $0x80, s25, s14, $0xb8;
	[tilespmem:$0x1A180] =	vst v63  }
0x6d: {  	_ =	swait.ge [sflag:s29], $0x1400  }
0x6e: {  	[sflag:s29] =	ssyncset.done $0x0  }
0x6f: {  	[sflag:s29] =	ssyncadd.s32 $0xFFFFEC00  }
0x70: {  	[spmem:s2] =	stream.indirect.scatter.add.f32 [tilespmem:s15], [sflag:$0x6], $0x80, s13, s14, $0xb8;
	[tilespmem:$0x1A180] =	vst v63  }
0x71: {  	_ =	swait.ge [sflag:s30], $0x1400  }
0x72: {  	[sflag:s30] =	ssyncset.done $0x0  }
0x73: {  	[sflag:s30] =	ssyncadd.s32 $0xFFFFEC00  }
0x74: {  	[spmem:s2] =	stream.indirect.scatter.add.f32 [tilespmem:s18], [sflag:$0x7], $0x80, s17, s14, $0xb8;
	[tilespmem:$0x1A180] =	vst v63  }
0x75: {  	_ =	swait.ge [sflag:s31], $0x1400  }
0x76: {  	[sflag:s31] =	ssyncset.done $0x0  }
0x77: {  	[sflag:s31] =	ssyncadd.s32 $0xFFFFEC00  }
0x78: {  	[spmem:s2] =	stream.indirect.scatter.add.f32 [tilespmem:s21], [sflag:$0x8], $0x80, s20, s14, $0xb8;
	[tilespmem:$0x1A180] =	vst v63  }
0x79: {  	_ =	swait.ge [sflag:s0], $0x1400  }
0x7a: {  	[sflag:s0] =	ssyncset.done $0x0  }
0x7b: {  	[sflag:s0] =	ssyncadd.s32 $0xFFFFEC00  }
0x7c: {  	[spmem:s2] =	stream.indirect.scatter.add.f32 [tilespmem:s24], [sflag:$0x9], $0x80, s23, s14, $0xb8;
	[tilespmem:$0x1A180] =	vst v63  }
0x7d: {  	s8 =	simm.s32 $0x32;
	_ =	swait.ge [sflag:s1], $0x1400  }
0x7e: {  	p1 =	por $0x0, $0x0;
	s7 =	simm.s32 $0x19;
	[sflag:s1] =	ssyncset.done $0x0  }
.LBB2_2:
0x7f: {  	s11 =	simm.s32 @!p1 $0x6;
	[sflag:s1] =	ssyncadd.s32 $0xFFFFEC00  }
0x80: {  	[spmem:s2] =	stream.indirect.scatter.add.f32 [tilespmem:s28], [sflag:$0xA], $0x80, s26, s14, $0xb8;
	[tilespmem:$0x1A180] =	vst v63  }
0x81: {  	_ =	swait.ge @!p1 [sflag:s11], $0x1400  }
0x82: {  	[sflag:s11] =	ssyncset.done @!p1 $0x0;
	s5 =	rddreg [dreg:$0xc]  }
0x83: {  	[sflag:s11] =	ssyncadd.s32 @!p1 $0xFFFFEC00;
	s5 =	sadd.s32 s7, s5  }
0x84: {  	[tilespmem:s3], [sflag:$0xB] =	stream.linear.gather [hbm4b:s5+s3], $0x28, $0x38;
	[tilespmem:$0x1A180] =	vst v63  }
0x85: {  	_ =	swait.ge [sflag:s12], $0x28  }
0x86: {  	s11 =	rddreg [dreg:$0xb];
	[sflag:s12] =	ssyncset.done $0x0  }
0x87: {  	[sflag:s12] =	ssyncadd.s32 $0xFFFFFFD8;
	s5 =	sadd.s32 s7, s11  }
0x88: {  	[tilespmem:s13], [sflag:$0xB] =	stream.linear.gather [hbm4b:s5+s3], $0x28, $0x38;
	[tilespmem:$0x1A180] =	vst v63  }
0x89: {  	_ =	swait.ge [sflag:s12], $0x28  }
0x8a: {  	[sflag:s12] =	ssyncset.done $0x0  }
0x8b: {  	s5 =	simm.s32 @!p1 $0x7;
	[sflag:s12] =	ssyncadd.s32 $0xFFFFFFD8  }
0x8c: {  	[tilespmem:s15], [sflag:$0x1] =	stream.indirect.gather [hbm4b:s4+s14], $0x80, s3, s14, $0xb8;
	[tilespmem:$0x1A180] =	vst v63  }
0x8d: {  	_ =	swait.ge @!p1 [sflag:s5], $0x1400  }
0x8e: {  	[sflag:s5] =	ssyncset.done @!p1 $0x0;
	s11 =	rddreg [dreg:$0xa]  }
0x8f: {  	[sflag:s5] =	ssyncadd.s32 @!p1 $0xFFFFEC00;
	s11 =	sadd.s32 s7, s11  }
0x90: {  	[tilespmem:s16], [sflag:$0xB] =	stream.linear.gather [hbm4b:s11+s3], $0x28, $0x38;
	[tilespmem:$0x1A180] =	vst v63  }
0x91: {  	_ =	swait.ge [sflag:s12], $0x28  }
0x92: {  	s11 =	rddreg [dreg:$0x9];
	[sflag:s12] =	ssyncset.done $0x0  }
0x93: {  	[sflag:s12] =	ssyncadd.s32 $0xFFFFFFD8;
	s5 =	sadd.s32 s7, s11  }
0x94: {  	[tilespmem:s17], [sflag:$0xB] =	stream.linear.gather [hbm4b:s5+s3], $0x28, $0x38;
	[tilespmem:$0x1A180] =	vst v63  }
0x95: {  	_ =	swait.ge [sflag:s12], $0x28  }
0x96: {  	[sflag:s12] =	ssyncset.done $0x0  }
0x97: {  	s5 =	simm.s32 @!p1 $0x8;
	[sflag:s12] =	ssyncadd.s32 $0xFFFFFFD8  }
0x98: {  	[tilespmem:s18], [sflag:$0x2] =	stream.indirect.gather [hbm4b:s4+s14], $0x80, s16, s14, $0xb8;
	[tilespmem:$0x1A180] =	vst v63  }
0x99: {  	_ =	swait.ge @!p1 [sflag:s5], $0x1400  }
0x9a: {  	[sflag:s5] =	ssyncset.done @!p1 $0x0;
	s11 =	rddreg [dreg:$0x8]  }
0x9b: {  	[sflag:s5] =	ssyncadd.s32 @!p1 $0xFFFFEC00;
	s11 =	sadd.s32 s7, s11  }
0x9c: {  	[tilespmem:s19], [sflag:$0xB] =	stream.linear.gather [hbm4b:s11+s3], $0x28, $0x38;
	[tilespmem:$0x1A180] =	vst v63  }
0x9d: {  	_ =	swait.ge [sflag:s12], $0x28  }
0x9e: {  	s11 =	rddreg [dreg:$0x7];
	[sflag:s12] =	ssyncset.done $0x0  }
0x9f: {  	[sflag:s12] =	ssyncadd.s32 $0xFFFFFFD8;
	s5 =	sadd.s32 s7, s11  }
0xa0: {  	[tilespmem:s20], [sflag:$0xB] =	stream.linear.gather [hbm4b:s5+s3], $0x28, $0x38;
	[tilespmem:$0x1A180] =	vst v63  }
0xa1: {  	_ =	swait.ge [sflag:s12], $0x28  }
0xa2: {  	[sflag:s12] =	ssyncset.done $0x0  }
0xa3: {  	s5 =	simm.s32 @!p1 $0x9;
	[sflag:s12] =	ssyncadd.s32 $0xFFFFFFD8  }
0xa4: {  	[tilespmem:s21], [sflag:$0x3] =	stream.indirect.gather [hbm4b:s4+s14], $0x80, s19, s14, $0xb8;
	[tilespmem:$0x1A180] =	vst v63  }
0xa5: {  	_ =	swait.ge @!p1 [sflag:s5], $0x1400  }
0xa6: {  	[sflag:s5] =	ssyncset.done @!p1 $0x0;
	s11 =	rddreg [dreg:$0x6]  }
0xa7: {  	[sflag:s5] =	ssyncadd.s32 @!p1 $0xFFFFEC00;
	s11 =	sadd.s32 s7, s11  }
0xa8: {  	[tilespmem:s22], [sflag:$0xB] =	stream.linear.gather [hbm4b:s11+s3], $0x28, $0x38;
	[tilespmem:$0x1A180] =	vst v63  }
0xa9: {  	_ =	swait.ge [sflag:s12], $0x28  }
0xaa: {  	s11 =	rddreg [dreg:$0x5];
	[sflag:s12] =	ssyncset.done $0x0  }
0xab: {  	[sflag:s12] =	ssyncadd.s32 $0xFFFFFFD8;
	s5 =	sadd.s32 s7, s11  }
0xac: {  	[tilespmem:s23], [sflag:$0xB] =	stream.linear.gather [hbm4b:s5+s3], $0x28, $0x38;
	[tilespmem:$0x1A180] =	vst v63  }
0xad: {  	_ =	swait.ge [sflag:s12], $0x28  }
0xae: {  	[sflag:s12] =	ssyncset.done $0x0  }
0xaf: {  	s5 =	simm.s32 @!p1 $0xA;
	[sflag:s12] =	ssyncadd.s32 $0xFFFFFFD8  }
0xb0: {  	[tilespmem:s24], [sflag:$0x4] =	stream.indirect.gather [hbm4b:s4+s14], $0x80, s22, s14, $0xb8;
	[tilespmem:$0x1A180] =	vst v63  }
0xb1: {  	_ =	swait.ge @!p1 [sflag:s5], $0x1400  }
0xb2: {  	[sflag:s5] =	ssyncset.done @!p1 $0x0;
	s11 =	rddreg [dreg:$0x4]  }
0xb3: {  	[sflag:s5] =	ssyncadd.s32 @!p1 $0xFFFFEC00;
	s11 =	sadd.s32 s7, s11  }
0xb4: {  	[tilespmem:s25], [sflag:$0xB] =	stream.linear.gather [hbm4b:s11+s3], $0x28, $0x38;
	[tilespmem:$0x1A180] =	vst v63  }
0xb5: {  	_ =	swait.ge [sflag:s12], $0x28  }
0xb6: {  	s11 =	rddreg [dreg:$0x3];
	[sflag:s12] =	ssyncset.done $0x0  }
0xb7: {  	[sflag:s12] =	ssyncadd.s32 $0xFFFFFFD8;
	s5 =	sadd.s32 s7, s11  }
0xb8: {  	[tilespmem:s26], [sflag:$0xB] =	stream.linear.gather [hbm4b:s5+s3], $0x28, $0x38;
	[tilespmem:$0x1A180] =	vst v63  }
0xb9: {  	_ =	swait.ge [sflag:s12], $0x28  }
0xba: {  	[sflag:s12] =	ssyncset.done $0x0  }
0xbb: {  	[sflag:s12] =	ssyncadd.s32 $0xFFFFFFD8  }
0xbc: {  	[tilespmem:s28], [sflag:$0x5] =	stream.indirect.gather [hbm4b:s4+s14], $0x80, s25, s14, $0xb8;
	[tilespmem:$0x1A180] =	vst v63  }
0xbd: {  	_ =	swait.ge [sflag:s29], $0x1400  }
0xbe: {  	[sflag:s29] =	ssyncset.done $0x0  }
0xbf: {  	[sflag:s29] =	ssyncadd.s32 $0xFFFFEC00  }
0xc0: {  	[spmem:s2] =	stream.indirect.scatter.add.f32 [tilespmem:s15], [sflag:$0x6], $0x80, s13, s14, $0xb8;
	[tilespmem:$0x1A180] =	vst v63  }
0xc1: {  	_ =	swait.ge [sflag:s30], $0x1400  }
0xc2: {  	[sflag:s30] =	ssyncset.done $0x0  }
0xc3: {  	[sflag:s30] =	ssyncadd.s32 $0xFFFFEC00  }
0xc4: {  	[spmem:s2] =	stream.indirect.scatter.add.f32 [tilespmem:s18], [sflag:$0x7], $0x80, s17, s14, $0xb8;
	[tilespmem:$0x1A180] =	vst v63  }
0xc5: {  	_ =	swait.ge [sflag:s31], $0x1400  }
0xc6: {  	[sflag:s31] =	ssyncset.done $0x0  }
0xc7: {  	s9 =	smov.u32 s8;
	s8 =	sadd.s32 $0x19, s8;
	[sflag:s31] =	ssyncadd.s32 $0xFFFFEC00  }
0xc8: {  	[spmem:s2] =	stream.indirect.scatter.add.f32 [tilespmem:s21], [sflag:$0x8], $0x80, s20, s14, $0xb8;
	[tilespmem:$0x1A180] =	vst v63  }
0xc9: {  	p2 =	sne.s32 s8, $0x4E2;
	_ =	swait.ge [sflag:s0], $0x1400  }
.Ltmp0:
0xca: {  	[sflag:s0] =	ssyncset.done $0x0;
	(pc) =	sbr.rel @p2 .LBB2_2-.Ltmp0, $4  }
0xcb: {  	[sflag:s0] =	ssyncadd.s32 $0xFFFFEC00  }
0xcc: {  	[spmem:s2] =	stream.indirect.scatter.add.f32 [tilespmem:s24], [sflag:$0x9], $0x80, s23, s14, $0xb8;
	[tilespmem:$0x1A180] =	vst v63  }
0xcd: {  	s7 =	smov.u32 s9;
	_ =	swait.ge [sflag:s1], $0x1400  }
0xce: {  	p1 =	seq.s32 s7, $0x0;
	[sflag:s1] =	ssyncset.done $0x0  }
0xcf: {  	s5 =	simm.s32 @!p1 $0x6;
	[sflag:s1] =	ssyncadd.s32 $0xFFFFEC00  }
0xd0: {  	[spmem:s2] =	stream.indirect.scatter.add.f32 [tilespmem:s28], [sflag:$0xA], $0x80, s26, s14, $0xb8;
	[tilespmem:$0x1A180] =	vst v63  }
0xd1: {  	_ =	swait.ge @!p1 [sflag:s5], $0x1400  }
0xd2: {  	s8 =	rddreg [dreg:$0xc];
	[sflag:s5] =	ssyncset.done @!p1 $0x0  }
0xd3: {  	[sflag:s5] =	ssyncadd.s32 @!p1 $0xFFFFEC00;
	s11 =	sadd.s32 s7, s8  }
0xd4: {  	[tilespmem:s3], [sflag:$0xB] =	stream.linear.gather [hbm4b:s11+s3], $0x28, $0x38;
	[tilespmem:$0x1A180] =	vst v63  }
0xd5: {  	_ =	swait.ge [sflag:s12], $0x28  }
0xd6: {  	s8 =	rddreg [dreg:$0xb];
	[sflag:s12] =	ssyncset.done $0x0  }
0xd7: {  	[sflag:s12] =	ssyncadd.s32 $0xFFFFFFD8;
	s5 =	sadd.s32 s7, s8  }
0xd8: {  	[tilespmem:s13], [sflag:$0xB] =	stream.linear.gather [hbm4b:s5+s3], $0x28, $0x38;
	[tilespmem:$0x1A180] =	vst v63  }
0xd9: {  	_ =	swait.ge [sflag:s12], $0x28  }
0xda: {  	[sflag:s12] =	ssyncset.done $0x0  }
0xdb: {  	s5 =	simm.s32 @!p1 $0x7;
	[sflag:s12] =	ssyncadd.s32 $0xFFFFFFD8  }
0xdc: {  	[tilespmem:s15], [sflag:$0x1] =	stream.indirect.gather [hbm4b:s4+s14], $0x80, s3, s14, $0xb8;
	[tilespmem:$0x1A180] =	vst v63  }
0xdd: {  	_ =	swait.ge @!p1 [sflag:s5], $0x1400  }
0xde: {  	s9 =	rddreg [dreg:$0xa];
	[sflag:s5] =	ssyncset.done @!p1 $0x0  }
0xdf: {  	[sflag:s5] =	ssyncadd.s32 @!p1 $0xFFFFEC00;
	s11 =	sadd.s32 s7, s9  }
0xe0: {  	[tilespmem:s16], [sflag:$0xB] =	stream.linear.gather [hbm4b:s11+s3], $0x28, $0x38;
	[tilespmem:$0x1A180] =	vst v63  }
0xe1: {  	_ =	swait.ge [sflag:s12], $0x28  }
0xe2: {  	s8 =	rddreg [dreg:$0x9];
	[sflag:s12] =	ssyncset.done $0x0  }
0xe3: {  	[sflag:s12] =	ssyncadd.s32 $0xFFFFFFD8;
	s5 =	sadd.s32 s7, s8  }
0xe4: {  	[tilespmem:s17], [sflag:$0xB] =	stream.linear.gather [hbm4b:s5+s3], $0x28, $0x38;
	[tilespmem:$0x1A180] =	vst v63  }
0xe5: {  	_ =	swait.ge [sflag:s12], $0x28  }
0xe6: {  	[sflag:s12] =	ssyncset.done $0x0  }
0xe7: {  	s5 =	simm.s32 @!p1 $0x8;
	[sflag:s12] =	ssyncadd.s32 $0xFFFFFFD8  }
0xe8: {  	[tilespmem:s18], [sflag:$0x2] =	stream.indirect.gather [hbm4b:s4+s14], $0x80, s16, s14, $0xb8;
	[tilespmem:$0x1A180] =	vst v63  }
0xe9: {  	_ =	swait.ge @!p1 [sflag:s5], $0x1400  }
0xea: {  	s9 =	rddreg [dreg:$0x8];
	[sflag:s5] =	ssyncset.done @!p1 $0x0  }
0xeb: {  	[sflag:s5] =	ssyncadd.s32 @!p1 $0xFFFFEC00;
	s11 =	sadd.s32 s7, s9  }
0xec: {  	[tilespmem:s19], [sflag:$0xB] =	stream.linear.gather [hbm4b:s11+s3], $0x28, $0x38;
	[tilespmem:$0x1A180] =	vst v63  }
0xed: {  	_ =	swait.ge [sflag:s12], $0x28  }
0xee: {  	s8 =	rddreg [dreg:$0x7];
	[sflag:s12] =	ssyncset.done $0x0  }
0xef: {  	[sflag:s12] =	ssyncadd.s32 $0xFFFFFFD8;
	s5 =	sadd.s32 s7, s8  }
0xf0: {  	[tilespmem:s20], [sflag:$0xB] =	stream.linear.gather [hbm4b:s5+s3], $0x28, $0x38;
	[tilespmem:$0x1A180] =	vst v63  }
0xf1: {  	_ =	swait.ge [sflag:s12], $0x28  }
0xf2: {  	[sflag:s12] =	ssyncset.done $0x0  }
0xf3: {  	s5 =	simm.s32 @!p1 $0x9;
	[sflag:s12] =	ssyncadd.s32 $0xFFFFFFD8  }
0xf4: {  	[tilespmem:s21], [sflag:$0x3] =	stream.indirect.gather [hbm4b:s4+s14], $0x80, s19, s14, $0xb8;
	[tilespmem:$0x1A180] =	vst v63  }
0xf5: {  	_ =	swait.ge @!p1 [sflag:s5], $0x1400  }
0xf6: {  	s9 =	rddreg [dreg:$0x6];
	[sflag:s5] =	ssyncset.done @!p1 $0x0  }
0xf7: {  	[sflag:s5] =	ssyncadd.s32 @!p1 $0xFFFFEC00;
	s11 =	sadd.s32 s7, s9  }
0xf8: {  	[tilespmem:s22], [sflag:$0xB] =	stream.linear.gather [hbm4b:s11+s3], $0x28, $0x38;
	[tilespmem:$0x1A180] =	vst v63  }
0xf9: {  	_ =	swait.ge [sflag:s12], $0x28  }
0xfa: {  	s8 =	rddreg [dreg:$0x5];
	[sflag:s12] =	ssyncset.done $0x0  }
0xfb: {  	[sflag:s12] =	ssyncadd.s32 $0xFFFFFFD8;
	s5 =	sadd.s32 s7, s8  }
0xfc: {  	[tilespmem:s23], [sflag:$0xB] =	stream.linear.gather [hbm4b:s5+s3], $0x28, $0x38;
	[tilespmem:$0x1A180] =	vst v63  }
0xfd: {  	_ =	swait.ge [sflag:s12], $0x28  }
0xfe: {  	[sflag:s12] =	ssyncset.done $0x0  }
0xff: {  	s5 =	simm.s32 @!p1 $0xA;
	[sflag:s12] =	ssyncadd.s32 $0xFFFFFFD8  }
0x100: {  	[tilespmem:s24], [sflag:$0x4] =	stream.indirect.gather [hbm4b:s4+s14], $0x80, s22, s14, $0xb8;
	[tilespmem:$0x1A180] =	vst v63  }
0x101: {  	_ =	swait.ge @!p1 [sflag:s5], $0x1400  }
0x102: {  	s9 =	rddreg [dreg:$0x4];
	[sflag:s5] =	ssyncset.done @!p1 $0x0  }
0x103: {  	[sflag:s5] =	ssyncadd.s32 @!p1 $0xFFFFEC00;
	s11 =	sadd.s32 s7, s9  }
0x104: {  	[tilespmem:s25], [sflag:$0xB] =	stream.linear.gather [hbm4b:s11+s3], $0x28, $0x38;
	[tilespmem:$0x1A180] =	vst v63  }
0x105: {  	_ =	swait.ge [sflag:s12], $0x28  }
0x106: {  	s8 =	rddreg [dreg:$0x3];
	[sflag:s12] =	ssyncset.done $0x0  }
0x107: {  	s5 =	sadd.s32 s7, s8;
	[sflag:s12] =	ssyncadd.s32 $0xFFFFFFD8  }
0x108: {  	[tilespmem:s26], [sflag:$0xB] =	stream.linear.gather [hbm4b:s5+s3], $0x28, $0x38;
	[tilespmem:$0x1A180] =	vst v63  }
0x109: {  	_ =	swait.ge [sflag:s12], $0x28  }
0x10a: {  	[sflag:s12] =	ssyncset.done $0x0  }
0x10b: {  	[sflag:s12] =	ssyncadd.s32 $0xFFFFFFD8  }
0x10c: {  	[tilespmem:s28], [sflag:$0x5] =	stream.indirect.gather [hbm4b:s4+s14], $0x80, s25, s14, $0xb8;
	[tilespmem:$0x1A180] =	vst v63  }
0x10d: {  	_ =	swait.ge [sflag:s29], $0x1400  }
0x10e: {  	[sflag:s29] =	ssyncset.done $0x0  }
0x10f: {  	[sflag:s29] =	ssyncadd.s32 $0xFFFFEC00  }
0x110: {  	[spmem:s2] =	stream.indirect.scatter.add.f32 [tilespmem:s15], [sflag:$0x6], $0x80, s13, s14, $0xb8;
	[tilespmem:$0x1A180] =	vst v63  }
0x111: {  	_ =	swait.ge [sflag:s30], $0x1400  }
0x112: {  	[sflag:s30] =	ssyncset.done $0x0  }
0x113: {  	[sflag:s30] =	ssyncadd.s32 $0xFFFFEC00  }
0x114: {  	[spmem:s2] =	stream.indirect.scatter.add.f32 [tilespmem:s18], [sflag:$0x7], $0x80, s17, s14, $0xb8;
	[tilespmem:$0x1A180] =	vst v63  }
0x115: {  	_ =	swait.ge [sflag:s31], $0x1400  }
0x116: {  	[sflag:s31] =	ssyncset.done $0x0  }
0x117: {  	[sflag:s31] =	ssyncadd.s32 $0xFFFFEC00  }
0x118: {  	[spmem:s2] =	stream.indirect.scatter.add.f32 [tilespmem:s21], [sflag:$0x8], $0x80, s20, s14, $0xb8;
	[tilespmem:$0x1A180] =	vst v63  }
0x119: {  	_ =	swait.ge [sflag:s0], $0x1400  }
0x11a: {  	[sflag:s0] =	ssyncset.done $0x0  }
0x11b: {  	[sflag:s0] =	ssyncadd.s32 $0xFFFFEC00  }
0x11c: {  	[spmem:s2] =	stream.indirect.scatter.add.f32 [tilespmem:s24], [sflag:$0x9], $0x80, s23, s14, $0xb8;
	[tilespmem:$0x1A180] =	vst v63  }
0x11d: {  	_ =	swait.ge [sflag:s1], $0x1400  }
0x11e: {  	[sflag:s1] =	ssyncset.done $0x0  }
0x11f: {  	s9 =	simm.s32 $0x6;
	[sflag:s1] =	ssyncadd.s32 $0xFFFFEC00  }
0x120: {  	[spmem:s2] =	stream.indirect.scatter.add.f32 [tilespmem:s28], [sflag:$0xA], $0x80, s26, s14, $0xb8;
	[tilespmem:$0x1A180] =	vst v63  }
0x121: {  	_ =	swait.ge [sflag:s9], $0x1400  }
0x122: {  	[sflag:s9] =	ssyncset.done $0x0  }
0x123: {  	s11 =	simm.s32 $0x7;
	[sflag:s9] =	ssyncadd.s32 $0xFFFFEC00  }
0x124: {  	_ =	swait.ge [sflag:s11], $0x1400  }
0x125: {  	[sflag:s11] =	ssyncset.done $0x0  }
0x126: {  	s7 =	simm.s32 $0x8;
	[sflag:s11] =	ssyncadd.s32 $0xFFFFEC00  }
0x127: {  	_ =	swait.ge [sflag:s7], $0x1400  }
0x128: {  	[sflag:s7] =	ssyncset.done $0x0  }
0x129: {  	s8 =	simm.s32 $0x9;
	[sflag:s7] =	ssyncadd.s32 $0xFFFFEC00  }
0x12a: {  	_ =	swait.ge [sflag:s8], $0x1400  }
0x12b: {  	[sflag:s8] =	ssyncset.done $0x0  }
0x12c: {  	s9 =	simm.s32 $0xA;
	[sflag:s8] =	ssyncadd.s32 $0xFFFFEC00  }
0x12d: {  	_ =	swait.ge [sflag:s9], $0x1400  }
0x12e: {  	[sflag:s9] =	ssyncset.done $0x0  }
0x12f: {  	[sflag:s9] =	ssyncadd.s32 $0xFFFFEC00  }
0x130: {  	[bflag:$0x0] =	sbarrier.arrive $0xFFFF  }
0x131: {  	s7 =	rddreg [dreg:$0x12]  }
0x132: {  	s5 =	simm.s32 @p0 $0x1FCB;
	s8 =	rddreg [dreg:$0x14]  }
0x133: {  	[hbm:s7], [sflag:s5] =	dma.local @p0 [spmem:s8], $0x2080  }
0x134: {  	s5 =	simm.s32 @p0 $0xB  }
0x135: {  	_ =	swait.ge @p0 [sflag:s5], $0x2080  }
0x136: {  	[sflag:s5] =	ssyncset.done @p0 $0x0;
	s7 =	rddreg [dreg:$0x15]  }
0x137: {  	[sflag:s5] =	ssyncadd.s32 @p0 $0xFFFFDF80;
	s5 =	rddreg [dreg:$0x11]  }
0x138: {  	[hbm:s5], [sflag:s7] =	dma.local @!p0 [spmem:s6], $0x2780  }
0x139: {  	s5 =	simm.s32 @!p0 $0xB  }
0x13a: {  	_ =	swait.ge @!p0 [sflag:s5], $0x2780  }
0x13b: {  	s10 =	sadd.s32 $0x1, s10;
	s11 =	rddreg [dreg:$0x13]  }
0x13c: {  	p1 =	sne.s32 s10, s11  }
.Ltmp1:
0x13d: {  	_ = 	snop;
	(pc) =	sbr.rel @p1 .LBB2_1-.Ltmp1, $3  }
0x13e: {  	_ =	sdelay $0x1  }
0x13f: {  	[sflag:s5] =	ssyncset.done @!p0 $0x0  }
0x140: {  	[sflag:s5] =	ssyncadd.s32 @!p0 $0xFFFFD880  }
0x141: {  	_ =	sfence.sel $0x180000  }
0x142: {  	[bflag:$0x0] =	sbarrier.arrive $0xFFFF  }
0x143: {  	_ =	strace $0x90000047  }
0x144: {  	s0 =	stileid.u32;
	[bflag:$0x2] =	sbarrier.arrive $0xFFFF  }
0x145: {  	p0 =	sne.s32 s0, $0x0;
	s0 =	rddreg [dreg:$0x2]  }
0x146: {  	s0 =	sadd.s32 @!p0 $0x100000, s0  }
0x147: {  	[sflag:s0] =	ssyncadd.tile.s32 @!p0 $0x1;
	_ =	shalt  }
.Lfunc_end2:
_tile_overlayer_lowered:
.L_overlay_start_2:
0x148: {  	(tag) =	ssettag $0x2  }
0x149: {  	s0 =	rddreg [dreg:$0x0];
	s2 =	stileid.u32  }
0x14a: {  	s1 =	rddreg [dreg:$0x1];
	p0 =	sne.s32 s2, $0x0  }
0x14b: {  	s3 =	rddreg [dreg:$0x2];
	[bflag:$0x3] =	sbarrier.arrive $0xFFFF;
	s2 =	simm.s32 @!p0 $0x1C0B  }
0x14c: {  	[timem:s3], [sflag:s2] =	dma.local @!p0 [hbm:s0], s1  }
0x14d: {  	s0 =	simm.s32 @!p0 $0xB  }
0x14e: {  	_ =	swait.ge @!p0 [sflag:s0], s1  }
0x14f: {  	s1 =	ssub.s32 @!p0 $0x0, s1;
	[sflag:s0] =	ssyncset.done @!p0 $0x0  }
0x150: {  	[sflag:s0] =	ssyncadd.s32 @!p0 s1  }
0x151: {  	[bflag:$0x3] =	sbarrier.arrive $0xFFFF  }
0x152: {  	_ =	shalt  }

// kernel: kernel.17.cloned.1.call-start
scs
__scs_entry_jumppad:
0x0: {  	(pc) =	sbr.rel $0x88, $3  }
0x1: {  	(tag) =	ssettag $0x0;
	lr =	simm.s32 $0x1  }
0x2: {  	[smem:$0x3F7E] =	sst lr;
	_ =	strace $0xD0000000  }
0x3: {  	_ = 	snop  }
0x4: {  	_ = 	snop  }
0x5: {  	_ = 	snop  }
0x6: {  	_ = 	snop  }
0x7: {  	_ = 	snop  }
__scs_overlays_trampoline_lowered:
0x8: {  	[smem:$0x3F8D] =	sst s0  }
0x9: {  	[smem:$0x3F8E] =	sst s1  }
0xa: {  	[smem:$0x3F8F] =	sst s2  }
0xb: {  	[smem:$0x3F90] =	sst s3  }
0xc: {  	[smem:$0x3F91] =	sst s4  }
0xd: {  	[smem:$0x3F92] =	sst s5  }
0xe: {  	[smem:$0x3F93] =	sst s6  }
0xf: {  	[smem:$0x3F94] =	sst s7  }
0x10: {  	[smem:$0x3F95] =	sst s8  }
0x11: {  	[smem:$0x3F96] =	sst s9;
	s0 =	simm.s32 @!p0 $0x0  }
0x12: {  	s1 =	sld [smem:$0x3F7C];
	s0 =	simm.s32 @p0 $0x1  }
0x13: {  	[smem:$0x3F97] =	sst s0;
	s0 =	simm.s32 @!p1 $0x0  }
0x14: {  	s2 =	sld [smem:$0x3F7B];
	s0 =	simm.s32 @p1 $0x1  }
0x15: {  	[smem:$0x3F98] =	sst s0;
	s0 =	simm.s32 @!p2 $0x0  }
0x16: {  	s3 =	sld [smem:$0x3FDB];
	s0 =	simm.s32 @p2 $0x1  }
0x17: {  	s4 =	simm.s32 $0x1BF5;
	[smem:$0x3F9A] =	sst s0  }
0x18: {  	s0 =	sld [smem:$0x3F7D];
	_ =	swait.ge [sflag:s4], $0x0  }
0x19: {  	s7 =	sld [smem:$0x3F7E]  }
0x1a: {  	s8 =	sadd.s32 $0xFFFFE003, lr  }
0x1b: {  	s9 =	sadd.s32 $0xFFFFFEF7, lr;
	s5 =	simm.s32 $0xFFFFFFFF;
	p2 =	slt.u32 s8, $0xFFFFF086  }
0x1c: {  	p1 =	slt.u32 s9, $0xF7A;
	s5 =	simm.s32 @!p2 $0x0  }
0x1d: {  	s5 =	simm.s32 @p1 $0x1;
	p0 =	seq.s32 s7, s2  }
0x1e: {  	s7 =	smul.u32 @!p0 $0xF7A, s2;
	p2 =	seq.s32 @!p0 s5, $0x0  }
0x1f: {  	s9 =	smul.u32 $0xF7A, s1;
	s8 =	simm.s32 @!p0 $0x1BF5;
	p2 =	por !p2, p0  }
0x20: {  	[sflag:s8] =	ssyncset.s32 @!p0 $0xFFFFF086;
	s6 =	sadd.s32 @!p0 s3, s7;
	s7 =	simm.s32 @!p0 $0x108  }
0x21: {  	s3 =	sadd.s32 s3, s9;
	s6 =	sadd.s32 @!p0 $0x88, s6;
	s7 =	simm.s32 @p2 $0x1082  }
0x22: {  	[simem:s7], [sflag:s8] =	dma.local @!p0 [hbm:s6], $0xF7A  }
0x23: {  	s9 =	sor.u32 $0xD0000000, s2;
	s6 =	simm.s32 $0x108;
	_ =	swait.ge @!p0 [sflag:s8], $0x0  }
0x24: {  	s3 =	sadd.s32 $0x88, s3;
	s6 =	simm.s32 @!p1 $0x1082;
	[sflag:s4] =	ssyncset.s32 $0xFFFFF086  }
0x25: {  	[simem:s6], [sflag:s4] =	dma.local [hbm:s3], $0xF7A  }
0x26: {  	[smem:$0x3F7E] =	sst s1;
	(tag) =	ssettag s2;
	_ =	strace s9  }
0x27: {  	s1 =	sld [smem:$0x3F8E]  }
0x28: {  	s2 =	sld [smem:$0x3F8F]  }
0x29: {  	s4 =	sld [smem:$0x3F91]  }
0x2a: {  	p0 =	seq.s32 s5, $0x0;
	s5 =	sld [smem:$0x3F92]  }
0x2b: {  	s6 =	sld [smem:$0x3F93]  }
0x2c: {  	s7 =	sld [smem:$0x3F94]  }
0x2d: {  	s3 =	simm.s32 $0x108;
	s8 =	sld [smem:$0x3F95]  }
0x2e: {  	s3 =	simm.s32 @!p0 $0x1082;
	s9 =	sld [smem:$0x3F96]  }
0x2f: {  	lr =	sadd.s32 s0, s3;
	s0 =	sld [smem:$0x3F8D]  }
0x30: {  	s3 =	sld [smem:$0x3F90]  }
0x31: {  	[smem:$0x3F99] =	sst s10  }
0x32: {  	s10 =	sld [smem:$0x3F97];
	_ =	sdelay $0x3  }
0x33: {  	p0 =	seq.s32 s10, $0x1;
	s10 =	sld [smem:$0x3F99];
	_ =	sdelay $0x3  }
0x34: {  	[smem:$0x3F99] =	sst s10  }
0x35: {  	s10 =	sld [smem:$0x3F98];
	_ =	sdelay $0x3  }
0x36: {  	p1 =	seq.s32 s10, $0x1;
	s10 =	sld [smem:$0x3F99];
	_ =	sdelay $0x3  }
0x37: {  	[smem:$0x3F99] =	sst s10  }
0x38: {  	s10 =	sld [smem:$0x3F9A]  }
0x39: {  	_ = 	snop;
	(pc) =	sbr.ind lr, $3  }
0x3a: {  	_ = 	snop  }
0x3b: {  	_ = 	snop  }
0x3c: {  	p2 =	seq.s32 s10, $0x1;
	s10 =	sld [smem:$0x3F99]  }
0x3d: {  	_ =	shalt  }
0x3e: {  	_ =	shalt  }
0x3f: {  	_ =	shalt  }
0x40: {  	_ =	shalt  }
0x41: {  	_ =	shalt  }
0x42: {  	_ =	shalt  }
0x43: {  	_ =	shalt  }
0x44: {  	_ =	shalt  }
0x45: {  	_ =	shalt  }
0x46: {  	_ =	shalt  }
0x47: {  	_ =	shalt  }
0x48: {  	_ =	shalt  }
0x49: {  	_ =	shalt  }
0x4a: {  	_ =	shalt  }
0x4b: {  	_ =	shalt  }
0x4c: {  	_ =	shalt  }
0x4d: {  	_ =	shalt  }
0x4e: {  	_ =	shalt  }
0x4f: {  	_ =	shalt  }
0x50: {  	_ =	shalt  }
0x51: {  	_ =	shalt  }
0x52: {  	_ =	shalt  }
0x53: {  	_ =	shalt  }
0x54: {  	_ =	shalt  }
0x55: {  	_ =	shalt  }
0x56: {  	_ =	shalt  }
0x57: {  	_ =	shalt  }
0x58: {  	_ =	shalt  }
0x59: {  	_ =	shalt  }
0x5a: {  	_ =	shalt  }
0x5b: {  	_ =	shalt  }
0x5c: {  	_ =	shalt  }
0x5d: {  	_ =	shalt  }
0x5e: {  	_ =	shalt  }
0x5f: {  	_ =	shalt  }
0x60: {  	_ =	shalt  }
0x61: {  	_ =	shalt  }
0x62: {  	_ =	shalt  }
0x63: {  	_ =	shalt  }
0x64: {  	_ =	shalt  }
0x65: {  	_ =	shalt  }
0x66: {  	_ =	shalt  }
0x67: {  	_ =	shalt  }
0x68: {  	_ =	shalt  }
0x69: {  	_ =	shalt  }
0x6a: {  	_ =	shalt  }
0x6b: {  	_ =	shalt  }
0x6c: {  	_ =	shalt  }
0x6d: {  	_ =	shalt  }
0x6e: {  	_ =	shalt  }
0x6f: {  	_ =	shalt  }
0x70: {  	_ =	shalt  }
0x71: {  	_ =	shalt  }
0x72: {  	_ =	shalt  }
0x73: {  	_ =	shalt  }
0x74: {  	_ =	shalt  }
0x75: {  	_ =	shalt  }
0x76: {  	_ =	shalt  }
0x77: {  	_ =	shalt  }
0x78: {  	_ =	shalt  }
0x79: {  	_ =	shalt  }
0x7a: {  	_ =	shalt  }
0x7b: {  	_ =	shalt  }
0x7c: {  	_ =	shalt  }
0x7d: {  	_ =	shalt  }
0x7e: {  	_ =	shalt  }
0x7f: {  	_ =	shalt  }
0x80: {  	_ =	shalt  }
0x81: {  	_ =	shalt  }
0x82: {  	_ =	shalt  }
0x83: {  	_ =	shalt  }
0x84: {  	_ =	shalt  }
0x85: {  	_ =	shalt  }
0x86: {  	_ =	shalt  }
0x87: {  	_ =	shalt  }
.Lfunc_end0:
.L_simem_size_0:
called_computation.2_lowered:
.L_overlay_start_0:
0x88: {  	s2 =	sld [smem:$0x3FD9]  }
0x89: {  	s3 =	sld [smem:$0x3FFE];
	_ =	sdelay $0x1  }
0x8a: {  	s1 =	srdreg.scid  }
0x8b: {  	s0 =	sand.u32 $0x1, s1  }
0x8c: {  	s17 =	sshll.u32 s0, $0xA;
	s2 =	sadd.s32 s3, s2  }
0x8d: {  	s2 =	sadd.s32 s2, s17  }
0x8e: {  	[smem:$0x3FA5] =	sst s2  }
0x8f: {  	_ = 	snop  }
0x90: {  	(tm) =	ssettm $0x1  }
0x91: {  	s18 =	sld [smem:$0x3FFB];
	_ =	sdelay $0x3  }
0x92: {  	_ =	strace s18  }
0x93: {  	s2 =	sld [smem:$0x3FFC];
	_ =	sdelay $0x3  }
0x94: {  	_ =	strace s2  }
0x95: {  	s2 =	sld [smem:$0x3FFD];
	_ =	sdelay $0x3  }
0x96: {  	_ =	strace s2  }
0x97: {  	_ =	strace $0x8FFFFFFF  }
0x98: {  	s19 =	sld [smem:$0x3FDB];
	_ =	sdelay $0x1  }
0x99: {  	s20 =	simm.s32 $_scs_section_size  }
0x9a: {  	s4 =	simm.s32 $_size__tile_overlayer_lowered;
	s5 =	simm.s32 $_tile_overlayer_lowered  }
0x9b: {  	s6 =	simm.s32 $0x1BFF;
	s21 =	sshll.u32 s5, $0x1;
	s3 =	sadd.s32 s20, s19  }
0x9c: {  	s22 =	simm.s32 $0x0;
	s4 =	sshll.u32 s4, $0x1;
	s5 =	sadd.s32 s21, s3  }
0x9d: {  	[timem:s22], [sflag:s6] =	dma.local [hbm:s5], s4  }
0x9e: {  	_ =	swait.ge [sflag:s6], s4  }
0x9f: {  	s4 =	ssub.s32 $0x0, s4;
	[sflag:s6] =	ssyncset.done $0x0  }
0xa0: {  	[sflag:s6] =	ssyncadd.s32 s4;
	_ =	sdelay $0x1  }
0xa1: {  	s23 =	simm.s32 $0x1B8B  }
0xa2: {  	_ =	swait.ge [sflag:s23], $0x1  }
0xa3: {  	[sflag:s23] =	ssyncset.done $0x0  }
0xa4: {  	[sflag:s23] =	ssyncadd.s32 $0xFFFFFFFF  }
0xa5: {  	s4 =	sld [smem:$0x0]  }
0xa6: {  	s5 =	sand.u32 $0xFFFFFFFE, s1  }
0xa7: {  	p0 =	sne.s32 s1, s5  }
0xa8: {  	s5 =	sshll.u32 @p0 s5, $0xE  }
0xa9: {  	s5 =	sadd.s32 @p0 $0x11B8D, s5;
	s6 =	sshll.u32 @p0 s4, $0x11  }
0xaa: {  	s5 =	sor.u32 @p0 s6, s5  }
0xab: {  	[sflag:s5] =	ssyncadd.remote.s32 @p0 $0x1;
	_ =	sdelay $0x1  }
0xac: {  	s5 =	simm.s32 @p0 $0x1B8D  }
0xad: {  	_ =	swait.eq @p0 [sflag:s5], $0x1  }
0xae: {  	[sflag:s5] =	ssyncadd.s32 @p0 $0xFFFFFFFF  }
0xaf: {  	s6 =	sshll.u32 @!p0 s1, $0xE  }
0xb0: {  	s6 =	sor.u32 @!p0 $0x4000, s6;
	s5 =	simm.s32 @!p0 $0x1B8D  }
0xb1: {  	s4 =	sshll.u32 @!p0 s4, $0x11;
	s6 =	sadd.s32 @!p0 $0x11B8D, s6;
	_ =	swait.eq @!p0 [sflag:s5], $0x1  }
0xb2: {  	s4 =	sor.u32 @!p0 s4, s6;
	[sflag:s5] =	ssyncadd.s32 @!p0 $0xFFFFFFFF  }
0xb3: {  	s25 =	simm.s32 $0x1B8E;
	s24 =	sld [smem:$0x3FFE];
	[sflag:s4] =	ssyncadd.remote.s32 @!p0 $0x1  }
0xb4: {  	s26 =	simm.s32 $execute0_lowered;
	[smem:$0x3FD2] =	sst s25  }
0xb5: {  	s5 =	sshll.u32 s26, $0x1;
	_ =	strace $0x8000004C;
	[dreg:$0x1] =	wrdreg $0xFFFFFFFF  }
0xb6: {  	s28 =	simm.s32 $_size_execute0_lowered;
	s3 =	sadd.s32 s3, s5;
	[dreg:$0x0] =	wrdreg $0x0  }
0xb7: {  	s5 =	sshll.u32 s28, $0x1;
	[dreg:$0x2] =	wrdreg s3  }
0xb8: {  	[dreg:$0x3] =	wrdreg s5  }
0xb9: {  	[dreg:$0x4] =	wrdreg $0xC0  }
0xba: {  	_ =	task [dreg:s22], $0x5FFFF  }
0xbb: {  	[dreg:$0x1] =	wrdreg $0xFFFFFFFF  }
0xbc: {  	[dreg:$0x0] =	wrdreg $0x60  }
0xbd: {  	[dreg:$0x2] =	wrdreg s24  }
0xbe: {  	[dreg:$0x3] =	wrdreg $0x69000  }
0xbf: {  	[dreg:$0x4] =	wrdreg $0xA  }
0xc0: {  	_ =	task.clear_ibuf [dreg:s22], $0x5FFFF;
	_ =	strace $0x9000004C  }
0xc1: {  	s29 =	simm.s32 $0xA;
	_ =	strace $0x8000004E  }
0xc2: {  	_ =	swait.ge [sflag:s29], $0x1  }
0xc3: {  	[sflag:s29] =	ssyncadd.s32 $0xFFFFFFFF  }
0xc4: {  	_ =	strace $0x9000004E  }
0xc5: {  	_ =	sfence  }
0xc6: {  	s30 =	sld [smem:$0x0];
	_ =	sdelay $0x2  }
0xc7: {  	s31 =	sshll.u32 s1, $0xD;
	s1 =	sshrl.u32 s1, $0x2  }
0xc8: {  	s4 =	sand.u32 $0x4000, s31;
	s1 =	sadd.s32 s1, s30  }
0xc9: {  	s0 =	sor.u32 s4, s0;
	s1 =	sshll.u32 s1, $0x11  }
0xca: {  	s0 =	sor.u32 s1, s0  }
0xcb: {  	s0 =	sadd.s32 $0x8F2B, s0  }
0xcc: {  	[sflag:s0] =	ssyncadd.remote.s32 $0x1  }
0xcd: {  	_ =	sfence.sel $0xFFFF  }
0xce: {  	[dreg:$0x0] =	wrdreg $0xFFFFFFFF;
	(pc) =	sbr.abs _section_cstart, $3  }
0xcf: {  	[dreg:$0x1] =	wrdreg $0xFFFFFFFF  }
0xd0: {  	_ =	task.clear_ibuf [dreg:s22], $0x2FFFF;
	_ =	strace $0x9FFFFFFF  }
0xd1: {  	(tm) =	ssettm $0x7FFFFFFF  }
tec
execute0_lowered:
.L_overlay_start_1:
0x0: {  	(tag) =	ssettag $0x1  }
0x1: {  	s0 =	rddreg [dreg:$0x0]  }
0x2: {  	s2 =	rddreg [dreg:$0x1];
	s3 =	simm.s32 $0x0;
	s14 =	stileid.u32  }
0x3: {  	s5 =	srdreg.scid;
	s28 =	simm.s32 $0x5500;
	s29 =	simm.s32 $0x1  }
0x4: {  	s30 =	simm.s32 $0x2;
	s31 =	simm.s32 $0x3;
	s1 =	smul.u32 $0x2780, s14  }
0x5: {  	[smem:$0x7FF] =	sst s3;
	s4 =	sadd.s32 $0x19C00, s0;
	s6 =	smul.u32 $0x4F000, s14  }
0x6: {  	s5 =	sand.u32 $0x1, s5;
	s7 =	sadd.s32 $0xFE00, s0;
	s11 =	smul.u32 $0x4E20, s14  }
0x7: {  	s8 =	sadd.s32 $0x6000, s0;
	s12 =	sadd.s32 $0x68000, s0;
	s17 =	smul.u32 $0x13C00, s14  }
0x8: {  	s18 =	sadd.s32 $0x128400, s2;
	p0 =	seq.s32 s14, $0xF;
	s14 =	simm.s32 $0x28  }
0x9: {  	_ =	strace $0x8000004D;
	s9 =	smul.u32 $0x138800, s5;
	s10 =	ssub.s32 $0x2, s5  }
0xa: {  	s5 =	smul.u32 $0x2710, s5;
	[dreg:$0xf] =	wrdreg s18;
	s1 =	sadd.s32 s1, s0  }
0xb: {  	s13 =	sshrl.u32 s10, $0x1;
	s6 =	sshrl.u32 s6, $0x2;
	s0 =	sadd.s32 $0x65E80, s0  }
0xc: {  	s10 =	ssub.s32 s10, s13;
	s6 =	sadd.s32 s6, s2;
	[dreg:$0x10] =	wrdreg s0  }
0xd: {  	s1 =	sadd.s32 $0x40E00, s1;
	s19 =	sadd.s32 s17, s9;
	[dreg:$0xd] =	wrdreg s6  }
0xe: {  	[dreg:$0xe] =	wrdreg s1;
	s1 =	sadd.s32 s5, s11;
	s21 =	sshrl.u32 s19, $0x3  }
0xf: {  	s20 =	sadd.s32 $0xA0, s1;
	s0 =	sadd.s32 s12, s21;
	s24 =	sadd.s32 $0x78, s1  }
0x10: {  	s11 =	sadd.s32 $0x50, s1;
	s17 =	sadd.s32 $0x28, s1;
	s1 =	sshrl.u32 s1, $0x3  }
0x11: {  	s22 =	sshrl.u32 s20, $0x3;
	[dreg:$0x11] =	wrdreg s0;
	s26 =	sshrl.u32 s24, $0x3  }
0x12: {  	s15 =	sshrl.u32 s11, $0x3;
	s19 =	sshrl.u32 s17, $0x3;
	s24 =	sadd.s32 s1, s8  }
0x13: {  	s20 =	sshrl.u32 s9, $0x3;
	s23 =	sadd.s32 s22, s8;
	[dreg:$0xb] =	wrdreg s24  }
0x14: {  	s17 =	simm.s32 $0x300;
	s25 =	sadd.s32 s22, s7;
	[dreg:$0x3] =	wrdreg s23  }
0x15: {  	s0 =	simm.s32 $0x4;
	s6 =	sadd.s32 s26, s8;
	[dreg:$0x4] =	wrdreg s25  }
0x16: {  	s13 =	sadd.s32 s26, s7;
	s16 =	sadd.s32 s15, s8;
	[dreg:$0x5] =	wrdreg s6  }
0x17: {  	s18 =	sadd.s32 s15, s7;
	s21 =	sadd.s32 s19, s8;
	[dreg:$0x6] =	wrdreg s13  }
0x18: {  	s22 =	sadd.s32 s19, s7;
	s26 =	smax.u32 s10, $0x1;
	[dreg:$0x7] =	wrdreg s16  }
0x19: {  	s15 =	simm.s32 $0x500;
	s19 =	simm.s32 $0x100;
	[dreg:$0x8] =	wrdreg s18  }
0x1a: {  	s24 =	simm.s32 $0x4100;
	s10 =	simm.s32 $0x0;
	[dreg:$0x9] =	wrdreg s21  }
0x1b: {  	s23 =	sadd.s32 s12, s20;
	[dreg:$0xa] =	wrdreg s22;
	s25 =	sadd.s32 s1, s7  }
0x1c: {  	[dreg:$0x13] =	wrdreg s26;
	s12 =	simm.s32 $0xB;
	s13 =	simm.s32 $0x280  }
0x1d: {  	s16 =	simm.s32 $0x80;
	s18 =	simm.s32 $0x1900;
	s20 =	simm.s32 $0x380  }
0x1e: {  	s21 =	simm.s32 $0x2D00;
	s22 =	simm.s32 $0x180;
	s26 =	simm.s32 $0x480  }
0x1f: {  	s1 =	simm.s32 $0x5;
	s5 =	sadd.s32 $0x25080, s23;
	[dreg:$0xc] =	wrdreg s25  }
0x20: {  	s23 =	simm.s32 $0x400;
	s25 =	simm.s32 $0x200;
	[dreg:$0x12] =	wrdreg s5  }
.LBB2_1:
0x21: {  	s5 =	rddreg [dreg:$0xf]  }
0x22: {  	s6 =	rddreg [dreg:$0x10];
	s7 =	sshrl.u32 @p0 s5, $0x3  }
0x23: {  	s5 =	simm.s32 @p0 $0x1FCB;
	[dreg:$0x14] =	wrdreg s7  }
0x24: {  	[spmem:s7], [sflag:s5] =	dma.local @p0 [hbm:s6], $0x2080  }
0x25: {  	s5 =	simm.s32 @p0 $0xB  }
0x26: {  	s6 =	stileid.u32;
	_ =	swait.ge @p0 [sflag:s5], $0x2080  }
0x27: {  	s6 =	sshll.u32 @!p0 s6, $0x6;
	[sflag:s5] =	ssyncset.done @p0 $0x0  }
0x28: {  	s7 =	sor.u32 @!p0 $0x1C0B, s6;
	[sflag:s5] =	ssyncadd.s32 @p0 $0xFFFFDF80;
	s5 =	rddreg [dreg:$0xd]  }
0x29: {  	[dreg:$0x15] =	wrdreg s7  }
0x2a: {  	s6 =	sshrl.u32 @!p0 s5, $0x3;
	s5 =	rddreg [dreg:$0xe]  }
0x2b: {  	[spmem:s6], [sflag:s7] =	dma.local @!p0 [hbm:s5], $0x2780  }
0x2c: {  	s7 =	simm.s32 @!p0 $0xB  }
0x2d: {  	_ =	swait.ge @!p0 [sflag:s7], $0x2780  }
0x2e: {  	[sflag:s7] =	ssyncset.done @!p0 $0x0  }
0x2f: {  	p1 =	por $0x1, $0x1;
	[sflag:s7] =	ssyncadd.s32 @!p0 $0xFFFFD880  }
0x30: {  	s7 =	simm.s32 @!p1 $0x6;
	[bflag:$0x0] =	sbarrier.arrive $0xFFFF  }
0x31: {  	_ =	swait.ge @!p1 [sflag:s7], $0x1400  }
0x32: {  	s8 =	rddreg [dreg:$0xc];
	[sflag:s7] =	ssyncset.done @!p1 $0x0  }
0x33: {  	[sflag:s7] =	ssyncadd.s32 @!p1 $0xFFFFEC00;
	s9 =	sadd.s32 $0x0, s8  }
0x34: {  	[tilespmem:s3], [sflag:$0xB] =	stream.linear.gather [hbm4b:s9+s3], $0x28, $0x38;
	[tilespmem:$0x1A180] =	vst v63  }
0x35: {  	_ =	swait.ge [sflag:s12], $0x28  }
0x36: {  	s11 =	rddreg [dreg:$0xb];
	[sflag:s12] =	ssyncset.done $0x0  }
0x37: {  	[sflag:s12] =	ssyncadd.s32 $0xFFFFFFD8;
	s7 =	sadd.s32 $0x0, s11  }
0x38: {  	[tilespmem:s13], [sflag:$0xB] =	stream.linear.gather [hbm4b:s7+s3], $0x28, $0x38;
	[tilespmem:$0x1A180] =	vst v63  }
0x39: {  	_ =	swait.ge [sflag:s12], $0x28  }
0x3a: {  	[sflag:s12] =	ssyncset.done $0x0  }
0x3b: {  	s7 =	simm.s32 @!p1 $0x7;
	[sflag:s12] =	ssyncadd.s32 $0xFFFFFFD8  }
0x3c: {  	[tilespmem:s15], [sflag:$0x1] =	stream.indirect.gather [hbm4b:s4+s14], $0x80, s3, s14, $0xb8;
	[tilespmem:$0x1A180] =	vst v63  }
0x3d: {  	_ =	swait.ge @!p1 [sflag:s7], $0x1400  }
0x3e: {  	s5 =	rddreg [dreg:$0xa];
	[sflag:s7] =	ssyncset.done @!p1 $0x0  }
0x3f: {  	[sflag:s7] =	ssyncadd.s32 @!p1 $0xFFFFEC00;
	s9 =	sadd.s32 $0x0, s5  }
0x40: {  	[tilespmem:s16], [sflag:$0xB] =	stream.linear.gather [hbm4b:s9+s3], $0x28, $0x38;
	[tilespmem:$0x1A180] =	vst v63  }
0x41: {  	_ =	swait.ge [sflag:s12], $0x28  }
0x42: {  	s11 =	rddreg [dreg:$0x9];
	[sflag:s12] =	ssyncset.done $0x0  }
0x43: {  	[sflag:s12] =	ssyncadd.s32 $0xFFFFFFD8;
	s7 =	sadd.s32 $0x0, s11  }
0x44: {  	[tilespmem:s17], [sflag:$0xB] =	stream.linear.gather [hbm4b:s7+s3], $0x28, $0x38;
	[tilespmem:$0x1A180] =	vst v63  }
0x45: {  	_ =	swait.ge [sflag:s12], $0x28  }
0x46: {  	[sflag:s12] =	ssyncset.done $0x0  }
0x47: {  	s7 =	simm.s32 @!p1 $0x8;
	[sflag:s12] =	ssyncadd.s32 $0xFFFFFFD8  }
0x48: {  	[tilespmem:s18], [sflag:$0x2] =	stream.indirect.gather [hbm4b:s4+s14], $0x80, s16, s14, $0xb8;
	[tilespmem:$0x1A180] =	vst v63  }
0x49: {  	_ =	swait.ge @!p1 [sflag:s7], $0x1400  }
0x4a: {  	s5 =	rddreg [dreg:$0x8];
	[sflag:s7] =	ssyncset.done @!p1 $0x0  }
0x4b: {  	[sflag:s7] =	ssyncadd.s32 @!p1 $0xFFFFEC00;
	s9 =	sadd.s32 $0x0, s5  }
0x4c: {  	[tilespmem:s19], [sflag:$0xB] =	stream.linear.gather [hbm4b:s9+s3], $0x28, $0x38;
	[tilespmem:$0x1A180] =	vst v63  }
0x4d: {  	_ =	swait.ge [sflag:s12], $0x28  }
0x4e: {  	s11 =	rddreg [dreg:$0x7];
	[sflag:s12] =	ssyncset.done $0x0  }
0x4f: {  	[sflag:s12] =	ssyncadd.s32 $0xFFFFFFD8;
	s7 =	sadd.s32 $0x0, s11  }
0x50: {  	[tilespmem:s20], [sflag:$0xB] =	stream.linear.gather [hbm4b:s7+s3], $0x28, $0x38;
	[tilespmem:$0x1A180] =	vst v63  }
0x51: {  	_ =	swait.ge [sflag:s12], $0x28  }
0x52: {  	[sflag:s12] =	ssyncset.done $0x0  }
0x53: {  	s7 =	simm.s32 @!p1 $0x9;
	[sflag:s12] =	ssyncadd.s32 $0xFFFFFFD8  }
0x54: {  	[tilespmem:s21], [sflag:$0x3] =	stream.indirect.gather [hbm4b:s4+s14], $0x80, s19, s14, $0xb8;
	[tilespmem:$0x1A180] =	vst v63  }
0x55: {  	_ =	swait.ge @!p1 [sflag:s7], $0x1400  }
0x56: {  	s5 =	rddreg [dreg:$0x6];
	[sflag:s7] =	ssyncset.done @!p1 $0x0  }
0x57: {  	[sflag:s7] =	ssyncadd.s32 @!p1 $0xFFFFEC00;
	s9 =	sadd.s32 $0x0, s5  }
0x58: {  	[tilespmem:s22], [sflag:$0xB] =	stream.linear.gather [hbm4b:s9+s3], $0x28, $0x38;
	[tilespmem:$0x1A180] =	vst v63  }
0x59: {  	_ =	swait.ge [sflag:s12], $0x28  }
0x5a: {  	s11 =	rddreg [dreg:$0x5];
	[sflag:s12] =	ssyncset.done $0x0  }
0x5b: {  	[sflag:s12] =	ssyncadd.s32 $0xFFFFFFD8;
	s7 =	sadd.s32 $0x0, s11  }
0x5c: {  	[tilespmem:s23], [sflag:$0xB] =	stream.linear.gather [hbm4b:s7+s3], $0x28, $0x38;
	[tilespmem:$0x1A180] =	vst v63  }
0x5d: {  	_ =	swait.ge [sflag:s12], $0x28  }
0x5e: {  	[sflag:s12] =	ssyncset.done $0x0  }
0x5f: {  	s7 =	simm.s32 @!p1 $0xA;
	[sflag:s12] =	ssyncadd.s32 $0xFFFFFFD8  }
0x60: {  	[tilespmem:s24], [sflag:$0x4] =	stream.indirect.gather [hbm4b:s4+s14], $0x80, s22, s14, $0xb8;
	[tilespmem:$0x1A180] =	vst v63  }
0x61: {  	_ =	swait.ge @!p1 [sflag:s7], $0x1400  }
0x62: {  	s5 =	rddreg [dreg:$0x4];
	[sflag:s7] =	ssyncset.done @!p1 $0x0  }
0x63: {  	[sflag:s7] =	ssyncadd.s32 @!p1 $0xFFFFEC00;
	s9 =	sadd.s32 $0x0, s5  }
0x64: {  	[tilespmem:s25], [sflag:$0xB] =	stream.linear.gather [hbm4b:s9+s3], $0x28, $0x38;
	[tilespmem:$0x1A180] =	vst v63  }
0x65: {  	_ =	swait.ge [sflag:s12], $0x28  }
0x66: {  	s11 =	rddreg [dreg:$0x3];
	[sflag:s12] =	ssyncset.done $0x0  }
0x67: {  	[sflag:s12] =	ssyncadd.s32 $0xFFFFFFD8;
	s7 =	sadd.s32 $0x0, s11  }
0x68: {  	[tilespmem:s26], [sflag:$0xB] =	stream.linear.gather [hbm4b:s7+s3], $0x28, $0x38;
	[tilespmem:$0x1A180] =	vst v63  }
0x69: {  	_ =	swait.ge [sflag:s12], $0x28  }
0x6a: {  	[sflag:s12] =	ssyncset.done $0x0  }
0x6b: {  	[sflag:s12] =	ssyncadd.s32 $0xFFFFFFD8  }
0x6c: {  	[tilespmem:s28], [sflag:$0x5] =	stream.indirect.gather [hbm4b:s4+s14], $0x80, s25, s14, $0xb8;
	[tilespmem:$0x1A180] =	vst v63  }
0x6d: {  	_ =	swait.ge [sflag:s29], $0x1400  }
0x6e: {  	[sflag:s29] =	ssyncset.done $0x0  }
0x6f: {  	[sflag:s29] =	ssyncadd.s32 $0xFFFFEC00  }
0x70: {  	[spmem:s2] =	stream.indirect.scatter.add.f32 [tilespmem:s15], [sflag:$0x6], $0x80, s13, s14, $0xb8;
	[tilespmem:$0x1A180] =	vst v63  }
0x71: {  	_ =	swait.ge [sflag:s30], $0x1400  }
0x72: {  	[sflag:s30] =	ssyncset.done $0x0  }
0x73: {  	[sflag:s30] =	ssyncadd.s32 $0xFFFFEC00  }
0x74: {  	[spmem:s2] =	stream.indirect.scatter.add.f32 [tilespmem:s18], [sflag:$0x7], $0x80, s17, s14, $0xb8;
	[tilespmem:$0x1A180] =	vst v63  }
0x75: {  	_ =	swait.ge [sflag:s31], $0x1400  }
0x76: {  	[sflag:s31] =	ssyncset.done $0x0  }
0x77: {  	[sflag:s31] =	ssyncadd.s32 $0xFFFFEC00  }
0x78: {  	[spmem:s2] =	stream.indirect.scatter.add.f32 [tilespmem:s21], [sflag:$0x8], $0x80, s20, s14, $0xb8;
	[tilespmem:$0x1A180] =	vst v63  }
0x79: {  	_ =	swait.ge [sflag:s0], $0x1400  }
0x7a: {  	[sflag:s0] =	ssyncset.done $0x0  }
0x7b: {  	[sflag:s0] =	ssyncadd.s32 $0xFFFFEC00  }
0x7c: {  	[spmem:s2] =	stream.indirect.scatter.add.f32 [tilespmem:s24], [sflag:$0x9], $0x80, s23, s14, $0xb8;
	[tilespmem:$0x1A180] =	vst v63  }
0x7d: {  	s8 =	simm.s32 $0x32;
	_ =	swait.ge [sflag:s1], $0x1400  }
0x7e: {  	p1 =	por $0x0, $0x0;
	s7 =	simm.s32 $0x19;
	[sflag:s1] =	ssyncset.done $0x0  }
.LBB2_2:
0x7f: {  	s11 =	simm.s32 @!p1 $0x6;
	[sflag:s1] =	ssyncadd.s32 $0xFFFFEC00  }
0x80: {  	[spmem:s2] =	stream.indirect.scatter.add.f32 [tilespmem:s28], [sflag:$0xA], $0x80, s26, s14, $0xb8;
	[tilespmem:$0x1A180] =	vst v63  }
0x81: {  	_ =	swait.ge @!p1 [sflag:s11], $0x1400  }
0x82: {  	[sflag:s11] =	ssyncset.done @!p1 $0x0;
	s5 =	rddreg [dreg:$0xc]  }
0x83: {  	[sflag:s11] =	ssyncadd.s32 @!p1 $0xFFFFEC00;
	s5 =	sadd.s32 s7, s5  }
0x84: {  	[tilespmem:s3], [sflag:$0xB] =	stream.linear.gather [hbm4b:s5+s3], $0x28, $0x38;
	[tilespmem:$0x1A180] =	vst v63  }
0x85: {  	_ =	swait.ge [sflag:s12], $0x28  }
0x86: {  	s11 =	rddreg [dreg:$0xb];
	[sflag:s12] =	ssyncset.done $0x0  }
0x87: {  	[sflag:s12] =	ssyncadd.s32 $0xFFFFFFD8;
	s5 =	sadd.s32 s7, s11  }
0x88: {  	[tilespmem:s13], [sflag:$0xB] =	stream.linear.gather [hbm4b:s5+s3], $0x28, $0x38;
	[tilespmem:$0x1A180] =	vst v63  }
0x89: {  	_ =	swait.ge [sflag:s12], $0x28  }
0x8a: {  	[sflag:s12] =	ssyncset.done $0x0  }
0x8b: {  	s5 =	simm.s32 @!p1 $0x7;
	[sflag:s12] =	ssyncadd.s32 $0xFFFFFFD8  }
0x8c: {  	[tilespmem:s15], [sflag:$0x1] =	stream.indirect.gather [hbm4b:s4+s14], $0x80, s3, s14, $0xb8;
	[tilespmem:$0x1A180] =	vst v63  }
0x8d: {  	_ =	swait.ge @!p1 [sflag:s5], $0x1400  }
0x8e: {  	[sflag:s5] =	ssyncset.done @!p1 $0x0;
	s11 =	rddreg [dreg:$0xa]  }
0x8f: {  	[sflag:s5] =	ssyncadd.s32 @!p1 $0xFFFFEC00;
	s11 =	sadd.s32 s7, s11  }
0x90: {  	[tilespmem:s16], [sflag:$0xB] =	stream.linear.gather [hbm4b:s11+s3], $0x28, $0x38;
	[tilespmem:$0x1A180] =	vst v63  }
0x91: {  	_ =	swait.ge [sflag:s12], $0x28  }
0x92: {  	s11 =	rddreg [dreg:$0x9];
	[sflag:s12] =	ssyncset.done $0x0  }
0x93: {  	[sflag:s12] =	ssyncadd.s32 $0xFFFFFFD8;
	s5 =	sadd.s32 s7, s11  }
0x94: {  	[tilespmem:s17], [sflag:$0xB] =	stream.linear.gather [hbm4b:s5+s3], $0x28, $0x38;
	[tilespmem:$0x1A180] =	vst v63  }
0x95: {  	_ =	swait.ge [sflag:s12], $0x28  }
0x96: {  	[sflag:s12] =	ssyncset.done $0x0  }
0x97: {  	s5 =	simm.s32 @!p1 $0x8;
	[sflag:s12] =	ssyncadd.s32 $0xFFFFFFD8  }
0x98: {  	[tilespmem:s18], [sflag:$0x2] =	stream.indirect.gather [hbm4b:s4+s14], $0x80, s16, s14, $0xb8;
	[tilespmem:$0x1A180] =	vst v63  }
0x99: {  	_ =	swait.ge @!p1 [sflag:s5], $0x1400  }
0x9a: {  	[sflag:s5] =	ssyncset.done @!p1 $0x0;
	s11 =	rddreg [dreg:$0x8]  }
0x9b: {  	[sflag:s5] =	ssyncadd.s32 @!p1 $0xFFFFEC00;
	s11 =	sadd.s32 s7, s11  }
0x9c: {  	[tilespmem:s19], [sflag:$0xB] =	stream.linear.gather [hbm4b:s11+s3], $0x28, $0x38;
	[tilespmem:$0x1A180] =	vst v63  }
0x9d: {  	_ =	swait.ge [sflag:s12], $0x28  }
0x9e: {  	s11 =	rddreg [dreg:$0x7];
	[sflag:s12] =	ssyncset.done $0x0  }
0x9f: {  	[sflag:s12] =	ssyncadd.s32 $0xFFFFFFD8;
	s5 =	sadd.s32 s7, s11  }
0xa0: {  	[tilespmem:s20], [sflag:$0xB] =	stream.linear.gather [hbm4b:s5+s3], $0x28, $0x38;
	[tilespmem:$0x1A180] =	vst v63  }
0xa1: {  	_ =	swait.ge [sflag:s12], $0x28  }
0xa2: {  	[sflag:s12] =	ssyncset.done $0x0  }
0xa3: {  	s5 =	simm.s32 @!p1 $0x9;
	[sflag:s12] =	ssyncadd.s32 $0xFFFFFFD8  }
0xa4: {  	[tilespmem:s21], [sflag:$0x3] =	stream.indirect.gather [hbm4b:s4+s14], $0x80, s19, s14, $0xb8;
	[tilespmem:$0x1A180] =	vst v63  }
0xa5: {  	_ =	swait.ge @!p1 [sflag:s5], $0x1400  }
0xa6: {  	[sflag:s5] =	ssyncset.done @!p1 $0x0;
	s11 =	rddreg [dreg:$0x6]  }
0xa7: {  	[sflag:s5] =	ssyncadd.s32 @!p1 $0xFFFFEC00;
	s11 =	sadd.s32 s7, s11  }
0xa8: {  	[tilespmem:s22], [sflag:$0xB] =	stream.linear.gather [hbm4b:s11+s3], $0x28, $0x38;
	[tilespmem:$0x1A180] =	vst v63  }
0xa9: {  	_ =	swait.ge [sflag:s12], $0x28  }
0xaa: {  	s11 =	rddreg [dreg:$0x5];
	[sflag:s12] =	ssyncset.done $0x0  }
0xab: {  	[sflag:s12] =	ssyncadd.s32 $0xFFFFFFD8;
	s5 =	sadd.s32 s7, s11  }
0xac: {  	[tilespmem:s23], [sflag:$0xB] =	stream.linear.gather [hbm4b:s5+s3], $0x28, $0x38;
	[tilespmem:$0x1A180] =	vst v63  }
0xad: {  	_ =	swait.ge [sflag:s12], $0x28  }
0xae: {  	[sflag:s12] =	ssyncset.done $0x0  }
0xaf: {  	s5 =	simm.s32 @!p1 $0xA;
	[sflag:s12] =	ssyncadd.s32 $0xFFFFFFD8  }
0xb0: {  	[tilespmem:s24], [sflag:$0x4] =	stream.indirect.gather [hbm4b:s4+s14], $0x80, s22, s14, $0xb8;
	[tilespmem:$0x1A180] =	vst v63  }
0xb1: {  	_ =	swait.ge @!p1 [sflag:s5], $0x1400  }
0xb2: {  	[sflag:s5] =	ssyncset.done @!p1 $0x0;
	s11 =	rddreg [dreg:$0x4]  }
0xb3: {  	[sflag:s5] =	ssyncadd.s32 @!p1 $0xFFFFEC00;
	s11 =	sadd.s32 s7, s11  }
0xb4: {  	[tilespmem:s25], [sflag:$0xB] =	stream.linear.gather [hbm4b:s11+s3], $0x28, $0x38;
	[tilespmem:$0x1A180] =	vst v63  }
0xb5: {  	_ =	swait.ge [sflag:s12], $0x28  }
0xb6: {  	s11 =	rddreg [dreg:$0x3];
	[sflag:s12] =	ssyncset.done $0x0  }
0xb7: {  	[sflag:s12] =	ssyncadd.s32 $0xFFFFFFD8;
	s5 =	sadd.s32 s7, s11  }
0xb8: {  	[tilespmem:s26], [sflag:$0xB] =	stream.linear.gather [hbm4b:s5+s3], $0x28, $0x38;
	[tilespmem:$0x1A180] =	vst v63  }
0xb9: {  	_ =	swait.ge [sflag:s12], $0x28  }
0xba: {  	[sflag:s12] =	ssyncset.done $0x0  }
0xbb: {  	[sflag:s12] =	ssyncadd.s32 $0xFFFFFFD8  }
0xbc: {  	[tilespmem:s28], [sflag:$0x5] =	stream.indirect.gather [hbm4b:s4+s14], $0x80, s25, s14, $0xb8;
	[tilespmem:$0x1A180] =	vst v63  }
0xbd: {  	_ =	swait.ge [sflag:s29], $0x1400  }
0xbe: {  	[sflag:s29] =	ssyncset.done $0x0  }
0xbf: {  	[sflag:s29] =	ssyncadd.s32 $0xFFFFEC00  }
0xc0: {  	[spmem:s2] =	stream.indirect.scatter.add.f32 [tilespmem:s15], [sflag:$0x6], $0x80, s13, s14, $0xb8;
	[tilespmem:$0x1A180] =	vst v63  }
0xc1: {  	_ =	swait.ge [sflag:s30], $0x1400  }
0xc2: {  	[sflag:s30] =	ssyncset.done $0x0  }
0xc3: {  	[sflag:s30] =	ssyncadd.s32 $0xFFFFEC00  }
0xc4: {  	[spmem:s2] =	stream.indirect.scatter.add.f32 [tilespmem:s18], [sflag:$0x7], $0x80, s17, s14, $0xb8;
	[tilespmem:$0x1A180] =	vst v63  }
0xc5: {  	_ =	swait.ge [sflag:s31], $0x1400  }
0xc6: {  	[sflag:s31] =	ssyncset.done $0x0  }
0xc7: {  	s9 =	smov.u32 s8;
	s8 =	sadd.s32 $0x19, s8;
	[sflag:s31] =	ssyncadd.s32 $0xFFFFEC00  }
0xc8: {  	[spmem:s2] =	stream.indirect.scatter.add.f32 [tilespmem:s21], [sflag:$0x8], $0x80, s20, s14, $0xb8;
	[tilespmem:$0x1A180] =	vst v63  }
0xc9: {  	p2 =	sne.s32 s8, $0x4E2;
	_ =	swait.ge [sflag:s0], $0x1400  }
.Ltmp0:
0xca: {  	[sflag:s0] =	ssyncset.done $0x0;
	(pc) =	sbr.rel @p2 .LBB2_2-.Ltmp0, $4  }
0xcb: {  	[sflag:s0] =	ssyncadd.s32 $0xFFFFEC00  }
0xcc: {  	[spmem:s2] =	stream.indirect.scatter.add.f32 [tilespmem:s24], [sflag:$0x9], $0x80, s23, s14, $0xb8;
	[tilespmem:$0x1A180] =	vst v63  }
0xcd: {  	s7 =	smov.u32 s9;
	_ =	swait.ge [sflag:s1], $0x1400  }
0xce: {  	p1 =	seq.s32 s7, $0x0;
	[sflag:s1] =	ssyncset.done $0x0  }
0xcf: {  	s5 =	simm.s32 @!p1 $0x6;
	[sflag:s1] =	ssyncadd.s32 $0xFFFFEC00  }
0xd0: {  	[spmem:s2] =	stream.indirect.scatter.add.f32 [tilespmem:s28], [sflag:$0xA], $0x80, s26, s14, $0xb8;
	[tilespmem:$0x1A180] =	vst v63  }
0xd1: {  	_ =	swait.ge @!p1 [sflag:s5], $0x1400  }
0xd2: {  	s8 =	rddreg [dreg:$0xc];
	[sflag:s5] =	ssyncset.done @!p1 $0x0  }
0xd3: {  	[sflag:s5] =	ssyncadd.s32 @!p1 $0xFFFFEC00;
	s11 =	sadd.s32 s7, s8  }
0xd4: {  	[tilespmem:s3], [sflag:$0xB] =	stream.linear.gather [hbm4b:s11+s3], $0x28, $0x38;
	[tilespmem:$0x1A180] =	vst v63  }
0xd5: {  	_ =	swait.ge [sflag:s12], $0x28  }
0xd6: {  	s8 =	rddreg [dreg:$0xb];
	[sflag:s12] =	ssyncset.done $0x0  }
0xd7: {  	[sflag:s12] =	ssyncadd.s32 $0xFFFFFFD8;
	s5 =	sadd.s32 s7, s8  }
0xd8: {  	[tilespmem:s13], [sflag:$0xB] =	stream.linear.gather [hbm4b:s5+s3], $0x28, $0x38;
	[tilespmem:$0x1A180] =	vst v63  }
0xd9: {  	_ =	swait.ge [sflag:s12], $0x28  }
0xda: {  	[sflag:s12] =	ssyncset.done $0x0  }
0xdb: {  	s5 =	simm.s32 @!p1 $0x7;
	[sflag:s12] =	ssyncadd.s32 $0xFFFFFFD8  }
0xdc: {  	[tilespmem:s15], [sflag:$0x1] =	stream.indirect.gather [hbm4b:s4+s14], $0x80, s3, s14, $0xb8;
	[tilespmem:$0x1A180] =	vst v63  }
0xdd: {  	_ =	swait.ge @!p1 [sflag:s5], $0x1400  }
0xde: {  	s9 =	rddreg [dreg:$0xa];
	[sflag:s5] =	ssyncset.done @!p1 $0x0  }
0xdf: {  	[sflag:s5] =	ssyncadd.s32 @!p1 $0xFFFFEC00;
	s11 =	sadd.s32 s7, s9  }
0xe0: {  	[tilespmem:s16], [sflag:$0xB] =	stream.linear.gather [hbm4b:s11+s3], $0x28, $0x38;
	[tilespmem:$0x1A180] =	vst v63  }
0xe1: {  	_ =	swait.ge [sflag:s12], $0x28  }
0xe2: {  	s8 =	rddreg [dreg:$0x9];
	[sflag:s12] =	ssyncset.done $0x0  }
0xe3: {  	[sflag:s12] =	ssyncadd.s32 $0xFFFFFFD8;
	s5 =	sadd.s32 s7, s8  }
0xe4: {  	[tilespmem:s17], [sflag:$0xB] =	stream.linear.gather [hbm4b:s5+s3], $0x28, $0x38;
	[tilespmem:$0x1A180] =	vst v63  }
0xe5: {  	_ =	swait.ge [sflag:s12], $0x28  }
0xe6: {  	[sflag:s12] =	ssyncset.done $0x0  }
0xe7: {  	s5 =	simm.s32 @!p1 $0x8;
	[sflag:s12] =	ssyncadd.s32 $0xFFFFFFD8  }
0xe8: {  	[tilespmem:s18], [sflag:$0x2] =	stream.indirect.gather [hbm4b:s4+s14], $0x80, s16, s14, $0xb8;
	[tilespmem:$0x1A180] =	vst v63  }
0xe9: {  	_ =	swait.ge @!p1 [sflag:s5], $0x1400  }
0xea: {  	s9 =	rddreg [dreg:$0x8];
	[sflag:s5] =	ssyncset.done @!p1 $0x0  }
0xeb: {  	[sflag:s5] =	ssyncadd.s32 @!p1 $0xFFFFEC00;
	s11 =	sadd.s32 s7, s9  }
0xec: {  	[tilespmem:s19], [sflag:$0xB] =	stream.linear.gather [hbm4b:s11+s3], $0x28, $0x38;
	[tilespmem:$0x1A180] =	vst v63  }
0xed: {  	_ =	swait.ge [sflag:s12], $0x28  }
0xee: {  	s8 =	rddreg [dreg:$0x7];
	[sflag:s12] =	ssyncset.done $0x0  }
0xef: {  	[sflag:s12] =	ssyncadd.s32 $0xFFFFFFD8;
	s5 =	sadd.s32 s7, s8  }
0xf0: {  	[tilespmem:s20], [sflag:$0xB] =	stream.linear.gather [hbm4b:s5+s3], $0x28, $0x38;
	[tilespmem:$0x1A180] =	vst v63  }
0xf1: {  	_ =	swait.ge [sflag:s12], $0x28  }
0xf2: {  	[sflag:s12] =	ssyncset.done $0x0  }
0xf3: {  	s5 =	simm.s32 @!p1 $0x9;
	[sflag:s12] =	ssyncadd.s32 $0xFFFFFFD8  }
0xf4: {  	[tilespmem:s21], [sflag:$0x3] =	stream.indirect.gather [hbm4b:s4+s14], $0x80, s19, s14, $0xb8;
	[tilespmem:$0x1A180] =	vst v63  }
0xf5: {  	_ =	swait.ge @!p1 [sflag:s5], $0x1400  }
0xf6: {  	s9 =	rddreg [dreg:$0x6];
	[sflag:s5] =	ssyncset.done @!p1 $0x0  }
0xf7: {  	[sflag:s5] =	ssyncadd.s32 @!p1 $0xFFFFEC00;
	s11 =	sadd.s32 s7, s9  }
0xf8: {  	[tilespmem:s22], [sflag:$0xB] =	stream.linear.gather [hbm4b:s11+s3], $0x28, $0x38;
	[tilespmem:$0x1A180] =	vst v63  }
0xf9: {  	_ =	swait.ge [sflag:s12], $0x28  }
0xfa: {  	s8 =	rddreg [dreg:$0x5];
	[sflag:s12] =	ssyncset.done $0x0  }
0xfb: {  	[sflag:s12] =	ssyncadd.s32 $0xFFFFFFD8;
	s5 =	sadd.s32 s7, s8  }
0xfc: {  	[tilespmem:s23], [sflag:$0xB] =	stream.linear.gather [hbm4b:s5+s3], $0x28, $0x38;
	[tilespmem:$0x1A180] =	vst v63  }
0xfd: {  	_ =	swait.ge [sflag:s12], $0x28  }
0xfe: {  	[sflag:s12] =	ssyncset.done $0x0  }
0xff: {  	s5 =	simm.s32 @!p1 $0xA;
	[sflag:s12] =	ssyncadd.s32 $0xFFFFFFD8  }
0x100: {  	[tilespmem:s24], [sflag:$0x4] =	stream.indirect.gather [hbm4b:s4+s14], $0x80, s22, s14, $0xb8;
	[tilespmem:$0x1A180] =	vst v63  }
0x101: {  	_ =	swait.ge @!p1 [sflag:s5], $0x1400  }
0x102: {  	s9 =	rddreg [dreg:$0x4];
	[sflag:s5] =	ssyncset.done @!p1 $0x0  }
0x103: {  	[sflag:s5] =	ssyncadd.s32 @!p1 $0xFFFFEC00;
	s11 =	sadd.s32 s7, s9  }
0x104: {  	[tilespmem:s25], [sflag:$0xB] =	stream.linear.gather [hbm4b:s11+s3], $0x28, $0x38;
	[tilespmem:$0x1A180] =	vst v63  }
0x105: {  	_ =	swait.ge [sflag:s12], $0x28  }
0x106: {  	s8 =	rddreg [dreg:$0x3];
	[sflag:s12] =	ssyncset.done $0x0  }
0x107: {  	s5 =	sadd.s32 s7, s8;
	[sflag:s12] =	ssyncadd.s32 $0xFFFFFFD8  }
0x108: {  	[tilespmem:s26], [sflag:$0xB] =	stream.linear.gather [hbm4b:s5+s3], $0x28, $0x38;
	[tilespmem:$0x1A180] =	vst v63  }
0x109: {  	_ =	swait.ge [sflag:s12], $0x28  }
0x10a: {  	[sflag:s12] =	ssyncset.done $0x0  }
0x10b: {  	[sflag:s12] =	ssyncadd.s32 $0xFFFFFFD8  }
0x10c: {  	[tilespmem:s28], [sflag:$0x5] =	stream.indirect.gather [hbm4b:s4+s14], $0x80, s25, s14, $0xb8;
	[tilespmem:$0x1A180] =	vst v63  }
0x10d: {  	_ =	swait.ge [sflag:s29], $0x1400  }
0x10e: {  	[sflag:s29] =	ssyncset.done $0x0  }
0x10f: {  	[sflag:s29] =	ssyncadd.s32 $0xFFFFEC00  }
0x110: {  	[spmem:s2] =	stream.indirect.scatter.add.f32 [tilespmem:s15], [sflag:$0x6], $0x80, s13, s14, $0xb8;
	[tilespmem:$0x1A180] =	vst v63  }
0x111: {  	_ =	swait.ge [sflag:s30], $0x1400  }
0x112: {  	[sflag:s30] =	ssyncset.done $0x0  }
0x113: {  	[sflag:s30] =	ssyncadd.s32 $0xFFFFEC00  }
0x114: {  	[spmem:s2] =	stream.indirect.scatter.add.f32 [tilespmem:s18], [sflag:$0x7], $0x80, s17, s14, $0xb8;
	[tilespmem:$0x1A180] =	vst v63  }
0x115: {  	_ =	swait.ge [sflag:s31], $0x1400  }
0x116: {  	[sflag:s31] =	ssyncset.done $0x0  }
0x117: {  	[sflag:s31] =	ssyncadd.s32 $0xFFFFEC00  }
0x118: {  	[spmem:s2] =	stream.indirect.scatter.add.f32 [tilespmem:s21], [sflag:$0x8], $0x80, s20, s14, $0xb8;
	[tilespmem:$0x1A180] =	vst v63  }
0x119: {  	_ =	swait.ge [sflag:s0], $0x1400  }
0x11a: {  	[sflag:s0] =	ssyncset.done $0x0  }
0x11b: {  	[sflag:s0] =	ssyncadd.s32 $0xFFFFEC00  }
0x11c: {  	[spmem:s2] =	stream.indirect.scatter.add.f32 [tilespmem:s24], [sflag:$0x9], $0x80, s23, s14, $0xb8;
	[tilespmem:$0x1A180] =	vst v63  }
0x11d: {  	_ =	swait.ge [sflag:s1], $0x1400  }
0x11e: {  	[sflag:s1] =	ssyncset.done $0x0  }
0x11f: {  	s9 =	simm.s32 $0x6;
	[sflag:s1] =	ssyncadd.s32 $0xFFFFEC00  }
0x120: {  	[spmem:s2] =	stream.indirect.scatter.add.f32 [tilespmem:s28], [sflag:$0xA], $0x80, s26, s14, $0xb8;
	[tilespmem:$0x1A180] =	vst v63  }
0x121: {  	_ =	swait.ge [sflag:s9], $0x1400  }
0x122: {  	[sflag:s9] =	ssyncset.done $0x0  }
0x123: {  	s11 =	simm.s32 $0x7;
	[sflag:s9] =	ssyncadd.s32 $0xFFFFEC00  }
0x124: {  	_ =	swait.ge [sflag:s11], $0x1400  }
0x125: {  	[sflag:s11] =	ssyncset.done $0x0  }
0x126: {  	s7 =	simm.s32 $0x8;
	[sflag:s11] =	ssyncadd.s32 $0xFFFFEC00  }
0x127: {  	_ =	swait.ge [sflag:s7], $0x1400  }
0x128: {  	[sflag:s7] =	ssyncset.done $0x0  }
0x129: {  	s8 =	simm.s32 $0x9;
	[sflag:s7] =	ssyncadd.s32 $0xFFFFEC00  }
0x12a: {  	_ =	swait.ge [sflag:s8], $0x1400  }
0x12b: {  	[sflag:s8] =	ssyncset.done $0x0  }
0x12c: {  	s9 =	simm.s32 $0xA;
	[sflag:s8] =	ssyncadd.s32 $0xFFFFEC00  }
0x12d: {  	_ =	swait.ge [sflag:s9], $0x1400  }
0x12e: {  	[sflag:s9] =	ssyncset.done $0x0  }
0x12f: {  	[sflag:s9] =	ssyncadd.s32 $0xFFFFEC00  }
0x130: {  	[bflag:$0x0] =	sbarrier.arrive $0xFFFF  }
0x131: {  	s7 =	rddreg [dreg:$0x12]  }
0x132: {  	s5 =	simm.s32 @p0 $0x1FCB;
	s8 =	rddreg [dreg:$0x14]  }
0x133: {  	[hbm:s7], [sflag:s5] =	dma.local @p0 [spmem:s8], $0x2080  }
0x134: {  	s5 =	simm.s32 @p0 $0xB  }
0x135: {  	_ =	swait.ge @p0 [sflag:s5], $0x2080  }
0x136: {  	[sflag:s5] =	ssyncset.done @p0 $0x0;
	s7 =	rddreg [dreg:$0x15]  }
0x137: {  	[sflag:s5] =	ssyncadd.s32 @p0 $0xFFFFDF80;
	s5 =	rddreg [dreg:$0x11]  }
0x138: {  	[hbm:s5], [sflag:s7] =	dma.local @!p0 [spmem:s6], $0x2780  }
0x139: {  	s5 =	simm.s32 @!p0 $0xB  }
0x13a: {  	_ =	swait.ge @!p0 [sflag:s5], $0x2780  }
0x13b: {  	s10 =	sadd.s32 $0x1, s10;
	s11 =	rddreg [dreg:$0x13]  }
0x13c: {  	p1 =	sne.s32 s10, s11  }
.Ltmp1:
0x13d: {  	_ = 	snop;
	(pc) =	sbr.rel @p1 .LBB2_1-.Ltmp1, $3  }
0x13e: {  	_ =	sdelay $0x1  }
0x13f: {  	[sflag:s5] =	ssyncset.done @!p0 $0x0  }
0x140: {  	[sflag:s5] =	ssyncadd.s32 @!p0 $0xFFFFD880  }
0x141: {  	_ =	sfence.sel $0x180000  }
0x142: {  	[bflag:$0x0] =	sbarrier.arrive $0xFFFF  }
0x143: {  	_ =	strace $0x9000004D  }
0x144: {  	s0 =	stileid.u32;
	[bflag:$0x2] =	sbarrier.arrive $0xFFFF  }
0x145: {  	p0 =	sne.s32 s0, $0x0;
	s0 =	rddreg [dreg:$0x2]  }
0x146: {  	s0 =	sadd.s32 @!p0 $0x100000, s0  }
0x147: {  	[sflag:s0] =	ssyncadd.tile.s32 @!p0 $0x1;
	_ =	shalt  }
.Lfunc_end2:
_tile_overlayer_lowered:
.L_overlay_start_2:
0x148: {  	(tag) =	ssettag $0x2  }
0x149: {  	s0 =	rddreg [dreg:$0x0];
	s2 =	stileid.u32  }
0x14a: {  	s1 =	rddreg [dreg:$0x1];
	p0 =	sne.s32 s2, $0x0  }
0x14b: {  	s3 =	rddreg [dreg:$0x2];
	[bflag:$0x3] =	sbarrier.arrive $0xFFFF;
	s2 =	simm.s32 @!p0 $0x1C0B  }
0x14c: {  	[timem:s3], [sflag:s2] =	dma.local @!p0 [hbm:s0], s1  }
0x14d: {  	s0 =	simm.s32 @!p0 $0xB  }
0x14e: {  	_ =	swait.ge @!p0 [sflag:s0], s1  }
0x14f: {  	s1 =	ssub.s32 @!p0 $0x0, s1;
	[sflag:s0] =	ssyncset.done @!p0 $0x0  }
0x150: {  	[sflag:s0] =	ssyncadd.s32 @!p0 s1  }
0x151: {  	[bflag:$0x3] =	sbarrier.arrive $0xFFFF  }
0x152: {  	_ =	shalt  }

// kernel: kernel.20.cloned.1.call-start
scs
__scs_entry_jumppad:
0x0: {  	(pc) =	sbr.rel $0x88, $3  }
0x1: {  	(tag) =	ssettag $0x0;
	lr =	simm.s32 $0x1  }
0x2: {  	[smem:$0x3F7E] =	sst lr;
	_ =	strace $0xD0000000  }
0x3: {  	_ = 	snop  }
0x4: {  	_ = 	snop  }
0x5: {  	_ = 	snop  }
0x6: {  	_ = 	snop  }
0x7: {  	_ = 	snop  }
__scs_overlays_trampoline_lowered:
0x8: {  	[smem:$0x3F8D] =	sst s0  }
0x9: {  	[smem:$0x3F8E] =	sst s1  }
0xa: {  	[smem:$0x3F8F] =	sst s2  }
0xb: {  	[smem:$0x3F90] =	sst s3  }
0xc: {  	[smem:$0x3F91] =	sst s4  }
0xd: {  	[smem:$0x3F92] =	sst s5  }
0xe: {  	[smem:$0x3F93] =	sst s6  }
0xf: {  	[smem:$0x3F94] =	sst s7  }
0x10: {  	[smem:$0x3F95] =	sst s8  }
0x11: {  	[smem:$0x3F96] =	sst s9;
	s0 =	simm.s32 @!p0 $0x0  }
0x12: {  	s1 =	sld [smem:$0x3F7C];
	s0 =	simm.s32 @p0 $0x1  }
0x13: {  	[smem:$0x3F97] =	sst s0;
	s0 =	simm.s32 @!p1 $0x0  }
0x14: {  	s2 =	sld [smem:$0x3F7B];
	s0 =	simm.s32 @p1 $0x1  }
0x15: {  	[smem:$0x3F98] =	sst s0;
	s0 =	simm.s32 @!p2 $0x0  }
0x16: {  	s3 =	sld [smem:$0x3FDB];
	s0 =	simm.s32 @p2 $0x1  }
0x17: {  	s4 =	simm.s32 $0x1BF5;
	[smem:$0x3F9A] =	sst s0  }
0x18: {  	s0 =	sld [smem:$0x3F7D];
	_ =	swait.ge [sflag:s4], $0x0  }
0x19: {  	s7 =	sld [smem:$0x3F7E]  }
0x1a: {  	s8 =	sadd.s32 $0xFFFFE003, lr  }
0x1b: {  	s9 =	sadd.s32 $0xFFFFFEF7, lr;
	s5 =	simm.s32 $0xFFFFFFFF;
	p2 =	slt.u32 s8, $0xFFFFF086  }
0x1c: {  	p1 =	slt.u32 s9, $0xF7A;
	s5 =	simm.s32 @!p2 $0x0  }
0x1d: {  	s5 =	simm.s32 @p1 $0x1;
	p0 =	seq.s32 s7, s2  }
0x1e: {  	s7 =	smul.u32 @!p0 $0xF7A, s2;
	p2 =	seq.s32 @!p0 s5, $0x0  }
0x1f: {  	s9 =	smul.u32 $0xF7A, s1;
	s8 =	simm.s32 @!p0 $0x1BF5;
	p2 =	por !p2, p0  }
0x20: {  	[sflag:s8] =	ssyncset.s32 @!p0 $0xFFFFF086;
	s6 =	sadd.s32 @!p0 s3, s7;
	s7 =	simm.s32 @!p0 $0x108  }
0x21: {  	s3 =	sadd.s32 s3, s9;
	s6 =	sadd.s32 @!p0 $0x88, s6;
	s7 =	simm.s32 @p2 $0x1082  }
0x22: {  	[simem:s7], [sflag:s8] =	dma.local @!p0 [hbm:s6], $0xF7A  }
0x23: {  	s9 =	sor.u32 $0xD0000000, s2;
	s6 =	simm.s32 $0x108;
	_ =	swait.ge @!p0 [sflag:s8], $0x0  }
0x24: {  	s3 =	sadd.s32 $0x88, s3;
	s6 =	simm.s32 @!p1 $0x1082;
	[sflag:s4] =	ssyncset.s32 $0xFFFFF086  }
0x25: {  	[simem:s6], [sflag:s4] =	dma.local [hbm:s3], $0xF7A  }
0x26: {  	[smem:$0x3F7E] =	sst s1;
	(tag) =	ssettag s2;
	_ =	strace s9  }
0x27: {  	s1 =	sld [smem:$0x3F8E]  }
0x28: {  	s2 =	sld [smem:$0x3F8F]  }
0x29: {  	s4 =	sld [smem:$0x3F91]  }
0x2a: {  	p0 =	seq.s32 s5, $0x0;
	s5 =	sld [smem:$0x3F92]  }
0x2b: {  	s6 =	sld [smem:$0x3F93]  }
0x2c: {  	s7 =	sld [smem:$0x3F94]  }
0x2d: {  	s3 =	simm.s32 $0x108;
	s8 =	sld [smem:$0x3F95]  }
0x2e: {  	s3 =	simm.s32 @!p0 $0x1082;
	s9 =	sld [smem:$0x3F96]  }
0x2f: {  	lr =	sadd.s32 s0, s3;
	s0 =	sld [smem:$0x3F8D]  }
0x30: {  	s3 =	sld [smem:$0x3F90]  }
0x31: {  	[smem:$0x3F99] =	sst s10  }
0x32: {  	s10 =	sld [smem:$0x3F97];
	_ =	sdelay $0x3  }
0x33: {  	p0 =	seq.s32 s10, $0x1;
	s10 =	sld [smem:$0x3F99];
	_ =	sdelay $0x3  }
0x34: {  	[smem:$0x3F99] =	sst s10  }
0x35: {  	s10 =	sld [smem:$0x3F98];
	_ =	sdelay $0x3  }
0x36: {  	p1 =	seq.s32 s10, $0x1;
	s10 =	sld [smem:$0x3F99];
	_ =	sdelay $0x3  }
0x37: {  	[smem:$0x3F99] =	sst s10  }
0x38: {  	s10 =	sld [smem:$0x3F9A]  }
0x39: {  	_ = 	snop;
	(pc) =	sbr.ind lr, $3  }
0x3a: {  	_ = 	snop  }
0x3b: {  	_ = 	snop  }
0x3c: {  	p2 =	seq.s32 s10, $0x1;
	s10 =	sld [smem:$0x3F99]  }
0x3d: {  	_ =	shalt  }
0x3e: {  	_ =	shalt  }
0x3f: {  	_ =	shalt  }
0x40: {  	_ =	shalt  }
0x41: {  	_ =	shalt  }
0x42: {  	_ =	shalt  }
0x43: {  	_ =	shalt  }
0x44: {  	_ =	shalt  }
0x45: {  	_ =	shalt  }
0x46: {  	_ =	shalt  }
0x47: {  	_ =	shalt  }
0x48: {  	_ =	shalt  }
0x49: {  	_ =	shalt  }
0x4a: {  	_ =	shalt  }
0x4b: {  	_ =	shalt  }
0x4c: {  	_ =	shalt  }
0x4d: {  	_ =	shalt  }
0x4e: {  	_ =	shalt  }
0x4f: {  	_ =	shalt  }
0x50: {  	_ =	shalt  }
0x51: {  	_ =	shalt  }
0x52: {  	_ =	shalt  }
0x53: {  	_ =	shalt  }
0x54: {  	_ =	shalt  }
0x55: {  	_ =	shalt  }
0x56: {  	_ =	shalt  }
0x57: {  	_ =	shalt  }
0x58: {  	_ =	shalt  }
0x59: {  	_ =	shalt  }
0x5a: {  	_ =	shalt  }
0x5b: {  	_ =	shalt  }
0x5c: {  	_ =	shalt  }
0x5d: {  	_ =	shalt  }
0x5e: {  	_ =	shalt  }
0x5f: {  	_ =	shalt  }
0x60: {  	_ =	shalt  }
0x61: {  	_ =	shalt  }
0x62: {  	_ =	shalt  }
0x63: {  	_ =	shalt  }
0x64: {  	_ =	shalt  }
0x65: {  	_ =	shalt  }
0x66: {  	_ =	shalt  }
0x67: {  	_ =	shalt  }
0x68: {  	_ =	shalt  }
0x69: {  	_ =	shalt  }
0x6a: {  	_ =	shalt  }
0x6b: {  	_ =	shalt  }
0x6c: {  	_ =	shalt  }
0x6d: {  	_ =	shalt  }
0x6e: {  	_ =	shalt  }
0x6f: {  	_ =	shalt  }
0x70: {  	_ =	shalt  }
0x71: {  	_ =	shalt  }
0x72: {  	_ =	shalt  }
0x73: {  	_ =	shalt  }
0x74: {  	_ =	shalt  }
0x75: {  	_ =	shalt  }
0x76: {  	_ =	shalt  }
0x77: {  	_ =	shalt  }
0x78: {  	_ =	shalt  }
0x79: {  	_ =	shalt  }
0x7a: {  	_ =	shalt  }
0x7b: {  	_ =	shalt  }
0x7c: {  	_ =	shalt  }
0x7d: {  	_ =	shalt  }
0x7e: {  	_ =	shalt  }
0x7f: {  	_ =	shalt  }
0x80: {  	_ =	shalt  }
0x81: {  	_ =	shalt  }
0x82: {  	_ =	shalt  }
0x83: {  	_ =	shalt  }
0x84: {  	_ =	shalt  }
0x85: {  	_ =	shalt  }
0x86: {  	_ =	shalt  }
0x87: {  	_ =	shalt  }
.Lfunc_end0:
.L_simem_size_0:
called_computation.3_lowered:
.L_overlay_start_0:
0x88: {  	s2 =	sld [smem:$0x3FD9]  }
0x89: {  	s3 =	sld [smem:$0x3FFE];
	_ =	sdelay $0x1  }
0x8a: {  	s1 =	srdreg.scid  }
0x8b: {  	s0 =	sand.u32 $0x1, s1  }
0x8c: {  	s16 =	sshll.u32 s0, $0xA;
	s2 =	sadd.s32 s3, s2  }
0x8d: {  	s2 =	sadd.s32 s2, s16  }
0x8e: {  	[smem:$0x3FA5] =	sst s2  }
0x8f: {  	_ = 	snop  }
0x90: {  	(tm) =	ssettm $0x1  }
0x91: {  	s17 =	sld [smem:$0x3FFB];
	_ =	sdelay $0x3  }
0x92: {  	_ =	strace s17  }
0x93: {  	s2 =	sld [smem:$0x3FFC];
	_ =	sdelay $0x3  }
0x94: {  	_ =	strace s2  }
0x95: {  	s2 =	sld [smem:$0x3FFD];
	_ =	sdelay $0x3  }
0x96: {  	_ =	strace s2  }
0x97: {  	_ =	strace $0x8FFFFFFF  }
0x98: {  	s18 =	sld [smem:$0x3FDB];
	_ =	sdelay $0x1  }
0x99: {  	s19 =	simm.s32 $_scs_section_size  }
0x9a: {  	s4 =	simm.s32 $_size__tile_overlayer_lowered;
	s5 =	simm.s32 $_tile_overlayer_lowered  }
0x9b: {  	s22 =	simm.s32 $0x1BFF;
	s21 =	sshll.u32 s5, $0x1;
	s2 =	sadd.s32 s19, s18  }
0x9c: {  	s6 =	simm.s32 $0x0;
	s20 =	sshll.u32 s4, $0x1;
	s4 =	sadd.s32 s21, s2  }
0x9d: {  	[timem:s6], [sflag:s22] =	dma.local [hbm:s4], s20  }
0x9e: {  	_ =	swait.ge [sflag:s22], s20  }
0x9f: {  	s3 =	ssub.s32 $0x0, s20;
	[sflag:s22] =	ssyncset.done $0x0  }
0xa0: {  	[sflag:s22] =	ssyncadd.s32 s3;
	_ =	sdelay $0x1  }
0xa1: {  	s23 =	simm.s32 $0x1B8B  }
0xa2: {  	_ =	swait.ge [sflag:s23], $0x1  }
0xa3: {  	[sflag:s23] =	ssyncset.done $0x0  }
0xa4: {  	s25 =	simm.s32 $0x1B8E;
	s24 =	sld [smem:$0x3FFE];
	[sflag:s23] =	ssyncadd.s32 $0xFFFFFFFF  }
0xa5: {  	s26 =	simm.s32 $execute0_lowered;
	[smem:$0x3FD2] =	sst s25  }
0xa6: {  	s4 =	sshll.u32 s26, $0x1;
	_ =	strace $0x8000004F;
	[dreg:$0x1] =	wrdreg $0xFFFFFFFF  }
0xa7: {  	s28 =	simm.s32 $_size_execute0_lowered;
	s2 =	sadd.s32 s2, s4;
	[dreg:$0x0] =	wrdreg $0x0  }
0xa8: {  	s4 =	sshll.u32 s28, $0x1;
	[dreg:$0x2] =	wrdreg s2  }
0xa9: {  	[dreg:$0x3] =	wrdreg s4  }
0xaa: {  	[dreg:$0x4] =	wrdreg $0xC0  }
0xab: {  	_ =	task [dreg:s6], $0x5FFFF  }
0xac: {  	[dreg:$0x1] =	wrdreg $0xFFFFFFFF  }
0xad: {  	[dreg:$0x0] =	wrdreg $0x60  }
0xae: {  	[dreg:$0x2] =	wrdreg s24  }
0xaf: {  	[dreg:$0x3] =	wrdreg $0x69000  }
0xb0: {  	[dreg:$0x4] =	wrdreg $0x9  }
0xb1: {  	_ =	task.clear_ibuf [dreg:s6], $0x5FFFF;
	_ =	strace $0x9000004F  }
0xb2: {  	s29 =	simm.s32 $0x9;
	_ =	strace $0x80000051  }
0xb3: {  	_ =	swait.ge [sflag:s29], $0x1  }
0xb4: {  	[sflag:s29] =	ssyncadd.s32 $0xFFFFFFFF  }
0xb5: {  	_ =	strace $0x90000051  }
0xb6: {  	_ =	sfence  }
0xb7: {  	s30 =	sld [smem:$0x0];
	_ =	sdelay $0x2  }
0xb8: {  	s31 =	sshll.u32 s1, $0xD;
	s1 =	sshrl.u32 s1, $0x2  }
0xb9: {  	s3 =	sand.u32 $0x4000, s31;
	s1 =	sadd.s32 s1, s30  }
0xba: {  	s0 =	sor.u32 s3, s0;
	s1 =	sshll.u32 s1, $0x11  }
0xbb: {  	s0 =	sor.u32 s1, s0  }
0xbc: {  	s0 =	sadd.s32 $0x8F2B, s0  }
0xbd: {  	[sflag:s0] =	ssyncadd.remote.s32 $0x1  }
0xbe: {  	_ =	sfence.sel $0xFFFF  }
0xbf: {  	[dreg:$0x0] =	wrdreg $0xFFFFFFFF;
	(pc) =	sbr.abs _section_cstart, $3  }
0xc0: {  	[dreg:$0x1] =	wrdreg $0xFFFFFFFF  }
0xc1: {  	_ =	task.clear_ibuf [dreg:s6], $0x2FFFF;
	_ =	strace $0x9FFFFFFF  }
0xc2: {  	(tm) =	ssettm $0x7FFFFFFF  }
0xc3: {  	_ =	shalt  }
tec
execute0_lowered:
.L_overlay_start_1:
0x0: {  	(tag) =	ssettag $0x1  }
0x1: {  	s0 =	rddreg [dreg:$0x0]  }
0x2: {  	s2 =	rddreg [dreg:$0x1];
	s3 =	simm.s32 $0x0;
	s14 =	stileid.u32  }
0x3: {  	s5 =	srdreg.scid;
	s28 =	simm.s32 $0x5500;
	s29 =	simm.s32 $0x1  }
0x4: {  	s30 =	simm.s32 $0x2;
	s31 =	simm.s32 $0x3;
	s1 =	smul.u32 $0x2780, s14  }
0x5: {  	[smem:$0x7FF] =	sst s3;
	s4 =	sadd.s32 $0x19C00, s0;
	s6 =	smul.u32 $0x4F000, s14  }
0x6: {  	s5 =	sand.u32 $0x1, s5;
	s7 =	sadd.s32 $0xFE00, s0;
	s11 =	smul.u32 $0x4E20, s14  }
0x7: {  	s8 =	sadd.s32 $0x6000, s0;
	s12 =	sadd.s32 $0x68000, s0;
	s17 =	smul.u32 $0x13C00, s14  }
0x8: {  	s18 =	sadd.s32 $0x128400, s2;
	p0 =	seq.s32 s14, $0xF;
	s14 =	simm.s32 $0x28  }
0x9: {  	_ =	strace $0x80000050;
	s9 =	smul.u32 $0x138800, s5;
	s10 =	ssub.s32 $0x2, s5  }
0xa: {  	s5 =	smul.u32 $0x2710, s5;
	[dreg:$0xf] =	wrdreg s18;
	s1 =	sadd.s32 s1, s0  }
0xb: {  	s13 =	sshrl.u32 s10, $0x1;
	s6 =	sshrl.u32 s6, $0x2;
	s0 =	sadd.s32 $0x65E80, s0  }
0xc: {  	s10 =	ssub.s32 s10, s13;
	s6 =	sadd.s32 s6, s2;
	[dreg:$0x10] =	wrdreg s0  }
0xd: {  	s1 =	sadd.s32 $0x40E00, s1;
	s19 =	sadd.s32 s17, s9;
	[dreg:$0xd] =	wrdreg s6  }
0xe: {  	[dreg:$0xe] =	wrdreg s1;
	s1 =	sadd.s32 s5, s11;
	s21 =	sshrl.u32 s19, $0x3  }
0xf: {  	s20 =	sadd.s32 $0xA0, s1;
	s0 =	sadd.s32 s12, s21;
	s24 =	sadd.s32 $0x78, s1  }
0x10: {  	s11 =	sadd.s32 $0x50, s1;
	s17 =	sadd.s32 $0x28, s1;
	s1 =	sshrl.u32 s1, $0x3  }
0x11: {  	s22 =	sshrl.u32 s20, $0x3;
	[dreg:$0x11] =	wrdreg s0;
	s26 =	sshrl.u32 s24, $0x3  }
0x12: {  	s15 =	sshrl.u32 s11, $0x3;
	s19 =	sshrl.u32 s17, $0x3;
	s24 =	sadd.s32 s1, s8  }
0x13: {  	s20 =	sshrl.u32 s9, $0x3;
	s23 =	sadd.s32 s22, s8;
	[dreg:$0xb] =	wrdreg s24  }
0x14: {  	s17 =	simm.s32 $0x300;
	s25 =	sadd.s32 s22, s7;
	[dreg:$0x3] =	wrdreg s23  }
0x15: {  	s0 =	simm.s32 $0x4;
	s6 =	sadd.s32 s26, s8;
	[dreg:$0x4] =	wrdreg s25  }
0x16: {  	s13 =	sadd.s32 s26, s7;
	s16 =	sadd.s32 s15, s8;
	[dreg:$0x5] =	wrdreg s6  }
0x17: {  	s18 =	sadd.s32 s15, s7;
	s21 =	sadd.s32 s19, s8;
	[dreg:$0x6] =	wrdreg s13  }
0x18: {  	s22 =	sadd.s32 s19, s7;
	s26 =	smax.u32 s10, $0x1;
	[dreg:$0x7] =	wrdreg s16  }
0x19: {  	s15 =	simm.s32 $0x500;
	s19 =	simm.s32 $0x100;
	[dreg:$0x8] =	wrdreg s18  }
0x1a: {  	s24 =	simm.s32 $0x4100;
	s10 =	simm.s32 $0x0;
	[dreg:$0x9] =	wrdreg s21  }
0x1b: {  	s23 =	sadd.s32 s12, s20;
	[dreg:$0xa] =	wrdreg s22;
	s25 =	sadd.s32 s1, s7  }
0x1c: {  	[dreg:$0x13] =	wrdreg s26;
	s12 =	simm.s32 $0xB;
	s13 =	simm.s32 $0x280  }
0x1d: {  	s16 =	simm.s32 $0x80;
	s18 =	simm.s32 $0x1900;
	s20 =	simm.s32 $0x380  }
0x1e: {  	s21 =	simm.s32 $0x2D00;
	s22 =	simm.s32 $0x180;
	s26 =	simm.s32 $0x480  }
0x1f: {  	s1 =	simm.s32 $0x5;
	s5 =	sadd.s32 $0x25080, s23;
	[dreg:$0xc] =	wrdreg s25  }
0x20: {  	s23 =	simm.s32 $0x400;
	s25 =	simm.s32 $0x200;
	[dreg:$0x12] =	wrdreg s5  }
.LBB2_1:
0x21: {  	s5 =	rddreg [dreg:$0xf]  }
0x22: {  	s6 =	rddreg [dreg:$0x10];
	s7 =	sshrl.u32 @p0 s5, $0x3  }
0x23: {  	s5 =	simm.s32 @p0 $0x1FCB;
	[dreg:$0x14] =	wrdreg s7  }
0x24: {  	[spmem:s7], [sflag:s5] =	dma.local @p0 [hbm:s6], $0x2080  }
0x25: {  	s5 =	simm.s32 @p0 $0xB  }
0x26: {  	s6 =	stileid.u32;
	_ =	swait.ge @p0 [sflag:s5], $0x2080  }
0x27: {  	s6 =	sshll.u32 @!p0 s6, $0x6;
	[sflag:s5] =	ssyncset.done @p0 $0x0  }
0x28: {  	s7 =	sor.u32 @!p0 $0x1C0B, s6;
	[sflag:s5] =	ssyncadd.s32 @p0 $0xFFFFDF80;
	s5 =	rddreg [dreg:$0xd]  }
0x29: {  	[dreg:$0x15] =	wrdreg s7  }
0x2a: {  	s6 =	sshrl.u32 @!p0 s5, $0x3;
	s5 =	rddreg [dreg:$0xe]  }
0x2b: {  	[spmem:s6], [sflag:s7] =	dma.local @!p0 [hbm:s5], $0x2780  }
0x2c: {  	s7 =	simm.s32 @!p0 $0xB  }
0x2d: {  	_ =	swait.ge @!p0 [sflag:s7], $0x2780  }
0x2e: {  	[sflag:s7] =	ssyncset.done @!p0 $0x0  }
0x2f: {  	p1 =	por $0x1, $0x1;
	[sflag:s7] =	ssyncadd.s32 @!p0 $0xFFFFD880  }
0x30: {  	s7 =	simm.s32 @!p1 $0x6;
	[bflag:$0x0] =	sbarrier.arrive $0xFFFF  }
0x31: {  	_ =	swait.ge @!p1 [sflag:s7], $0x1400  }
0x32: {  	s8 =	rddreg [dreg:$0xc];
	[sflag:s7] =	ssyncset.done @!p1 $0x0  }
0x33: {  	[sflag:s7] =	ssyncadd.s32 @!p1 $0xFFFFEC00;
	s9 =	sadd.s32 $0x0, s8  }
0x34: {  	[tilespmem:s3], [sflag:$0xB] =	stream.linear.gather [hbm4b:s9+s3], $0x28, $0x38;
	[tilespmem:$0x1A180] =	vst v63  }
0x35: {  	_ =	swait.ge [sflag:s12], $0x28  }
0x36: {  	s11 =	rddreg [dreg:$0xb];
	[sflag:s12] =	ssyncset.done $0x0  }
0x37: {  	[sflag:s12] =	ssyncadd.s32 $0xFFFFFFD8;
	s7 =	sadd.s32 $0x0, s11  }
0x38: {  	[tilespmem:s13], [sflag:$0xB] =	stream.linear.gather [hbm4b:s7+s3], $0x28, $0x38;
	[tilespmem:$0x1A180] =	vst v63  }
0x39: {  	_ =	swait.ge [sflag:s12], $0x28  }
0x3a: {  	[sflag:s12] =	ssyncset.done $0x0  }
0x3b: {  	s7 =	simm.s32 @!p1 $0x7;
	[sflag:s12] =	ssyncadd.s32 $0xFFFFFFD8  }
0x3c: {  	[tilespmem:s15], [sflag:$0x1] =	stream.indirect.gather [hbm4b:s4+s14], $0x80, s3, s14, $0xb8;
	[tilespmem:$0x1A180] =	vst v63  }
0x3d: {  	_ =	swait.ge @!p1 [sflag:s7], $0x1400  }
0x3e: {  	s5 =	rddreg [dreg:$0xa];
	[sflag:s7] =	ssyncset.done @!p1 $0x0  }
0x3f: {  	[sflag:s7] =	ssyncadd.s32 @!p1 $0xFFFFEC00;
	s9 =	sadd.s32 $0x0, s5  }
0x40: {  	[tilespmem:s16], [sflag:$0xB] =	stream.linear.gather [hbm4b:s9+s3], $0x28, $0x38;
	[tilespmem:$0x1A180] =	vst v63  }
0x41: {  	_ =	swait.ge [sflag:s12], $0x28  }
0x42: {  	s11 =	rddreg [dreg:$0x9];
	[sflag:s12] =	ssyncset.done $0x0  }
0x43: {  	[sflag:s12] =	ssyncadd.s32 $0xFFFFFFD8;
	s7 =	sadd.s32 $0x0, s11  }
0x44: {  	[tilespmem:s17], [sflag:$0xB] =	stream.linear.gather [hbm4b:s7+s3], $0x28, $0x38;
	[tilespmem:$0x1A180] =	vst v63  }
0x45: {  	_ =	swait.ge [sflag:s12], $0x28  }
0x46: {  	[sflag:s12] =	ssyncset.done $0x0  }
0x47: {  	s7 =	simm.s32 @!p1 $0x8;
	[sflag:s12] =	ssyncadd.s32 $0xFFFFFFD8  }
0x48: {  	[tilespmem:s18], [sflag:$0x2] =	stream.indirect.gather [hbm4b:s4+s14], $0x80, s16, s14, $0xb8;
	[tilespmem:$0x1A180] =	vst v63  }
0x49: {  	_ =	swait.ge @!p1 [sflag:s7], $0x1400  }
0x4a: {  	s5 =	rddreg [dreg:$0x8];
	[sflag:s7] =	ssyncset.done @!p1 $0x0  }
0x4b: {  	[sflag:s7] =	ssyncadd.s32 @!p1 $0xFFFFEC00;
	s9 =	sadd.s32 $0x0, s5  }
0x4c: {  	[tilespmem:s19], [sflag:$0xB] =	stream.linear.gather [hbm4b:s9+s3], $0x28, $0x38;
	[tilespmem:$0x1A180] =	vst v63  }
0x4d: {  	_ =	swait.ge [sflag:s12], $0x28  }
0x4e: {  	s11 =	rddreg [dreg:$0x7];
	[sflag:s12] =	ssyncset.done $0x0  }
0x4f: {  	[sflag:s12] =	ssyncadd.s32 $0xFFFFFFD8;
	s7 =	sadd.s32 $0x0, s11  }
0x50: {  	[tilespmem:s20], [sflag:$0xB] =	stream.linear.gather [hbm4b:s7+s3], $0x28, $0x38;
	[tilespmem:$0x1A180] =	vst v63  }
0x51: {  	_ =	swait.ge [sflag:s12], $0x28  }
0x52: {  	[sflag:s12] =	ssyncset.done $0x0  }
0x53: {  	s7 =	simm.s32 @!p1 $0x9;
	[sflag:s12] =	ssyncadd.s32 $0xFFFFFFD8  }
0x54: {  	[tilespmem:s21], [sflag:$0x3] =	stream.indirect.gather [hbm4b:s4+s14], $0x80, s19, s14, $0xb8;
	[tilespmem:$0x1A180] =	vst v63  }
0x55: {  	_ =	swait.ge @!p1 [sflag:s7], $0x1400  }
0x56: {  	s5 =	rddreg [dreg:$0x6];
	[sflag:s7] =	ssyncset.done @!p1 $0x0  }
0x57: {  	[sflag:s7] =	ssyncadd.s32 @!p1 $0xFFFFEC00;
	s9 =	sadd.s32 $0x0, s5  }
0x58: {  	[tilespmem:s22], [sflag:$0xB] =	stream.linear.gather [hbm4b:s9+s3], $0x28, $0x38;
	[tilespmem:$0x1A180] =	vst v63  }
0x59: {  	_ =	swait.ge [sflag:s12], $0x28  }
0x5a: {  	s11 =	rddreg [dreg:$0x5];
	[sflag:s12] =	ssyncset.done $0x0  }
0x5b: {  	[sflag:s12] =	ssyncadd.s32 $0xFFFFFFD8;
	s7 =	sadd.s32 $0x0, s11  }
0x5c: {  	[tilespmem:s23], [sflag:$0xB] =	stream.linear.gather [hbm4b:s7+s3], $0x28, $0x38;
	[tilespmem:$0x1A180] =	vst v63  }
0x5d: {  	_ =	swait.ge [sflag:s12], $0x28  }
0x5e: {  	[sflag:s12] =	ssyncset.done $0x0  }
0x5f: {  	s7 =	simm.s32 @!p1 $0xA;
	[sflag:s12] =	ssyncadd.s32 $0xFFFFFFD8  }
0x60: {  	[tilespmem:s24], [sflag:$0x4] =	stream.indirect.gather [hbm4b:s4+s14], $0x80, s22, s14, $0xb8;
	[tilespmem:$0x1A180] =	vst v63  }
0x61: {  	_ =	swait.ge @!p1 [sflag:s7], $0x1400  }
0x62: {  	s5 =	rddreg [dreg:$0x4];
	[sflag:s7] =	ssyncset.done @!p1 $0x0  }
0x63: {  	[sflag:s7] =	ssyncadd.s32 @!p1 $0xFFFFEC00;
	s9 =	sadd.s32 $0x0, s5  }
0x64: {  	[tilespmem:s25], [sflag:$0xB] =	stream.linear.gather [hbm4b:s9+s3], $0x28, $0x38;
	[tilespmem:$0x1A180] =	vst v63  }
0x65: {  	_ =	swait.ge [sflag:s12], $0x28  }
0x66: {  	s11 =	rddreg [dreg:$0x3];
	[sflag:s12] =	ssyncset.done $0x0  }
0x67: {  	[sflag:s12] =	ssyncadd.s32 $0xFFFFFFD8;
	s7 =	sadd.s32 $0x0, s11  }
0x68: {  	[tilespmem:s26], [sflag:$0xB] =	stream.linear.gather [hbm4b:s7+s3], $0x28, $0x38;
	[tilespmem:$0x1A180] =	vst v63  }
0x69: {  	_ =	swait.ge [sflag:s12], $0x28  }
0x6a: {  	[sflag:s12] =	ssyncset.done $0x0  }
0x6b: {  	[sflag:s12] =	ssyncadd.s32 $0xFFFFFFD8  }
0x6c: {  	[tilespmem:s28], [sflag:$0x5] =	stream.indirect.gather [hbm4b:s4+s14], $0x80, s25, s14, $0xb8;
	[tilespmem:$0x1A180] =	vst v63  }
0x6d: {  	_ =	swait.ge [sflag:s29], $0x1400  }
0x6e: {  	[sflag:s29] =	ssyncset.done $0x0  }
0x6f: {  	[sflag:s29] =	ssyncadd.s32 $0xFFFFEC00  }
0x70: {  	[spmem:s2] =	stream.indirect.scatter.add.f32 [tilespmem:s15], [sflag:$0x6], $0x80, s13, s14, $0xb8;
	[tilespmem:$0x1A180] =	vst v63  }
0x71: {  	_ =	swait.ge [sflag:s30], $0x1400  }
0x72: {  	[sflag:s30] =	ssyncset.done $0x0  }
0x73: {  	[sflag:s30] =	ssyncadd.s32 $0xFFFFEC00  }
0x74: {  	[spmem:s2] =	stream.indirect.scatter.add.f32 [tilespmem:s18], [sflag:$0x7], $0x80, s17, s14, $0xb8;
	[tilespmem:$0x1A180] =	vst v63  }
0x75: {  	_ =	swait.ge [sflag:s31], $0x1400  }
0x76: {  	[sflag:s31] =	ssyncset.done $0x0  }
0x77: {  	[sflag:s31] =	ssyncadd.s32 $0xFFFFEC00  }
0x78: {  	[spmem:s2] =	stream.indirect.scatter.add.f32 [tilespmem:s21], [sflag:$0x8], $0x80, s20, s14, $0xb8;
	[tilespmem:$0x1A180] =	vst v63  }
0x79: {  	_ =	swait.ge [sflag:s0], $0x1400  }
0x7a: {  	[sflag:s0] =	ssyncset.done $0x0  }
0x7b: {  	[sflag:s0] =	ssyncadd.s32 $0xFFFFEC00  }
0x7c: {  	[spmem:s2] =	stream.indirect.scatter.add.f32 [tilespmem:s24], [sflag:$0x9], $0x80, s23, s14, $0xb8;
	[tilespmem:$0x1A180] =	vst v63  }
0x7d: {  	s8 =	simm.s32 $0x32;
	_ =	swait.ge [sflag:s1], $0x1400  }
0x7e: {  	p1 =	por $0x0, $0x0;
	s7 =	simm.s32 $0x19;
	[sflag:s1] =	ssyncset.done $0x0  }
.LBB2_2:
0x7f: {  	s11 =	simm.s32 @!p1 $0x6;
	[sflag:s1] =	ssyncadd.s32 $0xFFFFEC00  }
0x80: {  	[spmem:s2] =	stream.indirect.scatter.add.f32 [tilespmem:s28], [sflag:$0xA], $0x80, s26, s14, $0xb8;
	[tilespmem:$0x1A180] =	vst v63  }
0x81: {  	_ =	swait.ge @!p1 [sflag:s11], $0x1400  }
0x82: {  	[sflag:s11] =	ssyncset.done @!p1 $0x0;
	s5 =	rddreg [dreg:$0xc]  }
0x83: {  	[sflag:s11] =	ssyncadd.s32 @!p1 $0xFFFFEC00;
	s5 =	sadd.s32 s7, s5  }
0x84: {  	[tilespmem:s3], [sflag:$0xB] =	stream.linear.gather [hbm4b:s5+s3], $0x28, $0x38;
	[tilespmem:$0x1A180] =	vst v63  }
0x85: {  	_ =	swait.ge [sflag:s12], $0x28  }
0x86: {  	s11 =	rddreg [dreg:$0xb];
	[sflag:s12] =	ssyncset.done $0x0  }
0x87: {  	[sflag:s12] =	ssyncadd.s32 $0xFFFFFFD8;
	s5 =	sadd.s32 s7, s11  }
0x88: {  	[tilespmem:s13], [sflag:$0xB] =	stream.linear.gather [hbm4b:s5+s3], $0x28, $0x38;
	[tilespmem:$0x1A180] =	vst v63  }
0x89: {  	_ =	swait.ge [sflag:s12], $0x28  }
0x8a: {  	[sflag:s12] =	ssyncset.done $0x0  }
0x8b: {  	s5 =	simm.s32 @!p1 $0x7;
	[sflag:s12] =	ssyncadd.s32 $0xFFFFFFD8  }
0x8c: {  	[tilespmem:s15], [sflag:$0x1] =	stream.indirect.gather [hbm4b:s4+s14], $0x80, s3, s14, $0xb8;
	[tilespmem:$0x1A180] =	vst v63  }
0x8d: {  	_ =	swait.ge @!p1 [sflag:s5], $0x1400  }
0x8e: {  	[sflag:s5] =	ssyncset.done @!p1 $0x0;
	s11 =	rddreg [dreg:$0xa]  }
0x8f: {  	[sflag:s5] =	ssyncadd.s32 @!p1 $0xFFFFEC00;
	s11 =	sadd.s32 s7, s11  }
0x90: {  	[tilespmem:s16], [sflag:$0xB] =	stream.linear.gather [hbm4b:s11+s3], $0x28, $0x38;
	[tilespmem:$0x1A180] =	vst v63  }
0x91: {  	_ =	swait.ge [sflag:s12], $0x28  }
0x92: {  	s11 =	rddreg [dreg:$0x9];
	[sflag:s12] =	ssyncset.done $0x0  }
0x93: {  	[sflag:s12] =	ssyncadd.s32 $0xFFFFFFD8;
	s5 =	sadd.s32 s7, s11  }
0x94: {  	[tilespmem:s17], [sflag:$0xB] =	stream.linear.gather [hbm4b:s5+s3], $0x28, $0x38;
	[tilespmem:$0x1A180] =	vst v63  }
0x95: {  	_ =	swait.ge [sflag:s12], $0x28  }
0x96: {  	[sflag:s12] =	ssyncset.done $0x0  }
0x97: {  	s5 =	simm.s32 @!p1 $0x8;
	[sflag:s12] =	ssyncadd.s32 $0xFFFFFFD8  }
0x98: {  	[tilespmem:s18], [sflag:$0x2] =	stream.indirect.gather [hbm4b:s4+s14], $0x80, s16, s14, $0xb8;
	[tilespmem:$0x1A180] =	vst v63  }
0x99: {  	_ =	swait.ge @!p1 [sflag:s5], $0x1400  }
0x9a: {  	[sflag:s5] =	ssyncset.done @!p1 $0x0;
	s11 =	rddreg [dreg:$0x8]  }
0x9b: {  	[sflag:s5] =	ssyncadd.s32 @!p1 $0xFFFFEC00;
	s11 =	sadd.s32 s7, s11  }
0x9c: {  	[tilespmem:s19], [sflag:$0xB] =	stream.linear.gather [hbm4b:s11+s3], $0x28, $0x38;
	[tilespmem:$0x1A180] =	vst v63  }
0x9d: {  	_ =	swait.ge [sflag:s12], $0x28  }
0x9e: {  	s11 =	rddreg [dreg:$0x7];
	[sflag:s12] =	ssyncset.done $0x0  }
0x9f: {  	[sflag:s12] =	ssyncadd.s32 $0xFFFFFFD8;
	s5 =	sadd.s32 s7, s11  }
0xa0: {  	[tilespmem:s20], [sflag:$0xB] =	stream.linear.gather [hbm4b:s5+s3], $0x28, $0x38;
	[tilespmem:$0x1A180] =	vst v63  }
0xa1: {  	_ =	swait.ge [sflag:s12], $0x28  }
0xa2: {  	[sflag:s12] =	ssyncset.done $0x0  }
0xa3: {  	s5 =	simm.s32 @!p1 $0x9;
	[sflag:s12] =	ssyncadd.s32 $0xFFFFFFD8  }
0xa4: {  	[tilespmem:s21], [sflag:$0x3] =	stream.indirect.gather [hbm4b:s4+s14], $0x80, s19, s14, $0xb8;
	[tilespmem:$0x1A180] =	vst v63  }
0xa5: {  	_ =	swait.ge @!p1 [sflag:s5], $0x1400  }
0xa6: {  	[sflag:s5] =	ssyncset.done @!p1 $0x0;
	s11 =	rddreg [dreg:$0x6]  }
0xa7: {  	[sflag:s5] =	ssyncadd.s32 @!p1 $0xFFFFEC00;
	s11 =	sadd.s32 s7, s11  }
0xa8: {  	[tilespmem:s22], [sflag:$0xB] =	stream.linear.gather [hbm4b:s11+s3], $0x28, $0x38;
	[tilespmem:$0x1A180] =	vst v63  }
0xa9: {  	_ =	swait.ge [sflag:s12], $0x28  }
0xaa: {  	s11 =	rddreg [dreg:$0x5];
	[sflag:s12] =	ssyncset.done $0x0  }
0xab: {  	[sflag:s12] =	ssyncadd.s32 $0xFFFFFFD8;
	s5 =	sadd.s32 s7, s11  }
0xac: {  	[tilespmem:s23], [sflag:$0xB] =	stream.linear.gather [hbm4b:s5+s3], $0x28, $0x38;
	[tilespmem:$0x1A180] =	vst v63  }
0xad: {  	_ =	swait.ge [sflag:s12], $0x28  }
0xae: {  	[sflag:s12] =	ssyncset.done $0x0  }
0xaf: {  	s5 =	simm.s32 @!p1 $0xA;
	[sflag:s12] =	ssyncadd.s32 $0xFFFFFFD8  }
0xb0: {  	[tilespmem:s24], [sflag:$0x4] =	stream.indirect.gather [hbm4b:s4+s14], $0x80, s22, s14, $0xb8;
	[tilespmem:$0x1A180] =	vst v63  }
0xb1: {  	_ =	swait.ge @!p1 [sflag:s5], $0x1400  }
0xb2: {  	[sflag:s5] =	ssyncset.done @!p1 $0x0;
	s11 =	rddreg [dreg:$0x4]  }
0xb3: {  	[sflag:s5] =	ssyncadd.s32 @!p1 $0xFFFFEC00;
	s11 =	sadd.s32 s7, s11  }
0xb4: {  	[tilespmem:s25], [sflag:$0xB] =	stream.linear.gather [hbm4b:s11+s3], $0x28, $0x38;
	[tilespmem:$0x1A180] =	vst v63  }
0xb5: {  	_ =	swait.ge [sflag:s12], $0x28  }
0xb6: {  	s11 =	rddreg [dreg:$0x3];
	[sflag:s12] =	ssyncset.done $0x0  }
0xb7: {  	[sflag:s12] =	ssyncadd.s32 $0xFFFFFFD8;
	s5 =	sadd.s32 s7, s11  }
0xb8: {  	[tilespmem:s26], [sflag:$0xB] =	stream.linear.gather [hbm4b:s5+s3], $0x28, $0x38;
	[tilespmem:$0x1A180] =	vst v63  }
0xb9: {  	_ =	swait.ge [sflag:s12], $0x28  }
0xba: {  	[sflag:s12] =	ssyncset.done $0x0  }
0xbb: {  	[sflag:s12] =	ssyncadd.s32 $0xFFFFFFD8  }
0xbc: {  	[tilespmem:s28], [sflag:$0x5] =	stream.indirect.gather [hbm4b:s4+s14], $0x80, s25, s14, $0xb8;
	[tilespmem:$0x1A180] =	vst v63  }
0xbd: {  	_ =	swait.ge [sflag:s29], $0x1400  }
0xbe: {  	[sflag:s29] =	ssyncset.done $0x0  }
0xbf: {  	[sflag:s29] =	ssyncadd.s32 $0xFFFFEC00  }
0xc0: {  	[spmem:s2] =	stream.indirect.scatter.add.f32 [tilespmem:s15], [sflag:$0x6], $0x80, s13, s14, $0xb8;
	[tilespmem:$0x1A180] =	vst v63  }
0xc1: {  	_ =	swait.ge [sflag:s30], $0x1400  }
0xc2: {  	[sflag:s30] =	ssyncset.done $0x0  }
0xc3: {  	[sflag:s30] =	ssyncadd.s32 $0xFFFFEC00  }
0xc4: {  	[spmem:s2] =	stream.indirect.scatter.add.f32 [tilespmem:s18], [sflag:$0x7], $0x80, s17, s14, $0xb8;
	[tilespmem:$0x1A180] =	vst v63  }
0xc5: {  	_ =	swait.ge [sflag:s31], $0x1400  }
0xc6: {  	[sflag:s31] =	ssyncset.done $0x0  }
0xc7: {  	s9 =	smov.u32 s8;
	s8 =	sadd.s32 $0x19, s8;
	[sflag:s31] =	ssyncadd.s32 $0xFFFFEC00  }
0xc8: {  	[spmem:s2] =	stream.indirect.scatter.add.f32 [tilespmem:s21], [sflag:$0x8], $0x80, s20, s14, $0xb8;
	[tilespmem:$0x1A180] =	vst v63  }
0xc9: {  	p2 =	sne.s32 s8, $0x4E2;
	_ =	swait.ge [sflag:s0], $0x1400  }
.Ltmp0:
0xca: {  	[sflag:s0] =	ssyncset.done $0x0;
	(pc) =	sbr.rel @p2 .LBB2_2-.Ltmp0, $4  }
0xcb: {  	[sflag:s0] =	ssyncadd.s32 $0xFFFFEC00  }
0xcc: {  	[spmem:s2] =	stream.indirect.scatter.add.f32 [tilespmem:s24], [sflag:$0x9], $0x80, s23, s14, $0xb8;
	[tilespmem:$0x1A180] =	vst v63  }
0xcd: {  	s7 =	smov.u32 s9;
	_ =	swait.ge [sflag:s1], $0x1400  }
0xce: {  	p1 =	seq.s32 s7, $0x0;
	[sflag:s1] =	ssyncset.done $0x0  }
0xcf: {  	s5 =	simm.s32 @!p1 $0x6;
	[sflag:s1] =	ssyncadd.s32 $0xFFFFEC00  }
0xd0: {  	[spmem:s2] =	stream.indirect.scatter.add.f32 [tilespmem:s28], [sflag:$0xA], $0x80, s26, s14, $0xb8;
	[tilespmem:$0x1A180] =	vst v63  }
0xd1: {  	_ =	swait.ge @!p1 [sflag:s5], $0x1400  }
0xd2: {  	s8 =	rddreg [dreg:$0xc];
	[sflag:s5] =	ssyncset.done @!p1 $0x0  }
0xd3: {  	[sflag:s5] =	ssyncadd.s32 @!p1 $0xFFFFEC00;
	s11 =	sadd.s32 s7, s8  }
0xd4: {  	[tilespmem:s3], [sflag:$0xB] =	stream.linear.gather [hbm4b:s11+s3], $0x28, $0x38;
	[tilespmem:$0x1A180] =	vst v63  }
0xd5: {  	_ =	swait.ge [sflag:s12], $0x28  }
0xd6: {  	s8 =	rddreg [dreg:$0xb];
	[sflag:s12] =	ssyncset.done $0x0  }
0xd7: {  	[sflag:s12] =	ssyncadd.s32 $0xFFFFFFD8;
	s5 =	sadd.s32 s7, s8  }
0xd8: {  	[tilespmem:s13], [sflag:$0xB] =	stream.linear.gather [hbm4b:s5+s3], $0x28, $0x38;
	[tilespmem:$0x1A180] =	vst v63  }
0xd9: {  	_ =	swait.ge [sflag:s12], $0x28  }
0xda: {  	[sflag:s12] =	ssyncset.done $0x0  }
0xdb: {  	s5 =	simm.s32 @!p1 $0x7;
	[sflag:s12] =	ssyncadd.s32 $0xFFFFFFD8  }
0xdc: {  	[tilespmem:s15], [sflag:$0x1] =	stream.indirect.gather [hbm4b:s4+s14], $0x80, s3, s14, $0xb8;
	[tilespmem:$0x1A180] =	vst v63  }
0xdd: {  	_ =	swait.ge @!p1 [sflag:s5], $0x1400  }
0xde: {  	s9 =	rddreg [dreg:$0xa];
	[sflag:s5] =	ssyncset.done @!p1 $0x0  }
0xdf: {  	[sflag:s5] =	ssyncadd.s32 @!p1 $0xFFFFEC00;
	s11 =	sadd.s32 s7, s9  }
0xe0: {  	[tilespmem:s16], [sflag:$0xB] =	stream.linear.gather [hbm4b:s11+s3], $0x28, $0x38;
	[tilespmem:$0x1A180] =	vst v63  }
0xe1: {  	_ =	swait.ge [sflag:s12], $0x28  }
0xe2: {  	s8 =	rddreg [dreg:$0x9];
	[sflag:s12] =	ssyncset.done $0x0  }
0xe3: {  	[sflag:s12] =	ssyncadd.s32 $0xFFFFFFD8;
	s5 =	sadd.s32 s7, s8  }
0xe4: {  	[tilespmem:s17], [sflag:$0xB] =	stream.linear.gather [hbm4b:s5+s3], $0x28, $0x38;
	[tilespmem:$0x1A180] =	vst v63  }
0xe5: {  	_ =	swait.ge [sflag:s12], $0x28  }
0xe6: {  	[sflag:s12] =	ssyncset.done $0x0  }
0xe7: {  	s5 =	simm.s32 @!p1 $0x8;
	[sflag:s12] =	ssyncadd.s32 $0xFFFFFFD8  }
0xe8: {  	[tilespmem:s18], [sflag:$0x2] =	stream.indirect.gather [hbm4b:s4+s14], $0x80, s16, s14, $0xb8;
	[tilespmem:$0x1A180] =	vst v63  }
0xe9: {  	_ =	swait.ge @!p1 [sflag:s5], $0x1400  }
0xea: {  	s9 =	rddreg [dreg:$0x8];
	[sflag:s5] =	ssyncset.done @!p1 $0x0  }
0xeb: {  	[sflag:s5] =	ssyncadd.s32 @!p1 $0xFFFFEC00;
	s11 =	sadd.s32 s7, s9  }
0xec: {  	[tilespmem:s19], [sflag:$0xB] =	stream.linear.gather [hbm4b:s11+s3], $0x28, $0x38;
	[tilespmem:$0x1A180] =	vst v63  }
0xed: {  	_ =	swait.ge [sflag:s12], $0x28  }
0xee: {  	s8 =	rddreg [dreg:$0x7];
	[sflag:s12] =	ssyncset.done $0x0  }
0xef: {  	[sflag:s12] =	ssyncadd.s32 $0xFFFFFFD8;
	s5 =	sadd.s32 s7, s8  }
0xf0: {  	[tilespmem:s20], [sflag:$0xB] =	stream.linear.gather [hbm4b:s5+s3], $0x28, $0x38;
	[tilespmem:$0x1A180] =	vst v63  }
0xf1: {  	_ =	swait.ge [sflag:s12], $0x28  }
0xf2: {  	[sflag:s12] =	ssyncset.done $0x0  }
0xf3: {  	s5 =	simm.s32 @!p1 $0x9;
	[sflag:s12] =	ssyncadd.s32 $0xFFFFFFD8  }
0xf4: {  	[tilespmem:s21], [sflag:$0x3] =	stream.indirect.gather [hbm4b:s4+s14], $0x80, s19, s14, $0xb8;
	[tilespmem:$0x1A180] =	vst v63  }
0xf5: {  	_ =	swait.ge @!p1 [sflag:s5], $0x1400  }
0xf6: {  	s9 =	rddreg [dreg:$0x6];
	[sflag:s5] =	ssyncset.done @!p1 $0x0  }
0xf7: {  	[sflag:s5] =	ssyncadd.s32 @!p1 $0xFFFFEC00;
	s11 =	sadd.s32 s7, s9  }
0xf8: {  	[tilespmem:s22], [sflag:$0xB] =	stream.linear.gather [hbm4b:s11+s3], $0x28, $0x38;
	[tilespmem:$0x1A180] =	vst v63  }
0xf9: {  	_ =	swait.ge [sflag:s12], $0x28  }
0xfa: {  	s8 =	rddreg [dreg:$0x5];
	[sflag:s12] =	ssyncset.done $0x0  }
0xfb: {  	[sflag:s12] =	ssyncadd.s32 $0xFFFFFFD8;
	s5 =	sadd.s32 s7, s8  }
0xfc: {  	[tilespmem:s23], [sflag:$0xB] =	stream.linear.gather [hbm4b:s5+s3], $0x28, $0x38;
	[tilespmem:$0x1A180] =	vst v63  }
0xfd: {  	_ =	swait.ge [sflag:s12], $0x28  }
0xfe: {  	[sflag:s12] =	ssyncset.done $0x0  }
0xff: {  	s5 =	simm.s32 @!p1 $0xA;
	[sflag:s12] =	ssyncadd.s32 $0xFFFFFFD8  }
0x100: {  	[tilespmem:s24], [sflag:$0x4] =	stream.indirect.gather [hbm4b:s4+s14], $0x80, s22, s14, $0xb8;
	[tilespmem:$0x1A180] =	vst v63  }
0x101: {  	_ =	swait.ge @!p1 [sflag:s5], $0x1400  }
0x102: {  	s9 =	rddreg [dreg:$0x4];
	[sflag:s5] =	ssyncset.done @!p1 $0x0  }
0x103: {  	[sflag:s5] =	ssyncadd.s32 @!p1 $0xFFFFEC00;
	s11 =	sadd.s32 s7, s9  }
0x104: {  	[tilespmem:s25], [sflag:$0xB] =	stream.linear.gather [hbm4b:s11+s3], $0x28, $0x38;
	[tilespmem:$0x1A180] =	vst v63  }
0x105: {  	_ =	swait.ge [sflag:s12], $0x28  }
0x106: {  	s8 =	rddreg [dreg:$0x3];
	[sflag:s12] =	ssyncset.done $0x0  }
0x107: {  	s5 =	sadd.s32 s7, s8;
	[sflag:s12] =	ssyncadd.s32 $0xFFFFFFD8  }
0x108: {  	[tilespmem:s26], [sflag:$0xB] =	stream.linear.gather [hbm4b:s5+s3], $0x28, $0x38;
	[tilespmem:$0x1A180] =	vst v63  }
0x109: {  	_ =	swait.ge [sflag:s12], $0x28  }
0x10a: {  	[sflag:s12] =	ssyncset.done $0x0  }
0x10b: {  	[sflag:s12] =	ssyncadd.s32 $0xFFFFFFD8  }
0x10c: {  	[tilespmem:s28], [sflag:$0x5] =	stream.indirect.gather [hbm4b:s4+s14], $0x80, s25, s14, $0xb8;
	[tilespmem:$0x1A180] =	vst v63  }
0x10d: {  	_ =	swait.ge [sflag:s29], $0x1400  }
0x10e: {  	[sflag:s29] =	ssyncset.done $0x0  }
0x10f: {  	[sflag:s29] =	ssyncadd.s32 $0xFFFFEC00  }
0x110: {  	[spmem:s2] =	stream.indirect.scatter.add.f32 [tilespmem:s15], [sflag:$0x6], $0x80, s13, s14, $0xb8;
	[tilespmem:$0x1A180] =	vst v63  }
0x111: {  	_ =	swait.ge [sflag:s30], $0x1400  }
0x112: {  	[sflag:s30] =	ssyncset.done $0x0  }
0x113: {  	[sflag:s30] =	ssyncadd.s32 $0xFFFFEC00  }
0x114: {  	[spmem:s2] =	stream.indirect.scatter.add.f32 [tilespmem:s18], [sflag:$0x7], $0x80, s17, s14, $0xb8;
	[tilespmem:$0x1A180] =	vst v63  }
0x115: {  	_ =	swait.ge [sflag:s31], $0x1400  }
0x116: {  	[sflag:s31] =	ssyncset.done $0x0  }
0x117: {  	[sflag:s31] =	ssyncadd.s32 $0xFFFFEC00  }
0x118: {  	[spmem:s2] =	stream.indirect.scatter.add.f32 [tilespmem:s21], [sflag:$0x8], $0x80, s20, s14, $0xb8;
	[tilespmem:$0x1A180] =	vst v63  }
0x119: {  	_ =	swait.ge [sflag:s0], $0x1400  }
0x11a: {  	[sflag:s0] =	ssyncset.done $0x0  }
0x11b: {  	[sflag:s0] =	ssyncadd.s32 $0xFFFFEC00  }
0x11c: {  	[spmem:s2] =	stream.indirect.scatter.add.f32 [tilespmem:s24], [sflag:$0x9], $0x80, s23, s14, $0xb8;
	[tilespmem:$0x1A180] =	vst v63  }
0x11d: {  	_ =	swait.ge [sflag:s1], $0x1400  }
0x11e: {  	[sflag:s1] =	ssyncset.done $0x0  }
0x11f: {  	s9 =	simm.s32 $0x6;
	[sflag:s1] =	ssyncadd.s32 $0xFFFFEC00  }
0x120: {  	[spmem:s2] =	stream.indirect.scatter.add.f32 [tilespmem:s28], [sflag:$0xA], $0x80, s26, s14, $0xb8;
	[tilespmem:$0x1A180] =	vst v63  }
0x121: {  	_ =	swait.ge [sflag:s9], $0x1400  }
0x122: {  	[sflag:s9] =	ssyncset.done $0x0  }
0x123: {  	s11 =	simm.s32 $0x7;
	[sflag:s9] =	ssyncadd.s32 $0xFFFFEC00  }
0x124: {  	_ =	swait.ge [sflag:s11], $0x1400  }
0x125: {  	[sflag:s11] =	ssyncset.done $0x0  }
0x126: {  	s7 =	simm.s32 $0x8;
	[sflag:s11] =	ssyncadd.s32 $0xFFFFEC00  }
0x127: {  	_ =	swait.ge [sflag:s7], $0x1400  }
0x128: {  	[sflag:s7] =	ssyncset.done $0x0  }
0x129: {  	s8 =	simm.s32 $0x9;
	[sflag:s7] =	ssyncadd.s32 $0xFFFFEC00  }
0x12a: {  	_ =	swait.ge [sflag:s8], $0x1400  }
0x12b: {  	[sflag:s8] =	ssyncset.done $0x0  }
0x12c: {  	s9 =	simm.s32 $0xA;
	[sflag:s8] =	ssyncadd.s32 $0xFFFFEC00  }
0x12d: {  	_ =	swait.ge [sflag:s9], $0x1400  }
0x12e: {  	[sflag:s9] =	ssyncset.done $0x0  }
0x12f: {  	[sflag:s9] =	ssyncadd.s32 $0xFFFFEC00  }
0x130: {  	[bflag:$0x0] =	sbarrier.arrive $0xFFFF  }
0x131: {  	s7 =	rddreg [dreg:$0x12]  }
0x132: {  	s5 =	simm.s32 @p0 $0x1FCB;
	s8 =	rddreg [dreg:$0x14]  }
0x133: {  	[hbm:s7], [sflag:s5] =	dma.local @p0 [spmem:s8], $0x2080  }
0x134: {  	s5 =	simm.s32 @p0 $0xB  }
0x135: {  	_ =	swait.ge @p0 [sflag:s5], $0x2080  }
0x136: {  	[sflag:s5] =	ssyncset.done @p0 $0x0;
	s7 =	rddreg [dreg:$0x15]  }
0x137: {  	[sflag:s5] =	ssyncadd.s32 @p0 $0xFFFFDF80;
	s5 =	rddreg [dreg:$0x11]  }
0x138: {  	[hbm:s5], [sflag:s7] =	dma.local @!p0 [spmem:s6], $0x2780  }
0x139: {  	s5 =	simm.s32 @!p0 $0xB  }
0x13a: {  	_ =	swait.ge @!p0 [sflag:s5], $0x2780  }
0x13b: {  	s10 =	sadd.s32 $0x1, s10;
	s11 =	rddreg [dreg:$0x13]  }
0x13c: {  	p1 =	sne.s32 s10, s11  }
.Ltmp1:
0x13d: {  	_ = 	snop;
	(pc) =	sbr.rel @p1 .LBB2_1-.Ltmp1, $3  }
0x13e: {  	_ =	sdelay $0x1  }
0x13f: {  	[sflag:s5] =	ssyncset.done @!p0 $0x0  }
0x140: {  	[sflag:s5] =	ssyncadd.s32 @!p0 $0xFFFFD880  }
0x141: {  	_ =	sfence.sel $0x180000  }
0x142: {  	[bflag:$0x0] =	sbarrier.arrive $0xFFFF  }
0x143: {  	_ =	strace $0x90000050  }
0x144: {  	s0 =	stileid.u32;
	[bflag:$0x2] =	sbarrier.arrive $0xFFFF  }
0x145: {  	p0 =	sne.s32 s0, $0x0;
	s0 =	rddreg [dreg:$0x2]  }
0x146: {  	s0 =	sadd.s32 @!p0 $0x100000, s0  }
0x147: {  	[sflag:s0] =	ssyncadd.tile.s32 @!p0 $0x1;
	_ =	shalt  }
.Lfunc_end2:
_tile_overlayer_lowered:
.L_overlay_start_2:
0x148: {  	(tag) =	ssettag $0x2  }
0x149: {  	s0 =	rddreg [dreg:$0x0];
	s2 =	stileid.u32  }
0x14a: {  	s1 =	rddreg [dreg:$0x1];
	p0 =	sne.s32 s2, $0x0  }
0x14b: {  	s3 =	rddreg [dreg:$0x2];
	[bflag:$0x3] =	sbarrier.arrive $0xFFFF;
	s2 =	simm.s32 @!p0 $0x1C0B  }
0x14c: {  	[timem:s3], [sflag:s2] =	dma.local @!p0 [hbm:s0], s1  }
0x14d: {  	s0 =	simm.s32 @!p0 $0xB  }
0x14e: {  	_ =	swait.ge @!p0 [sflag:s0], s1  }
0x14f: {  	s1 =	ssub.s32 @!p0 $0x0, s1;
	[sflag:s0] =	ssyncset.done @!p0 $0x0  }
0x150: {  	[sflag:s0] =	ssyncadd.s32 @!p0 s1  }
0x151: {  	[bflag:$0x3] =	sbarrier.arrive $0xFFFF  }
0x152: {  	_ =	shalt  }

</sc_bundles>
